<compile_context>
chip_gen: v7x
topology: tpu7x:2x2x1
jax: 0.10.2.dev20260603
libtpu: 0.0.44.dev20260713+nightly
codegen_flags: <defaults>
</compile_context>

<pallas_src>
import jax
import jax.numpy as jnp
from jax import lax
from jax.experimental import pallas as pl
from jax.experimental.pallas import tpu as pltpu
from jax.experimental.pallas import tpu_sc as plsc

B, T, D = 16, 512, 384
F = 4 * T
L = 16
FRAMES = 1024
G = 64
NCHUNK = FRAMES // G
IPG = G // L
NBUF = 5


def _tile_body(enc_hbm, dur_hbm, out_hbm, dur_v, cnt_v, idx_v,
               bufs, gsems, wsems):
    wid = lax.axis_index("s") * 2 + lax.axis_index("c")
    b = wid // 2
    f0 = (wid % 2) * FRAMES
    i32 = jnp.int32

    pltpu.sync_copy(dur_hbm.at[b], dur_v)

    for m in range(FRAMES // L):
        cnt_v[pl.ds(m * L, L)] = jnp.zeros((L,), i32)

    one_v = jnp.ones((L,), i32)
    zero_v = jnp.zeros((L,), i32)
    run = i32(0)
    base = i32(0)
    for i in range(T // L):
        v = jnp.maximum(dur_v[pl.ds(i * L, L)], 1)
        ends = plsc.cumsum(v) + run
        k = ends - f0
        plsc.addupdate_scatter(cnt_v, [k], one_v,
                               mask=(k >= 0) & (k < FRAMES))
        base = base + jnp.sum(jnp.where(k < 0, one_v, zero_v))
        run = run + jnp.sum(v)

    row0 = base + b * T
    cap = b * T + (T - 1)

    def _write(c):
        return pltpu.make_async_copy(
            bufs[c % NBUF], out_hbm.at[b, pl.ds(f0 + c * G, G)],
            wsems[c % NBUF])

    run = row0
    for c in range(NCHUNK):
        for m in range(IPG):
            v = cnt_v[pl.ds((c * IPG + m) * L, L)]
            s = plsc.cumsum(v) + run
            idx_v[c, pl.ds(m * L, L)] = jnp.minimum(s, cap)
            run = run + jnp.sum(v)
        if c >= NBUF:
            _write(c - NBUF).wait()
        pltpu.make_async_copy(enc_hbm.at[idx_v.at[c]], bufs[c % NBUF],
                              gsems[c % NBUF]).start()
        if c >= 4:
            pltpu.make_async_copy(enc_hbm.at[idx_v.at[c - 4]],
                                  bufs[(c - 4) % NBUF],
                                  gsems[(c - 4) % NBUF]).wait()
            _write(c - 4).start()
    for c in (NCHUNK - 4, NCHUNK - 3, NCHUNK - 2, NCHUNK - 1):
        pltpu.make_async_copy(enc_hbm.at[idx_v.at[c]], bufs[c % NBUF],
                              gsems[c % NBUF]).wait()
        _write(c).start()
    for c in range(NCHUNK - NBUF, NCHUNK):
        _write(c).wait()


@jax.jit
def kernel(encoder_output, durations):
    enc_flat = encoder_output.reshape(B * T, D)
    run = pl.kernel(
        _tile_body,
        out_type=jax.ShapeDtypeStruct((B, F, D), jnp.float32),
        mesh=plsc.VectorSubcoreMesh(core_axis_name="c", subcore_axis_name="s"),
        compiler_params=pltpu.CompilerParams(needs_layout_passes=False),
        scratch_types=[
            pltpu.VMEM((T,), jnp.int32),
            pltpu.VMEM((FRAMES,), jnp.int32),
            pltpu.VMEM((NCHUNK, G), jnp.int32),
            [pltpu.VMEM((G, D), jnp.float32) for _ in range(NBUF)],
            [pltpu.SemaphoreType.DMA for _ in range(NBUF)],
            [pltpu.SemaphoreType.DMA for _ in range(NBUF)],
        ],
    )
    return run(enc_flat, durations)

# --- scband reference (transcript-rebuilt; emitter-appended) ---
"""Pipeline reference for scband-length-regulator-5153960755461 (READ-ONLY COPY).

The authoritative reference and input builder live on the scoring server;
editing this copy changes nothing except your own understanding.
"""

import jax, jax.numpy as jnp
import numpy as np

def setup_inputs(seed: int = 0) -> dict:
    key = jax.random.key(seed)
    B, T, D = 16, 512, 384
    encoder_output = jax.random.normal(key, (B, T, D), dtype=jnp.float32)
    # Durations must sum to the same total per row so the final stack works
    # (the original TF module implicitly requires equal expanded lengths for tf.stack).
    rng = np.random.default_rng(0)
    base = np.tile(np.array([1, 3, 5, 7], dtype=np.int32), T // 4)  # sums to 4*T = 2048
    durations = np.stack([rng.permutation(base) for _ in range(B)], axis=0)
    return {"encoder_output": encoder_output, "durations": jnp.asarray(durations, dtype=jnp.int32)}

def reference(encoder_output, durations):
    # Faithful JAX translation of LengthRegulator.call:
    # for each batch row, repeat each phoneme vector duration[b, t] times (min 1), then stack.
    B, T, D = encoder_output.shape
    outs = []
    for b in range(B):
        dur = jnp.maximum(durations[b].astype(jnp.int32), 1)
        idx = jnp.repeat(jnp.arange(T), dur, total_repeat_length=4 * T)  # expansion gather indices
        outs.append(jnp.take(encoder_output[b], idx, axis=0))
    return jnp.stack(outs, axis=0)

if __name__ == "__main__":
    import jax
    _d = setup_inputs()
    print(jax.jit(kernel)(*tuple(_d.values())))

</pallas_src>

<mosaic_0001>
#map = affine_map<(d0, d1) -> (0, 0)>
#map1 = affine_map<(d0, d1) -> (0, 0, 0)>
module attributes {stable_mosaic.version = 14 : i64} {
  func.func @_tile_body(%arg0: i32, %arg1: i32, %arg2: memref<8192x384xf32, #tpu.memory_space<hbm>>, %arg3: memref<16x512xi32, #tpu.memory_space<hbm>>, %arg4: memref<16x2048x384xf32, #tpu.memory_space<hbm>>, %arg5: memref<512xi32, #tpu.memory_space<vmem>>, %arg6: memref<1024xi32, #tpu.memory_space<vmem>>, %arg7: memref<16x64xi32, #tpu.memory_space<vmem>>, %arg8: memref<64x384xf32, #tpu.memory_space<vmem>>, %arg9: memref<64x384xf32, #tpu.memory_space<vmem>>, %arg10: memref<64x384xf32, #tpu.memory_space<vmem>>, %arg11: memref<64x384xf32, #tpu.memory_space<vmem>>, %arg12: memref<64x384xf32, #tpu.memory_space<vmem>>, %arg13: memref<!tpu.dma_semaphore, #tpu.memory_space<semaphore_mem>>, %arg14: memref<!tpu.dma_semaphore, #tpu.memory_space<semaphore_mem>>, %arg15: memref<!tpu.dma_semaphore, #tpu.memory_space<semaphore_mem>>, %arg16: memref<!tpu.dma_semaphore, #tpu.memory_space<semaphore_mem>>, %arg17: memref<!tpu.dma_semaphore, #tpu.memory_space<semaphore_mem>>, %arg18: memref<!tpu.dma_semaphore, #tpu.memory_space<semaphore_mem>>, %arg19: memref<!tpu.dma_semaphore, #tpu.memory_space<semaphore_mem>>, %arg20: memref<!tpu.dma_semaphore, #tpu.memory_space<semaphore_mem>>, %arg21: memref<!tpu.dma_semaphore, #tpu.memory_space<semaphore_mem>>, %arg22: memref<!tpu.dma_semaphore, #tpu.memory_space<semaphore_mem>>) attributes {dimension_semantics = [#tpu.dimension_semantics<core_parallel>, #tpu.dimension_semantics<subcore_parallel>], iteration_bounds = array<i64: 2, 16>, scalar_prefetch = 0 : i64, scratch_operands = 18 : i64, tpu.core_type = #tpu.core_type<sc_vector_subcore>, window_params = [{transform_indices = #map}, {transform_indices = #map}, {transform_indices = #map1}]} {
    %mul3A = arith.constant 2 : i32
    %mul3A_0 = arith.muli %arg1, %mul3A : i32
    %add3A = arith.addi %mul3A_0, %arg0 : i32
    %jit3A = arith.constant 2 : i32
    %div3A = arith.divsi %add3A, %jit3A : i32
    %sign3A = arith.constant 0 : i32
    %sign3A_1 = arith.cmpi sgt, %add3A, %sign3A : i32
    %sign3A_2 = arith.extui %sign3A_1 : i1 to i32
    %sign3A_3 = arith.constant 0 : i32
    %sign3A_4 = arith.cmpi slt, %add3A, %sign3A_3 : i32
    %sign3A_5 = arith.extui %sign3A_4 : i1 to i32
    %sign3A_6 = arith.subi %sign3A_2, %sign3A_5 : i32
    %sign3A_7 = arith.constant 0 : i32
    %sign3A_8 = arith.cmpi sgt, %jit3A, %sign3A_7 : i32
    %sign3A_9 = arith.extui %sign3A_8 : i1 to i32
    %sign3A_10 = arith.constant 0 : i32
    %sign3A_11 = arith.cmpi slt, %jit3A, %sign3A_10 : i32
    %sign3A_12 = arith.extui %sign3A_11 : i1 to i32
    %sign3A_13 = arith.subi %sign3A_9, %sign3A_12 : i32
    %ne3A = arith.cmpi ne, %sign3A_6, %sign3A_13 : i32
    %rem3A = arith.remsi %add3A, %jit3A : i32
    %ne3A_14 = arith.constant 0 : i32
    %ne3A_15 = arith.cmpi ne, %rem3A, %ne3A_14 : i32
    %and3A = arith.andi %ne3A, %ne3A_15 : i1
    %sub3A = arith.constant 1 : i32
    %sub3A_16 = arith.subi %div3A, %sub3A : i32
    %select_n3A = arith.select %and3A, %sub3A_16, %div3A : i32
    %jit3A_17 = arith.constant 2 : i32
    %eq3A = arith.constant 0 : i32
    %eq3A_18 = arith.cmpi eq, %jit3A_17, %eq3A : i32
    %jit3A_19 = arith.constant 1 : i32
    %select_n3A_20 = arith.select %eq3A_18, %jit3A_19, %jit3A_17 : i32
    %rem3A_21 = arith.remsi %add3A, %select_n3A_20 : i32
    %ne3A_22 = arith.constant 0 : i32
    %ne3A_23 = arith.cmpi ne, %rem3A_21, %ne3A_22 : i32
    %lt3A = arith.constant 0 : i32
    %lt3A_24 = arith.cmpi slt, %rem3A_21, %lt3A : i32
    %lt3A_25 = arith.constant 0 : i32
    %lt3A_26 = arith.cmpi slt, %select_n3A_20, %lt3A_25 : i32
    %ne3A_27 = arith.xori %lt3A_24, %lt3A_26 : i1
    %and3A_28 = arith.andi %ne3A_27, %ne3A_23 : i1
    %add3A_29 = arith.addi %rem3A_21, %select_n3A_20 : i32
    %select_n3A_30 = arith.select %and3A_28, %add3A_29, %rem3A_21 : i32
    %mul3A_31 = arith.constant 1024 : i32
    %mul3A_32 = arith.muli %select_n3A_30, %mul3A_31 : i32
    "tpu.region"() ({
      %run_scoped3A = tpu.sem_alloc : memref<!tpu.dma_semaphore, #tpu.memory_space<semaphore_mem>>
      %dma_start3A_2981 = arith.constant 0 : i32
      %dma_start3A_2982 = tpu.memref_slice %arg3[%select_n3A, %dma_start3A_2981] : memref<16x512xi32, #tpu.memory_space<hbm>> -> memref<1x512xi32, #tpu.memory_space<hbm>>
      %dma_start3A_2983 = tpu.memref_squeeze %dma_start3A_2982 : memref<1x512xi32, #tpu.memory_space<hbm>> -> memref<512xi32, #tpu.memory_space<hbm>>
      %dma_start3A_2984 = arith.constant 0 : i32
      %dma_start3A_2985 = tpu.memref_slice %arg3[%select_n3A, %dma_start3A_2984] : memref<16x512xi32, #tpu.memory_space<hbm>> -> memref<1x512xi32, #tpu.memory_space<hbm>>
      %dma_start3A_2986 = tpu.memref_squeeze %dma_start3A_2985 : memref<1x512xi32, #tpu.memory_space<hbm>> -> memref<512xi32, #tpu.memory_space<hbm>>
      tpu.enqueue_dma source(%dma_start3A_2986 : memref<512xi32, #tpu.memory_space<hbm>>) target(%arg5 : memref<512xi32, #tpu.memory_space<vmem>>) target_semaphore(%run_scoped3A : memref<!tpu.dma_semaphore, #tpu.memory_space<semaphore_mem>>)
      %dma_wait3A_2987 = arith.constant 0 : i32
      %dma_wait3A_2988 = tpu.memref_slice %arg3[%select_n3A, %dma_wait3A_2987] : memref<16x512xi32, #tpu.memory_space<hbm>> -> memref<1x512xi32, #tpu.memory_space<hbm>>
      %dma_wait3A_2989 = tpu.memref_squeeze %dma_wait3A_2988 : memref<1x512xi32, #tpu.memory_space<hbm>> -> memref<512xi32, #tpu.memory_space<hbm>>
      %dma_wait3A_2990 = arith.constant 0 : i32
      %dma_wait3A_2991 = tpu.memref_slice %arg3[%select_n3A, %dma_wait3A_2990] : memref<16x512xi32, #tpu.memory_space<hbm>> -> memref<1x512xi32, #tpu.memory_space<hbm>>
      %dma_wait3A_2992 = tpu.memref_squeeze %dma_wait3A_2991 : memref<1x512xi32, #tpu.memory_space<hbm>> -> memref<512xi32, #tpu.memory_space<hbm>>
      tpu.wait_dma2 semaphore(%run_scoped3A : memref<!tpu.dma_semaphore, #tpu.memory_space<semaphore_mem>>) src(%dma_wait3A_2992 : memref<512xi32, #tpu.memory_space<hbm>>) dst(%arg5 : memref<512xi32, #tpu.memory_space<vmem>>)
      tpu.yield
    }) : () -> ()
    %broadcast_in_dim3A = arith.constant 0 : i32
    %broadcast_in_dim3A_33 = vector.broadcast %broadcast_in_dim3A : i32 to vector<16xi32>
    %swap3A = arith.constant 0 : index
    %swap3A_34 = tpu.vector_load %arg6[%swap3A] {strides = array<i32>} : memref<1024xi32, #tpu.memory_space<vmem>>, vector<16xi32>,
    tpu.vector_store %arg6[%swap3A], %broadcast_in_dim3A_33 {strides = array<i32>} : memref<1024xi32, #tpu.memory_space<vmem>>, vector<16xi32>,
    %broadcast_in_dim3A_35 = arith.constant 0 : i32
    %broadcast_in_dim3A_36 = vector.broadcast %broadcast_in_dim3A_35 : i32 to vector<16xi32>
    %swap3A_37 = arith.constant 16 : index
    %swap3A_38 = tpu.vector_load %arg6[%swap3A_37] {strides = array<i32>} : memref<1024xi32, #tpu.memory_space<vmem>>, vector<16xi32>,
    tpu.vector_store %arg6[%swap3A_37], %broadcast_in_dim3A_36 {strides = array<i32>} : memref<1024xi32, #tpu.memory_space<vmem>>, vector<16xi32>,
    %broadcast_in_dim3A_39 = arith.constant 0 : i32
    %broadcast_in_dim3A_40 = vector.broadcast %broadcast_in_dim3A_39 : i32 to vector<16xi32>
    %swap3A_41 = arith.constant 32 : index
    %swap3A_42 = tpu.vector_load %arg6[%swap3A_41] {strides = array<i32>} : memref<1024xi32, #tpu.memory_space<vmem>>, vector<16xi32>,
    tpu.vector_store %arg6[%swap3A_41], %broadcast_in_dim3A_40 {strides = array<i32>} : memref<1024xi32, #tpu.memory_space<vmem>>, vector<16xi32>,
    %broadcast_in_dim3A_43 = arith.constant 0 : i32
    %broadcast_in_dim3A_44 = vector.broadcast %broadcast_in_dim3A_43 : i32 to vector<16xi32>
    %swap3A_45 = arith.constant 48 : index
    %swap3A_46 = tpu.vector_load %arg6[%swap3A_45] {strides = array<i32>} : memref<1024xi32, #tpu.memory_space<vmem>>, vector<16xi32>,
    tpu.vector_store %arg6[%swap3A_45], %broadcast_in_dim3A_44 {strides = array<i32>} : memref<1024xi32, #tpu.memory_space<vmem>>, vector<16xi32>,
    %broadcast_in_dim3A_47 = arith.constant 0 : i32
    %broadcast_in_dim3A_48 = vector.broadcast %broadcast_in_dim3A_47 : i32 to vector<16xi32>
    %swap3A_49 = arith.constant 64 : index
    %swap3A_50 = tpu.vector_load %arg6[%swap3A_49] {strides = array<i32>} : memref<1024xi32, #tpu.memory_space<vmem>>, vector<16xi32>,
    tpu.vector_store %arg6[%swap3A_49], %broadcast_in_dim3A_48 {strides = array<i32>} : memref<1024xi32, #tpu.memory_space<vmem>>, vector<16xi32>,
    %broadcast_in_dim3A_51 = arith.constant 0 : i32
    %broadcast_in_dim3A_52 = vector.broadcast %broadcast_in_dim3A_51 : i32 to vector<16xi32>
    %swap3A_53 = arith.constant 80 : index
    %swap3A_54 = tpu.vector_load %arg6[%swap3A_53] {strides = array<i32>} : memref<1024xi32, #tpu.memory_space<vmem>>, vector<16xi32>,
    tpu.vector_store %arg6[%swap3A_53], %broadcast_in_dim3A_52 {strides = array<i32>} : memref<1024xi32, #tpu.memory_space<vmem>>, vector<16xi32>,
    %broadcast_in_dim3A_55 = arith.constant 0 : i32
    %broadcast_in_dim3A_56 = vector.broadcast %broadcast_in_dim3A_55 : i32 to vector<16xi32>
    %swap3A_57 = arith.constant 96 : index
    %swap3A_58 = tpu.vector_load %arg6[%swap3A_57] {strides = array<i32>} : memref<1024xi32, #tpu.memory_space<vmem>>, vector<16xi32>,
    tpu.vector_store %arg6[%swap3A_57], %broadcast_in_dim3A_56 {strides = array<i32>} : memref<1024xi32, #tpu.memory_space<vmem>>, vector<16xi32>,
    %broadcast_in_dim3A_59 = arith.constant 0 : i32
    %broadcast_in_dim3A_60 = vector.broadcast %broadcast_in_dim3A_59 : i32 to vector<16xi32>
    %swap3A_61 = arith.constant 112 : index
    %swap3A_62 = tpu.vector_load %arg6[%swap3A_61] {strides = array<i32>} : memref<1024xi32, #tpu.memory_space<vmem>>, vector<16xi32>,
    tpu.vector_store %arg6[%swap3A_61], %broadcast_in_dim3A_60 {strides = array<i32>} : memref<1024xi32, #tpu.memory_space<vmem>>, vector<16xi32>,
    %broadcast_in_dim3A_63 = arith.constant 0 : i32
    %broadcast_in_dim3A_64 = vector.broadcast %broadcast_in_dim3A_63 : i32 to vector<16xi32>
    %swap3A_65 = arith.constant 128 : index
    %swap3A_66 = tpu.vector_load %arg6[%swap3A_65] {strides = array<i32>} : memref<1024xi32, #tpu.memory_space<vmem>>, vector<16xi32>,
    tpu.vector_store %arg6[%swap3A_65], %broadcast_in_dim3A_64 {strides = array<i32>} : memref<1024xi32, #tpu.memory_space<vmem>>, vector<16xi32>,
    %broadcast_in_dim3A_67 = arith.constant 0 : i32
    %broadcast_in_dim3A_68 = vector.broadcast %broadcast_in_dim3A_67 : i32 to vector<16xi32>
    %swap3A_69 = arith.constant 144 : index
    %swap3A_70 = tpu.vector_load %arg6[%swap3A_69] {strides = array<i32>} : memref<1024xi32, #tpu.memory_space<vmem>>, vector<16xi32>,
    tpu.vector_store %arg6[%swap3A_69], %broadcast_in_dim3A_68 {strides = array<i32>} : memref<1024xi32, #tpu.memory_space<vmem>>, vector<16xi32>,
    %broadcast_in_dim3A_71 = arith.constant 0 : i32
    %broadcast_in_dim3A_72 = vector.broadcast %broadcast_in_dim3A_71 : i32 to vector<16xi32>
    %swap3A_73 = arith.constant 160 : index
    %swap3A_74 = tpu.vector_load %arg6[%swap3A_73] {strides = array<i32>} : memref<1024xi32, #tpu.memory_space<vmem>>, vector<16xi32>,
    tpu.vector_store %arg6[%swap3A_73], %broadcast_in_dim3A_72 {strides = array<i32>} : memref<1024xi32, #tpu.memory_space<vmem>>, vector<16xi32>,
    %broadcast_in_dim3A_75 = arith.constant 0 : i32
    %broadcast_in_dim3A_76 = vector.broadcast %broadcast_in_dim3A_75 : i32 to vector<16xi32>
    %swap3A_77 = arith.constant 176 : index
    %swap3A_78 = tpu.vector_load %arg6[%swap3A_77] {strides = array<i32>} : memref<1024xi32, #tpu.memory_space<vmem>>, vector<16xi32>,
    tpu.vector_store %arg6[%swap3A_77], %broadcast_in_dim3A_76 {strides = array<i32>} : memref<1024xi32, #tpu.memory_space<vmem>>, vector<16xi32>,
    %broadcast_in_dim3A_79 = arith.constant 0 : i32
    %broadcast_in_dim3A_80 = vector.broadcast %broadcast_in_dim3A_79 : i32 to vector<16xi32>
    %swap3A_81 = arith.constant 192 : index
    %swap3A_82 = tpu.vector_load %arg6[%swap3A_81] {strides = array<i32>} : memref<1024xi32, #tpu.memory_space<vmem>>, vector<16xi32>,
    tpu.vector_store %arg6[%swap3A_81], %broadcast_in_dim3A_80 {strides = array<i32>} : memref<1024xi32, #tpu.memory_space<vmem>>, vector<16xi32>,
    %broadcast_in_dim3A_83 = arith.constant 0 : i32
    %broadcast_in_dim3A_84 = vector.broadcast %broadcast_in_dim3A_83 : i32 to vector<16xi32>
    %swap3A_85 = arith.constant 208 : index
    %swap3A_86 = tpu.vector_load %arg6[%swap3A_85] {strides = array<i32>} : memref<1024xi32, #tpu.memory_space<vmem>>, vector<16xi32>,
    tpu.vector_store %arg6[%swap3A_85], %broadcast_in_dim3A_84 {strides = array<i32>} : memref<1024xi32, #tpu.memory_space<vmem>>, vector<16xi32>,
    %broadcast_in_dim3A_87 = arith.constant 0 : i32
    %broadcast_in_dim3A_88 = vector.broadcast %broadcast_in_dim3A_87 : i32 to vector<16xi32>
    %swap3A_89 = arith.constant 224 : index
    %swap3A_90 = tpu.vector_load %arg6[%swap3A_89] {strides = array<i32>} : memref<1024xi32, #tpu.memory_space<vmem>>, vector<16xi32>,
    tpu.vector_store %arg6[%swap3A_89], %broadcast_in_dim3A_88 {strides = array<i32>} : memref<1024xi32, #tpu.memory_space<vmem>>, vector<16xi32>,
    %broadcast_in_dim3A_91 = arith.constant 0 : i32
    %broadcast_in_dim3A_92 = vector.broadcast %broadcast_in_dim3A_91 : i32 to vector<16xi32>
    %swap3A_93 = arith.constant 240 : index
    %swap3A_94 = tpu.vector_load %arg6[%swap3A_93] {strides = array<i32>} : memref<1024xi32, #tpu.memory_space<vmem>>, vector<16xi32>,
    tpu.vector_store %arg6[%swap3A_93], %broadcast_in_dim3A_92 {strides = array<i32>} : memref<1024xi32, #tpu.memory_space<vmem>>, vector<16xi32>,
    %broadcast_in_dim3A_95 = arith.constant 0 : i32
    %broadcast_in_dim3A_96 = vector.broadcast %broadcast_in_dim3A_95 : i32 to vector<16xi32>
    %swap3A_97 = arith.constant 256 : index
    %swap3A_98 = tpu.vector_load %arg6[%swap3A_97] {strides = array<i32>} : memref<1024xi32, #tpu.memory_space<vmem>>, vector<16xi32>,
    tpu.vector_store %arg6[%swap3A_97], %broadcast_in_dim3A_96 {strides = array<i32>} : memref<1024xi32, #tpu.memory_space<vmem>>, vector<16xi32>,
    %broadcast_in_dim3A_99 = arith.constant 0 : i32
    %broadcast_in_dim3A_100 = vector.broadcast %broadcast_in_dim3A_99 : i32 to vector<16xi32>
    %swap3A_101 = arith.constant 272 : index
    %swap3A_102 = tpu.vector_load %arg6[%swap3A_101] {strides = array<i32>} : memref<1024xi32, #tpu.memory_space<vmem>>, vector<16xi32>,
    tpu.vector_store %arg6[%swap3A_101], %broadcast_in_dim3A_100 {strides = array<i32>} : memref<1024xi32, #tpu.memory_space<vmem>>, vector<16xi32>,
    %broadcast_in_dim3A_103 = arith.constant 0 : i32
    %broadcast_in_dim3A_104 = vector.broadcast %broadcast_in_dim3A_103 : i32 to vector<16xi32>
    %swap3A_105 = arith.constant 288 : index
    %swap3A_106 = tpu.vector_load %arg6[%swap3A_105] {strides = array<i32>} : memref<1024xi32, #tpu.memory_space<vmem>>, vector<16xi32>,
    tpu.vector_store %arg6[%swap3A_105], %broadcast_in_dim3A_104 {strides = array<i32>} : memref<1024xi32, #tpu.memory_space<vmem>>, vector<16xi32>,
    %broadcast_in_dim3A_107 = arith.constant 0 : i32
    %broadcast_in_dim3A_108 = vector.broadcast %broadcast_in_dim3A_107 : i32 to vector<16xi32>
    %swap3A_109 = arith.constant 304 : index
    %swap3A_110 = tpu.vector_load %arg6[%swap3A_109] {strides = array<i32>} : memref<1024xi32, #tpu.memory_space<vmem>>, vector<16xi32>,
    tpu.vector_store %arg6[%swap3A_109], %broadcast_in_dim3A_108 {strides = array<i32>} : memref<1024xi32, #tpu.memory_space<vmem>>, vector<16xi32>,
    %broadcast_in_dim3A_111 = arith.constant 0 : i32
    %broadcast_in_dim3A_112 = vector.broadcast %broadcast_in_dim3A_111 : i32 to vector<16xi32>
    %swap3A_113 = arith.constant 320 : index
    %swap3A_114 = tpu.vector_load %arg6[%swap3A_113] {strides = array<i32>} : memref<1024xi32, #tpu.memory_space<vmem>>, vector<16xi32>,
    tpu.vector_store %arg6[%swap3A_113], %broadcast_in_dim3A_112 {strides = array<i32>} : memref<1024xi32, #tpu.memory_space<vmem>>, vector<16xi32>,
    %broadcast_in_dim3A_115 = arith.constant 0 : i32
    %broadcast_in_dim3A_116 = vector.broadcast %broadcast_in_dim3A_115 : i32 to vector<16xi32>
    %swap3A_117 = arith.constant 336 : index
    %swap3A_118 = tpu.vector_load %arg6[%swap3A_117] {strides = array<i32>} : memref<1024xi32, #tpu.memory_space<vmem>>, vector<16xi32>,
    tpu.vector_store %arg6[%swap3A_117], %broadcast_in_dim3A_116 {strides = array<i32>} : memref<1024xi32, #tpu.memory_space<vmem>>, vector<16xi32>,
    %broadcast_in_dim3A_119 = arith.constant 0 : i32
    %broadcast_in_dim3A_120 = vector.broadcast %broadcast_in_dim3A_119 : i32 to vector<16xi32>
    %swap3A_121 = arith.constant 352 : index
    %swap3A_122 = tpu.vector_load %arg6[%swap3A_121] {strides = array<i32>} : memref<1024xi32, #tpu.memory_space<vmem>>, vector<16xi32>,
    tpu.vector_store %arg6[%swap3A_121], %broadcast_in_dim3A_120 {strides = array<i32>} : memref<1024xi32, #tpu.memory_space<vmem>>, vector<16xi32>,
    %broadcast_in_dim3A_123 = arith.constant 0 : i32
    %broadcast_in_dim3A_124 = vector.broadcast %broadcast_in_dim3A_123 : i32 to vector<16xi32>
    %swap3A_125 = arith.constant 368 : index
    %swap3A_126 = tpu.vector_load %arg6[%swap3A_125] {strides = array<i32>} : memref<1024xi32, #tpu.memory_space<vmem>>, vector<16xi32>,
    tpu.vector_store %arg6[%swap3A_125], %broadcast_in_dim3A_124 {strides = array<i32>} : memref<1024xi32, #tpu.memory_space<vmem>>, vector<16xi32>,
    %broadcast_in_dim3A_127 = arith.constant 0 : i32
    %broadcast_in_dim3A_128 = vector.broadcast %broadcast_in_dim3A_127 : i32 to vector<16xi32>
    %swap3A_129 = arith.constant 384 : index
    %swap3A_130 = tpu.vector_load %arg6[%swap3A_129] {strides = array<i32>} : memref<1024xi32, #tpu.memory_space<vmem>>, vector<16xi32>,
    tpu.vector_store %arg6[%swap3A_129], %broadcast_in_dim3A_128 {strides = array<i32>} : memref<1024xi32, #tpu.memory_space<vmem>>, vector<16xi32>,
    %broadcast_in_dim3A_131 = arith.constant 0 : i32
    %broadcast_in_dim3A_132 = vector.broadcast %broadcast_in_dim3A_131 : i32 to vector<16xi32>
    %swap3A_133 = arith.constant 400 : index
    %swap3A_134 = tpu.vector_load %arg6[%swap3A_133] {strides = array<i32>} : memref<1024xi32, #tpu.memory_space<vmem>>, vector<16xi32>,
    tpu.vector_store %arg6[%swap3A_133], %broadcast_in_dim3A_132 {strides = array<i32>} : memref<1024xi32, #tpu.memory_space<vmem>>, vector<16xi32>,
    %broadcast_in_dim3A_135 = arith.constant 0 : i32
    %broadcast_in_dim3A_136 = vector.broadcast %broadcast_in_dim3A_135 : i32 to vector<16xi32>
    %swap3A_137 = arith.constant 416 : index
    %swap3A_138 = tpu.vector_load %arg6[%swap3A_137] {strides = array<i32>} : memref<1024xi32, #tpu.memory_space<vmem>>, vector<16xi32>,
    tpu.vector_store %arg6[%swap3A_137], %broadcast_in_dim3A_136 {strides = array<i32>} : memref<1024xi32, #tpu.memory_space<vmem>>, vector<16xi32>,
    %broadcast_in_dim3A_139 = arith.constant 0 : i32
    %broadcast_in_dim3A_140 = vector.broadcast %broadcast_in_dim3A_139 : i32 to vector<16xi32>
    %swap3A_141 = arith.constant 432 : index
    %swap3A_142 = tpu.vector_load %arg6[%swap3A_141] {strides = array<i32>} : memref<1024xi32, #tpu.memory_space<vmem>>, vector<16xi32>,
    tpu.vector_store %arg6[%swap3A_141], %broadcast_in_dim3A_140 {strides = array<i32>} : memref<1024xi32, #tpu.memory_space<vmem>>, vector<16xi32>,
    %broadcast_in_dim3A_143 = arith.constant 0 : i32
    %broadcast_in_dim3A_144 = vector.broadcast %broadcast_in_dim3A_143 : i32 to vector<16xi32>
    %swap3A_145 = arith.constant 448 : index
    %swap3A_146 = tpu.vector_load %arg6[%swap3A_145] {strides = array<i32>} : memref<1024xi32, #tpu.memory_space<vmem>>, vector<16xi32>,
    tpu.vector_store %arg6[%swap3A_145], %broadcast_in_dim3A_144 {strides = array<i32>} : memref<1024xi32, #tpu.memory_space<vmem>>, vector<16xi32>,
    %broadcast_in_dim3A_147 = arith.constant 0 : i32
    %broadcast_in_dim3A_148 = vector.broadcast %broadcast_in_dim3A_147 : i32 to vector<16xi32>
    %swap3A_149 = arith.constant 464 : index
    %swap3A_150 = tpu.vector_load %arg6[%swap3A_149] {strides = array<i32>} : memref<1024xi32, #tpu.memory_space<vmem>>, vector<16xi32>,
    tpu.vector_store %arg6[%swap3A_149], %broadcast_in_dim3A_148 {strides = array<i32>} : memref<1024xi32, #tpu.memory_space<vmem>>, vector<16xi32>,
    %broadcast_in_dim3A_151 = arith.constant 0 : i32
    %broadcast_in_dim3A_152 = vector.broadcast %broadcast_in_dim3A_151 : i32 to vector<16xi32>
    %swap3A_153 = arith.constant 480 : index
    %swap3A_154 = tpu.vector_load %arg6[%swap3A_153] {strides = array<i32>} : memref<1024xi32, #tpu.memory_space<vmem>>, vector<16xi32>,
    tpu.vector_store %arg6[%swap3A_153], %broadcast_in_dim3A_152 {strides = array<i32>} : memref<1024xi32, #tpu.memory_space<vmem>>, vector<16xi32>,
    %broadcast_in_dim3A_155 = arith.constant 0 : i32
    %broadcast_in_dim3A_156 = vector.broadcast %broadcast_in_dim3A_155 : i32 to vector<16xi32>
    %swap3A_157 = arith.constant 496 : index
    %swap3A_158 = tpu.vector_load %arg6[%swap3A_157] {strides = array<i32>} : memref<1024xi32, #tpu.memory_space<vmem>>, vector<16xi32>,
    tpu.vector_store %arg6[%swap3A_157], %broadcast_in_dim3A_156 {strides = array<i32>} : memref<1024xi32, #tpu.memory_space<vmem>>, vector<16xi32>,
    %broadcast_in_dim3A_159 = arith.constant 0 : i32
    %broadcast_in_dim3A_160 = vector.broadcast %broadcast_in_dim3A_159 : i32 to vector<16xi32>
    %swap3A_161 = arith.constant 512 : index
    %swap3A_162 = tpu.vector_load %arg6[%swap3A_161] {strides = array<i32>} : memref<1024xi32, #tpu.memory_space<vmem>>, vector<16xi32>,
    tpu.vector_store %arg6[%swap3A_161], %broadcast_in_dim3A_160 {strides = array<i32>} : memref<1024xi32, #tpu.memory_space<vmem>>, vector<16xi32>,
    %broadcast_in_dim3A_163 = arith.constant 0 : i32
    %broadcast_in_dim3A_164 = vector.broadcast %broadcast_in_dim3A_163 : i32 to vector<16xi32>
    %swap3A_165 = arith.constant 528 : index
    %swap3A_166 = tpu.vector_load %arg6[%swap3A_165] {strides = array<i32>} : memref<1024xi32, #tpu.memory_space<vmem>>, vector<16xi32>,
    tpu.vector_store %arg6[%swap3A_165], %broadcast_in_dim3A_164 {strides = array<i32>} : memref<1024xi32, #tpu.memory_space<vmem>>, vector<16xi32>,
    %broadcast_in_dim3A_167 = arith.constant 0 : i32
    %broadcast_in_dim3A_168 = vector.broadcast %broadcast_in_dim3A_167 : i32 to vector<16xi32>
    %swap3A_169 = arith.constant 544 : index
    %swap3A_170 = tpu.vector_load %arg6[%swap3A_169] {strides = array<i32>} : memref<1024xi32, #tpu.memory_space<vmem>>, vector<16xi32>,
    tpu.vector_store %arg6[%swap3A_169], %broadcast_in_dim3A_168 {strides = array<i32>} : memref<1024xi32, #tpu.memory_space<vmem>>, vector<16xi32>,
    %broadcast_in_dim3A_171 = arith.constant 0 : i32
    %broadcast_in_dim3A_172 = vector.broadcast %broadcast_in_dim3A_171 : i32 to vector<16xi32>
    %swap3A_173 = arith.constant 560 : index
    %swap3A_174 = tpu.vector_load %arg6[%swap3A_173] {strides = array<i32>} : memref<1024xi32, #tpu.memory_space<vmem>>, vector<16xi32>,
    tpu.vector_store %arg6[%swap3A_173], %broadcast_in_dim3A_172 {strides = array<i32>} : memref<1024xi32, #tpu.memory_space<vmem>>, vector<16xi32>,
    %broadcast_in_dim3A_175 = arith.constant 0 : i32
    %broadcast_in_dim3A_176 = vector.broadcast %broadcast_in_dim3A_175 : i32 to vector<16xi32>
    %swap3A_177 = arith.constant 576 : index
    %swap3A_178 = tpu.vector_load %arg6[%swap3A_177] {strides = array<i32>} : memref<1024xi32, #tpu.memory_space<vmem>>, vector<16xi32>,
    tpu.vector_store %arg6[%swap3A_177], %broadcast_in_dim3A_176 {strides = array<i32>} : memref<1024xi32, #tpu.memory_space<vmem>>, vector<16xi32>,
    %broadcast_in_dim3A_179 = arith.constant 0 : i32
    %broadcast_in_dim3A_180 = vector.broadcast %broadcast_in_dim3A_179 : i32 to vector<16xi32>
    %swap3A_181 = arith.constant 592 : index
    %swap3A_182 = tpu.vector_load %arg6[%swap3A_181] {strides = array<i32>} : memref<1024xi32, #tpu.memory_space<vmem>>, vector<16xi32>,
    tpu.vector_store %arg6[%swap3A_181], %broadcast_in_dim3A_180 {strides = array<i32>} : memref<1024xi32, #tpu.memory_space<vmem>>, vector<16xi32>,
    %broadcast_in_dim3A_183 = arith.constant 0 : i32
    %broadcast_in_dim3A_184 = vector.broadcast %broadcast_in_dim3A_183 : i32 to vector<16xi32>
    %swap3A_185 = arith.constant 608 : index
    %swap3A_186 = tpu.vector_load %arg6[%swap3A_185] {strides = array<i32>} : memref<1024xi32, #tpu.memory_space<vmem>>, vector<16xi32>,
    tpu.vector_store %arg6[%swap3A_185], %broadcast_in_dim3A_184 {strides = array<i32>} : memref<1024xi32, #tpu.memory_space<vmem>>, vector<16xi32>,
    %broadcast_in_dim3A_187 = arith.constant 0 : i32
    %broadcast_in_dim3A_188 = vector.broadcast %broadcast_in_dim3A_187 : i32 to vector<16xi32>
    %swap3A_189 = arith.constant 624 : index
    %swap3A_190 = tpu.vector_load %arg6[%swap3A_189] {strides = array<i32>} : memref<1024xi32, #tpu.memory_space<vmem>>, vector<16xi32>,
    tpu.vector_store %arg6[%swap3A_189], %broadcast_in_dim3A_188 {strides = array<i32>} : memref<1024xi32, #tpu.memory_space<vmem>>, vector<16xi32>,
    %broadcast_in_dim3A_191 = arith.constant 0 : i32
    %broadcast_in_dim3A_192 = vector.broadcast %broadcast_in_dim3A_191 : i32 to vector<16xi32>
    %swap3A_193 = arith.constant 640 : index
    %swap3A_194 = tpu.vector_load %arg6[%swap3A_193] {strides = array<i32>} : memref<1024xi32, #tpu.memory_space<vmem>>, vector<16xi32>,
    tpu.vector_store %arg6[%swap3A_193], %broadcast_in_dim3A_192 {strides = array<i32>} : memref<1024xi32, #tpu.memory_space<vmem>>, vector<16xi32>,
    %broadcast_in_dim3A_195 = arith.constant 0 : i32
    %broadcast_in_dim3A_196 = vector.broadcast %broadcast_in_dim3A_195 : i32 to vector<16xi32>
    %swap3A_197 = arith.constant 656 : index
    %swap3A_198 = tpu.vector_load %arg6[%swap3A_197] {strides = array<i32>} : memref<1024xi32, #tpu.memory_space<vmem>>, vector<16xi32>,
    tpu.vector_store %arg6[%swap3A_197], %broadcast_in_dim3A_196 {strides = array<i32>} : memref<1024xi32, #tpu.memory_space<vmem>>, vector<16xi32>,
    %broadcast_in_dim3A_199 = arith.constant 0 : i32
    %broadcast_in_dim3A_200 = vector.broadcast %broadcast_in_dim3A_199 : i32 to vector<16xi32>
    %swap3A_201 = arith.constant 672 : index
    %swap3A_202 = tpu.vector_load %arg6[%swap3A_201] {strides = array<i32>} : memref<1024xi32, #tpu.memory_space<vmem>>, vector<16xi32>,
    tpu.vector_store %arg6[%swap3A_201], %broadcast_in_dim3A_200 {strides = array<i32>} : memref<1024xi32, #tpu.memory_space<vmem>>, vector<16xi32>,
    %broadcast_in_dim3A_203 = arith.constant 0 : i32
    %broadcast_in_dim3A_204 = vector.broadcast %broadcast_in_dim3A_203 : i32 to vector<16xi32>
    %swap3A_205 = arith.constant 688 : index
    %swap3A_206 = tpu.vector_load %arg6[%swap3A_205] {strides = array<i32>} : memref<1024xi32, #tpu.memory_space<vmem>>, vector<16xi32>,
    tpu.vector_store %arg6[%swap3A_205], %broadcast_in_dim3A_204 {strides = array<i32>} : memref<1024xi32, #tpu.memory_space<vmem>>, vector<16xi32>,
    %broadcast_in_dim3A_207 = arith.constant 0 : i32
    %broadcast_in_dim3A_208 = vector.broadcast %broadcast_in_dim3A_207 : i32 to vector<16xi32>
    %swap3A_209 = arith.constant 704 : index
    %swap3A_210 = tpu.vector_load %arg6[%swap3A_209] {strides = array<i32>} : memref<1024xi32, #tpu.memory_space<vmem>>, vector<16xi32>,
    tpu.vector_store %arg6[%swap3A_209], %broadcast_in_dim3A_208 {strides = array<i32>} : memref<1024xi32, #tpu.memory_space<vmem>>, vector<16xi32>,
    %broadcast_in_dim3A_211 = arith.constant 0 : i32
    %broadcast_in_dim3A_212 = vector.broadcast %broadcast_in_dim3A_211 : i32 to vector<16xi32>
    %swap3A_213 = arith.constant 720 : index
    %swap3A_214 = tpu.vector_load %arg6[%swap3A_213] {strides = array<i32>} : memref<1024xi32, #tpu.memory_space<vmem>>, vector<16xi32>,
    tpu.vector_store %arg6[%swap3A_213], %broadcast_in_dim3A_212 {strides = array<i32>} : memref<1024xi32, #tpu.memory_space<vmem>>, vector<16xi32>,
    %broadcast_in_dim3A_215 = arith.constant 0 : i32
    %broadcast_in_dim3A_216 = vector.broadcast %broadcast_in_dim3A_215 : i32 to vector<16xi32>
    %swap3A_217 = arith.constant 736 : index
    %swap3A_218 = tpu.vector_load %arg6[%swap3A_217] {strides = array<i32>} : memref<1024xi32, #tpu.memory_space<vmem>>, vector<16xi32>,
    tpu.vector_store %arg6[%swap3A_217], %broadcast_in_dim3A_216 {strides = array<i32>} : memref<1024xi32, #tpu.memory_space<vmem>>, vector<16xi32>,
    %broadcast_in_dim3A_219 = arith.constant 0 : i32
    %broadcast_in_dim3A_220 = vector.broadcast %broadcast_in_dim3A_219 : i32 to vector<16xi32>
    %swap3A_221 = arith.constant 752 : index
    %swap3A_222 = tpu.vector_load %arg6[%swap3A_221] {strides = array<i32>} : memref<1024xi32, #tpu.memory_space<vmem>>, vector<16xi32>,
    tpu.vector_store %arg6[%swap3A_221], %broadcast_in_dim3A_220 {strides = array<i32>} : memref<1024xi32, #tpu.memory_space<vmem>>, vector<16xi32>,
    %broadcast_in_dim3A_223 = arith.constant 0 : i32
    %broadcast_in_dim3A_224 = vector.broadcast %broadcast_in_dim3A_223 : i32 to vector<16xi32>
    %swap3A_225 = arith.constant 768 : index
    %swap3A_226 = tpu.vector_load %arg6[%swap3A_225] {strides = array<i32>} : memref<1024xi32, #tpu.memory_space<vmem>>, vector<16xi32>,
    tpu.vector_store %arg6[%swap3A_225], %broadcast_in_dim3A_224 {strides = array<i32>} : memref<1024xi32, #tpu.memory_space<vmem>>, vector<16xi32>,
    %broadcast_in_dim3A_227 = arith.constant 0 : i32
    %broadcast_in_dim3A_228 = vector.broadcast %broadcast_in_dim3A_227 : i32 to vector<16xi32>
    %swap3A_229 = arith.constant 784 : index
    %swap3A_230 = tpu.vector_load %arg6[%swap3A_229] {strides = array<i32>} : memref<1024xi32, #tpu.memory_space<vmem>>, vector<16xi32>,
    tpu.vector_store %arg6[%swap3A_229], %broadcast_in_dim3A_228 {strides = array<i32>} : memref<1024xi32, #tpu.memory_space<vmem>>, vector<16xi32>,
    %broadcast_in_dim3A_231 = arith.constant 0 : i32
    %broadcast_in_dim3A_232 = vector.broadcast %broadcast_in_dim3A_231 : i32 to vector<16xi32>
    %swap3A_233 = arith.constant 800 : index
    %swap3A_234 = tpu.vector_load %arg6[%swap3A_233] {strides = array<i32>} : memref<1024xi32, #tpu.memory_space<vmem>>, vector<16xi32>,
    tpu.vector_store %arg6[%swap3A_233], %broadcast_in_dim3A_232 {strides = array<i32>} : memref<1024xi32, #tpu.memory_space<vmem>>, vector<16xi32>,
    %broadcast_in_dim3A_235 = arith.constant 0 : i32
    %broadcast_in_dim3A_236 = vector.broadcast %broadcast_in_dim3A_235 : i32 to vector<16xi32>
    %swap3A_237 = arith.constant 816 : index
    %swap3A_238 = tpu.vector_load %arg6[%swap3A_237] {strides = array<i32>} : memref<1024xi32, #tpu.memory_space<vmem>>, vector<16xi32>,
    tpu.vector_store %arg6[%swap3A_237], %broadcast_in_dim3A_236 {strides = array<i32>} : memref<1024xi32, #tpu.memory_space<vmem>>, vector<16xi32>,
    %broadcast_in_dim3A_239 = arith.constant 0 : i32
    %broadcast_in_dim3A_240 = vector.broadcast %broadcast_in_dim3A_239 : i32 to vector<16xi32>
    %swap3A_241 = arith.constant 832 : index
    %swap3A_242 = tpu.vector_load %arg6[%swap3A_241] {strides = array<i32>} : memref<1024xi32, #tpu.memory_space<vmem>>, vector<16xi32>,
    tpu.vector_store %arg6[%swap3A_241], %broadcast_in_dim3A_240 {strides = array<i32>} : memref<1024xi32, #tpu.memory_space<vmem>>, vector<16xi32>,
    %broadcast_in_dim3A_243 = arith.constant 0 : i32
    %broadcast_in_dim3A_244 = vector.broadcast %broadcast_in_dim3A_243 : i32 to vector<16xi32>
    %swap3A_245 = arith.constant 848 : index
    %swap3A_246 = tpu.vector_load %arg6[%swap3A_245] {strides = array<i32>} : memref<1024xi32, #tpu.memory_space<vmem>>, vector<16xi32>,
    tpu.vector_store %arg6[%swap3A_245], %broadcast_in_dim3A_244 {strides = array<i32>} : memref<1024xi32, #tpu.memory_space<vmem>>, vector<16xi32>,
    %broadcast_in_dim3A_247 = arith.constant 0 : i32
    %broadcast_in_dim3A_248 = vector.broadcast %broadcast_in_dim3A_247 : i32 to vector<16xi32>
    %swap3A_249 = arith.constant 864 : index
    %swap3A_250 = tpu.vector_load %arg6[%swap3A_249] {strides = array<i32>} : memref<1024xi32, #tpu.memory_space<vmem>>, vector<16xi32>,
    tpu.vector_store %arg6[%swap3A_249], %broadcast_in_dim3A_248 {strides = array<i32>} : memref<1024xi32, #tpu.memory_space<vmem>>, vector<16xi32>,
    %broadcast_in_dim3A_251 = arith.constant 0 : i32
    %broadcast_in_dim3A_252 = vector.broadcast %broadcast_in_dim3A_251 : i32 to vector<16xi32>
    %swap3A_253 = arith.constant 880 : index
    %swap3A_254 = tpu.vector_load %arg6[%swap3A_253] {strides = array<i32>} : memref<1024xi32, #tpu.memory_space<vmem>>, vector<16xi32>,
    tpu.vector_store %arg6[%swap3A_253], %broadcast_in_dim3A_252 {strides = array<i32>} : memref<1024xi32, #tpu.memory_space<vmem>>, vector<16xi32>,
    %broadcast_in_dim3A_255 = arith.constant 0 : i32
    %broadcast_in_dim3A_256 = vector.broadcast %broadcast_in_dim3A_255 : i32 to vector<16xi32>
    %swap3A_257 = arith.constant 896 : index
    %swap3A_258 = tpu.vector_load %arg6[%swap3A_257] {strides = array<i32>} : memref<1024xi32, #tpu.memory_space<vmem>>, vector<16xi32>,
    tpu.vector_store %arg6[%swap3A_257], %broadcast_in_dim3A_256 {strides = array<i32>} : memref<1024xi32, #tpu.memory_space<vmem>>, vector<16xi32>,
    %broadcast_in_dim3A_259 = arith.constant 0 : i32
    %broadcast_in_dim3A_260 = vector.broadcast %broadcast_in_dim3A_259 : i32 to vector<16xi32>
    %swap3A_261 = arith.constant 912 : index
    %swap3A_262 = tpu.vector_load %arg6[%swap3A_261] {strides = array<i32>} : memref<1024xi32, #tpu.memory_space<vmem>>, vector<16xi32>,
    tpu.vector_store %arg6[%swap3A_261], %broadcast_in_dim3A_260 {strides = array<i32>} : memref<1024xi32, #tpu.memory_space<vmem>>, vector<16xi32>,
    %broadcast_in_dim3A_263 = arith.constant 0 : i32
    %broadcast_in_dim3A_264 = vector.broadcast %broadcast_in_dim3A_263 : i32 to vector<16xi32>
    %swap3A_265 = arith.constant 928 : index
    %swap3A_266 = tpu.vector_load %arg6[%swap3A_265] {strides = array<i32>} : memref<1024xi32, #tpu.memory_space<vmem>>, vector<16xi32>,
    tpu.vector_store %arg6[%swap3A_265], %broadcast_in_dim3A_264 {strides = array<i32>} : memref<1024xi32, #tpu.memory_space<vmem>>, vector<16xi32>,
    %broadcast_in_dim3A_267 = arith.constant 0 : i32
    %broadcast_in_dim3A_268 = vector.broadcast %broadcast_in_dim3A_267 : i32 to vector<16xi32>
    %swap3A_269 = arith.constant 944 : index
    %swap3A_270 = tpu.vector_load %arg6[%swap3A_269] {strides = array<i32>} : memref<1024xi32, #tpu.memory_space<vmem>>, vector<16xi32>,
    tpu.vector_store %arg6[%swap3A_269], %broadcast_in_dim3A_268 {strides = array<i32>} : memref<1024xi32, #tpu.memory_space<vmem>>, vector<16xi32>,
    %broadcast_in_dim3A_271 = arith.constant 0 : i32
    %broadcast_in_dim3A_272 = vector.broadcast %broadcast_in_dim3A_271 : i32 to vector<16xi32>
    %swap3A_273 = arith.constant 960 : index
    %swap3A_274 = tpu.vector_load %arg6[%swap3A_273] {strides = array<i32>} : memref<1024xi32, #tpu.memory_space<vmem>>, vector<16xi32>,
    tpu.vector_store %arg6[%swap3A_273], %broadcast_in_dim3A_272 {strides = array<i32>} : memref<1024xi32, #tpu.memory_space<vmem>>, vector<16xi32>,
    %broadcast_in_dim3A_275 = arith.constant 0 : i32
    %broadcast_in_dim3A_276 = vector.broadcast %broadcast_in_dim3A_275 : i32 to vector<16xi32>
    %swap3A_277 = arith.constant 976 : index
    %swap3A_278 = tpu.vector_load %arg6[%swap3A_277] {strides = array<i32>} : memref<1024xi32, #tpu.memory_space<vmem>>, vector<16xi32>,
    tpu.vector_store %arg6[%swap3A_277], %broadcast_in_dim3A_276 {strides = array<i32>} : memref<1024xi32, #tpu.memory_space<vmem>>, vector<16xi32>,
    %broadcast_in_dim3A_279 = arith.constant 0 : i32
    %broadcast_in_dim3A_280 = vector.broadcast %broadcast_in_dim3A_279 : i32 to vector<16xi32>
    %swap3A_281 = arith.constant 992 : index
    %swap3A_282 = tpu.vector_load %arg6[%swap3A_281] {strides = array<i32>} : memref<1024xi32, #tpu.memory_space<vmem>>, vector<16xi32>,
    tpu.vector_store %arg6[%swap3A_281], %broadcast_in_dim3A_280 {strides = array<i32>} : memref<1024xi32, #tpu.memory_space<vmem>>, vector<16xi32>,
    %broadcast_in_dim3A_283 = arith.constant 0 : i32
    %broadcast_in_dim3A_284 = vector.broadcast %broadcast_in_dim3A_283 : i32 to vector<16xi32>
    %swap3A_285 = arith.constant 1008 : index
    %swap3A_286 = tpu.vector_load %arg6[%swap3A_285] {strides = array<i32>} : memref<1024xi32, #tpu.memory_space<vmem>>, vector<16xi32>,
    tpu.vector_store %arg6[%swap3A_285], %broadcast_in_dim3A_284 {strides = array<i32>} : memref<1024xi32, #tpu.memory_space<vmem>>, vector<16xi32>,
    %broadcast_in_dim3A_287 = arith.constant 1 : i32
    %broadcast_in_dim3A_288 = vector.broadcast %broadcast_in_dim3A_287 : i32 to vector<16xi32>
    %broadcast_in_dim3A_289 = arith.constant 0 : i32
    %broadcast_in_dim3A_290 = vector.broadcast %broadcast_in_dim3A_289 : i32 to vector<16xi32>
    %get3A = arith.constant 0 : index
    %get3A_291 = tpu.vector_load %arg5[%get3A] {strides = array<i32>} : memref<512xi32, #tpu.memory_space<vmem>>, vector<16xi32>,
    %max3A = arith.constant 1 : i32
    %max3A_292 = vector.broadcast %max3A : i32 to vector<16xi32>
    %max3A_293 = arith.maxsi %get3A_291, %max3A_292 : vector<16xi32>
    %broadcast_in_dim3A_294 = arith.constant true
    %broadcast_in_dim3A_295 = vector.broadcast %broadcast_in_dim3A_294 : i1 to vector<16xi1>
    %masked_cumsum3A = tpu.scan <sum>, %max3A_293 masked %broadcast_in_dim3A_295 : vector<16xi32>, vector<16xi1> -> vector<16xi32>
    %add3A_296 = arith.constant 0 : i32
    %add3A_297 = vector.broadcast %add3A_296 : i32 to vector<16xi32>
    %add3A_298 = arith.addi %masked_cumsum3A, %add3A_297 : vector<16xi32>
    %sub3A_299 = vector.broadcast %mul3A_32 : i32 to vector<16xi32>
    %sub3A_300 = arith.subi %add3A_298, %sub3A_299 : vector<16xi32>
    %ge3A = arith.constant 0 : i32
    %ge3A_301 = vector.broadcast %ge3A : i32 to vector<16xi32>
    %ge3A_302 = arith.cmpi sge, %sub3A_300, %ge3A_301 : vector<16xi32>
    %lt3A_303 = arith.constant 1024 : i32
    %lt3A_304 = vector.broadcast %lt3A_303 : i32 to vector<16xi32>
    %lt3A_305 = arith.cmpi slt, %sub3A_300, %lt3A_304 : vector<16xi32>
    %and3A_306 = arith.andi %ge3A_302, %lt3A_305 : vector<16xi1>
    tpu.vector_store_idx %arg6[%sub3A_300], %broadcast_in_dim3A_288 masked %and3A_306 {add = true} : memref<1024xi32, #tpu.memory_space<vmem>>[vector<16xi32>], vector<16xi32>, vector<16xi1>
    %lt3A_307 = arith.constant 0 : i32
    %lt3A_308 = vector.broadcast %lt3A_307 : i32 to vector<16xi32>
    %lt3A_309 = arith.cmpi slt, %sub3A_300, %lt3A_308 : vector<16xi32>
    %select_n3A_310 = arith.select %lt3A_309, %broadcast_in_dim3A_288, %broadcast_in_dim3A_290 : vector<16xi1>, vector<16xi32>
    %reduce_sum3A = arith.constant true
    %reduce_sum3A_311 = vector.broadcast %reduce_sum3A : i1 to vector<16xi1>
    %reduce_sum3A_312 = tpu.scan <sum>, %select_n3A_310 masked %reduce_sum3A_311 : vector<16xi32>, vector<16xi1> -> vector<16xi32>
    %reduce_sum3A_313 = vector.extract %reduce_sum3A_312[15] : i32 from vector<16xi32>
    %add3A_314 = arith.constant 0 : i32
    %add3A_315 = arith.addi %add3A_314, %reduce_sum3A_313 : i32
    %reduce_sum3A_316 = arith.constant true
    %reduce_sum3A_317 = vector.broadcast %reduce_sum3A_316 : i1 to vector<16xi1>
    %reduce_sum3A_318 = tpu.scan <sum>, %max3A_293 masked %reduce_sum3A_317 : vector<16xi32>, vector<16xi1> -> vector<16xi32>
    %reduce_sum3A_319 = vector.extract %reduce_sum3A_318[15] : i32 from vector<16xi32>
    %add3A_320 = arith.constant 0 : i32
    %add3A_321 = arith.addi %add3A_320, %reduce_sum3A_319 : i32
    %get3A_322 = arith.constant 16 : index
    %get3A_323 = tpu.vector_load %arg5[%get3A_322] {strides = array<i32>} : memref<512xi32, #tpu.memory_space<vmem>>, vector<16xi32>,
    %max3A_324 = arith.constant 1 : i32
    %max3A_325 = vector.broadcast %max3A_324 : i32 to vector<16xi32>
    %max3A_326 = arith.maxsi %get3A_323, %max3A_325 : vector<16xi32>
    %broadcast_in_dim3A_327 = arith.constant true
    %broadcast_in_dim3A_328 = vector.broadcast %broadcast_in_dim3A_327 : i1 to vector<16xi1>
    %masked_cumsum3A_329 = tpu.scan <sum>, %max3A_326 masked %broadcast_in_dim3A_328 : vector<16xi32>, vector<16xi1> -> vector<16xi32>
    %add3A_330 = vector.broadcast %add3A_321 : i32 to vector<16xi32>
    %add3A_331 = arith.addi %masked_cumsum3A_329, %add3A_330 : vector<16xi32>
    %sub3A_332 = vector.broadcast %mul3A_32 : i32 to vector<16xi32>
    %sub3A_333 = arith.subi %add3A_331, %sub3A_332 : vector<16xi32>
    %ge3A_334 = arith.constant 0 : i32
    %ge3A_335 = vector.broadcast %ge3A_334 : i32 to vector<16xi32>
    %ge3A_336 = arith.cmpi sge, %sub3A_333, %ge3A_335 : vector<16xi32>
    %lt3A_337 = arith.constant 1024 : i32
    %lt3A_338 = vector.broadcast %lt3A_337 : i32 to vector<16xi32>
    %lt3A_339 = arith.cmpi slt, %sub3A_333, %lt3A_338 : vector<16xi32>
    %and3A_340 = arith.andi %ge3A_336, %lt3A_339 : vector<16xi1>
    tpu.vector_store_idx %arg6[%sub3A_333], %broadcast_in_dim3A_288 masked %and3A_340 {add = true} : memref<1024xi32, #tpu.memory_space<vmem>>[vector<16xi32>], vector<16xi32>, vector<16xi1>
    %lt3A_341 = arith.constant 0 : i32
    %lt3A_342 = vector.broadcast %lt3A_341 : i32 to vector<16xi32>
    %lt3A_343 = arith.cmpi slt, %sub3A_333, %lt3A_342 : vector<16xi32>
    %select_n3A_344 = arith.select %lt3A_343, %broadcast_in_dim3A_288, %broadcast_in_dim3A_290 : vector<16xi1>, vector<16xi32>
    %reduce_sum3A_345 = arith.constant true
    %reduce_sum3A_346 = vector.broadcast %reduce_sum3A_345 : i1 to vector<16xi1>
    %reduce_sum3A_347 = tpu.scan <sum>, %select_n3A_344 masked %reduce_sum3A_346 : vector<16xi32>, vector<16xi1> -> vector<16xi32>
    %reduce_sum3A_348 = vector.extract %reduce_sum3A_347[15] : i32 from vector<16xi32>
    %add3A_349 = arith.addi %add3A_315, %reduce_sum3A_348 : i32
    %reduce_sum3A_350 = arith.constant true
    %reduce_sum3A_351 = vector.broadcast %reduce_sum3A_350 : i1 to vector<16xi1>
    %reduce_sum3A_352 = tpu.scan <sum>, %max3A_326 masked %reduce_sum3A_351 : vector<16xi32>, vector<16xi1> -> vector<16xi32>
    %reduce_sum3A_353 = vector.extract %reduce_sum3A_352[15] : i32 from vector<16xi32>
    %add3A_354 = arith.addi %add3A_321, %reduce_sum3A_353 : i32
    %get3A_355 = arith.constant 32 : index
    %get3A_356 = tpu.vector_load %arg5[%get3A_355] {strides = array<i32>} : memref<512xi32, #tpu.memory_space<vmem>>, vector<16xi32>,
    %max3A_357 = arith.constant 1 : i32
    %max3A_358 = vector.broadcast %max3A_357 : i32 to vector<16xi32>
    %max3A_359 = arith.maxsi %get3A_356, %max3A_358 : vector<16xi32>
    %broadcast_in_dim3A_360 = arith.constant true
    %broadcast_in_dim3A_361 = vector.broadcast %broadcast_in_dim3A_360 : i1 to vector<16xi1>
    %masked_cumsum3A_362 = tpu.scan <sum>, %max3A_359 masked %broadcast_in_dim3A_361 : vector<16xi32>, vector<16xi1> -> vector<16xi32>
    %add3A_363 = vector.broadcast %add3A_354 : i32 to vector<16xi32>
    %add3A_364 = arith.addi %masked_cumsum3A_362, %add3A_363 : vector<16xi32>
    %sub3A_365 = vector.broadcast %mul3A_32 : i32 to vector<16xi32>
    %sub3A_366 = arith.subi %add3A_364, %sub3A_365 : vector<16xi32>
    %ge3A_367 = arith.constant 0 : i32
    %ge3A_368 = vector.broadcast %ge3A_367 : i32 to vector<16xi32>
    %ge3A_369 = arith.cmpi sge, %sub3A_366, %ge3A_368 : vector<16xi32>
    %lt3A_370 = arith.constant 1024 : i32
    %lt3A_371 = vector.broadcast %lt3A_370 : i32 to vector<16xi32>
    %lt3A_372 = arith.cmpi slt, %sub3A_366, %lt3A_371 : vector<16xi32>
    %and3A_373 = arith.andi %ge3A_369, %lt3A_372 : vector<16xi1>
    tpu.vector_store_idx %arg6[%sub3A_366], %broadcast_in_dim3A_288 masked %and3A_373 {add = true} : memref<1024xi32, #tpu.memory_space<vmem>>[vector<16xi32>], vector<16xi32>, vector<16xi1>
    %lt3A_374 = arith.constant 0 : i32
    %lt3A_375 = vector.broadcast %lt3A_374 : i32 to vector<16xi32>
    %lt3A_376 = arith.cmpi slt, %sub3A_366, %lt3A_375 : vector<16xi32>
    %select_n3A_377 = arith.select %lt3A_376, %broadcast_in_dim3A_288, %broadcast_in_dim3A_290 : vector<16xi1>, vector<16xi32>
    %reduce_sum3A_378 = arith.constant true
    %reduce_sum3A_379 = vector.broadcast %reduce_sum3A_378 : i1 to vector<16xi1>
    %reduce_sum3A_380 = tpu.scan <sum>, %select_n3A_377 masked %reduce_sum3A_379 : vector<16xi32>, vector<16xi1> -> vector<16xi32>
    %reduce_sum3A_381 = vector.extract %reduce_sum3A_380[15] : i32 from vector<16xi32>
    %add3A_382 = arith.addi %add3A_349, %reduce_sum3A_381 : i32
    %reduce_sum3A_383 = arith.constant true
    %reduce_sum3A_384 = vector.broadcast %reduce_sum3A_383 : i1 to vector<16xi1>
    %reduce_sum3A_385 = tpu.scan <sum>, %max3A_359 masked %reduce_sum3A_384 : vector<16xi32>, vector<16xi1> -> vector<16xi32>
    %reduce_sum3A_386 = vector.extract %reduce_sum3A_385[15] : i32 from vector<16xi32>
    %add3A_387 = arith.addi %add3A_354, %reduce_sum3A_386 : i32
    %get3A_388 = arith.constant 48 : index
    %get3A_389 = tpu.vector_load %arg5[%get3A_388] {strides = array<i32>} : memref<512xi32, #tpu.memory_space<vmem>>, vector<16xi32>,
    %max3A_390 = arith.constant 1 : i32
    %max3A_391 = vector.broadcast %max3A_390 : i32 to vector<16xi32>
    %max3A_392 = arith.maxsi %get3A_389, %max3A_391 : vector<16xi32>
    %broadcast_in_dim3A_393 = arith.constant true
    %broadcast_in_dim3A_394 = vector.broadcast %broadcast_in_dim3A_393 : i1 to vector<16xi1>
    %masked_cumsum3A_395 = tpu.scan <sum>, %max3A_392 masked %broadcast_in_dim3A_394 : vector<16xi32>, vector<16xi1> -> vector<16xi32>
    %add3A_396 = vector.broadcast %add3A_387 : i32 to vector<16xi32>
    %add3A_397 = arith.addi %masked_cumsum3A_395, %add3A_396 : vector<16xi32>
    %sub3A_398 = vector.broadcast %mul3A_32 : i32 to vector<16xi32>
    %sub3A_399 = arith.subi %add3A_397, %sub3A_398 : vector<16xi32>
    %ge3A_400 = arith.constant 0 : i32
    %ge3A_401 = vector.broadcast %ge3A_400 : i32 to vector<16xi32>
    %ge3A_402 = arith.cmpi sge, %sub3A_399, %ge3A_401 : vector<16xi32>
    %lt3A_403 = arith.constant 1024 : i32
    %lt3A_404 = vector.broadcast %lt3A_403 : i32 to vector<16xi32>
    %lt3A_405 = arith.cmpi slt, %sub3A_399, %lt3A_404 : vector<16xi32>
    %and3A_406 = arith.andi %ge3A_402, %lt3A_405 : vector<16xi1>
    tpu.vector_store_idx %arg6[%sub3A_399], %broadcast_in_dim3A_288 masked %and3A_406 {add = true} : memref<1024xi32, #tpu.memory_space<vmem>>[vector<16xi32>], vector<16xi32>, vector<16xi1>
    %lt3A_407 = arith.constant 0 : i32
    %lt3A_408 = vector.broadcast %lt3A_407 : i32 to vector<16xi32>
    %lt3A_409 = arith.cmpi slt, %sub3A_399, %lt3A_408 : vector<16xi32>
    %select_n3A_410 = arith.select %lt3A_409, %broadcast_in_dim3A_288, %broadcast_in_dim3A_290 : vector<16xi1>, vector<16xi32>
    %reduce_sum3A_411 = arith.constant true
    %reduce_sum3A_412 = vector.broadcast %reduce_sum3A_411 : i1 to vector<16xi1>
    %reduce_sum3A_413 = tpu.scan <sum>, %select_n3A_410 masked %reduce_sum3A_412 : vector<16xi32>, vector<16xi1> -> vector<16xi32>
    %reduce_sum3A_414 = vector.extract %reduce_sum3A_413[15] : i32 from vector<16xi32>
    %add3A_415 = arith.addi %add3A_382, %reduce_sum3A_414 : i32
    %reduce_sum3A_416 = arith.constant true
    %reduce_sum3A_417 = vector.broadcast %reduce_sum3A_416 : i1 to vector<16xi1>
    %reduce_sum3A_418 = tpu.scan <sum>, %max3A_392 masked %reduce_sum3A_417 : vector<16xi32>, vector<16xi1> -> vector<16xi32>
    %reduce_sum3A_419 = vector.extract %reduce_sum3A_418[15] : i32 from vector<16xi32>
    %add3A_420 = arith.addi %add3A_387, %reduce_sum3A_419 : i32
    %get3A_421 = arith.constant 64 : index
    %get3A_422 = tpu.vector_load %arg5[%get3A_421] {strides = array<i32>} : memref<512xi32, #tpu.memory_space<vmem>>, vector<16xi32>,
    %max3A_423 = arith.constant 1 : i32
    %max3A_424 = vector.broadcast %max3A_423 : i32 to vector<16xi32>
    %max3A_425 = arith.maxsi %get3A_422, %max3A_424 : vector<16xi32>
    %broadcast_in_dim3A_426 = arith.constant true
    %broadcast_in_dim3A_427 = vector.broadcast %broadcast_in_dim3A_426 : i1 to vector<16xi1>
    %masked_cumsum3A_428 = tpu.scan <sum>, %max3A_425 masked %broadcast_in_dim3A_427 : vector<16xi32>, vector<16xi1> -> vector<16xi32>
    %add3A_429 = vector.broadcast %add3A_420 : i32 to vector<16xi32>
    %add3A_430 = arith.addi %masked_cumsum3A_428, %add3A_429 : vector<16xi32>
    %sub3A_431 = vector.broadcast %mul3A_32 : i32 to vector<16xi32>
    %sub3A_432 = arith.subi %add3A_430, %sub3A_431 : vector<16xi32>
    %ge3A_433 = arith.constant 0 : i32
    %ge3A_434 = vector.broadcast %ge3A_433 : i32 to vector<16xi32>
    %ge3A_435 = arith.cmpi sge, %sub3A_432, %ge3A_434 : vector<16xi32>
    %lt3A_436 = arith.constant 1024 : i32
    %lt3A_437 = vector.broadcast %lt3A_436 : i32 to vector<16xi32>
    %lt3A_438 = arith.cmpi slt, %sub3A_432, %lt3A_437 : vector<16xi32>
    %and3A_439 = arith.andi %ge3A_435, %lt3A_438 : vector<16xi1>
    tpu.vector_store_idx %arg6[%sub3A_432], %broadcast_in_dim3A_288 masked %and3A_439 {add = true} : memref<1024xi32, #tpu.memory_space<vmem>>[vector<16xi32>], vector<16xi32>, vector<16xi1>
    %lt3A_440 = arith.constant 0 : i32
    %lt3A_441 = vector.broadcast %lt3A_440 : i32 to vector<16xi32>
    %lt3A_442 = arith.cmpi slt, %sub3A_432, %lt3A_441 : vector<16xi32>
    %select_n3A_443 = arith.select %lt3A_442, %broadcast_in_dim3A_288, %broadcast_in_dim3A_290 : vector<16xi1>, vector<16xi32>
    %reduce_sum3A_444 = arith.constant true
    %reduce_sum3A_445 = vector.broadcast %reduce_sum3A_444 : i1 to vector<16xi1>
    %reduce_sum3A_446 = tpu.scan <sum>, %select_n3A_443 masked %reduce_sum3A_445 : vector<16xi32>, vector<16xi1> -> vector<16xi32>
    %reduce_sum3A_447 = vector.extract %reduce_sum3A_446[15] : i32 from vector<16xi32>
    %add3A_448 = arith.addi %add3A_415, %reduce_sum3A_447 : i32
    %reduce_sum3A_449 = arith.constant true
    %reduce_sum3A_450 = vector.broadcast %reduce_sum3A_449 : i1 to vector<16xi1>
    %reduce_sum3A_451 = tpu.scan <sum>, %max3A_425 masked %reduce_sum3A_450 : vector<16xi32>, vector<16xi1> -> vector<16xi32>
    %reduce_sum3A_452 = vector.extract %reduce_sum3A_451[15] : i32 from vector<16xi32>
    %add3A_453 = arith.addi %add3A_420, %reduce_sum3A_452 : i32
    %get3A_454 = arith.constant 80 : index
    %get3A_455 = tpu.vector_load %arg5[%get3A_454] {strides = array<i32>} : memref<512xi32, #tpu.memory_space<vmem>>, vector<16xi32>,
    %max3A_456 = arith.constant 1 : i32
    %max3A_457 = vector.broadcast %max3A_456 : i32 to vector<16xi32>
    %max3A_458 = arith.maxsi %get3A_455, %max3A_457 : vector<16xi32>
    %broadcast_in_dim3A_459 = arith.constant true
    %broadcast_in_dim3A_460 = vector.broadcast %broadcast_in_dim3A_459 : i1 to vector<16xi1>
    %masked_cumsum3A_461 = tpu.scan <sum>, %max3A_458 masked %broadcast_in_dim3A_460 : vector<16xi32>, vector<16xi1> -> vector<16xi32>
    %add3A_462 = vector.broadcast %add3A_453 : i32 to vector<16xi32>
    %add3A_463 = arith.addi %masked_cumsum3A_461, %add3A_462 : vector<16xi32>
    %sub3A_464 = vector.broadcast %mul3A_32 : i32 to vector<16xi32>
    %sub3A_465 = arith.subi %add3A_463, %sub3A_464 : vector<16xi32>
    %ge3A_466 = arith.constant 0 : i32
    %ge3A_467 = vector.broadcast %ge3A_466 : i32 to vector<16xi32>
    %ge3A_468 = arith.cmpi sge, %sub3A_465, %ge3A_467 : vector<16xi32>
    %lt3A_469 = arith.constant 1024 : i32
    %lt3A_470 = vector.broadcast %lt3A_469 : i32 to vector<16xi32>
    %lt3A_471 = arith.cmpi slt, %sub3A_465, %lt3A_470 : vector<16xi32>
    %and3A_472 = arith.andi %ge3A_468, %lt3A_471 : vector<16xi1>
    tpu.vector_store_idx %arg6[%sub3A_465], %broadcast_in_dim3A_288 masked %and3A_472 {add = true} : memref<1024xi32, #tpu.memory_space<vmem>>[vector<16xi32>], vector<16xi32>, vector<16xi1>
    %lt3A_473 = arith.constant 0 : i32
    %lt3A_474 = vector.broadcast %lt3A_473 : i32 to vector<16xi32>
    %lt3A_475 = arith.cmpi slt, %sub3A_465, %lt3A_474 : vector<16xi32>
    %select_n3A_476 = arith.select %lt3A_475, %broadcast_in_dim3A_288, %broadcast_in_dim3A_290 : vector<16xi1>, vector<16xi32>
    %reduce_sum3A_477 = arith.constant true
    %reduce_sum3A_478 = vector.broadcast %reduce_sum3A_477 : i1 to vector<16xi1>
    %reduce_sum3A_479 = tpu.scan <sum>, %select_n3A_476 masked %reduce_sum3A_478 : vector<16xi32>, vector<16xi1> -> vector<16xi32>
    %reduce_sum3A_480 = vector.extract %reduce_sum3A_479[15] : i32 from vector<16xi32>
    %add3A_481 = arith.addi %add3A_448, %reduce_sum3A_480 : i32
    %reduce_sum3A_482 = arith.constant true
    %reduce_sum3A_483 = vector.broadcast %reduce_sum3A_482 : i1 to vector<16xi1>
    %reduce_sum3A_484 = tpu.scan <sum>, %max3A_458 masked %reduce_sum3A_483 : vector<16xi32>, vector<16xi1> -> vector<16xi32>
    %reduce_sum3A_485 = vector.extract %reduce_sum3A_484[15] : i32 from vector<16xi32>
    %add3A_486 = arith.addi %add3A_453, %reduce_sum3A_485 : i32
    %get3A_487 = arith.constant 96 : index
    %get3A_488 = tpu.vector_load %arg5[%get3A_487] {strides = array<i32>} : memref<512xi32, #tpu.memory_space<vmem>>, vector<16xi32>,
    %max3A_489 = arith.constant 1 : i32
    %max3A_490 = vector.broadcast %max3A_489 : i32 to vector<16xi32>
    %max3A_491 = arith.maxsi %get3A_488, %max3A_490 : vector<16xi32>
    %broadcast_in_dim3A_492 = arith.constant true
    %broadcast_in_dim3A_493 = vector.broadcast %broadcast_in_dim3A_492 : i1 to vector<16xi1>
    %masked_cumsum3A_494 = tpu.scan <sum>, %max3A_491 masked %broadcast_in_dim3A_493 : vector<16xi32>, vector<16xi1> -> vector<16xi32>
    %add3A_495 = vector.broadcast %add3A_486 : i32 to vector<16xi32>
    %add3A_496 = arith.addi %masked_cumsum3A_494, %add3A_495 : vector<16xi32>
    %sub3A_497 = vector.broadcast %mul3A_32 : i32 to vector<16xi32>
    %sub3A_498 = arith.subi %add3A_496, %sub3A_497 : vector<16xi32>
    %ge3A_499 = arith.constant 0 : i32
    %ge3A_500 = vector.broadcast %ge3A_499 : i32 to vector<16xi32>
    %ge3A_501 = arith.cmpi sge, %sub3A_498, %ge3A_500 : vector<16xi32>
    %lt3A_502 = arith.constant 1024 : i32
    %lt3A_503 = vector.broadcast %lt3A_502 : i32 to vector<16xi32>
    %lt3A_504 = arith.cmpi slt, %sub3A_498, %lt3A_503 : vector<16xi32>
    %and3A_505 = arith.andi %ge3A_501, %lt3A_504 : vector<16xi1>
    tpu.vector_store_idx %arg6[%sub3A_498], %broadcast_in_dim3A_288 masked %and3A_505 {add = true} : memref<1024xi32, #tpu.memory_space<vmem>>[vector<16xi32>], vector<16xi32>, vector<16xi1>
    %lt3A_506 = arith.constant 0 : i32
    %lt3A_507 = vector.broadcast %lt3A_506 : i32 to vector<16xi32>
    %lt3A_508 = arith.cmpi slt, %sub3A_498, %lt3A_507 : vector<16xi32>
    %select_n3A_509 = arith.select %lt3A_508, %broadcast_in_dim3A_288, %broadcast_in_dim3A_290 : vector<16xi1>, vector<16xi32>
    %reduce_sum3A_510 = arith.constant true
    %reduce_sum3A_511 = vector.broadcast %reduce_sum3A_510 : i1 to vector<16xi1>
    %reduce_sum3A_512 = tpu.scan <sum>, %select_n3A_509 masked %reduce_sum3A_511 : vector<16xi32>, vector<16xi1> -> vector<16xi32>
    %reduce_sum3A_513 = vector.extract %reduce_sum3A_512[15] : i32 from vector<16xi32>
    %add3A_514 = arith.addi %add3A_481, %reduce_sum3A_513 : i32
    %reduce_sum3A_515 = arith.constant true
    %reduce_sum3A_516 = vector.broadcast %reduce_sum3A_515 : i1 to vector<16xi1>
    %reduce_sum3A_517 = tpu.scan <sum>, %max3A_491 masked %reduce_sum3A_516 : vector<16xi32>, vector<16xi1> -> vector<16xi32>
    %reduce_sum3A_518 = vector.extract %reduce_sum3A_517[15] : i32 from vector<16xi32>
    %add3A_519 = arith.addi %add3A_486, %reduce_sum3A_518 : i32
    %get3A_520 = arith.constant 112 : index
    %get3A_521 = tpu.vector_load %arg5[%get3A_520] {strides = array<i32>} : memref<512xi32, #tpu.memory_space<vmem>>, vector<16xi32>,
    %max3A_522 = arith.constant 1 : i32
    %max3A_523 = vector.broadcast %max3A_522 : i32 to vector<16xi32>
    %max3A_524 = arith.maxsi %get3A_521, %max3A_523 : vector<16xi32>
    %broadcast_in_dim3A_525 = arith.constant true
    %broadcast_in_dim3A_526 = vector.broadcast %broadcast_in_dim3A_525 : i1 to vector<16xi1>
    %masked_cumsum3A_527 = tpu.scan <sum>, %max3A_524 masked %broadcast_in_dim3A_526 : vector<16xi32>, vector<16xi1> -> vector<16xi32>
    %add3A_528 = vector.broadcast %add3A_519 : i32 to vector<16xi32>
    %add3A_529 = arith.addi %masked_cumsum3A_527, %add3A_528 : vector<16xi32>
    %sub3A_530 = vector.broadcast %mul3A_32 : i32 to vector<16xi32>
    %sub3A_531 = arith.subi %add3A_529, %sub3A_530 : vector<16xi32>
    %ge3A_532 = arith.constant 0 : i32
    %ge3A_533 = vector.broadcast %ge3A_532 : i32 to vector<16xi32>
    %ge3A_534 = arith.cmpi sge, %sub3A_531, %ge3A_533 : vector<16xi32>
    %lt3A_535 = arith.constant 1024 : i32
    %lt3A_536 = vector.broadcast %lt3A_535 : i32 to vector<16xi32>
    %lt3A_537 = arith.cmpi slt, %sub3A_531, %lt3A_536 : vector<16xi32>
    %and3A_538 = arith.andi %ge3A_534, %lt3A_537 : vector<16xi1>
    tpu.vector_store_idx %arg6[%sub3A_531], %broadcast_in_dim3A_288 masked %and3A_538 {add = true} : memref<1024xi32, #tpu.memory_space<vmem>>[vector<16xi32>], vector<16xi32>, vector<16xi1>
    %lt3A_539 = arith.constant 0 : i32
    %lt3A_540 = vector.broadcast %lt3A_539 : i32 to vector<16xi32>
    %lt3A_541 = arith.cmpi slt, %sub3A_531, %lt3A_540 : vector<16xi32>
    %select_n3A_542 = arith.select %lt3A_541, %broadcast_in_dim3A_288, %broadcast_in_dim3A_290 : vector<16xi1>, vector<16xi32>
    %reduce_sum3A_543 = arith.constant true
    %reduce_sum3A_544 = vector.broadcast %reduce_sum3A_543 : i1 to vector<16xi1>
    %reduce_sum3A_545 = tpu.scan <sum>, %select_n3A_542 masked %reduce_sum3A_544 : vector<16xi32>, vector<16xi1> -> vector<16xi32>
    %reduce_sum3A_546 = vector.extract %reduce_sum3A_545[15] : i32 from vector<16xi32>
    %add3A_547 = arith.addi %add3A_514, %reduce_sum3A_546 : i32
    %reduce_sum3A_548 = arith.constant true
    %reduce_sum3A_549 = vector.broadcast %reduce_sum3A_548 : i1 to vector<16xi1>
    %reduce_sum3A_550 = tpu.scan <sum>, %max3A_524 masked %reduce_sum3A_549 : vector<16xi32>, vector<16xi1> -> vector<16xi32>
    %reduce_sum3A_551 = vector.extract %reduce_sum3A_550[15] : i32 from vector<16xi32>
    %add3A_552 = arith.addi %add3A_519, %reduce_sum3A_551 : i32
    %get3A_553 = arith.constant 128 : index
    %get3A_554 = tpu.vector_load %arg5[%get3A_553] {strides = array<i32>} : memref<512xi32, #tpu.memory_space<vmem>>, vector<16xi32>,
    %max3A_555 = arith.constant 1 : i32
    %max3A_556 = vector.broadcast %max3A_555 : i32 to vector<16xi32>
    %max3A_557 = arith.maxsi %get3A_554, %max3A_556 : vector<16xi32>
    %broadcast_in_dim3A_558 = arith.constant true
    %broadcast_in_dim3A_559 = vector.broadcast %broadcast_in_dim3A_558 : i1 to vector<16xi1>
    %masked_cumsum3A_560 = tpu.scan <sum>, %max3A_557 masked %broadcast_in_dim3A_559 : vector<16xi32>, vector<16xi1> -> vector<16xi32>
    %add3A_561 = vector.broadcast %add3A_552 : i32 to vector<16xi32>
    %add3A_562 = arith.addi %masked_cumsum3A_560, %add3A_561 : vector<16xi32>
    %sub3A_563 = vector.broadcast %mul3A_32 : i32 to vector<16xi32>
    %sub3A_564 = arith.subi %add3A_562, %sub3A_563 : vector<16xi32>
    %ge3A_565 = arith.constant 0 : i32
    %ge3A_566 = vector.broadcast %ge3A_565 : i32 to vector<16xi32>
    %ge3A_567 = arith.cmpi sge, %sub3A_564, %ge3A_566 : vector<16xi32>
    %lt3A_568 = arith.constant 1024 : i32
    %lt3A_569 = vector.broadcast %lt3A_568 : i32 to vector<16xi32>
    %lt3A_570 = arith.cmpi slt, %sub3A_564, %lt3A_569 : vector<16xi32>
    %and3A_571 = arith.andi %ge3A_567, %lt3A_570 : vector<16xi1>
    tpu.vector_store_idx %arg6[%sub3A_564], %broadcast_in_dim3A_288 masked %and3A_571 {add = true} : memref<1024xi32, #tpu.memory_space<vmem>>[vector<16xi32>], vector<16xi32>, vector<16xi1>
    %lt3A_572 = arith.constant 0 : i32
    %lt3A_573 = vector.broadcast %lt3A_572 : i32 to vector<16xi32>
    %lt3A_574 = arith.cmpi slt, %sub3A_564, %lt3A_573 : vector<16xi32>
    %select_n3A_575 = arith.select %lt3A_574, %broadcast_in_dim3A_288, %broadcast_in_dim3A_290 : vector<16xi1>, vector<16xi32>
    %reduce_sum3A_576 = arith.constant true
    %reduce_sum3A_577 = vector.broadcast %reduce_sum3A_576 : i1 to vector<16xi1>
    %reduce_sum3A_578 = tpu.scan <sum>, %select_n3A_575 masked %reduce_sum3A_577 : vector<16xi32>, vector<16xi1> -> vector<16xi32>
    %reduce_sum3A_579 = vector.extract %reduce_sum3A_578[15] : i32 from vector<16xi32>
    %add3A_580 = arith.addi %add3A_547, %reduce_sum3A_579 : i32
    %reduce_sum3A_581 = arith.constant true
    %reduce_sum3A_582 = vector.broadcast %reduce_sum3A_581 : i1 to vector<16xi1>
    %reduce_sum3A_583 = tpu.scan <sum>, %max3A_557 masked %reduce_sum3A_582 : vector<16xi32>, vector<16xi1> -> vector<16xi32>
    %reduce_sum3A_584 = vector.extract %reduce_sum3A_583[15] : i32 from vector<16xi32>
    %add3A_585 = arith.addi %add3A_552, %reduce_sum3A_584 : i32
    %get3A_586 = arith.constant 144 : index
    %get3A_587 = tpu.vector_load %arg5[%get3A_586] {strides = array<i32>} : memref<512xi32, #tpu.memory_space<vmem>>, vector<16xi32>,
    %max3A_588 = arith.constant 1 : i32
    %max3A_589 = vector.broadcast %max3A_588 : i32 to vector<16xi32>
    %max3A_590 = arith.maxsi %get3A_587, %max3A_589 : vector<16xi32>
    %broadcast_in_dim3A_591 = arith.constant true
    %broadcast_in_dim3A_592 = vector.broadcast %broadcast_in_dim3A_591 : i1 to vector<16xi1>
    %masked_cumsum3A_593 = tpu.scan <sum>, %max3A_590 masked %broadcast_in_dim3A_592 : vector<16xi32>, vector<16xi1> -> vector<16xi32>
    %add3A_594 = vector.broadcast %add3A_585 : i32 to vector<16xi32>
    %add3A_595 = arith.addi %masked_cumsum3A_593, %add3A_594 : vector<16xi32>
    %sub3A_596 = vector.broadcast %mul3A_32 : i32 to vector<16xi32>
    %sub3A_597 = arith.subi %add3A_595, %sub3A_596 : vector<16xi32>
    %ge3A_598 = arith.constant 0 : i32
    %ge3A_599 = vector.broadcast %ge3A_598 : i32 to vector<16xi32>
    %ge3A_600 = arith.cmpi sge, %sub3A_597, %ge3A_599 : vector<16xi32>
    %lt3A_601 = arith.constant 1024 : i32
    %lt3A_602 = vector.broadcast %lt3A_601 : i32 to vector<16xi32>
    %lt3A_603 = arith.cmpi slt, %sub3A_597, %lt3A_602 : vector<16xi32>
    %and3A_604 = arith.andi %ge3A_600, %lt3A_603 : vector<16xi1>
    tpu.vector_store_idx %arg6[%sub3A_597], %broadcast_in_dim3A_288 masked %and3A_604 {add = true} : memref<1024xi32, #tpu.memory_space<vmem>>[vector<16xi32>], vector<16xi32>, vector<16xi1>
    %lt3A_605 = arith.constant 0 : i32
    %lt3A_606 = vector.broadcast %lt3A_605 : i32 to vector<16xi32>
    %lt3A_607 = arith.cmpi slt, %sub3A_597, %lt3A_606 : vector<16xi32>
    %select_n3A_608 = arith.select %lt3A_607, %broadcast_in_dim3A_288, %broadcast_in_dim3A_290 : vector<16xi1>, vector<16xi32>
    %reduce_sum3A_609 = arith.constant true
    %reduce_sum3A_610 = vector.broadcast %reduce_sum3A_609 : i1 to vector<16xi1>
    %reduce_sum3A_611 = tpu.scan <sum>, %select_n3A_608 masked %reduce_sum3A_610 : vector<16xi32>, vector<16xi1> -> vector<16xi32>
    %reduce_sum3A_612 = vector.extract %reduce_sum3A_611[15] : i32 from vector<16xi32>
    %add3A_613 = arith.addi %add3A_580, %reduce_sum3A_612 : i32
    %reduce_sum3A_614 = arith.constant true
    %reduce_sum3A_615 = vector.broadcast %reduce_sum3A_614 : i1 to vector<16xi1>
    %reduce_sum3A_616 = tpu.scan <sum>, %max3A_590 masked %reduce_sum3A_615 : vector<16xi32>, vector<16xi1> -> vector<16xi32>
    %reduce_sum3A_617 = vector.extract %reduce_sum3A_616[15] : i32 from vector<16xi32>
    %add3A_618 = arith.addi %add3A_585, %reduce_sum3A_617 : i32
    %get3A_619 = arith.constant 160 : index
    %get3A_620 = tpu.vector_load %arg5[%get3A_619] {strides = array<i32>} : memref<512xi32, #tpu.memory_space<vmem>>, vector<16xi32>,
    %max3A_621 = arith.constant 1 : i32
    %max3A_622 = vector.broadcast %max3A_621 : i32 to vector<16xi32>
    %max3A_623 = arith.maxsi %get3A_620, %max3A_622 : vector<16xi32>
    %broadcast_in_dim3A_624 = arith.constant true
    %broadcast_in_dim3A_625 = vector.broadcast %broadcast_in_dim3A_624 : i1 to vector<16xi1>
    %masked_cumsum3A_626 = tpu.scan <sum>, %max3A_623 masked %broadcast_in_dim3A_625 : vector<16xi32>, vector<16xi1> -> vector<16xi32>
    %add3A_627 = vector.broadcast %add3A_618 : i32 to vector<16xi32>
    %add3A_628 = arith.addi %masked_cumsum3A_626, %add3A_627 : vector<16xi32>
    %sub3A_629 = vector.broadcast %mul3A_32 : i32 to vector<16xi32>
    %sub3A_630 = arith.subi %add3A_628, %sub3A_629 : vector<16xi32>
    %ge3A_631 = arith.constant 0 : i32
    %ge3A_632 = vector.broadcast %ge3A_631 : i32 to vector<16xi32>
    %ge3A_633 = arith.cmpi sge, %sub3A_630, %ge3A_632 : vector<16xi32>
    %lt3A_634 = arith.constant 1024 : i32
    %lt3A_635 = vector.broadcast %lt3A_634 : i32 to vector<16xi32>
    %lt3A_636 = arith.cmpi slt, %sub3A_630, %lt3A_635 : vector<16xi32>
    %and3A_637 = arith.andi %ge3A_633, %lt3A_636 : vector<16xi1>
    tpu.vector_store_idx %arg6[%sub3A_630], %broadcast_in_dim3A_288 masked %and3A_637 {add = true} : memref<1024xi32, #tpu.memory_space<vmem>>[vector<16xi32>], vector<16xi32>, vector<16xi1>
    %lt3A_638 = arith.constant 0 : i32
    %lt3A_639 = vector.broadcast %lt3A_638 : i32 to vector<16xi32>
    %lt3A_640 = arith.cmpi slt, %sub3A_630, %lt3A_639 : vector<16xi32>
    %select_n3A_641 = arith.select %lt3A_640, %broadcast_in_dim3A_288, %broadcast_in_dim3A_290 : vector<16xi1>, vector<16xi32>
    %reduce_sum3A_642 = arith.constant true
    %reduce_sum3A_643 = vector.broadcast %reduce_sum3A_642 : i1 to vector<16xi1>
    %reduce_sum3A_644 = tpu.scan <sum>, %select_n3A_641 masked %reduce_sum3A_643 : vector<16xi32>, vector<16xi1> -> vector<16xi32>
    %reduce_sum3A_645 = vector.extract %reduce_sum3A_644[15] : i32 from vector<16xi32>
    %add3A_646 = arith.addi %add3A_613, %reduce_sum3A_645 : i32
    %reduce_sum3A_647 = arith.constant true
    %reduce_sum3A_648 = vector.broadcast %reduce_sum3A_647 : i1 to vector<16xi1>
    %reduce_sum3A_649 = tpu.scan <sum>, %max3A_623 masked %reduce_sum3A_648 : vector<16xi32>, vector<16xi1> -> vector<16xi32>
    %reduce_sum3A_650 = vector.extract %reduce_sum3A_649[15] : i32 from vector<16xi32>
    %add3A_651 = arith.addi %add3A_618, %reduce_sum3A_650 : i32
    %get3A_652 = arith.constant 176 : index
    %get3A_653 = tpu.vector_load %arg5[%get3A_652] {strides = array<i32>} : memref<512xi32, #tpu.memory_space<vmem>>, vector<16xi32>,
    %max3A_654 = arith.constant 1 : i32
    %max3A_655 = vector.broadcast %max3A_654 : i32 to vector<16xi32>
    %max3A_656 = arith.maxsi %get3A_653, %max3A_655 : vector<16xi32>
    %broadcast_in_dim3A_657 = arith.constant true
    %broadcast_in_dim3A_658 = vector.broadcast %broadcast_in_dim3A_657 : i1 to vector<16xi1>
    %masked_cumsum3A_659 = tpu.scan <sum>, %max3A_656 masked %broadcast_in_dim3A_658 : vector<16xi32>, vector<16xi1> -> vector<16xi32>
    %add3A_660 = vector.broadcast %add3A_651 : i32 to vector<16xi32>
    %add3A_661 = arith.addi %masked_cumsum3A_659, %add3A_660 : vector<16xi32>
    %sub3A_662 = vector.broadcast %mul3A_32 : i32 to vector<16xi32>
    %sub3A_663 = arith.subi %add3A_661, %sub3A_662 : vector<16xi32>
    %ge3A_664 = arith.constant 0 : i32
    %ge3A_665 = vector.broadcast %ge3A_664 : i32 to vector<16xi32>
    %ge3A_666 = arith.cmpi sge, %sub3A_663, %ge3A_665 : vector<16xi32>
    %lt3A_667 = arith.constant 1024 : i32
    %lt3A_668 = vector.broadcast %lt3A_667 : i32 to vector<16xi32>
    %lt3A_669 = arith.cmpi slt, %sub3A_663, %lt3A_668 : vector<16xi32>
    %and3A_670 = arith.andi %ge3A_666, %lt3A_669 : vector<16xi1>
    tpu.vector_store_idx %arg6[%sub3A_663], %broadcast_in_dim3A_288 masked %and3A_670 {add = true} : memref<1024xi32, #tpu.memory_space<vmem>>[vector<16xi32>], vector<16xi32>, vector<16xi1>
    %lt3A_671 = arith.constant 0 : i32
    %lt3A_672 = vector.broadcast %lt3A_671 : i32 to vector<16xi32>
    %lt3A_673 = arith.cmpi slt, %sub3A_663, %lt3A_672 : vector<16xi32>
    %select_n3A_674 = arith.select %lt3A_673, %broadcast_in_dim3A_288, %broadcast_in_dim3A_290 : vector<16xi1>, vector<16xi32>
    %reduce_sum3A_675 = arith.constant true
    %reduce_sum3A_676 = vector.broadcast %reduce_sum3A_675 : i1 to vector<16xi1>
    %reduce_sum3A_677 = tpu.scan <sum>, %select_n3A_674 masked %reduce_sum3A_676 : vector<16xi32>, vector<16xi1> -> vector<16xi32>
    %reduce_sum3A_678 = vector.extract %reduce_sum3A_677[15] : i32 from vector<16xi32>
    %add3A_679 = arith.addi %add3A_646, %reduce_sum3A_678 : i32
    %reduce_sum3A_680 = arith.constant true
    %reduce_sum3A_681 = vector.broadcast %reduce_sum3A_680 : i1 to vector<16xi1>
    %reduce_sum3A_682 = tpu.scan <sum>, %max3A_656 masked %reduce_sum3A_681 : vector<16xi32>, vector<16xi1> -> vector<16xi32>
    %reduce_sum3A_683 = vector.extract %reduce_sum3A_682[15] : i32 from vector<16xi32>
    %add3A_684 = arith.addi %add3A_651, %reduce_sum3A_683 : i32
    %get3A_685 = arith.constant 192 : index
    %get3A_686 = tpu.vector_load %arg5[%get3A_685] {strides = array<i32>} : memref<512xi32, #tpu.memory_space<vmem>>, vector<16xi32>,
    %max3A_687 = arith.constant 1 : i32
    %max3A_688 = vector.broadcast %max3A_687 : i32 to vector<16xi32>
    %max3A_689 = arith.maxsi %get3A_686, %max3A_688 : vector<16xi32>
    %broadcast_in_dim3A_690 = arith.constant true
    %broadcast_in_dim3A_691 = vector.broadcast %broadcast_in_dim3A_690 : i1 to vector<16xi1>
    %masked_cumsum3A_692 = tpu.scan <sum>, %max3A_689 masked %broadcast_in_dim3A_691 : vector<16xi32>, vector<16xi1> -> vector<16xi32>
    %add3A_693 = vector.broadcast %add3A_684 : i32 to vector<16xi32>
    %add3A_694 = arith.addi %masked_cumsum3A_692, %add3A_693 : vector<16xi32>
    %sub3A_695 = vector.broadcast %mul3A_32 : i32 to vector<16xi32>
    %sub3A_696 = arith.subi %add3A_694, %sub3A_695 : vector<16xi32>
    %ge3A_697 = arith.constant 0 : i32
    %ge3A_698 = vector.broadcast %ge3A_697 : i32 to vector<16xi32>
    %ge3A_699 = arith.cmpi sge, %sub3A_696, %ge3A_698 : vector<16xi32>
    %lt3A_700 = arith.constant 1024 : i32
    %lt3A_701 = vector.broadcast %lt3A_700 : i32 to vector<16xi32>
    %lt3A_702 = arith.cmpi slt, %sub3A_696, %lt3A_701 : vector<16xi32>
    %and3A_703 = arith.andi %ge3A_699, %lt3A_702 : vector<16xi1>
    tpu.vector_store_idx %arg6[%sub3A_696], %broadcast_in_dim3A_288 masked %and3A_703 {add = true} : memref<1024xi32, #tpu.memory_space<vmem>>[vector<16xi32>], vector<16xi32>, vector<16xi1>
    %lt3A_704 = arith.constant 0 : i32
    %lt3A_705 = vector.broadcast %lt3A_704 : i32 to vector<16xi32>
    %lt3A_706 = arith.cmpi slt, %sub3A_696, %lt3A_705 : vector<16xi32>
    %select_n3A_707 = arith.select %lt3A_706, %broadcast_in_dim3A_288, %broadcast_in_dim3A_290 : vector<16xi1>, vector<16xi32>
    %reduce_sum3A_708 = arith.constant true
    %reduce_sum3A_709 = vector.broadcast %reduce_sum3A_708 : i1 to vector<16xi1>
    %reduce_sum3A_710 = tpu.scan <sum>, %select_n3A_707 masked %reduce_sum3A_709 : vector<16xi32>, vector<16xi1> -> vector<16xi32>
    %reduce_sum3A_711 = vector.extract %reduce_sum3A_710[15] : i32 from vector<16xi32>
    %add3A_712 = arith.addi %add3A_679, %reduce_sum3A_711 : i32
    %reduce_sum3A_713 = arith.constant true
    %reduce_sum3A_714 = vector.broadcast %reduce_sum3A_713 : i1 to vector<16xi1>
    %reduce_sum3A_715 = tpu.scan <sum>, %max3A_689 masked %reduce_sum3A_714 : vector<16xi32>, vector<16xi1> -> vector<16xi32>
    %reduce_sum3A_716 = vector.extract %reduce_sum3A_715[15] : i32 from vector<16xi32>
    %add3A_717 = arith.addi %add3A_684, %reduce_sum3A_716 : i32
    %get3A_718 = arith.constant 208 : index
    %get3A_719 = tpu.vector_load %arg5[%get3A_718] {strides = array<i32>} : memref<512xi32, #tpu.memory_space<vmem>>, vector<16xi32>,
    %max3A_720 = arith.constant 1 : i32
    %max3A_721 = vector.broadcast %max3A_720 : i32 to vector<16xi32>
    %max3A_722 = arith.maxsi %get3A_719, %max3A_721 : vector<16xi32>
    %broadcast_in_dim3A_723 = arith.constant true
    %broadcast_in_dim3A_724 = vector.broadcast %broadcast_in_dim3A_723 : i1 to vector<16xi1>
    %masked_cumsum3A_725 = tpu.scan <sum>, %max3A_722 masked %broadcast_in_dim3A_724 : vector<16xi32>, vector<16xi1> -> vector<16xi32>
    %add3A_726 = vector.broadcast %add3A_717 : i32 to vector<16xi32>
    %add3A_727 = arith.addi %masked_cumsum3A_725, %add3A_726 : vector<16xi32>
    %sub3A_728 = vector.broadcast %mul3A_32 : i32 to vector<16xi32>
    %sub3A_729 = arith.subi %add3A_727, %sub3A_728 : vector<16xi32>
    %ge3A_730 = arith.constant 0 : i32
    %ge3A_731 = vector.broadcast %ge3A_730 : i32 to vector<16xi32>
    %ge3A_732 = arith.cmpi sge, %sub3A_729, %ge3A_731 : vector<16xi32>
    %lt3A_733 = arith.constant 1024 : i32
    %lt3A_734 = vector.broadcast %lt3A_733 : i32 to vector<16xi32>
    %lt3A_735 = arith.cmpi slt, %sub3A_729, %lt3A_734 : vector<16xi32>
    %and3A_736 = arith.andi %ge3A_732, %lt3A_735 : vector<16xi1>
    tpu.vector_store_idx %arg6[%sub3A_729], %broadcast_in_dim3A_288 masked %and3A_736 {add = true} : memref<1024xi32, #tpu.memory_space<vmem>>[vector<16xi32>], vector<16xi32>, vector<16xi1>
    %lt3A_737 = arith.constant 0 : i32
    %lt3A_738 = vector.broadcast %lt3A_737 : i32 to vector<16xi32>
    %lt3A_739 = arith.cmpi slt, %sub3A_729, %lt3A_738 : vector<16xi32>
    %select_n3A_740 = arith.select %lt3A_739, %broadcast_in_dim3A_288, %broadcast_in_dim3A_290 : vector<16xi1>, vector<16xi32>
    %reduce_sum3A_741 = arith.constant true
    %reduce_sum3A_742 = vector.broadcast %reduce_sum3A_741 : i1 to vector<16xi1>
    %reduce_sum3A_743 = tpu.scan <sum>, %select_n3A_740 masked %reduce_sum3A_742 : vector<16xi32>, vector<16xi1> -> vector<16xi32>
    %reduce_sum3A_744 = vector.extract %reduce_sum3A_743[15] : i32 from vector<16xi32>
    %add3A_745 = arith.addi %add3A_712, %reduce_sum3A_744 : i32
    %reduce_sum3A_746 = arith.constant true
    %reduce_sum3A_747 = vector.broadcast %reduce_sum3A_746 : i1 to vector<16xi1>
    %reduce_sum3A_748 = tpu.scan <sum>, %max3A_722 masked %reduce_sum3A_747 : vector<16xi32>, vector<16xi1> -> vector<16xi32>
    %reduce_sum3A_749 = vector.extract %reduce_sum3A_748[15] : i32 from vector<16xi32>
    %add3A_750 = arith.addi %add3A_717, %reduce_sum3A_749 : i32
    %get3A_751 = arith.constant 224 : index
    %get3A_752 = tpu.vector_load %arg5[%get3A_751] {strides = array<i32>} : memref<512xi32, #tpu.memory_space<vmem>>, vector<16xi32>,
    %max3A_753 = arith.constant 1 : i32
    %max3A_754 = vector.broadcast %max3A_753 : i32 to vector<16xi32>
    %max3A_755 = arith.maxsi %get3A_752, %max3A_754 : vector<16xi32>
    %broadcast_in_dim3A_756 = arith.constant true
    %broadcast_in_dim3A_757 = vector.broadcast %broadcast_in_dim3A_756 : i1 to vector<16xi1>
    %masked_cumsum3A_758 = tpu.scan <sum>, %max3A_755 masked %broadcast_in_dim3A_757 : vector<16xi32>, vector<16xi1> -> vector<16xi32>
    %add3A_759 = vector.broadcast %add3A_750 : i32 to vector<16xi32>
    %add3A_760 = arith.addi %masked_cumsum3A_758, %add3A_759 : vector<16xi32>
    %sub3A_761 = vector.broadcast %mul3A_32 : i32 to vector<16xi32>
    %sub3A_762 = arith.subi %add3A_760, %sub3A_761 : vector<16xi32>
    %ge3A_763 = arith.constant 0 : i32
    %ge3A_764 = vector.broadcast %ge3A_763 : i32 to vector<16xi32>
    %ge3A_765 = arith.cmpi sge, %sub3A_762, %ge3A_764 : vector<16xi32>
    %lt3A_766 = arith.constant 1024 : i32
    %lt3A_767 = vector.broadcast %lt3A_766 : i32 to vector<16xi32>
    %lt3A_768 = arith.cmpi slt, %sub3A_762, %lt3A_767 : vector<16xi32>
    %and3A_769 = arith.andi %ge3A_765, %lt3A_768 : vector<16xi1>
    tpu.vector_store_idx %arg6[%sub3A_762], %broadcast_in_dim3A_288 masked %and3A_769 {add = true} : memref<1024xi32, #tpu.memory_space<vmem>>[vector<16xi32>], vector<16xi32>, vector<16xi1>
    %lt3A_770 = arith.constant 0 : i32
    %lt3A_771 = vector.broadcast %lt3A_770 : i32 to vector<16xi32>
    %lt3A_772 = arith.cmpi slt, %sub3A_762, %lt3A_771 : vector<16xi32>
    %select_n3A_773 = arith.select %lt3A_772, %broadcast_in_dim3A_288, %broadcast_in_dim3A_290 : vector<16xi1>, vector<16xi32>
    %reduce_sum3A_774 = arith.constant true
    %reduce_sum3A_775 = vector.broadcast %reduce_sum3A_774 : i1 to vector<16xi1>
    %reduce_sum3A_776 = tpu.scan <sum>, %select_n3A_773 masked %reduce_sum3A_775 : vector<16xi32>, vector<16xi1> -> vector<16xi32>
    %reduce_sum3A_777 = vector.extract %reduce_sum3A_776[15] : i32 from vector<16xi32>
    %add3A_778 = arith.addi %add3A_745, %reduce_sum3A_777 : i32
    %reduce_sum3A_779 = arith.constant true
    %reduce_sum3A_780 = vector.broadcast %reduce_sum3A_779 : i1 to vector<16xi1>
    %reduce_sum3A_781 = tpu.scan <sum>, %max3A_755 masked %reduce_sum3A_780 : vector<16xi32>, vector<16xi1> -> vector<16xi32>
    %reduce_sum3A_782 = vector.extract %reduce_sum3A_781[15] : i32 from vector<16xi32>
    %add3A_783 = arith.addi %add3A_750, %reduce_sum3A_782 : i32
    %get3A_784 = arith.constant 240 : index
    %get3A_785 = tpu.vector_load %arg5[%get3A_784] {strides = array<i32>} : memref<512xi32, #tpu.memory_space<vmem>>, vector<16xi32>,
    %max3A_786 = arith.constant 1 : i32
    %max3A_787 = vector.broadcast %max3A_786 : i32 to vector<16xi32>
    %max3A_788 = arith.maxsi %get3A_785, %max3A_787 : vector<16xi32>
    %broadcast_in_dim3A_789 = arith.constant true
    %broadcast_in_dim3A_790 = vector.broadcast %broadcast_in_dim3A_789 : i1 to vector<16xi1>
    %masked_cumsum3A_791 = tpu.scan <sum>, %max3A_788 masked %broadcast_in_dim3A_790 : vector<16xi32>, vector<16xi1> -> vector<16xi32>
    %add3A_792 = vector.broadcast %add3A_783 : i32 to vector<16xi32>
    %add3A_793 = arith.addi %masked_cumsum3A_791, %add3A_792 : vector<16xi32>
    %sub3A_794 = vector.broadcast %mul3A_32 : i32 to vector<16xi32>
    %sub3A_795 = arith.subi %add3A_793, %sub3A_794 : vector<16xi32>
    %ge3A_796 = arith.constant 0 : i32
    %ge3A_797 = vector.broadcast %ge3A_796 : i32 to vector<16xi32>
    %ge3A_798 = arith.cmpi sge, %sub3A_795, %ge3A_797 : vector<16xi32>
    %lt3A_799 = arith.constant 1024 : i32
    %lt3A_800 = vector.broadcast %lt3A_799 : i32 to vector<16xi32>
    %lt3A_801 = arith.cmpi slt, %sub3A_795, %lt3A_800 : vector<16xi32>
    %and3A_802 = arith.andi %ge3A_798, %lt3A_801 : vector<16xi1>
    tpu.vector_store_idx %arg6[%sub3A_795], %broadcast_in_dim3A_288 masked %and3A_802 {add = true} : memref<1024xi32, #tpu.memory_space<vmem>>[vector<16xi32>], vector<16xi32>, vector<16xi1>
    %lt3A_803 = arith.constant 0 : i32
    %lt3A_804 = vector.broadcast %lt3A_803 : i32 to vector<16xi32>
    %lt3A_805 = arith.cmpi slt, %sub3A_795, %lt3A_804 : vector<16xi32>
    %select_n3A_806 = arith.select %lt3A_805, %broadcast_in_dim3A_288, %broadcast_in_dim3A_290 : vector<16xi1>, vector<16xi32>
    %reduce_sum3A_807 = arith.constant true
    %reduce_sum3A_808 = vector.broadcast %reduce_sum3A_807 : i1 to vector<16xi1>
    %reduce_sum3A_809 = tpu.scan <sum>, %select_n3A_806 masked %reduce_sum3A_808 : vector<16xi32>, vector<16xi1> -> vector<16xi32>
    %reduce_sum3A_810 = vector.extract %reduce_sum3A_809[15] : i32 from vector<16xi32>
    %add3A_811 = arith.addi %add3A_778, %reduce_sum3A_810 : i32
    %reduce_sum3A_812 = arith.constant true
    %reduce_sum3A_813 = vector.broadcast %reduce_sum3A_812 : i1 to vector<16xi1>
    %reduce_sum3A_814 = tpu.scan <sum>, %max3A_788 masked %reduce_sum3A_813 : vector<16xi32>, vector<16xi1> -> vector<16xi32>
    %reduce_sum3A_815 = vector.extract %reduce_sum3A_814[15] : i32 from vector<16xi32>
    %add3A_816 = arith.addi %add3A_783, %reduce_sum3A_815 : i32
    %get3A_817 = arith.constant 256 : index
    %get3A_818 = tpu.vector_load %arg5[%get3A_817] {strides = array<i32>} : memref<512xi32, #tpu.memory_space<vmem>>, vector<16xi32>,
    %max3A_819 = arith.constant 1 : i32
    %max3A_820 = vector.broadcast %max3A_819 : i32 to vector<16xi32>
    %max3A_821 = arith.maxsi %get3A_818, %max3A_820 : vector<16xi32>
    %broadcast_in_dim3A_822 = arith.constant true
    %broadcast_in_dim3A_823 = vector.broadcast %broadcast_in_dim3A_822 : i1 to vector<16xi1>
    %masked_cumsum3A_824 = tpu.scan <sum>, %max3A_821 masked %broadcast_in_dim3A_823 : vector<16xi32>, vector<16xi1> -> vector<16xi32>
    %add3A_825 = vector.broadcast %add3A_816 : i32 to vector<16xi32>
    %add3A_826 = arith.addi %masked_cumsum3A_824, %add3A_825 : vector<16xi32>
    %sub3A_827 = vector.broadcast %mul3A_32 : i32 to vector<16xi32>
    %sub3A_828 = arith.subi %add3A_826, %sub3A_827 : vector<16xi32>
    %ge3A_829 = arith.constant 0 : i32
    %ge3A_830 = vector.broadcast %ge3A_829 : i32 to vector<16xi32>
    %ge3A_831 = arith.cmpi sge, %sub3A_828, %ge3A_830 : vector<16xi32>
    %lt3A_832 = arith.constant 1024 : i32
    %lt3A_833 = vector.broadcast %lt3A_832 : i32 to vector<16xi32>
    %lt3A_834 = arith.cmpi slt, %sub3A_828, %lt3A_833 : vector<16xi32>
    %and3A_835 = arith.andi %ge3A_831, %lt3A_834 : vector<16xi1>
    tpu.vector_store_idx %arg6[%sub3A_828], %broadcast_in_dim3A_288 masked %and3A_835 {add = true} : memref<1024xi32, #tpu.memory_space<vmem>>[vector<16xi32>], vector<16xi32>, vector<16xi1>
    %lt3A_836 = arith.constant 0 : i32
    %lt3A_837 = vector.broadcast %lt3A_836 : i32 to vector<16xi32>
    %lt3A_838 = arith.cmpi slt, %sub3A_828, %lt3A_837 : vector<16xi32>
    %select_n3A_839 = arith.select %lt3A_838, %broadcast_in_dim3A_288, %broadcast_in_dim3A_290 : vector<16xi1>, vector<16xi32>
    %reduce_sum3A_840 = arith.constant true
    %reduce_sum3A_841 = vector.broadcast %reduce_sum3A_840 : i1 to vector<16xi1>
    %reduce_sum3A_842 = tpu.scan <sum>, %select_n3A_839 masked %reduce_sum3A_841 : vector<16xi32>, vector<16xi1> -> vector<16xi32>
    %reduce_sum3A_843 = vector.extract %reduce_sum3A_842[15] : i32 from vector<16xi32>
    %add3A_844 = arith.addi %add3A_811, %reduce_sum3A_843 : i32
    %reduce_sum3A_845 = arith.constant true
    %reduce_sum3A_846 = vector.broadcast %reduce_sum3A_845 : i1 to vector<16xi1>
    %reduce_sum3A_847 = tpu.scan <sum>, %max3A_821 masked %reduce_sum3A_846 : vector<16xi32>, vector<16xi1> -> vector<16xi32>
    %reduce_sum3A_848 = vector.extract %reduce_sum3A_847[15] : i32 from vector<16xi32>
    %add3A_849 = arith.addi %add3A_816, %reduce_sum3A_848 : i32
    %get3A_850 = arith.constant 272 : index
    %get3A_851 = tpu.vector_load %arg5[%get3A_850] {strides = array<i32>} : memref<512xi32, #tpu.memory_space<vmem>>, vector<16xi32>,
    %max3A_852 = arith.constant 1 : i32
    %max3A_853 = vector.broadcast %max3A_852 : i32 to vector<16xi32>
    %max3A_854 = arith.maxsi %get3A_851, %max3A_853 : vector<16xi32>
    %broadcast_in_dim3A_855 = arith.constant true
    %broadcast_in_dim3A_856 = vector.broadcast %broadcast_in_dim3A_855 : i1 to vector<16xi1>
    %masked_cumsum3A_857 = tpu.scan <sum>, %max3A_854 masked %broadcast_in_dim3A_856 : vector<16xi32>, vector<16xi1> -> vector<16xi32>
    %add3A_858 = vector.broadcast %add3A_849 : i32 to vector<16xi32>
    %add3A_859 = arith.addi %masked_cumsum3A_857, %add3A_858 : vector<16xi32>
    %sub3A_860 = vector.broadcast %mul3A_32 : i32 to vector<16xi32>
    %sub3A_861 = arith.subi %add3A_859, %sub3A_860 : vector<16xi32>
    %ge3A_862 = arith.constant 0 : i32
    %ge3A_863 = vector.broadcast %ge3A_862 : i32 to vector<16xi32>
    %ge3A_864 = arith.cmpi sge, %sub3A_861, %ge3A_863 : vector<16xi32>
    %lt3A_865 = arith.constant 1024 : i32
    %lt3A_866 = vector.broadcast %lt3A_865 : i32 to vector<16xi32>
    %lt3A_867 = arith.cmpi slt, %sub3A_861, %lt3A_866 : vector<16xi32>
    %and3A_868 = arith.andi %ge3A_864, %lt3A_867 : vector<16xi1>
    tpu.vector_store_idx %arg6[%sub3A_861], %broadcast_in_dim3A_288 masked %and3A_868 {add = true} : memref<1024xi32, #tpu.memory_space<vmem>>[vector<16xi32>], vector<16xi32>, vector<16xi1>
    %lt3A_869 = arith.constant 0 : i32
    %lt3A_870 = vector.broadcast %lt3A_869 : i32 to vector<16xi32>
    %lt3A_871 = arith.cmpi slt, %sub3A_861, %lt3A_870 : vector<16xi32>
    %select_n3A_872 = arith.select %lt3A_871, %broadcast_in_dim3A_288, %broadcast_in_dim3A_290 : vector<16xi1>, vector<16xi32>
    %reduce_sum3A_873 = arith.constant true
    %reduce_sum3A_874 = vector.broadcast %reduce_sum3A_873 : i1 to vector<16xi1>
    %reduce_sum3A_875 = tpu.scan <sum>, %select_n3A_872 masked %reduce_sum3A_874 : vector<16xi32>, vector<16xi1> -> vector<16xi32>
    %reduce_sum3A_876 = vector.extract %reduce_sum3A_875[15] : i32 from vector<16xi32>
    %add3A_877 = arith.addi %add3A_844, %reduce_sum3A_876 : i32
    %reduce_sum3A_878 = arith.constant true
    %reduce_sum3A_879 = vector.broadcast %reduce_sum3A_878 : i1 to vector<16xi1>
    %reduce_sum3A_880 = tpu.scan <sum>, %max3A_854 masked %reduce_sum3A_879 : vector<16xi32>, vector<16xi1> -> vector<16xi32>
    %reduce_sum3A_881 = vector.extract %reduce_sum3A_880[15] : i32 from vector<16xi32>
    %add3A_882 = arith.addi %add3A_849, %reduce_sum3A_881 : i32
    %get3A_883 = arith.constant 288 : index
    %get3A_884 = tpu.vector_load %arg5[%get3A_883] {strides = array<i32>} : memref<512xi32, #tpu.memory_space<vmem>>, vector<16xi32>,
    %max3A_885 = arith.constant 1 : i32
    %max3A_886 = vector.broadcast %max3A_885 : i32 to vector<16xi32>
    %max3A_887 = arith.maxsi %get3A_884, %max3A_886 : vector<16xi32>
    %broadcast_in_dim3A_888 = arith.constant true
    %broadcast_in_dim3A_889 = vector.broadcast %broadcast_in_dim3A_888 : i1 to vector<16xi1>
    %masked_cumsum3A_890 = tpu.scan <sum>, %max3A_887 masked %broadcast_in_dim3A_889 : vector<16xi32>, vector<16xi1> -> vector<16xi32>
    %add3A_891 = vector.broadcast %add3A_882 : i32 to vector<16xi32>
    %add3A_892 = arith.addi %masked_cumsum3A_890, %add3A_891 : vector<16xi32>
    %sub3A_893 = vector.broadcast %mul3A_32 : i32 to vector<16xi32>
    %sub3A_894 = arith.subi %add3A_892, %sub3A_893 : vector<16xi32>
    %ge3A_895 = arith.constant 0 : i32
    %ge3A_896 = vector.broadcast %ge3A_895 : i32 to vector<16xi32>
    %ge3A_897 = arith.cmpi sge, %sub3A_894, %ge3A_896 : vector<16xi32>
    %lt3A_898 = arith.constant 1024 : i32
    %lt3A_899 = vector.broadcast %lt3A_898 : i32 to vector<16xi32>
    %lt3A_900 = arith.cmpi slt, %sub3A_894, %lt3A_899 : vector<16xi32>
    %and3A_901 = arith.andi %ge3A_897, %lt3A_900 : vector<16xi1>
    tpu.vector_store_idx %arg6[%sub3A_894], %broadcast_in_dim3A_288 masked %and3A_901 {add = true} : memref<1024xi32, #tpu.memory_space<vmem>>[vector<16xi32>], vector<16xi32>, vector<16xi1>
    %lt3A_902 = arith.constant 0 : i32
    %lt3A_903 = vector.broadcast %lt3A_902 : i32 to vector<16xi32>
    %lt3A_904 = arith.cmpi slt, %sub3A_894, %lt3A_903 : vector<16xi32>
    %select_n3A_905 = arith.select %lt3A_904, %broadcast_in_dim3A_288, %broadcast_in_dim3A_290 : vector<16xi1>, vector<16xi32>
    %reduce_sum3A_906 = arith.constant true
    %reduce_sum3A_907 = vector.broadcast %reduce_sum3A_906 : i1 to vector<16xi1>
    %reduce_sum3A_908 = tpu.scan <sum>, %select_n3A_905 masked %reduce_sum3A_907 : vector<16xi32>, vector<16xi1> -> vector<16xi32>
    %reduce_sum3A_909 = vector.extract %reduce_sum3A_908[15] : i32 from vector<16xi32>
    %add3A_910 = arith.addi %add3A_877, %reduce_sum3A_909 : i32
    %reduce_sum3A_911 = arith.constant true
    %reduce_sum3A_912 = vector.broadcast %reduce_sum3A_911 : i1 to vector<16xi1>
    %reduce_sum3A_913 = tpu.scan <sum>, %max3A_887 masked %reduce_sum3A_912 : vector<16xi32>, vector<16xi1> -> vector<16xi32>
    %reduce_sum3A_914 = vector.extract %reduce_sum3A_913[15] : i32 from vector<16xi32>
    %add3A_915 = arith.addi %add3A_882, %reduce_sum3A_914 : i32
    %get3A_916 = arith.constant 304 : index
    %get3A_917 = tpu.vector_load %arg5[%get3A_916] {strides = array<i32>} : memref<512xi32, #tpu.memory_space<vmem>>, vector<16xi32>,
    %max3A_918 = arith.constant 1 : i32
    %max3A_919 = vector.broadcast %max3A_918 : i32 to vector<16xi32>
    %max3A_920 = arith.maxsi %get3A_917, %max3A_919 : vector<16xi32>
    %broadcast_in_dim3A_921 = arith.constant true
    %broadcast_in_dim3A_922 = vector.broadcast %broadcast_in_dim3A_921 : i1 to vector<16xi1>
    %masked_cumsum3A_923 = tpu.scan <sum>, %max3A_920 masked %broadcast_in_dim3A_922 : vector<16xi32>, vector<16xi1> -> vector<16xi32>
    %add3A_924 = vector.broadcast %add3A_915 : i32 to vector<16xi32>
    %add3A_925 = arith.addi %masked_cumsum3A_923, %add3A_924 : vector<16xi32>
    %sub3A_926 = vector.broadcast %mul3A_32 : i32 to vector<16xi32>
    %sub3A_927 = arith.subi %add3A_925, %sub3A_926 : vector<16xi32>
    %ge3A_928 = arith.constant 0 : i32
    %ge3A_929 = vector.broadcast %ge3A_928 : i32 to vector<16xi32>
    %ge3A_930 = arith.cmpi sge, %sub3A_927, %ge3A_929 : vector<16xi32>
    %lt3A_931 = arith.constant 1024 : i32
    %lt3A_932 = vector.broadcast %lt3A_931 : i32 to vector<16xi32>
    %lt3A_933 = arith.cmpi slt, %sub3A_927, %lt3A_932 : vector<16xi32>
    %and3A_934 = arith.andi %ge3A_930, %lt3A_933 : vector<16xi1>
    tpu.vector_store_idx %arg6[%sub3A_927], %broadcast_in_dim3A_288 masked %and3A_934 {add = true} : memref<1024xi32, #tpu.memory_space<vmem>>[vector<16xi32>], vector<16xi32>, vector<16xi1>
    %lt3A_935 = arith.constant 0 : i32
    %lt3A_936 = vector.broadcast %lt3A_935 : i32 to vector<16xi32>
    %lt3A_937 = arith.cmpi slt, %sub3A_927, %lt3A_936 : vector<16xi32>
    %select_n3A_938 = arith.select %lt3A_937, %broadcast_in_dim3A_288, %broadcast_in_dim3A_290 : vector<16xi1>, vector<16xi32>
    %reduce_sum3A_939 = arith.constant true
    %reduce_sum3A_940 = vector.broadcast %reduce_sum3A_939 : i1 to vector<16xi1>
    %reduce_sum3A_941 = tpu.scan <sum>, %select_n3A_938 masked %reduce_sum3A_940 : vector<16xi32>, vector<16xi1> -> vector<16xi32>
    %reduce_sum3A_942 = vector.extract %reduce_sum3A_941[15] : i32 from vector<16xi32>
    %add3A_943 = arith.addi %add3A_910, %reduce_sum3A_942 : i32
    %reduce_sum3A_944 = arith.constant true
    %reduce_sum3A_945 = vector.broadcast %reduce_sum3A_944 : i1 to vector<16xi1>
    %reduce_sum3A_946 = tpu.scan <sum>, %max3A_920 masked %reduce_sum3A_945 : vector<16xi32>, vector<16xi1> -> vector<16xi32>
    %reduce_sum3A_947 = vector.extract %reduce_sum3A_946[15] : i32 from vector<16xi32>
    %add3A_948 = arith.addi %add3A_915, %reduce_sum3A_947 : i32
    %get3A_949 = arith.constant 320 : index
    %get3A_950 = tpu.vector_load %arg5[%get3A_949] {strides = array<i32>} : memref<512xi32, #tpu.memory_space<vmem>>, vector<16xi32>,
    %max3A_951 = arith.constant 1 : i32
    %max3A_952 = vector.broadcast %max3A_951 : i32 to vector<16xi32>
    %max3A_953 = arith.maxsi %get3A_950, %max3A_952 : vector<16xi32>
    %broadcast_in_dim3A_954 = arith.constant true
    %broadcast_in_dim3A_955 = vector.broadcast %broadcast_in_dim3A_954 : i1 to vector<16xi1>
    %masked_cumsum3A_956 = tpu.scan <sum>, %max3A_953 masked %broadcast_in_dim3A_955 : vector<16xi32>, vector<16xi1> -> vector<16xi32>
    %add3A_957 = vector.broadcast %add3A_948 : i32 to vector<16xi32>
    %add3A_958 = arith.addi %masked_cumsum3A_956, %add3A_957 : vector<16xi32>
    %sub3A_959 = vector.broadcast %mul3A_32 : i32 to vector<16xi32>
    %sub3A_960 = arith.subi %add3A_958, %sub3A_959 : vector<16xi32>
    %ge3A_961 = arith.constant 0 : i32
    %ge3A_962 = vector.broadcast %ge3A_961 : i32 to vector<16xi32>
    %ge3A_963 = arith.cmpi sge, %sub3A_960, %ge3A_962 : vector<16xi32>
    %lt3A_964 = arith.constant 1024 : i32
    %lt3A_965 = vector.broadcast %lt3A_964 : i32 to vector<16xi32>
    %lt3A_966 = arith.cmpi slt, %sub3A_960, %lt3A_965 : vector<16xi32>
    %and3A_967 = arith.andi %ge3A_963, %lt3A_966 : vector<16xi1>
    tpu.vector_store_idx %arg6[%sub3A_960], %broadcast_in_dim3A_288 masked %and3A_967 {add = true} : memref<1024xi32, #tpu.memory_space<vmem>>[vector<16xi32>], vector<16xi32>, vector<16xi1>
    %lt3A_968 = arith.constant 0 : i32
    %lt3A_969 = vector.broadcast %lt3A_968 : i32 to vector<16xi32>
    %lt3A_970 = arith.cmpi slt, %sub3A_960, %lt3A_969 : vector<16xi32>
    %select_n3A_971 = arith.select %lt3A_970, %broadcast_in_dim3A_288, %broadcast_in_dim3A_290 : vector<16xi1>, vector<16xi32>
    %reduce_sum3A_972 = arith.constant true
    %reduce_sum3A_973 = vector.broadcast %reduce_sum3A_972 : i1 to vector<16xi1>
    %reduce_sum3A_974 = tpu.scan <sum>, %select_n3A_971 masked %reduce_sum3A_973 : vector<16xi32>, vector<16xi1> -> vector<16xi32>
    %reduce_sum3A_975 = vector.extract %reduce_sum3A_974[15] : i32 from vector<16xi32>
    %add3A_976 = arith.addi %add3A_943, %reduce_sum3A_975 : i32
    %reduce_sum3A_977 = arith.constant true
    %reduce_sum3A_978 = vector.broadcast %reduce_sum3A_977 : i1 to vector<16xi1>
    %reduce_sum3A_979 = tpu.scan <sum>, %max3A_953 masked %reduce_sum3A_978 : vector<16xi32>, vector<16xi1> -> vector<16xi32>
    %reduce_sum3A_980 = vector.extract %reduce_sum3A_979[15] : i32 from vector<16xi32>
    %add3A_981 = arith.addi %add3A_948, %reduce_sum3A_980 : i32
    %get3A_982 = arith.constant 336 : index
    %get3A_983 = tpu.vector_load %arg5[%get3A_982] {strides = array<i32>} : memref<512xi32, #tpu.memory_space<vmem>>, vector<16xi32>,
    %max3A_984 = arith.constant 1 : i32
    %max3A_985 = vector.broadcast %max3A_984 : i32 to vector<16xi32>
    %max3A_986 = arith.maxsi %get3A_983, %max3A_985 : vector<16xi32>
    %broadcast_in_dim3A_987 = arith.constant true
    %broadcast_in_dim3A_988 = vector.broadcast %broadcast_in_dim3A_987 : i1 to vector<16xi1>
    %masked_cumsum3A_989 = tpu.scan <sum>, %max3A_986 masked %broadcast_in_dim3A_988 : vector<16xi32>, vector<16xi1> -> vector<16xi32>
    %add3A_990 = vector.broadcast %add3A_981 : i32 to vector<16xi32>
    %add3A_991 = arith.addi %masked_cumsum3A_989, %add3A_990 : vector<16xi32>
    %sub3A_992 = vector.broadcast %mul3A_32 : i32 to vector<16xi32>
    %sub3A_993 = arith.subi %add3A_991, %sub3A_992 : vector<16xi32>
    %ge3A_994 = arith.constant 0 : i32
    %ge3A_995 = vector.broadcast %ge3A_994 : i32 to vector<16xi32>
    %ge3A_996 = arith.cmpi sge, %sub3A_993, %ge3A_995 : vector<16xi32>
    %lt3A_997 = arith.constant 1024 : i32
    %lt3A_998 = vector.broadcast %lt3A_997 : i32 to vector<16xi32>
    %lt3A_999 = arith.cmpi slt, %sub3A_993, %lt3A_998 : vector<16xi32>
    %and3A_1000 = arith.andi %ge3A_996, %lt3A_999 : vector<16xi1>
    tpu.vector_store_idx %arg6[%sub3A_993], %broadcast_in_dim3A_288 masked %and3A_1000 {add = true} : memref<1024xi32, #tpu.memory_space<vmem>>[vector<16xi32>], vector<16xi32>, vector<16xi1>
    %lt3A_1001 = arith.constant 0 : i32
    %lt3A_1002 = vector.broadcast %lt3A_1001 : i32 to vector<16xi32>
    %lt3A_1003 = arith.cmpi slt, %sub3A_993, %lt3A_1002 : vector<16xi32>
    %select_n3A_1004 = arith.select %lt3A_1003, %broadcast_in_dim3A_288, %broadcast_in_dim3A_290 : vector<16xi1>, vector<16xi32>
    %reduce_sum3A_1005 = arith.constant true
    %reduce_sum3A_1006 = vector.broadcast %reduce_sum3A_1005 : i1 to vector<16xi1>
    %reduce_sum3A_1007 = tpu.scan <sum>, %select_n3A_1004 masked %reduce_sum3A_1006 : vector<16xi32>, vector<16xi1> -> vector<16xi32>
    %reduce_sum3A_1008 = vector.extract %reduce_sum3A_1007[15] : i32 from vector<16xi32>
    %add3A_1009 = arith.addi %add3A_976, %reduce_sum3A_1008 : i32
    %reduce_sum3A_1010 = arith.constant true
    %reduce_sum3A_1011 = vector.broadcast %reduce_sum3A_1010 : i1 to vector<16xi1>
    %reduce_sum3A_1012 = tpu.scan <sum>, %max3A_986 masked %reduce_sum3A_1011 : vector<16xi32>, vector<16xi1> -> vector<16xi32>
    %reduce_sum3A_1013 = vector.extract %reduce_sum3A_1012[15] : i32 from vector<16xi32>
    %add3A_1014 = arith.addi %add3A_981, %reduce_sum3A_1013 : i32
    %get3A_1015 = arith.constant 352 : index
    %get3A_1016 = tpu.vector_load %arg5[%get3A_1015] {strides = array<i32>} : memref<512xi32, #tpu.memory_space<vmem>>, vector<16xi32>,
    %max3A_1017 = arith.constant 1 : i32
    %max3A_1018 = vector.broadcast %max3A_1017 : i32 to vector<16xi32>
    %max3A_1019 = arith.maxsi %get3A_1016, %max3A_1018 : vector<16xi32>
    %broadcast_in_dim3A_1020 = arith.constant true
    %broadcast_in_dim3A_1021 = vector.broadcast %broadcast_in_dim3A_1020 : i1 to vector<16xi1>
    %masked_cumsum3A_1022 = tpu.scan <sum>, %max3A_1019 masked %broadcast_in_dim3A_1021 : vector<16xi32>, vector<16xi1> -> vector<16xi32>
    %add3A_1023 = vector.broadcast %add3A_1014 : i32 to vector<16xi32>
    %add3A_1024 = arith.addi %masked_cumsum3A_1022, %add3A_1023 : vector<16xi32>
    %sub3A_1025 = vector.broadcast %mul3A_32 : i32 to vector<16xi32>
    %sub3A_1026 = arith.subi %add3A_1024, %sub3A_1025 : vector<16xi32>
    %ge3A_1027 = arith.constant 0 : i32
    %ge3A_1028 = vector.broadcast %ge3A_1027 : i32 to vector<16xi32>
    %ge3A_1029 = arith.cmpi sge, %sub3A_1026, %ge3A_1028 : vector<16xi32>
    %lt3A_1030 = arith.constant 1024 : i32
    %lt3A_1031 = vector.broadcast %lt3A_1030 : i32 to vector<16xi32>
    %lt3A_1032 = arith.cmpi slt, %sub3A_1026, %lt3A_1031 : vector<16xi32>
    %and3A_1033 = arith.andi %ge3A_1029, %lt3A_1032 : vector<16xi1>
    tpu.vector_store_idx %arg6[%sub3A_1026], %broadcast_in_dim3A_288 masked %and3A_1033 {add = true} : memref<1024xi32, #tpu.memory_space<vmem>>[vector<16xi32>], vector<16xi32>, vector<16xi1>
    %lt3A_1034 = arith.constant 0 : i32
    %lt3A_1035 = vector.broadcast %lt3A_1034 : i32 to vector<16xi32>
    %lt3A_1036 = arith.cmpi slt, %sub3A_1026, %lt3A_1035 : vector<16xi32>
    %select_n3A_1037 = arith.select %lt3A_1036, %broadcast_in_dim3A_288, %broadcast_in_dim3A_290 : vector<16xi1>, vector<16xi32>
    %reduce_sum3A_1038 = arith.constant true
    %reduce_sum3A_1039 = vector.broadcast %reduce_sum3A_1038 : i1 to vector<16xi1>
    %reduce_sum3A_1040 = tpu.scan <sum>, %select_n3A_1037 masked %reduce_sum3A_1039 : vector<16xi32>, vector<16xi1> -> vector<16xi32>
    %reduce_sum3A_1041 = vector.extract %reduce_sum3A_1040[15] : i32 from vector<16xi32>
    %add3A_1042 = arith.addi %add3A_1009, %reduce_sum3A_1041 : i32
    %reduce_sum3A_1043 = arith.constant true
    %reduce_sum3A_1044 = vector.broadcast %reduce_sum3A_1043 : i1 to vector<16xi1>
    %reduce_sum3A_1045 = tpu.scan <sum>, %max3A_1019 masked %reduce_sum3A_1044 : vector<16xi32>, vector<16xi1> -> vector<16xi32>
    %reduce_sum3A_1046 = vector.extract %reduce_sum3A_1045[15] : i32 from vector<16xi32>
    %add3A_1047 = arith.addi %add3A_1014, %reduce_sum3A_1046 : i32
    %get3A_1048 = arith.constant 368 : index
    %get3A_1049 = tpu.vector_load %arg5[%get3A_1048] {strides = array<i32>} : memref<512xi32, #tpu.memory_space<vmem>>, vector<16xi32>,
    %max3A_1050 = arith.constant 1 : i32
    %max3A_1051 = vector.broadcast %max3A_1050 : i32 to vector<16xi32>
    %max3A_1052 = arith.maxsi %get3A_1049, %max3A_1051 : vector<16xi32>
    %broadcast_in_dim3A_1053 = arith.constant true
    %broadcast_in_dim3A_1054 = vector.broadcast %broadcast_in_dim3A_1053 : i1 to vector<16xi1>
    %masked_cumsum3A_1055 = tpu.scan <sum>, %max3A_1052 masked %broadcast_in_dim3A_1054 : vector<16xi32>, vector<16xi1> -> vector<16xi32>
    %add3A_1056 = vector.broadcast %add3A_1047 : i32 to vector<16xi32>
    %add3A_1057 = arith.addi %masked_cumsum3A_1055, %add3A_1056 : vector<16xi32>
    %sub3A_1058 = vector.broadcast %mul3A_32 : i32 to vector<16xi32>
    %sub3A_1059 = arith.subi %add3A_1057, %sub3A_1058 : vector<16xi32>
    %ge3A_1060 = arith.constant 0 : i32
    %ge3A_1061 = vector.broadcast %ge3A_1060 : i32 to vector<16xi32>
    %ge3A_1062 = arith.cmpi sge, %sub3A_1059, %ge3A_1061 : vector<16xi32>
    %lt3A_1063 = arith.constant 1024 : i32
    %lt3A_1064 = vector.broadcast %lt3A_1063 : i32 to vector<16xi32>
    %lt3A_1065 = arith.cmpi slt, %sub3A_1059, %lt3A_1064 : vector<16xi32>
    %and3A_1066 = arith.andi %ge3A_1062, %lt3A_1065 : vector<16xi1>
    tpu.vector_store_idx %arg6[%sub3A_1059], %broadcast_in_dim3A_288 masked %and3A_1066 {add = true} : memref<1024xi32, #tpu.memory_space<vmem>>[vector<16xi32>], vector<16xi32>, vector<16xi1>
    %lt3A_1067 = arith.constant 0 : i32
    %lt3A_1068 = vector.broadcast %lt3A_1067 : i32 to vector<16xi32>
    %lt3A_1069 = arith.cmpi slt, %sub3A_1059, %lt3A_1068 : vector<16xi32>
    %select_n3A_1070 = arith.select %lt3A_1069, %broadcast_in_dim3A_288, %broadcast_in_dim3A_290 : vector<16xi1>, vector<16xi32>
    %reduce_sum3A_1071 = arith.constant true
    %reduce_sum3A_1072 = vector.broadcast %reduce_sum3A_1071 : i1 to vector<16xi1>
    %reduce_sum3A_1073 = tpu.scan <sum>, %select_n3A_1070 masked %reduce_sum3A_1072 : vector<16xi32>, vector<16xi1> -> vector<16xi32>
    %reduce_sum3A_1074 = vector.extract %reduce_sum3A_1073[15] : i32 from vector<16xi32>
    %add3A_1075 = arith.addi %add3A_1042, %reduce_sum3A_1074 : i32
    %reduce_sum3A_1076 = arith.constant true
    %reduce_sum3A_1077 = vector.broadcast %reduce_sum3A_1076 : i1 to vector<16xi1>
    %reduce_sum3A_1078 = tpu.scan <sum>, %max3A_1052 masked %reduce_sum3A_1077 : vector<16xi32>, vector<16xi1> -> vector<16xi32>
    %reduce_sum3A_1079 = vector.extract %reduce_sum3A_1078[15] : i32 from vector<16xi32>
    %add3A_1080 = arith.addi %add3A_1047, %reduce_sum3A_1079 : i32
    %get3A_1081 = arith.constant 384 : index
    %get3A_1082 = tpu.vector_load %arg5[%get3A_1081] {strides = array<i32>} : memref<512xi32, #tpu.memory_space<vmem>>, vector<16xi32>,
    %max3A_1083 = arith.constant 1 : i32
    %max3A_1084 = vector.broadcast %max3A_1083 : i32 to vector<16xi32>
    %max3A_1085 = arith.maxsi %get3A_1082, %max3A_1084 : vector<16xi32>
    %broadcast_in_dim3A_1086 = arith.constant true
    %broadcast_in_dim3A_1087 = vector.broadcast %broadcast_in_dim3A_1086 : i1 to vector<16xi1>
    %masked_cumsum3A_1088 = tpu.scan <sum>, %max3A_1085 masked %broadcast_in_dim3A_1087 : vector<16xi32>, vector<16xi1> -> vector<16xi32>
    %add3A_1089 = vector.broadcast %add3A_1080 : i32 to vector<16xi32>
    %add3A_1090 = arith.addi %masked_cumsum3A_1088, %add3A_1089 : vector<16xi32>
    %sub3A_1091 = vector.broadcast %mul3A_32 : i32 to vector<16xi32>
    %sub3A_1092 = arith.subi %add3A_1090, %sub3A_1091 : vector<16xi32>
    %ge3A_1093 = arith.constant 0 : i32
    %ge3A_1094 = vector.broadcast %ge3A_1093 : i32 to vector<16xi32>
    %ge3A_1095 = arith.cmpi sge, %sub3A_1092, %ge3A_1094 : vector<16xi32>
    %lt3A_1096 = arith.constant 1024 : i32
    %lt3A_1097 = vector.broadcast %lt3A_1096 : i32 to vector<16xi32>
    %lt3A_1098 = arith.cmpi slt, %sub3A_1092, %lt3A_1097 : vector<16xi32>
    %and3A_1099 = arith.andi %ge3A_1095, %lt3A_1098 : vector<16xi1>
    tpu.vector_store_idx %arg6[%sub3A_1092], %broadcast_in_dim3A_288 masked %and3A_1099 {add = true} : memref<1024xi32, #tpu.memory_space<vmem>>[vector<16xi32>], vector<16xi32>, vector<16xi1>
    %lt3A_1100 = arith.constant 0 : i32
    %lt3A_1101 = vector.broadcast %lt3A_1100 : i32 to vector<16xi32>
    %lt3A_1102 = arith.cmpi slt, %sub3A_1092, %lt3A_1101 : vector<16xi32>
    %select_n3A_1103 = arith.select %lt3A_1102, %broadcast_in_dim3A_288, %broadcast_in_dim3A_290 : vector<16xi1>, vector<16xi32>
    %reduce_sum3A_1104 = arith.constant true
    %reduce_sum3A_1105 = vector.broadcast %reduce_sum3A_1104 : i1 to vector<16xi1>
    %reduce_sum3A_1106 = tpu.scan <sum>, %select_n3A_1103 masked %reduce_sum3A_1105 : vector<16xi32>, vector<16xi1> -> vector<16xi32>
    %reduce_sum3A_1107 = vector.extract %reduce_sum3A_1106[15] : i32 from vector<16xi32>
    %add3A_1108 = arith.addi %add3A_1075, %reduce_sum3A_1107 : i32
    %reduce_sum3A_1109 = arith.constant true
    %reduce_sum3A_1110 = vector.broadcast %reduce_sum3A_1109 : i1 to vector<16xi1>
    %reduce_sum3A_1111 = tpu.scan <sum>, %max3A_1085 masked %reduce_sum3A_1110 : vector<16xi32>, vector<16xi1> -> vector<16xi32>
    %reduce_sum3A_1112 = vector.extract %reduce_sum3A_1111[15] : i32 from vector<16xi32>
    %add3A_1113 = arith.addi %add3A_1080, %reduce_sum3A_1112 : i32
    %get3A_1114 = arith.constant 400 : index
    %get3A_1115 = tpu.vector_load %arg5[%get3A_1114] {strides = array<i32>} : memref<512xi32, #tpu.memory_space<vmem>>, vector<16xi32>,
    %max3A_1116 = arith.constant 1 : i32
    %max3A_1117 = vector.broadcast %max3A_1116 : i32 to vector<16xi32>
    %max3A_1118 = arith.maxsi %get3A_1115, %max3A_1117 : vector<16xi32>
    %broadcast_in_dim3A_1119 = arith.constant true
    %broadcast_in_dim3A_1120 = vector.broadcast %broadcast_in_dim3A_1119 : i1 to vector<16xi1>
    %masked_cumsum3A_1121 = tpu.scan <sum>, %max3A_1118 masked %broadcast_in_dim3A_1120 : vector<16xi32>, vector<16xi1> -> vector<16xi32>
    %add3A_1122 = vector.broadcast %add3A_1113 : i32 to vector<16xi32>
    %add3A_1123 = arith.addi %masked_cumsum3A_1121, %add3A_1122 : vector<16xi32>
    %sub3A_1124 = vector.broadcast %mul3A_32 : i32 to vector<16xi32>
    %sub3A_1125 = arith.subi %add3A_1123, %sub3A_1124 : vector<16xi32>
    %ge3A_1126 = arith.constant 0 : i32
    %ge3A_1127 = vector.broadcast %ge3A_1126 : i32 to vector<16xi32>
    %ge3A_1128 = arith.cmpi sge, %sub3A_1125, %ge3A_1127 : vector<16xi32>
    %lt3A_1129 = arith.constant 1024 : i32
    %lt3A_1130 = vector.broadcast %lt3A_1129 : i32 to vector<16xi32>
    %lt3A_1131 = arith.cmpi slt, %sub3A_1125, %lt3A_1130 : vector<16xi32>
    %and3A_1132 = arith.andi %ge3A_1128, %lt3A_1131 : vector<16xi1>
    tpu.vector_store_idx %arg6[%sub3A_1125], %broadcast_in_dim3A_288 masked %and3A_1132 {add = true} : memref<1024xi32, #tpu.memory_space<vmem>>[vector<16xi32>], vector<16xi32>, vector<16xi1>
    %lt3A_1133 = arith.constant 0 : i32
    %lt3A_1134 = vector.broadcast %lt3A_1133 : i32 to vector<16xi32>
    %lt3A_1135 = arith.cmpi slt, %sub3A_1125, %lt3A_1134 : vector<16xi32>
    %select_n3A_1136 = arith.select %lt3A_1135, %broadcast_in_dim3A_288, %broadcast_in_dim3A_290 : vector<16xi1>, vector<16xi32>
    %reduce_sum3A_1137 = arith.constant true
    %reduce_sum3A_1138 = vector.broadcast %reduce_sum3A_1137 : i1 to vector<16xi1>
    %reduce_sum3A_1139 = tpu.scan <sum>, %select_n3A_1136 masked %reduce_sum3A_1138 : vector<16xi32>, vector<16xi1> -> vector<16xi32>
    %reduce_sum3A_1140 = vector.extract %reduce_sum3A_1139[15] : i32 from vector<16xi32>
    %add3A_1141 = arith.addi %add3A_1108, %reduce_sum3A_1140 : i32
    %reduce_sum3A_1142 = arith.constant true
    %reduce_sum3A_1143 = vector.broadcast %reduce_sum3A_1142 : i1 to vector<16xi1>
    %reduce_sum3A_1144 = tpu.scan <sum>, %max3A_1118 masked %reduce_sum3A_1143 : vector<16xi32>, vector<16xi1> -> vector<16xi32>
    %reduce_sum3A_1145 = vector.extract %reduce_sum3A_1144[15] : i32 from vector<16xi32>
    %add3A_1146 = arith.addi %add3A_1113, %reduce_sum3A_1145 : i32
    %get3A_1147 = arith.constant 416 : index
    %get3A_1148 = tpu.vector_load %arg5[%get3A_1147] {strides = array<i32>} : memref<512xi32, #tpu.memory_space<vmem>>, vector<16xi32>,
    %max3A_1149 = arith.constant 1 : i32
    %max3A_1150 = vector.broadcast %max3A_1149 : i32 to vector<16xi32>
    %max3A_1151 = arith.maxsi %get3A_1148, %max3A_1150 : vector<16xi32>
    %broadcast_in_dim3A_1152 = arith.constant true
    %broadcast_in_dim3A_1153 = vector.broadcast %broadcast_in_dim3A_1152 : i1 to vector<16xi1>
    %masked_cumsum3A_1154 = tpu.scan <sum>, %max3A_1151 masked %broadcast_in_dim3A_1153 : vector<16xi32>, vector<16xi1> -> vector<16xi32>
    %add3A_1155 = vector.broadcast %add3A_1146 : i32 to vector<16xi32>
    %add3A_1156 = arith.addi %masked_cumsum3A_1154, %add3A_1155 : vector<16xi32>
    %sub3A_1157 = vector.broadcast %mul3A_32 : i32 to vector<16xi32>
    %sub3A_1158 = arith.subi %add3A_1156, %sub3A_1157 : vector<16xi32>
    %ge3A_1159 = arith.constant 0 : i32
    %ge3A_1160 = vector.broadcast %ge3A_1159 : i32 to vector<16xi32>
    %ge3A_1161 = arith.cmpi sge, %sub3A_1158, %ge3A_1160 : vector<16xi32>
    %lt3A_1162 = arith.constant 1024 : i32
    %lt3A_1163 = vector.broadcast %lt3A_1162 : i32 to vector<16xi32>
    %lt3A_1164 = arith.cmpi slt, %sub3A_1158, %lt3A_1163 : vector<16xi32>
    %and3A_1165 = arith.andi %ge3A_1161, %lt3A_1164 : vector<16xi1>
    tpu.vector_store_idx %arg6[%sub3A_1158], %broadcast_in_dim3A_288 masked %and3A_1165 {add = true} : memref<1024xi32, #tpu.memory_space<vmem>>[vector<16xi32>], vector<16xi32>, vector<16xi1>
    %lt3A_1166 = arith.constant 0 : i32
    %lt3A_1167 = vector.broadcast %lt3A_1166 : i32 to vector<16xi32>
    %lt3A_1168 = arith.cmpi slt, %sub3A_1158, %lt3A_1167 : vector<16xi32>
    %select_n3A_1169 = arith.select %lt3A_1168, %broadcast_in_dim3A_288, %broadcast_in_dim3A_290 : vector<16xi1>, vector<16xi32>
    %reduce_sum3A_1170 = arith.constant true
    %reduce_sum3A_1171 = vector.broadcast %reduce_sum3A_1170 : i1 to vector<16xi1>
    %reduce_sum3A_1172 = tpu.scan <sum>, %select_n3A_1169 masked %reduce_sum3A_1171 : vector<16xi32>, vector<16xi1> -> vector<16xi32>
    %reduce_sum3A_1173 = vector.extract %reduce_sum3A_1172[15] : i32 from vector<16xi32>
    %add3A_1174 = arith.addi %add3A_1141, %reduce_sum3A_1173 : i32
    %reduce_sum3A_1175 = arith.constant true
    %reduce_sum3A_1176 = vector.broadcast %reduce_sum3A_1175 : i1 to vector<16xi1>
    %reduce_sum3A_1177 = tpu.scan <sum>, %max3A_1151 masked %reduce_sum3A_1176 : vector<16xi32>, vector<16xi1> -> vector<16xi32>
    %reduce_sum3A_1178 = vector.extract %reduce_sum3A_1177[15] : i32 from vector<16xi32>
    %add3A_1179 = arith.addi %add3A_1146, %reduce_sum3A_1178 : i32
    %get3A_1180 = arith.constant 432 : index
    %get3A_1181 = tpu.vector_load %arg5[%get3A_1180] {strides = array<i32>} : memref<512xi32, #tpu.memory_space<vmem>>, vector<16xi32>,
    %max3A_1182 = arith.constant 1 : i32
    %max3A_1183 = vector.broadcast %max3A_1182 : i32 to vector<16xi32>
    %max3A_1184 = arith.maxsi %get3A_1181, %max3A_1183 : vector<16xi32>
    %broadcast_in_dim3A_1185 = arith.constant true
    %broadcast_in_dim3A_1186 = vector.broadcast %broadcast_in_dim3A_1185 : i1 to vector<16xi1>
    %masked_cumsum3A_1187 = tpu.scan <sum>, %max3A_1184 masked %broadcast_in_dim3A_1186 : vector<16xi32>, vector<16xi1> -> vector<16xi32>
    %add3A_1188 = vector.broadcast %add3A_1179 : i32 to vector<16xi32>
    %add3A_1189 = arith.addi %masked_cumsum3A_1187, %add3A_1188 : vector<16xi32>
    %sub3A_1190 = vector.broadcast %mul3A_32 : i32 to vector<16xi32>
    %sub3A_1191 = arith.subi %add3A_1189, %sub3A_1190 : vector<16xi32>
    %ge3A_1192 = arith.constant 0 : i32
    %ge3A_1193 = vector.broadcast %ge3A_1192 : i32 to vector<16xi32>
    %ge3A_1194 = arith.cmpi sge, %sub3A_1191, %ge3A_1193 : vector<16xi32>
    %lt3A_1195 = arith.constant 1024 : i32
    %lt3A_1196 = vector.broadcast %lt3A_1195 : i32 to vector<16xi32>
    %lt3A_1197 = arith.cmpi slt, %sub3A_1191, %lt3A_1196 : vector<16xi32>
    %and3A_1198 = arith.andi %ge3A_1194, %lt3A_1197 : vector<16xi1>
    tpu.vector_store_idx %arg6[%sub3A_1191], %broadcast_in_dim3A_288 masked %and3A_1198 {add = true} : memref<1024xi32, #tpu.memory_space<vmem>>[vector<16xi32>], vector<16xi32>, vector<16xi1>
    %lt3A_1199 = arith.constant 0 : i32
    %lt3A_1200 = vector.broadcast %lt3A_1199 : i32 to vector<16xi32>
    %lt3A_1201 = arith.cmpi slt, %sub3A_1191, %lt3A_1200 : vector<16xi32>
    %select_n3A_1202 = arith.select %lt3A_1201, %broadcast_in_dim3A_288, %broadcast_in_dim3A_290 : vector<16xi1>, vector<16xi32>
    %reduce_sum3A_1203 = arith.constant true
    %reduce_sum3A_1204 = vector.broadcast %reduce_sum3A_1203 : i1 to vector<16xi1>
    %reduce_sum3A_1205 = tpu.scan <sum>, %select_n3A_1202 masked %reduce_sum3A_1204 : vector<16xi32>, vector<16xi1> -> vector<16xi32>
    %reduce_sum3A_1206 = vector.extract %reduce_sum3A_1205[15] : i32 from vector<16xi32>
    %add3A_1207 = arith.addi %add3A_1174, %reduce_sum3A_1206 : i32
    %reduce_sum3A_1208 = arith.constant true
    %reduce_sum3A_1209 = vector.broadcast %reduce_sum3A_1208 : i1 to vector<16xi1>
    %reduce_sum3A_1210 = tpu.scan <sum>, %max3A_1184 masked %reduce_sum3A_1209 : vector<16xi32>, vector<16xi1> -> vector<16xi32>
    %reduce_sum3A_1211 = vector.extract %reduce_sum3A_1210[15] : i32 from vector<16xi32>
    %add3A_1212 = arith.addi %add3A_1179, %reduce_sum3A_1211 : i32
    %get3A_1213 = arith.constant 448 : index
    %get3A_1214 = tpu.vector_load %arg5[%get3A_1213] {strides = array<i32>} : memref<512xi32, #tpu.memory_space<vmem>>, vector<16xi32>,
    %max3A_1215 = arith.constant 1 : i32
    %max3A_1216 = vector.broadcast %max3A_1215 : i32 to vector<16xi32>
    %max3A_1217 = arith.maxsi %get3A_1214, %max3A_1216 : vector<16xi32>
    %broadcast_in_dim3A_1218 = arith.constant true
    %broadcast_in_dim3A_1219 = vector.broadcast %broadcast_in_dim3A_1218 : i1 to vector<16xi1>
    %masked_cumsum3A_1220 = tpu.scan <sum>, %max3A_1217 masked %broadcast_in_dim3A_1219 : vector<16xi32>, vector<16xi1> -> vector<16xi32>
    %add3A_1221 = vector.broadcast %add3A_1212 : i32 to vector<16xi32>
    %add3A_1222 = arith.addi %masked_cumsum3A_1220, %add3A_1221 : vector<16xi32>
    %sub3A_1223 = vector.broadcast %mul3A_32 : i32 to vector<16xi32>
    %sub3A_1224 = arith.subi %add3A_1222, %sub3A_1223 : vector<16xi32>
    %ge3A_1225 = arith.constant 0 : i32
    %ge3A_1226 = vector.broadcast %ge3A_1225 : i32 to vector<16xi32>
    %ge3A_1227 = arith.cmpi sge, %sub3A_1224, %ge3A_1226 : vector<16xi32>
    %lt3A_1228 = arith.constant 1024 : i32
    %lt3A_1229 = vector.broadcast %lt3A_1228 : i32 to vector<16xi32>
    %lt3A_1230 = arith.cmpi slt, %sub3A_1224, %lt3A_1229 : vector<16xi32>
    %and3A_1231 = arith.andi %ge3A_1227, %lt3A_1230 : vector<16xi1>
    tpu.vector_store_idx %arg6[%sub3A_1224], %broadcast_in_dim3A_288 masked %and3A_1231 {add = true} : memref<1024xi32, #tpu.memory_space<vmem>>[vector<16xi32>], vector<16xi32>, vector<16xi1>
    %lt3A_1232 = arith.constant 0 : i32
    %lt3A_1233 = vector.broadcast %lt3A_1232 : i32 to vector<16xi32>
    %lt3A_1234 = arith.cmpi slt, %sub3A_1224, %lt3A_1233 : vector<16xi32>
    %select_n3A_1235 = arith.select %lt3A_1234, %broadcast_in_dim3A_288, %broadcast_in_dim3A_290 : vector<16xi1>, vector<16xi32>
    %reduce_sum3A_1236 = arith.constant true
    %reduce_sum3A_1237 = vector.broadcast %reduce_sum3A_1236 : i1 to vector<16xi1>
    %reduce_sum3A_1238 = tpu.scan <sum>, %select_n3A_1235 masked %reduce_sum3A_1237 : vector<16xi32>, vector<16xi1> -> vector<16xi32>
    %reduce_sum3A_1239 = vector.extract %reduce_sum3A_1238[15] : i32 from vector<16xi32>
    %add3A_1240 = arith.addi %add3A_1207, %reduce_sum3A_1239 : i32
    %reduce_sum3A_1241 = arith.constant true
    %reduce_sum3A_1242 = vector.broadcast %reduce_sum3A_1241 : i1 to vector<16xi1>
    %reduce_sum3A_1243 = tpu.scan <sum>, %max3A_1217 masked %reduce_sum3A_1242 : vector<16xi32>, vector<16xi1> -> vector<16xi32>
    %reduce_sum3A_1244 = vector.extract %reduce_sum3A_1243[15] : i32 from vector<16xi32>
    %add3A_1245 = arith.addi %add3A_1212, %reduce_sum3A_1244 : i32
    %get3A_1246 = arith.constant 464 : index
    %get3A_1247 = tpu.vector_load %arg5[%get3A_1246] {strides = array<i32>} : memref<512xi32, #tpu.memory_space<vmem>>, vector<16xi32>,
    %max3A_1248 = arith.constant 1 : i32
    %max3A_1249 = vector.broadcast %max3A_1248 : i32 to vector<16xi32>
    %max3A_1250 = arith.maxsi %get3A_1247, %max3A_1249 : vector<16xi32>
    %broadcast_in_dim3A_1251 = arith.constant true
    %broadcast_in_dim3A_1252 = vector.broadcast %broadcast_in_dim3A_1251 : i1 to vector<16xi1>
    %masked_cumsum3A_1253 = tpu.scan <sum>, %max3A_1250 masked %broadcast_in_dim3A_1252 : vector<16xi32>, vector<16xi1> -> vector<16xi32>
    %add3A_1254 = vector.broadcast %add3A_1245 : i32 to vector<16xi32>
    %add3A_1255 = arith.addi %masked_cumsum3A_1253, %add3A_1254 : vector<16xi32>
    %sub3A_1256 = vector.broadcast %mul3A_32 : i32 to vector<16xi32>
    %sub3A_1257 = arith.subi %add3A_1255, %sub3A_1256 : vector<16xi32>
    %ge3A_1258 = arith.constant 0 : i32
    %ge3A_1259 = vector.broadcast %ge3A_1258 : i32 to vector<16xi32>
    %ge3A_1260 = arith.cmpi sge, %sub3A_1257, %ge3A_1259 : vector<16xi32>
    %lt3A_1261 = arith.constant 1024 : i32
    %lt3A_1262 = vector.broadcast %lt3A_1261 : i32 to vector<16xi32>
    %lt3A_1263 = arith.cmpi slt, %sub3A_1257, %lt3A_1262 : vector<16xi32>
    %and3A_1264 = arith.andi %ge3A_1260, %lt3A_1263 : vector<16xi1>
    tpu.vector_store_idx %arg6[%sub3A_1257], %broadcast_in_dim3A_288 masked %and3A_1264 {add = true} : memref<1024xi32, #tpu.memory_space<vmem>>[vector<16xi32>], vector<16xi32>, vector<16xi1>
    %lt3A_1265 = arith.constant 0 : i32
    %lt3A_1266 = vector.broadcast %lt3A_1265 : i32 to vector<16xi32>
    %lt3A_1267 = arith.cmpi slt, %sub3A_1257, %lt3A_1266 : vector<16xi32>
    %select_n3A_1268 = arith.select %lt3A_1267, %broadcast_in_dim3A_288, %broadcast_in_dim3A_290 : vector<16xi1>, vector<16xi32>
    %reduce_sum3A_1269 = arith.constant true
    %reduce_sum3A_1270 = vector.broadcast %reduce_sum3A_1269 : i1 to vector<16xi1>
    %reduce_sum3A_1271 = tpu.scan <sum>, %select_n3A_1268 masked %reduce_sum3A_1270 : vector<16xi32>, vector<16xi1> -> vector<16xi32>
    %reduce_sum3A_1272 = vector.extract %reduce_sum3A_1271[15] : i32 from vector<16xi32>
    %add3A_1273 = arith.addi %add3A_1240, %reduce_sum3A_1272 : i32
    %reduce_sum3A_1274 = arith.constant true
    %reduce_sum3A_1275 = vector.broadcast %reduce_sum3A_1274 : i1 to vector<16xi1>
    %reduce_sum3A_1276 = tpu.scan <sum>, %max3A_1250 masked %reduce_sum3A_1275 : vector<16xi32>, vector<16xi1> -> vector<16xi32>
    %reduce_sum3A_1277 = vector.extract %reduce_sum3A_1276[15] : i32 from vector<16xi32>
    %add3A_1278 = arith.addi %add3A_1245, %reduce_sum3A_1277 : i32
    %get3A_1279 = arith.constant 480 : index
    %get3A_1280 = tpu.vector_load %arg5[%get3A_1279] {strides = array<i32>} : memref<512xi32, #tpu.memory_space<vmem>>, vector<16xi32>,
    %max3A_1281 = arith.constant 1 : i32
    %max3A_1282 = vector.broadcast %max3A_1281 : i32 to vector<16xi32>
    %max3A_1283 = arith.maxsi %get3A_1280, %max3A_1282 : vector<16xi32>
    %broadcast_in_dim3A_1284 = arith.constant true
    %broadcast_in_dim3A_1285 = vector.broadcast %broadcast_in_dim3A_1284 : i1 to vector<16xi1>
    %masked_cumsum3A_1286 = tpu.scan <sum>, %max3A_1283 masked %broadcast_in_dim3A_1285 : vector<16xi32>, vector<16xi1> -> vector<16xi32>
    %add3A_1287 = vector.broadcast %add3A_1278 : i32 to vector<16xi32>
    %add3A_1288 = arith.addi %masked_cumsum3A_1286, %add3A_1287 : vector<16xi32>
    %sub3A_1289 = vector.broadcast %mul3A_32 : i32 to vector<16xi32>
    %sub3A_1290 = arith.subi %add3A_1288, %sub3A_1289 : vector<16xi32>
    %ge3A_1291 = arith.constant 0 : i32
    %ge3A_1292 = vector.broadcast %ge3A_1291 : i32 to vector<16xi32>
    %ge3A_1293 = arith.cmpi sge, %sub3A_1290, %ge3A_1292 : vector<16xi32>
    %lt3A_1294 = arith.constant 1024 : i32
    %lt3A_1295 = vector.broadcast %lt3A_1294 : i32 to vector<16xi32>
    %lt3A_1296 = arith.cmpi slt, %sub3A_1290, %lt3A_1295 : vector<16xi32>
    %and3A_1297 = arith.andi %ge3A_1293, %lt3A_1296 : vector<16xi1>
    tpu.vector_store_idx %arg6[%sub3A_1290], %broadcast_in_dim3A_288 masked %and3A_1297 {add = true} : memref<1024xi32, #tpu.memory_space<vmem>>[vector<16xi32>], vector<16xi32>, vector<16xi1>
    %lt3A_1298 = arith.constant 0 : i32
    %lt3A_1299 = vector.broadcast %lt3A_1298 : i32 to vector<16xi32>
    %lt3A_1300 = arith.cmpi slt, %sub3A_1290, %lt3A_1299 : vector<16xi32>
    %select_n3A_1301 = arith.select %lt3A_1300, %broadcast_in_dim3A_288, %broadcast_in_dim3A_290 : vector<16xi1>, vector<16xi32>
    %reduce_sum3A_1302 = arith.constant true
    %reduce_sum3A_1303 = vector.broadcast %reduce_sum3A_1302 : i1 to vector<16xi1>
    %reduce_sum3A_1304 = tpu.scan <sum>, %select_n3A_1301 masked %reduce_sum3A_1303 : vector<16xi32>, vector<16xi1> -> vector<16xi32>
    %reduce_sum3A_1305 = vector.extract %reduce_sum3A_1304[15] : i32 from vector<16xi32>
    %add3A_1306 = arith.addi %add3A_1273, %reduce_sum3A_1305 : i32
    %reduce_sum3A_1307 = arith.constant true
    %reduce_sum3A_1308 = vector.broadcast %reduce_sum3A_1307 : i1 to vector<16xi1>
    %reduce_sum3A_1309 = tpu.scan <sum>, %max3A_1283 masked %reduce_sum3A_1308 : vector<16xi32>, vector<16xi1> -> vector<16xi32>
    %reduce_sum3A_1310 = vector.extract %reduce_sum3A_1309[15] : i32 from vector<16xi32>
    %add3A_1311 = arith.addi %add3A_1278, %reduce_sum3A_1310 : i32
    %get3A_1312 = arith.constant 496 : index
    %get3A_1313 = tpu.vector_load %arg5[%get3A_1312] {strides = array<i32>} : memref<512xi32, #tpu.memory_space<vmem>>, vector<16xi32>,
    %max3A_1314 = arith.constant 1 : i32
    %max3A_1315 = vector.broadcast %max3A_1314 : i32 to vector<16xi32>
    %max3A_1316 = arith.maxsi %get3A_1313, %max3A_1315 : vector<16xi32>
    %broadcast_in_dim3A_1317 = arith.constant true
    %broadcast_in_dim3A_1318 = vector.broadcast %broadcast_in_dim3A_1317 : i1 to vector<16xi1>
    %masked_cumsum3A_1319 = tpu.scan <sum>, %max3A_1316 masked %broadcast_in_dim3A_1318 : vector<16xi32>, vector<16xi1> -> vector<16xi32>
    %add3A_1320 = vector.broadcast %add3A_1311 : i32 to vector<16xi32>
    %add3A_1321 = arith.addi %masked_cumsum3A_1319, %add3A_1320 : vector<16xi32>
    %sub3A_1322 = vector.broadcast %mul3A_32 : i32 to vector<16xi32>
    %sub3A_1323 = arith.subi %add3A_1321, %sub3A_1322 : vector<16xi32>
    %ge3A_1324 = arith.constant 0 : i32
    %ge3A_1325 = vector.broadcast %ge3A_1324 : i32 to vector<16xi32>
    %ge3A_1326 = arith.cmpi sge, %sub3A_1323, %ge3A_1325 : vector<16xi32>
    %lt3A_1327 = arith.constant 1024 : i32
    %lt3A_1328 = vector.broadcast %lt3A_1327 : i32 to vector<16xi32>
    %lt3A_1329 = arith.cmpi slt, %sub3A_1323, %lt3A_1328 : vector<16xi32>
    %and3A_1330 = arith.andi %ge3A_1326, %lt3A_1329 : vector<16xi1>
    tpu.vector_store_idx %arg6[%sub3A_1323], %broadcast_in_dim3A_288 masked %and3A_1330 {add = true} : memref<1024xi32, #tpu.memory_space<vmem>>[vector<16xi32>], vector<16xi32>, vector<16xi1>
    %lt3A_1331 = arith.constant 0 : i32
    %lt3A_1332 = vector.broadcast %lt3A_1331 : i32 to vector<16xi32>
    %lt3A_1333 = arith.cmpi slt, %sub3A_1323, %lt3A_1332 : vector<16xi32>
    %select_n3A_1334 = arith.select %lt3A_1333, %broadcast_in_dim3A_288, %broadcast_in_dim3A_290 : vector<16xi1>, vector<16xi32>
    %reduce_sum3A_1335 = arith.constant true
    %reduce_sum3A_1336 = vector.broadcast %reduce_sum3A_1335 : i1 to vector<16xi1>
    %reduce_sum3A_1337 = tpu.scan <sum>, %select_n3A_1334 masked %reduce_sum3A_1336 : vector<16xi32>, vector<16xi1> -> vector<16xi32>
    %reduce_sum3A_1338 = vector.extract %reduce_sum3A_1337[15] : i32 from vector<16xi32>
    %add3A_1339 = arith.addi %add3A_1306, %reduce_sum3A_1338 : i32
    %reduce_sum3A_1340 = arith.constant true
    %reduce_sum3A_1341 = vector.broadcast %reduce_sum3A_1340 : i1 to vector<16xi1>
    %reduce_sum3A_1342 = tpu.scan <sum>, %max3A_1316 masked %reduce_sum3A_1341 : vector<16xi32>, vector<16xi1> -> vector<16xi32>
    %reduce_sum3A_1343 = vector.extract %reduce_sum3A_1342[15] : i32 from vector<16xi32>
    %add3A_1344 = arith.addi %add3A_1311, %reduce_sum3A_1343 : i32
    %mul3A_1345 = arith.constant 512 : i32
    %mul3A_1346 = arith.muli %select_n3A, %mul3A_1345 : i32
    %add3A_1347 = arith.addi %add3A_1339, %mul3A_1346 : i32
    %mul3A_1348 = arith.constant 512 : i32
    %mul3A_1349 = arith.muli %select_n3A, %mul3A_1348 : i32
    %add3A_1350 = arith.constant 511 : i32
    %add3A_1351 = arith.addi %mul3A_1349, %add3A_1350 : i32
    %get3A_1352 = arith.constant 0 : index
    %get3A_1353 = tpu.vector_load %arg6[%get3A_1352] {strides = array<i32>} : memref<1024xi32, #tpu.memory_space<vmem>>, vector<16xi32>,
    %broadcast_in_dim3A_1354 = arith.constant true
    %broadcast_in_dim3A_1355 = vector.broadcast %broadcast_in_dim3A_1354 : i1 to vector<16xi1>
    %masked_cumsum3A_1356 = tpu.scan <sum>, %get3A_1353 masked %broadcast_in_dim3A_1355 : vector<16xi32>, vector<16xi1> -> vector<16xi32>
    %add3A_1357 = vector.broadcast %add3A_1347 : i32 to vector<16xi32>
    %add3A_1358 = arith.addi %masked_cumsum3A_1356, %add3A_1357 : vector<16xi32>
    %min3A = vector.broadcast %add3A_1351 : i32 to vector<16xi32>
    %min3A_1359 = arith.minsi %add3A_1358, %min3A : vector<16xi32>
    %swap3A_1360 = arith.constant 0 : i32
    %swap3A_1361 = arith.index_cast %swap3A_1360 : i32 to index
    %swap3A_1362 = arith.constant 0 : index
    %swap3A_1363 = tpu.vector_load %arg7[%swap3A_1361, %swap3A_1362] {strides = array<i32>} : memref<16x64xi32, #tpu.memory_space<vmem>>, vector<16xi32>,
    tpu.vector_store %arg7[%swap3A_1361, %swap3A_1362], %min3A_1359 {strides = array<i32>} : memref<16x64xi32, #tpu.memory_space<vmem>>, vector<16xi32>,
    %reduce_sum3A_1364 = arith.constant true
    %reduce_sum3A_1365 = vector.broadcast %reduce_sum3A_1364 : i1 to vector<16xi1>
    %reduce_sum3A_1366 = tpu.scan <sum>, %get3A_1353 masked %reduce_sum3A_1365 : vector<16xi32>, vector<16xi1> -> vector<16xi32>
    %reduce_sum3A_1367 = vector.extract %reduce_sum3A_1366[15] : i32 from vector<16xi32>
    %add3A_1368 = arith.addi %add3A_1347, %reduce_sum3A_1367 : i32
    %get3A_1369 = arith.constant 16 : index
    %get3A_1370 = tpu.vector_load %arg6[%get3A_1369] {strides = array<i32>} : memref<1024xi32, #tpu.memory_space<vmem>>, vector<16xi32>,
    %broadcast_in_dim3A_1371 = arith.constant true
    %broadcast_in_dim3A_1372 = vector.broadcast %broadcast_in_dim3A_1371 : i1 to vector<16xi1>
    %masked_cumsum3A_1373 = tpu.scan <sum>, %get3A_1370 masked %broadcast_in_dim3A_1372 : vector<16xi32>, vector<16xi1> -> vector<16xi32>
    %add3A_1374 = vector.broadcast %add3A_1368 : i32 to vector<16xi32>
    %add3A_1375 = arith.addi %masked_cumsum3A_1373, %add3A_1374 : vector<16xi32>
    %min3A_1376 = vector.broadcast %add3A_1351 : i32 to vector<16xi32>
    %min3A_1377 = arith.minsi %add3A_1375, %min3A_1376 : vector<16xi32>
    %swap3A_1378 = arith.constant 0 : i32
    %swap3A_1379 = arith.index_cast %swap3A_1378 : i32 to index
    %swap3A_1380 = arith.constant 16 : index
    %swap3A_1381 = tpu.vector_load %arg7[%swap3A_1379, %swap3A_1380] {strides = array<i32>} : memref<16x64xi32, #tpu.memory_space<vmem>>, vector<16xi32>,
    tpu.vector_store %arg7[%swap3A_1379, %swap3A_1380], %min3A_1377 {strides = array<i32>} : memref<16x64xi32, #tpu.memory_space<vmem>>, vector<16xi32>,
    %reduce_sum3A_1382 = arith.constant true
    %reduce_sum3A_1383 = vector.broadcast %reduce_sum3A_1382 : i1 to vector<16xi1>
    %reduce_sum3A_1384 = tpu.scan <sum>, %get3A_1370 masked %reduce_sum3A_1383 : vector<16xi32>, vector<16xi1> -> vector<16xi32>
    %reduce_sum3A_1385 = vector.extract %reduce_sum3A_1384[15] : i32 from vector<16xi32>
    %add3A_1386 = arith.addi %add3A_1368, %reduce_sum3A_1385 : i32
    %get3A_1387 = arith.constant 32 : index
    %get3A_1388 = tpu.vector_load %arg6[%get3A_1387] {strides = array<i32>} : memref<1024xi32, #tpu.memory_space<vmem>>, vector<16xi32>,
    %broadcast_in_dim3A_1389 = arith.constant true
    %broadcast_in_dim3A_1390 = vector.broadcast %broadcast_in_dim3A_1389 : i1 to vector<16xi1>
    %masked_cumsum3A_1391 = tpu.scan <sum>, %get3A_1388 masked %broadcast_in_dim3A_1390 : vector<16xi32>, vector<16xi1> -> vector<16xi32>
    %add3A_1392 = vector.broadcast %add3A_1386 : i32 to vector<16xi32>
    %add3A_1393 = arith.addi %masked_cumsum3A_1391, %add3A_1392 : vector<16xi32>
    %min3A_1394 = vector.broadcast %add3A_1351 : i32 to vector<16xi32>
    %min3A_1395 = arith.minsi %add3A_1393, %min3A_1394 : vector<16xi32>
    %swap3A_1396 = arith.constant 0 : i32
    %swap3A_1397 = arith.index_cast %swap3A_1396 : i32 to index
    %swap3A_1398 = arith.constant 32 : index
    %swap3A_1399 = tpu.vector_load %arg7[%swap3A_1397, %swap3A_1398] {strides = array<i32>} : memref<16x64xi32, #tpu.memory_space<vmem>>, vector<16xi32>,
    tpu.vector_store %arg7[%swap3A_1397, %swap3A_1398], %min3A_1395 {strides = array<i32>} : memref<16x64xi32, #tpu.memory_space<vmem>>, vector<16xi32>,
    %reduce_sum3A_1400 = arith.constant true
    %reduce_sum3A_1401 = vector.broadcast %reduce_sum3A_1400 : i1 to vector<16xi1>
    %reduce_sum3A_1402 = tpu.scan <sum>, %get3A_1388 masked %reduce_sum3A_1401 : vector<16xi32>, vector<16xi1> -> vector<16xi32>
    %reduce_sum3A_1403 = vector.extract %reduce_sum3A_1402[15] : i32 from vector<16xi32>
    %add3A_1404 = arith.addi %add3A_1386, %reduce_sum3A_1403 : i32
    %get3A_1405 = arith.constant 48 : index
    %get3A_1406 = tpu.vector_load %arg6[%get3A_1405] {strides = array<i32>} : memref<1024xi32, #tpu.memory_space<vmem>>, vector<16xi32>,
    %broadcast_in_dim3A_1407 = arith.constant true
    %broadcast_in_dim3A_1408 = vector.broadcast %broadcast_in_dim3A_1407 : i1 to vector<16xi1>
    %masked_cumsum3A_1409 = tpu.scan <sum>, %get3A_1406 masked %broadcast_in_dim3A_1408 : vector<16xi32>, vector<16xi1> -> vector<16xi32>
    %add3A_1410 = vector.broadcast %add3A_1404 : i32 to vector<16xi32>
    %add3A_1411 = arith.addi %masked_cumsum3A_1409, %add3A_1410 : vector<16xi32>
    %min3A_1412 = vector.broadcast %add3A_1351 : i32 to vector<16xi32>
    %min3A_1413 = arith.minsi %add3A_1411, %min3A_1412 : vector<16xi32>
    %swap3A_1414 = arith.constant 0 : i32
    %swap3A_1415 = arith.index_cast %swap3A_1414 : i32 to index
    %swap3A_1416 = arith.constant 48 : index
    %swap3A_1417 = tpu.vector_load %arg7[%swap3A_1415, %swap3A_1416] {strides = array<i32>} : memref<16x64xi32, #tpu.memory_space<vmem>>, vector<16xi32>,
    tpu.vector_store %arg7[%swap3A_1415, %swap3A_1416], %min3A_1413 {strides = array<i32>} : memref<16x64xi32, #tpu.memory_space<vmem>>, vector<16xi32>,
    %reduce_sum3A_1418 = arith.constant true
    %reduce_sum3A_1419 = vector.broadcast %reduce_sum3A_1418 : i1 to vector<16xi1>
    %reduce_sum3A_1420 = tpu.scan <sum>, %get3A_1406 masked %reduce_sum3A_1419 : vector<16xi32>, vector<16xi1> -> vector<16xi32>
    %reduce_sum3A_1421 = vector.extract %reduce_sum3A_1420[15] : i32 from vector<16xi32>
    %add3A_1422 = arith.addi %add3A_1404, %reduce_sum3A_1421 : i32
    %dma_start3A = arith.constant 0 : i32
    %dma_start3A_1423 = arith.constant 0 : i32
    %dma_start3A_1424 = tpu.memref_slice %arg7[%dma_start3A, %dma_start3A_1423] : memref<16x64xi32, #tpu.memory_space<vmem>> -> memref<1x64xi32, #tpu.memory_space<vmem>>
    %dma_start3A_1425 = tpu.memref_squeeze %dma_start3A_1424 : memref<1x64xi32, #tpu.memory_space<vmem>> -> memref<64xi32, #tpu.memory_space<vmem>>
    %dma_start3A_1426 = arith.constant 0 : i32
    %dma_start3A_1427 = arith.constant 0 : i32
    %dma_start3A_1428 = tpu.memref_slice %arg2[%dma_start3A_1426, %dma_start3A_1427] : memref<8192x384xf32, #tpu.memory_space<hbm>> -> memref<8192x384xf32, #tpu.memory_space<hbm>>
    tpu.enqueue_indirect_dma source(%dma_start3A_1428 : memref<8192x384xf32, #tpu.memory_space<hbm>>) target(%arg8 : memref<64x384xf32, #tpu.memory_space<vmem>>) offsets(%dma_start3A_1425 : memref<64xi32, #tpu.memory_space<vmem>>) semaphore(%arg13 : memref<!tpu.dma_semaphore, #tpu.memory_space<semaphore_mem>>)
    %get3A_1429 = arith.constant 64 : index
    %get3A_1430 = tpu.vector_load %arg6[%get3A_1429] {strides = array<i32>} : memref<1024xi32, #tpu.memory_space<vmem>>, vector<16xi32>,
    %broadcast_in_dim3A_1431 = arith.constant true
    %broadcast_in_dim3A_1432 = vector.broadcast %broadcast_in_dim3A_1431 : i1 to vector<16xi1>
    %masked_cumsum3A_1433 = tpu.scan <sum>, %get3A_1430 masked %broadcast_in_dim3A_1432 : vector<16xi32>, vector<16xi1> -> vector<16xi32>
    %add3A_1434 = vector.broadcast %add3A_1422 : i32 to vector<16xi32>
    %add3A_1435 = arith.addi %masked_cumsum3A_1433, %add3A_1434 : vector<16xi32>
    %min3A_1436 = vector.broadcast %add3A_1351 : i32 to vector<16xi32>
    %min3A_1437 = arith.minsi %add3A_1435, %min3A_1436 : vector<16xi32>
    %swap3A_1438 = arith.constant 1 : i32
    %swap3A_1439 = arith.index_cast %swap3A_1438 : i32 to index
    %swap3A_1440 = arith.constant 0 : index
    %swap3A_1441 = tpu.vector_load %arg7[%swap3A_1439, %swap3A_1440] {strides = array<i32>} : memref<16x64xi32, #tpu.memory_space<vmem>>, vector<16xi32>,
    tpu.vector_store %arg7[%swap3A_1439, %swap3A_1440], %min3A_1437 {strides = array<i32>} : memref<16x64xi32, #tpu.memory_space<vmem>>, vector<16xi32>,
    %reduce_sum3A_1442 = arith.constant true
    %reduce_sum3A_1443 = vector.broadcast %reduce_sum3A_1442 : i1 to vector<16xi1>
    %reduce_sum3A_1444 = tpu.scan <sum>, %get3A_1430 masked %reduce_sum3A_1443 : vector<16xi32>, vector<16xi1> -> vector<16xi32>
    %reduce_sum3A_1445 = vector.extract %reduce_sum3A_1444[15] : i32 from vector<16xi32>
    %add3A_1446 = arith.addi %add3A_1422, %reduce_sum3A_1445 : i32
    %get3A_1447 = arith.constant 80 : index
    %get3A_1448 = tpu.vector_load %arg6[%get3A_1447] {strides = array<i32>} : memref<1024xi32, #tpu.memory_space<vmem>>, vector<16xi32>,
    %broadcast_in_dim3A_1449 = arith.constant true
    %broadcast_in_dim3A_1450 = vector.broadcast %broadcast_in_dim3A_1449 : i1 to vector<16xi1>
    %masked_cumsum3A_1451 = tpu.scan <sum>, %get3A_1448 masked %broadcast_in_dim3A_1450 : vector<16xi32>, vector<16xi1> -> vector<16xi32>
    %add3A_1452 = vector.broadcast %add3A_1446 : i32 to vector<16xi32>
    %add3A_1453 = arith.addi %masked_cumsum3A_1451, %add3A_1452 : vector<16xi32>
    %min3A_1454 = vector.broadcast %add3A_1351 : i32 to vector<16xi32>
    %min3A_1455 = arith.minsi %add3A_1453, %min3A_1454 : vector<16xi32>
    %swap3A_1456 = arith.constant 1 : i32
    %swap3A_1457 = arith.index_cast %swap3A_1456 : i32 to index
    %swap3A_1458 = arith.constant 16 : index
    %swap3A_1459 = tpu.vector_load %arg7[%swap3A_1457, %swap3A_1458] {strides = array<i32>} : memref<16x64xi32, #tpu.memory_space<vmem>>, vector<16xi32>,
    tpu.vector_store %arg7[%swap3A_1457, %swap3A_1458], %min3A_1455 {strides = array<i32>} : memref<16x64xi32, #tpu.memory_space<vmem>>, vector<16xi32>,
    %reduce_sum3A_1460 = arith.constant true
    %reduce_sum3A_1461 = vector.broadcast %reduce_sum3A_1460 : i1 to vector<16xi1>
    %reduce_sum3A_1462 = tpu.scan <sum>, %get3A_1448 masked %reduce_sum3A_1461 : vector<16xi32>, vector<16xi1> -> vector<16xi32>
    %reduce_sum3A_1463 = vector.extract %reduce_sum3A_1462[15] : i32 from vector<16xi32>
    %add3A_1464 = arith.addi %add3A_1446, %reduce_sum3A_1463 : i32
    %get3A_1465 = arith.constant 96 : index
    %get3A_1466 = tpu.vector_load %arg6[%get3A_1465] {strides = array<i32>} : memref<1024xi32, #tpu.memory_space<vmem>>, vector<16xi32>,
    %broadcast_in_dim3A_1467 = arith.constant true
    %broadcast_in_dim3A_1468 = vector.broadcast %broadcast_in_dim3A_1467 : i1 to vector<16xi1>
    %masked_cumsum3A_1469 = tpu.scan <sum>, %get3A_1466 masked %broadcast_in_dim3A_1468 : vector<16xi32>, vector<16xi1> -> vector<16xi32>
    %add3A_1470 = vector.broadcast %add3A_1464 : i32 to vector<16xi32>
    %add3A_1471 = arith.addi %masked_cumsum3A_1469, %add3A_1470 : vector<16xi32>
    %min3A_1472 = vector.broadcast %add3A_1351 : i32 to vector<16xi32>
    %min3A_1473 = arith.minsi %add3A_1471, %min3A_1472 : vector<16xi32>
    %swap3A_1474 = arith.constant 1 : i32
    %swap3A_1475 = arith.index_cast %swap3A_1474 : i32 to index
    %swap3A_1476 = arith.constant 32 : index
    %swap3A_1477 = tpu.vector_load %arg7[%swap3A_1475, %swap3A_1476] {strides = array<i32>} : memref<16x64xi32, #tpu.memory_space<vmem>>, vector<16xi32>,
    tpu.vector_store %arg7[%swap3A_1475, %swap3A_1476], %min3A_1473 {strides = array<i32>} : memref<16x64xi32, #tpu.memory_space<vmem>>, vector<16xi32>,
    %reduce_sum3A_1478 = arith.constant true
    %reduce_sum3A_1479 = vector.broadcast %reduce_sum3A_1478 : i1 to vector<16xi1>
    %reduce_sum3A_1480 = tpu.scan <sum>, %get3A_1466 masked %reduce_sum3A_1479 : vector<16xi32>, vector<16xi1> -> vector<16xi32>
    %reduce_sum3A_1481 = vector.extract %reduce_sum3A_1480[15] : i32 from vector<16xi32>
    %add3A_1482 = arith.addi %add3A_1464, %reduce_sum3A_1481 : i32
    %get3A_1483 = arith.constant 112 : index
    %get3A_1484 = tpu.vector_load %arg6[%get3A_1483] {strides = array<i32>} : memref<1024xi32, #tpu.memory_space<vmem>>, vector<16xi32>,
    %broadcast_in_dim3A_1485 = arith.constant true
    %broadcast_in_dim3A_1486 = vector.broadcast %broadcast_in_dim3A_1485 : i1 to vector<16xi1>
    %masked_cumsum3A_1487 = tpu.scan <sum>, %get3A_1484 masked %broadcast_in_dim3A_1486 : vector<16xi32>, vector<16xi1> -> vector<16xi32>
    %add3A_1488 = vector.broadcast %add3A_1482 : i32 to vector<16xi32>
    %add3A_1489 = arith.addi %masked_cumsum3A_1487, %add3A_1488 : vector<16xi32>
    %min3A_1490 = vector.broadcast %add3A_1351 : i32 to vector<16xi32>
    %min3A_1491 = arith.minsi %add3A_1489, %min3A_1490 : vector<16xi32>
    %swap3A_1492 = arith.constant 1 : i32
    %swap3A_1493 = arith.index_cast %swap3A_1492 : i32 to index
    %swap3A_1494 = arith.constant 48 : index
    %swap3A_1495 = tpu.vector_load %arg7[%swap3A_1493, %swap3A_1494] {strides = array<i32>} : memref<16x64xi32, #tpu.memory_space<vmem>>, vector<16xi32>,
    tpu.vector_store %arg7[%swap3A_1493, %swap3A_1494], %min3A_1491 {strides = array<i32>} : memref<16x64xi32, #tpu.memory_space<vmem>>, vector<16xi32>,
    %reduce_sum3A_1496 = arith.constant true
    %reduce_sum3A_1497 = vector.broadcast %reduce_sum3A_1496 : i1 to vector<16xi1>
    %reduce_sum3A_1498 = tpu.scan <sum>, %get3A_1484 masked %reduce_sum3A_1497 : vector<16xi32>, vector<16xi1> -> vector<16xi32>
    %reduce_sum3A_1499 = vector.extract %reduce_sum3A_1498[15] : i32 from vector<16xi32>
    %add3A_1500 = arith.addi %add3A_1482, %reduce_sum3A_1499 : i32
    %dma_start3A_1501 = arith.constant 1 : i32
    %dma_start3A_1502 = arith.constant 0 : i32
    %dma_start3A_1503 = tpu.memref_slice %arg7[%dma_start3A_1501, %dma_start3A_1502] : memref<16x64xi32, #tpu.memory_space<vmem>> -> memref<1x64xi32, #tpu.memory_space<vmem>>
    %dma_start3A_1504 = tpu.memref_squeeze %dma_start3A_1503 : memref<1x64xi32, #tpu.memory_space<vmem>> -> memref<64xi32, #tpu.memory_space<vmem>>
    %dma_start3A_1505 = arith.constant 0 : i32
    %dma_start3A_1506 = arith.constant 0 : i32
    %dma_start3A_1507 = tpu.memref_slice %arg2[%dma_start3A_1505, %dma_start3A_1506] : memref<8192x384xf32, #tpu.memory_space<hbm>> -> memref<8192x384xf32, #tpu.memory_space<hbm>>
    tpu.enqueue_indirect_dma source(%dma_start3A_1507 : memref<8192x384xf32, #tpu.memory_space<hbm>>) target(%arg9 : memref<64x384xf32, #tpu.memory_space<vmem>>) offsets(%dma_start3A_1504 : memref<64xi32, #tpu.memory_space<vmem>>) semaphore(%arg14 : memref<!tpu.dma_semaphore, #tpu.memory_space<semaphore_mem>>)
    %get3A_1508 = arith.constant 128 : index
    %get3A_1509 = tpu.vector_load %arg6[%get3A_1508] {strides = array<i32>} : memref<1024xi32, #tpu.memory_space<vmem>>, vector<16xi32>,
    %broadcast_in_dim3A_1510 = arith.constant true
    %broadcast_in_dim3A_1511 = vector.broadcast %broadcast_in_dim3A_1510 : i1 to vector<16xi1>
    %masked_cumsum3A_1512 = tpu.scan <sum>, %get3A_1509 masked %broadcast_in_dim3A_1511 : vector<16xi32>, vector<16xi1> -> vector<16xi32>
    %add3A_1513 = vector.broadcast %add3A_1500 : i32 to vector<16xi32>
    %add3A_1514 = arith.addi %masked_cumsum3A_1512, %add3A_1513 : vector<16xi32>
    %min3A_1515 = vector.broadcast %add3A_1351 : i32 to vector<16xi32>
    %min3A_1516 = arith.minsi %add3A_1514, %min3A_1515 : vector<16xi32>
    %swap3A_1517 = arith.constant 2 : i32
    %swap3A_1518 = arith.index_cast %swap3A_1517 : i32 to index
    %swap3A_1519 = arith.constant 0 : index
    %swap3A_1520 = tpu.vector_load %arg7[%swap3A_1518, %swap3A_1519] {strides = array<i32>} : memref<16x64xi32, #tpu.memory_space<vmem>>, vector<16xi32>,
    tpu.vector_store %arg7[%swap3A_1518, %swap3A_1519], %min3A_1516 {strides = array<i32>} : memref<16x64xi32, #tpu.memory_space<vmem>>, vector<16xi32>,
    %reduce_sum3A_1521 = arith.constant true
    %reduce_sum3A_1522 = vector.broadcast %reduce_sum3A_1521 : i1 to vector<16xi1>
    %reduce_sum3A_1523 = tpu.scan <sum>, %get3A_1509 masked %reduce_sum3A_1522 : vector<16xi32>, vector<16xi1> -> vector<16xi32>
    %reduce_sum3A_1524 = vector.extract %reduce_sum3A_1523[15] : i32 from vector<16xi32>
    %add3A_1525 = arith.addi %add3A_1500, %reduce_sum3A_1524 : i32
    %get3A_1526 = arith.constant 144 : index
    %get3A_1527 = tpu.vector_load %arg6[%get3A_1526] {strides = array<i32>} : memref<1024xi32, #tpu.memory_space<vmem>>, vector<16xi32>,
    %broadcast_in_dim3A_1528 = arith.constant true
    %broadcast_in_dim3A_1529 = vector.broadcast %broadcast_in_dim3A_1528 : i1 to vector<16xi1>
    %masked_cumsum3A_1530 = tpu.scan <sum>, %get3A_1527 masked %broadcast_in_dim3A_1529 : vector<16xi32>, vector<16xi1> -> vector<16xi32>
    %add3A_1531 = vector.broadcast %add3A_1525 : i32 to vector<16xi32>
    %add3A_1532 = arith.addi %masked_cumsum3A_1530, %add3A_1531 : vector<16xi32>
    %min3A_1533 = vector.broadcast %add3A_1351 : i32 to vector<16xi32>
    %min3A_1534 = arith.minsi %add3A_1532, %min3A_1533 : vector<16xi32>
    %swap3A_1535 = arith.constant 2 : i32
    %swap3A_1536 = arith.index_cast %swap3A_1535 : i32 to index
    %swap3A_1537 = arith.constant 16 : index
    %swap3A_1538 = tpu.vector_load %arg7[%swap3A_1536, %swap3A_1537] {strides = array<i32>} : memref<16x64xi32, #tpu.memory_space<vmem>>, vector<16xi32>,
    tpu.vector_store %arg7[%swap3A_1536, %swap3A_1537], %min3A_1534 {strides = array<i32>} : memref<16x64xi32, #tpu.memory_space<vmem>>, vector<16xi32>,
    %reduce_sum3A_1539 = arith.constant true
    %reduce_sum3A_1540 = vector.broadcast %reduce_sum3A_1539 : i1 to vector<16xi1>
    %reduce_sum3A_1541 = tpu.scan <sum>, %get3A_1527 masked %reduce_sum3A_1540 : vector<16xi32>, vector<16xi1> -> vector<16xi32>
    %reduce_sum3A_1542 = vector.extract %reduce_sum3A_1541[15] : i32 from vector<16xi32>
    %add3A_1543 = arith.addi %add3A_1525, %reduce_sum3A_1542 : i32
    %get3A_1544 = arith.constant 160 : index
    %get3A_1545 = tpu.vector_load %arg6[%get3A_1544] {strides = array<i32>} : memref<1024xi32, #tpu.memory_space<vmem>>, vector<16xi32>,
    %broadcast_in_dim3A_1546 = arith.constant true
    %broadcast_in_dim3A_1547 = vector.broadcast %broadcast_in_dim3A_1546 : i1 to vector<16xi1>
    %masked_cumsum3A_1548 = tpu.scan <sum>, %get3A_1545 masked %broadcast_in_dim3A_1547 : vector<16xi32>, vector<16xi1> -> vector<16xi32>
    %add3A_1549 = vector.broadcast %add3A_1543 : i32 to vector<16xi32>
    %add3A_1550 = arith.addi %masked_cumsum3A_1548, %add3A_1549 : vector<16xi32>
    %min3A_1551 = vector.broadcast %add3A_1351 : i32 to vector<16xi32>
    %min3A_1552 = arith.minsi %add3A_1550, %min3A_1551 : vector<16xi32>
    %swap3A_1553 = arith.constant 2 : i32
    %swap3A_1554 = arith.index_cast %swap3A_1553 : i32 to index
    %swap3A_1555 = arith.constant 32 : index
    %swap3A_1556 = tpu.vector_load %arg7[%swap3A_1554, %swap3A_1555] {strides = array<i32>} : memref<16x64xi32, #tpu.memory_space<vmem>>, vector<16xi32>,
    tpu.vector_store %arg7[%swap3A_1554, %swap3A_1555], %min3A_1552 {strides = array<i32>} : memref<16x64xi32, #tpu.memory_space<vmem>>, vector<16xi32>,
    %reduce_sum3A_1557 = arith.constant true
    %reduce_sum3A_1558 = vector.broadcast %reduce_sum3A_1557 : i1 to vector<16xi1>
    %reduce_sum3A_1559 = tpu.scan <sum>, %get3A_1545 masked %reduce_sum3A_1558 : vector<16xi32>, vector<16xi1> -> vector<16xi32>
    %reduce_sum3A_1560 = vector.extract %reduce_sum3A_1559[15] : i32 from vector<16xi32>
    %add3A_1561 = arith.addi %add3A_1543, %reduce_sum3A_1560 : i32
    %get3A_1562 = arith.constant 176 : index
    %get3A_1563 = tpu.vector_load %arg6[%get3A_1562] {strides = array<i32>} : memref<1024xi32, #tpu.memory_space<vmem>>, vector<16xi32>,
    %broadcast_in_dim3A_1564 = arith.constant true
    %broadcast_in_dim3A_1565 = vector.broadcast %broadcast_in_dim3A_1564 : i1 to vector<16xi1>
    %masked_cumsum3A_1566 = tpu.scan <sum>, %get3A_1563 masked %broadcast_in_dim3A_1565 : vector<16xi32>, vector<16xi1> -> vector<16xi32>
    %add3A_1567 = vector.broadcast %add3A_1561 : i32 to vector<16xi32>
    %add3A_1568 = arith.addi %masked_cumsum3A_1566, %add3A_1567 : vector<16xi32>
    %min3A_1569 = vector.broadcast %add3A_1351 : i32 to vector<16xi32>
    %min3A_1570 = arith.minsi %add3A_1568, %min3A_1569 : vector<16xi32>
    %swap3A_1571 = arith.constant 2 : i32
    %swap3A_1572 = arith.index_cast %swap3A_1571 : i32 to index
    %swap3A_1573 = arith.constant 48 : index
    %swap3A_1574 = tpu.vector_load %arg7[%swap3A_1572, %swap3A_1573] {strides = array<i32>} : memref<16x64xi32, #tpu.memory_space<vmem>>, vector<16xi32>,
    tpu.vector_store %arg7[%swap3A_1572, %swap3A_1573], %min3A_1570 {strides = array<i32>} : memref<16x64xi32, #tpu.memory_space<vmem>>, vector<16xi32>,
    %reduce_sum3A_1575 = arith.constant true
    %reduce_sum3A_1576 = vector.broadcast %reduce_sum3A_1575 : i1 to vector<16xi1>
    %reduce_sum3A_1577 = tpu.scan <sum>, %get3A_1563 masked %reduce_sum3A_1576 : vector<16xi32>, vector<16xi1> -> vector<16xi32>
    %reduce_sum3A_1578 = vector.extract %reduce_sum3A_1577[15] : i32 from vector<16xi32>
    %add3A_1579 = arith.addi %add3A_1561, %reduce_sum3A_1578 : i32
    %dma_start3A_1580 = arith.constant 2 : i32
    %dma_start3A_1581 = arith.constant 0 : i32
    %dma_start3A_1582 = tpu.memref_slice %arg7[%dma_start3A_1580, %dma_start3A_1581] : memref<16x64xi32, #tpu.memory_space<vmem>> -> memref<1x64xi32, #tpu.memory_space<vmem>>
    %dma_start3A_1583 = tpu.memref_squeeze %dma_start3A_1582 : memref<1x64xi32, #tpu.memory_space<vmem>> -> memref<64xi32, #tpu.memory_space<vmem>>
    %dma_start3A_1584 = arith.constant 0 : i32
    %dma_start3A_1585 = arith.constant 0 : i32
    %dma_start3A_1586 = tpu.memref_slice %arg2[%dma_start3A_1584, %dma_start3A_1585] : memref<8192x384xf32, #tpu.memory_space<hbm>> -> memref<8192x384xf32, #tpu.memory_space<hbm>>
    tpu.enqueue_indirect_dma source(%dma_start3A_1586 : memref<8192x384xf32, #tpu.memory_space<hbm>>) target(%arg10 : memref<64x384xf32, #tpu.memory_space<vmem>>) offsets(%dma_start3A_1583 : memref<64xi32, #tpu.memory_space<vmem>>) semaphore(%arg15 : memref<!tpu.dma_semaphore, #tpu.memory_space<semaphore_mem>>)
    %get3A_1587 = arith.constant 192 : index
    %get3A_1588 = tpu.vector_load %arg6[%get3A_1587] {strides = array<i32>} : memref<1024xi32, #tpu.memory_space<vmem>>, vector<16xi32>,
    %broadcast_in_dim3A_1589 = arith.constant true
    %broadcast_in_dim3A_1590 = vector.broadcast %broadcast_in_dim3A_1589 : i1 to vector<16xi1>
    %masked_cumsum3A_1591 = tpu.scan <sum>, %get3A_1588 masked %broadcast_in_dim3A_1590 : vector<16xi32>, vector<16xi1> -> vector<16xi32>
    %add3A_1592 = vector.broadcast %add3A_1579 : i32 to vector<16xi32>
    %add3A_1593 = arith.addi %masked_cumsum3A_1591, %add3A_1592 : vector<16xi32>
    %min3A_1594 = vector.broadcast %add3A_1351 : i32 to vector<16xi32>
    %min3A_1595 = arith.minsi %add3A_1593, %min3A_1594 : vector<16xi32>
    %swap3A_1596 = arith.constant 3 : i32
    %swap3A_1597 = arith.index_cast %swap3A_1596 : i32 to index
    %swap3A_1598 = arith.constant 0 : index
    %swap3A_1599 = tpu.vector_load %arg7[%swap3A_1597, %swap3A_1598] {strides = array<i32>} : memref<16x64xi32, #tpu.memory_space<vmem>>, vector<16xi32>,
    tpu.vector_store %arg7[%swap3A_1597, %swap3A_1598], %min3A_1595 {strides = array<i32>} : memref<16x64xi32, #tpu.memory_space<vmem>>, vector<16xi32>,
    %reduce_sum3A_1600 = arith.constant true
    %reduce_sum3A_1601 = vector.broadcast %reduce_sum3A_1600 : i1 to vector<16xi1>
    %reduce_sum3A_1602 = tpu.scan <sum>, %get3A_1588 masked %reduce_sum3A_1601 : vector<16xi32>, vector<16xi1> -> vector<16xi32>
    %reduce_sum3A_1603 = vector.extract %reduce_sum3A_1602[15] : i32 from vector<16xi32>
    %add3A_1604 = arith.addi %add3A_1579, %reduce_sum3A_1603 : i32
    %get3A_1605 = arith.constant 208 : index
    %get3A_1606 = tpu.vector_load %arg6[%get3A_1605] {strides = array<i32>} : memref<1024xi32, #tpu.memory_space<vmem>>, vector<16xi32>,
    %broadcast_in_dim3A_1607 = arith.constant true
    %broadcast_in_dim3A_1608 = vector.broadcast %broadcast_in_dim3A_1607 : i1 to vector<16xi1>
    %masked_cumsum3A_1609 = tpu.scan <sum>, %get3A_1606 masked %broadcast_in_dim3A_1608 : vector<16xi32>, vector<16xi1> -> vector<16xi32>
    %add3A_1610 = vector.broadcast %add3A_1604 : i32 to vector<16xi32>
    %add3A_1611 = arith.addi %masked_cumsum3A_1609, %add3A_1610 : vector<16xi32>
    %min3A_1612 = vector.broadcast %add3A_1351 : i32 to vector<16xi32>
    %min3A_1613 = arith.minsi %add3A_1611, %min3A_1612 : vector<16xi32>
    %swap3A_1614 = arith.constant 3 : i32
    %swap3A_1615 = arith.index_cast %swap3A_1614 : i32 to index
    %swap3A_1616 = arith.constant 16 : index
    %swap3A_1617 = tpu.vector_load %arg7[%swap3A_1615, %swap3A_1616] {strides = array<i32>} : memref<16x64xi32, #tpu.memory_space<vmem>>, vector<16xi32>,
    tpu.vector_store %arg7[%swap3A_1615, %swap3A_1616], %min3A_1613 {strides = array<i32>} : memref<16x64xi32, #tpu.memory_space<vmem>>, vector<16xi32>,
    %reduce_sum3A_1618 = arith.constant true
    %reduce_sum3A_1619 = vector.broadcast %reduce_sum3A_1618 : i1 to vector<16xi1>
    %reduce_sum3A_1620 = tpu.scan <sum>, %get3A_1606 masked %reduce_sum3A_1619 : vector<16xi32>, vector<16xi1> -> vector<16xi32>
    %reduce_sum3A_1621 = vector.extract %reduce_sum3A_1620[15] : i32 from vector<16xi32>
    %add3A_1622 = arith.addi %add3A_1604, %reduce_sum3A_1621 : i32
    %get3A_1623 = arith.constant 224 : index
    %get3A_1624 = tpu.vector_load %arg6[%get3A_1623] {strides = array<i32>} : memref<1024xi32, #tpu.memory_space<vmem>>, vector<16xi32>,
    %broadcast_in_dim3A_1625 = arith.constant true
    %broadcast_in_dim3A_1626 = vector.broadcast %broadcast_in_dim3A_1625 : i1 to vector<16xi1>
    %masked_cumsum3A_1627 = tpu.scan <sum>, %get3A_1624 masked %broadcast_in_dim3A_1626 : vector<16xi32>, vector<16xi1> -> vector<16xi32>
    %add3A_1628 = vector.broadcast %add3A_1622 : i32 to vector<16xi32>
    %add3A_1629 = arith.addi %masked_cumsum3A_1627, %add3A_1628 : vector<16xi32>
    %min3A_1630 = vector.broadcast %add3A_1351 : i32 to vector<16xi32>
    %min3A_1631 = arith.minsi %add3A_1629, %min3A_1630 : vector<16xi32>
    %swap3A_1632 = arith.constant 3 : i32
    %swap3A_1633 = arith.index_cast %swap3A_1632 : i32 to index
    %swap3A_1634 = arith.constant 32 : index
    %swap3A_1635 = tpu.vector_load %arg7[%swap3A_1633, %swap3A_1634] {strides = array<i32>} : memref<16x64xi32, #tpu.memory_space<vmem>>, vector<16xi32>,
    tpu.vector_store %arg7[%swap3A_1633, %swap3A_1634], %min3A_1631 {strides = array<i32>} : memref<16x64xi32, #tpu.memory_space<vmem>>, vector<16xi32>,
    %reduce_sum3A_1636 = arith.constant true
    %reduce_sum3A_1637 = vector.broadcast %reduce_sum3A_1636 : i1 to vector<16xi1>
    %reduce_sum3A_1638 = tpu.scan <sum>, %get3A_1624 masked %reduce_sum3A_1637 : vector<16xi32>, vector<16xi1> -> vector<16xi32>
    %reduce_sum3A_1639 = vector.extract %reduce_sum3A_1638[15] : i32 from vector<16xi32>
    %add3A_1640 = arith.addi %add3A_1622, %reduce_sum3A_1639 : i32
    %get3A_1641 = arith.constant 240 : index
    %get3A_1642 = tpu.vector_load %arg6[%get3A_1641] {strides = array<i32>} : memref<1024xi32, #tpu.memory_space<vmem>>, vector<16xi32>,
    %broadcast_in_dim3A_1643 = arith.constant true
    %broadcast_in_dim3A_1644 = vector.broadcast %broadcast_in_dim3A_1643 : i1 to vector<16xi1>
    %masked_cumsum3A_1645 = tpu.scan <sum>, %get3A_1642 masked %broadcast_in_dim3A_1644 : vector<16xi32>, vector<16xi1> -> vector<16xi32>
    %add3A_1646 = vector.broadcast %add3A_1640 : i32 to vector<16xi32>
    %add3A_1647 = arith.addi %masked_cumsum3A_1645, %add3A_1646 : vector<16xi32>
    %min3A_1648 = vector.broadcast %add3A_1351 : i32 to vector<16xi32>
    %min3A_1649 = arith.minsi %add3A_1647, %min3A_1648 : vector<16xi32>
    %swap3A_1650 = arith.constant 3 : i32
    %swap3A_1651 = arith.index_cast %swap3A_1650 : i32 to index
    %swap3A_1652 = arith.constant 48 : index
    %swap3A_1653 = tpu.vector_load %arg7[%swap3A_1651, %swap3A_1652] {strides = array<i32>} : memref<16x64xi32, #tpu.memory_space<vmem>>, vector<16xi32>,
    tpu.vector_store %arg7[%swap3A_1651, %swap3A_1652], %min3A_1649 {strides = array<i32>} : memref<16x64xi32, #tpu.memory_space<vmem>>, vector<16xi32>,
    %reduce_sum3A_1654 = arith.constant true
    %reduce_sum3A_1655 = vector.broadcast %reduce_sum3A_1654 : i1 to vector<16xi1>
    %reduce_sum3A_1656 = tpu.scan <sum>, %get3A_1642 masked %reduce_sum3A_1655 : vector<16xi32>, vector<16xi1> -> vector<16xi32>
    %reduce_sum3A_1657 = vector.extract %reduce_sum3A_1656[15] : i32 from vector<16xi32>
    %add3A_1658 = arith.addi %add3A_1640, %reduce_sum3A_1657 : i32
    %dma_start3A_1659 = arith.constant 3 : i32
    %dma_start3A_1660 = arith.constant 0 : i32
    %dma_start3A_1661 = tpu.memref_slice %arg7[%dma_start3A_1659, %dma_start3A_1660] : memref<16x64xi32, #tpu.memory_space<vmem>> -> memref<1x64xi32, #tpu.memory_space<vmem>>
    %dma_start3A_1662 = tpu.memref_squeeze %dma_start3A_1661 : memref<1x64xi32, #tpu.memory_space<vmem>> -> memref<64xi32, #tpu.memory_space<vmem>>
    %dma_start3A_1663 = arith.constant 0 : i32
    %dma_start3A_1664 = arith.constant 0 : i32
    %dma_start3A_1665 = tpu.memref_slice %arg2[%dma_start3A_1663, %dma_start3A_1664] : memref<8192x384xf32, #tpu.memory_space<hbm>> -> memref<8192x384xf32, #tpu.memory_space<hbm>>
    tpu.enqueue_indirect_dma source(%dma_start3A_1665 : memref<8192x384xf32, #tpu.memory_space<hbm>>) target(%arg11 : memref<64x384xf32, #tpu.memory_space<vmem>>) offsets(%dma_start3A_1662 : memref<64xi32, #tpu.memory_space<vmem>>) semaphore(%arg16 : memref<!tpu.dma_semaphore, #tpu.memory_space<semaphore_mem>>)
    %get3A_1666 = arith.constant 256 : index
    %get3A_1667 = tpu.vector_load %arg6[%get3A_1666] {strides = array<i32>} : memref<1024xi32, #tpu.memory_space<vmem>>, vector<16xi32>,
    %broadcast_in_dim3A_1668 = arith.constant true
    %broadcast_in_dim3A_1669 = vector.broadcast %broadcast_in_dim3A_1668 : i1 to vector<16xi1>
    %masked_cumsum3A_1670 = tpu.scan <sum>, %get3A_1667 masked %broadcast_in_dim3A_1669 : vector<16xi32>, vector<16xi1> -> vector<16xi32>
    %add3A_1671 = vector.broadcast %add3A_1658 : i32 to vector<16xi32>
    %add3A_1672 = arith.addi %masked_cumsum3A_1670, %add3A_1671 : vector<16xi32>
    %min3A_1673 = vector.broadcast %add3A_1351 : i32 to vector<16xi32>
    %min3A_1674 = arith.minsi %add3A_1672, %min3A_1673 : vector<16xi32>
    %swap3A_1675 = arith.constant 4 : i32
    %swap3A_1676 = arith.index_cast %swap3A_1675 : i32 to index
    %swap3A_1677 = arith.constant 0 : index
    %swap3A_1678 = tpu.vector_load %arg7[%swap3A_1676, %swap3A_1677] {strides = array<i32>} : memref<16x64xi32, #tpu.memory_space<vmem>>, vector<16xi32>,
    tpu.vector_store %arg7[%swap3A_1676, %swap3A_1677], %min3A_1674 {strides = array<i32>} : memref<16x64xi32, #tpu.memory_space<vmem>>, vector<16xi32>,
    %reduce_sum3A_1679 = arith.constant true
    %reduce_sum3A_1680 = vector.broadcast %reduce_sum3A_1679 : i1 to vector<16xi1>
    %reduce_sum3A_1681 = tpu.scan <sum>, %get3A_1667 masked %reduce_sum3A_1680 : vector<16xi32>, vector<16xi1> -> vector<16xi32>
    %reduce_sum3A_1682 = vector.extract %reduce_sum3A_1681[15] : i32 from vector<16xi32>
    %add3A_1683 = arith.addi %add3A_1658, %reduce_sum3A_1682 : i32
    %get3A_1684 = arith.constant 272 : index
    %get3A_1685 = tpu.vector_load %arg6[%get3A_1684] {strides = array<i32>} : memref<1024xi32, #tpu.memory_space<vmem>>, vector<16xi32>,
    %broadcast_in_dim3A_1686 = arith.constant true
    %broadcast_in_dim3A_1687 = vector.broadcast %broadcast_in_dim3A_1686 : i1 to vector<16xi1>
    %masked_cumsum3A_1688 = tpu.scan <sum>, %get3A_1685 masked %broadcast_in_dim3A_1687 : vector<16xi32>, vector<16xi1> -> vector<16xi32>
    %add3A_1689 = vector.broadcast %add3A_1683 : i32 to vector<16xi32>
    %add3A_1690 = arith.addi %masked_cumsum3A_1688, %add3A_1689 : vector<16xi32>
    %min3A_1691 = vector.broadcast %add3A_1351 : i32 to vector<16xi32>
    %min3A_1692 = arith.minsi %add3A_1690, %min3A_1691 : vector<16xi32>
    %swap3A_1693 = arith.constant 4 : i32
    %swap3A_1694 = arith.index_cast %swap3A_1693 : i32 to index
    %swap3A_1695 = arith.constant 16 : index
    %swap3A_1696 = tpu.vector_load %arg7[%swap3A_1694, %swap3A_1695] {strides = array<i32>} : memref<16x64xi32, #tpu.memory_space<vmem>>, vector<16xi32>,
    tpu.vector_store %arg7[%swap3A_1694, %swap3A_1695], %min3A_1692 {strides = array<i32>} : memref<16x64xi32, #tpu.memory_space<vmem>>, vector<16xi32>,
    %reduce_sum3A_1697 = arith.constant true
    %reduce_sum3A_1698 = vector.broadcast %reduce_sum3A_1697 : i1 to vector<16xi1>
    %reduce_sum3A_1699 = tpu.scan <sum>, %get3A_1685 masked %reduce_sum3A_1698 : vector<16xi32>, vector<16xi1> -> vector<16xi32>
    %reduce_sum3A_1700 = vector.extract %reduce_sum3A_1699[15] : i32 from vector<16xi32>
    %add3A_1701 = arith.addi %add3A_1683, %reduce_sum3A_1700 : i32
    %get3A_1702 = arith.constant 288 : index
    %get3A_1703 = tpu.vector_load %arg6[%get3A_1702] {strides = array<i32>} : memref<1024xi32, #tpu.memory_space<vmem>>, vector<16xi32>,
    %broadcast_in_dim3A_1704 = arith.constant true
    %broadcast_in_dim3A_1705 = vector.broadcast %broadcast_in_dim3A_1704 : i1 to vector<16xi1>
    %masked_cumsum3A_1706 = tpu.scan <sum>, %get3A_1703 masked %broadcast_in_dim3A_1705 : vector<16xi32>, vector<16xi1> -> vector<16xi32>
    %add3A_1707 = vector.broadcast %add3A_1701 : i32 to vector<16xi32>
    %add3A_1708 = arith.addi %masked_cumsum3A_1706, %add3A_1707 : vector<16xi32>
    %min3A_1709 = vector.broadcast %add3A_1351 : i32 to vector<16xi32>
    %min3A_1710 = arith.minsi %add3A_1708, %min3A_1709 : vector<16xi32>
    %swap3A_1711 = arith.constant 4 : i32
    %swap3A_1712 = arith.index_cast %swap3A_1711 : i32 to index
    %swap3A_1713 = arith.constant 32 : index
    %swap3A_1714 = tpu.vector_load %arg7[%swap3A_1712, %swap3A_1713] {strides = array<i32>} : memref<16x64xi32, #tpu.memory_space<vmem>>, vector<16xi32>,
    tpu.vector_store %arg7[%swap3A_1712, %swap3A_1713], %min3A_1710 {strides = array<i32>} : memref<16x64xi32, #tpu.memory_space<vmem>>, vector<16xi32>,
    %reduce_sum3A_1715 = arith.constant true
    %reduce_sum3A_1716 = vector.broadcast %reduce_sum3A_1715 : i1 to vector<16xi1>
    %reduce_sum3A_1717 = tpu.scan <sum>, %get3A_1703 masked %reduce_sum3A_1716 : vector<16xi32>, vector<16xi1> -> vector<16xi32>
    %reduce_sum3A_1718 = vector.extract %reduce_sum3A_1717[15] : i32 from vector<16xi32>
    %add3A_1719 = arith.addi %add3A_1701, %reduce_sum3A_1718 : i32
    %get3A_1720 = arith.constant 304 : index
    %get3A_1721 = tpu.vector_load %arg6[%get3A_1720] {strides = array<i32>} : memref<1024xi32, #tpu.memory_space<vmem>>, vector<16xi32>,
    %broadcast_in_dim3A_1722 = arith.constant true
    %broadcast_in_dim3A_1723 = vector.broadcast %broadcast_in_dim3A_1722 : i1 to vector<16xi1>
    %masked_cumsum3A_1724 = tpu.scan <sum>, %get3A_1721 masked %broadcast_in_dim3A_1723 : vector<16xi32>, vector<16xi1> -> vector<16xi32>
    %add3A_1725 = vector.broadcast %add3A_1719 : i32 to vector<16xi32>
    %add3A_1726 = arith.addi %masked_cumsum3A_1724, %add3A_1725 : vector<16xi32>
    %min3A_1727 = vector.broadcast %add3A_1351 : i32 to vector<16xi32>
    %min3A_1728 = arith.minsi %add3A_1726, %min3A_1727 : vector<16xi32>
    %swap3A_1729 = arith.constant 4 : i32
    %swap3A_1730 = arith.index_cast %swap3A_1729 : i32 to index
    %swap3A_1731 = arith.constant 48 : index
    %swap3A_1732 = tpu.vector_load %arg7[%swap3A_1730, %swap3A_1731] {strides = array<i32>} : memref<16x64xi32, #tpu.memory_space<vmem>>, vector<16xi32>,
    tpu.vector_store %arg7[%swap3A_1730, %swap3A_1731], %min3A_1728 {strides = array<i32>} : memref<16x64xi32, #tpu.memory_space<vmem>>, vector<16xi32>,
    %reduce_sum3A_1733 = arith.constant true
    %reduce_sum3A_1734 = vector.broadcast %reduce_sum3A_1733 : i1 to vector<16xi1>
    %reduce_sum3A_1735 = tpu.scan <sum>, %get3A_1721 masked %reduce_sum3A_1734 : vector<16xi32>, vector<16xi1> -> vector<16xi32>
    %reduce_sum3A_1736 = vector.extract %reduce_sum3A_1735[15] : i32 from vector<16xi32>
    %add3A_1737 = arith.addi %add3A_1719, %reduce_sum3A_1736 : i32
    %dma_start3A_1738 = arith.constant 4 : i32
    %dma_start3A_1739 = arith.constant 0 : i32
    %dma_start3A_1740 = tpu.memref_slice %arg7[%dma_start3A_1738, %dma_start3A_1739] : memref<16x64xi32, #tpu.memory_space<vmem>> -> memref<1x64xi32, #tpu.memory_space<vmem>>
    %dma_start3A_1741 = tpu.memref_squeeze %dma_start3A_1740 : memref<1x64xi32, #tpu.memory_space<vmem>> -> memref<64xi32, #tpu.memory_space<vmem>>
    %dma_start3A_1742 = arith.constant 0 : i32
    %dma_start3A_1743 = arith.constant 0 : i32
    %dma_start3A_1744 = tpu.memref_slice %arg2[%dma_start3A_1742, %dma_start3A_1743] : memref<8192x384xf32, #tpu.memory_space<hbm>> -> memref<8192x384xf32, #tpu.memory_space<hbm>>
    tpu.enqueue_indirect_dma source(%dma_start3A_1744 : memref<8192x384xf32, #tpu.memory_space<hbm>>) target(%arg12 : memref<64x384xf32, #tpu.memory_space<vmem>>) offsets(%dma_start3A_1741 : memref<64xi32, #tpu.memory_space<vmem>>) semaphore(%arg17 : memref<!tpu.dma_semaphore, #tpu.memory_space<semaphore_mem>>)
    %dma_wait3A = arith.constant 0 : i32
    %dma_wait3A_1745 = arith.constant 0 : i32
    %dma_wait3A_1746 = tpu.memref_slice %arg7[%dma_wait3A, %dma_wait3A_1745] : memref<16x64xi32, #tpu.memory_space<vmem>> -> memref<1x64xi32, #tpu.memory_space<vmem>>
    %dma_wait3A_1747 = tpu.memref_squeeze %dma_wait3A_1746 : memref<1x64xi32, #tpu.memory_space<vmem>> -> memref<64xi32, #tpu.memory_space<vmem>>
    %dma_wait3A_1748 = arith.constant 0 : i32
    %dma_wait3A_1749 = arith.constant 0 : i32
    %dma_wait3A_1750 = tpu.memref_slice %arg2[%dma_wait3A_1748, %dma_wait3A_1749] : memref<8192x384xf32, #tpu.memory_space<hbm>> -> memref<8192x384xf32, #tpu.memory_space<hbm>>
    tpu.wait_indirect_dma semaphore(%arg13 : memref<!tpu.dma_semaphore, #tpu.memory_space<semaphore_mem>>) src(%dma_wait3A_1750 : memref<8192x384xf32, #tpu.memory_space<hbm>>) dst(%arg8 : memref<64x384xf32, #tpu.memory_space<vmem>>)
    %add3A_1751 = arith.constant 0 : i32
    %add3A_1752 = arith.addi %mul3A_32, %add3A_1751 : i32
    %dma_start3A_1753 = arith.constant 0 : i32
    %dma_start3A_1754 = tpu.memref_slice %arg4[%select_n3A, %add3A_1752, %dma_start3A_1753] : memref<16x2048x384xf32, #tpu.memory_space<hbm>> -> memref<1x64x384xf32, #tpu.memory_space<hbm>>
    %dma_start3A_1755 = tpu.memref_squeeze %dma_start3A_1754 : memref<1x64x384xf32, #tpu.memory_space<hbm>> -> memref<64x384xf32, #tpu.memory_space<hbm>>
    %dma_start3A_1756 = arith.constant 0 : i32
    %dma_start3A_1757 = tpu.memref_slice %arg4[%select_n3A, %add3A_1752, %dma_start3A_1756] : memref<16x2048x384xf32, #tpu.memory_space<hbm>> -> memref<1x64x384xf32, #tpu.memory_space<hbm>>
    %dma_start3A_1758 = tpu.memref_squeeze %dma_start3A_1757 : memref<1x64x384xf32, #tpu.memory_space<hbm>> -> memref<64x384xf32, #tpu.memory_space<hbm>>
    tpu.enqueue_dma source(%arg8 : memref<64x384xf32, #tpu.memory_space<vmem>>) target(%dma_start3A_1758 : memref<64x384xf32, #tpu.memory_space<hbm>>) target_semaphore(%arg18 : memref<!tpu.dma_semaphore, #tpu.memory_space<semaphore_mem>>)
    %get3A_1759 = arith.constant 320 : index
    %get3A_1760 = tpu.vector_load %arg6[%get3A_1759] {strides = array<i32>} : memref<1024xi32, #tpu.memory_space<vmem>>, vector<16xi32>,
    %broadcast_in_dim3A_1761 = arith.constant true
    %broadcast_in_dim3A_1762 = vector.broadcast %broadcast_in_dim3A_1761 : i1 to vector<16xi1>
    %masked_cumsum3A_1763 = tpu.scan <sum>, %get3A_1760 masked %broadcast_in_dim3A_1762 : vector<16xi32>, vector<16xi1> -> vector<16xi32>
    %add3A_1764 = vector.broadcast %add3A_1737 : i32 to vector<16xi32>
    %add3A_1765 = arith.addi %masked_cumsum3A_1763, %add3A_1764 : vector<16xi32>
    %min3A_1766 = vector.broadcast %add3A_1351 : i32 to vector<16xi32>
    %min3A_1767 = arith.minsi %add3A_1765, %min3A_1766 : vector<16xi32>
    %swap3A_1768 = arith.constant 5 : i32
    %swap3A_1769 = arith.index_cast %swap3A_1768 : i32 to index
    %swap3A_1770 = arith.constant 0 : index
    %swap3A_1771 = tpu.vector_load %arg7[%swap3A_1769, %swap3A_1770] {strides = array<i32>} : memref<16x64xi32, #tpu.memory_space<vmem>>, vector<16xi32>,
    tpu.vector_store %arg7[%swap3A_1769, %swap3A_1770], %min3A_1767 {strides = array<i32>} : memref<16x64xi32, #tpu.memory_space<vmem>>, vector<16xi32>,
    %reduce_sum3A_1772 = arith.constant true
    %reduce_sum3A_1773 = vector.broadcast %reduce_sum3A_1772 : i1 to vector<16xi1>
    %reduce_sum3A_1774 = tpu.scan <sum>, %get3A_1760 masked %reduce_sum3A_1773 : vector<16xi32>, vector<16xi1> -> vector<16xi32>
    %reduce_sum3A_1775 = vector.extract %reduce_sum3A_1774[15] : i32 from vector<16xi32>
    %add3A_1776 = arith.addi %add3A_1737, %reduce_sum3A_1775 : i32
    %get3A_1777 = arith.constant 336 : index
    %get3A_1778 = tpu.vector_load %arg6[%get3A_1777] {strides = array<i32>} : memref<1024xi32, #tpu.memory_space<vmem>>, vector<16xi32>,
    %broadcast_in_dim3A_1779 = arith.constant true
    %broadcast_in_dim3A_1780 = vector.broadcast %broadcast_in_dim3A_1779 : i1 to vector<16xi1>
    %masked_cumsum3A_1781 = tpu.scan <sum>, %get3A_1778 masked %broadcast_in_dim3A_1780 : vector<16xi32>, vector<16xi1> -> vector<16xi32>
    %add3A_1782 = vector.broadcast %add3A_1776 : i32 to vector<16xi32>
    %add3A_1783 = arith.addi %masked_cumsum3A_1781, %add3A_1782 : vector<16xi32>
    %min3A_1784 = vector.broadcast %add3A_1351 : i32 to vector<16xi32>
    %min3A_1785 = arith.minsi %add3A_1783, %min3A_1784 : vector<16xi32>
    %swap3A_1786 = arith.constant 5 : i32
    %swap3A_1787 = arith.index_cast %swap3A_1786 : i32 to index
    %swap3A_1788 = arith.constant 16 : index
    %swap3A_1789 = tpu.vector_load %arg7[%swap3A_1787, %swap3A_1788] {strides = array<i32>} : memref<16x64xi32, #tpu.memory_space<vmem>>, vector<16xi32>,
    tpu.vector_store %arg7[%swap3A_1787, %swap3A_1788], %min3A_1785 {strides = array<i32>} : memref<16x64xi32, #tpu.memory_space<vmem>>, vector<16xi32>,
    %reduce_sum3A_1790 = arith.constant true
    %reduce_sum3A_1791 = vector.broadcast %reduce_sum3A_1790 : i1 to vector<16xi1>
    %reduce_sum3A_1792 = tpu.scan <sum>, %get3A_1778 masked %reduce_sum3A_1791 : vector<16xi32>, vector<16xi1> -> vector<16xi32>
    %reduce_sum3A_1793 = vector.extract %reduce_sum3A_1792[15] : i32 from vector<16xi32>
    %add3A_1794 = arith.addi %add3A_1776, %reduce_sum3A_1793 : i32
    %get3A_1795 = arith.constant 352 : index
    %get3A_1796 = tpu.vector_load %arg6[%get3A_1795] {strides = array<i32>} : memref<1024xi32, #tpu.memory_space<vmem>>, vector<16xi32>,
    %broadcast_in_dim3A_1797 = arith.constant true
    %broadcast_in_dim3A_1798 = vector.broadcast %broadcast_in_dim3A_1797 : i1 to vector<16xi1>
    %masked_cumsum3A_1799 = tpu.scan <sum>, %get3A_1796 masked %broadcast_in_dim3A_1798 : vector<16xi32>, vector<16xi1> -> vector<16xi32>
    %add3A_1800 = vector.broadcast %add3A_1794 : i32 to vector<16xi32>
    %add3A_1801 = arith.addi %masked_cumsum3A_1799, %add3A_1800 : vector<16xi32>
    %min3A_1802 = vector.broadcast %add3A_1351 : i32 to vector<16xi32>
    %min3A_1803 = arith.minsi %add3A_1801, %min3A_1802 : vector<16xi32>
    %swap3A_1804 = arith.constant 5 : i32
    %swap3A_1805 = arith.index_cast %swap3A_1804 : i32 to index
    %swap3A_1806 = arith.constant 32 : index
    %swap3A_1807 = tpu.vector_load %arg7[%swap3A_1805, %swap3A_1806] {strides = array<i32>} : memref<16x64xi32, #tpu.memory_space<vmem>>, vector<16xi32>,
    tpu.vector_store %arg7[%swap3A_1805, %swap3A_1806], %min3A_1803 {strides = array<i32>} : memref<16x64xi32, #tpu.memory_space<vmem>>, vector<16xi32>,
    %reduce_sum3A_1808 = arith.constant true
    %reduce_sum3A_1809 = vector.broadcast %reduce_sum3A_1808 : i1 to vector<16xi1>
    %reduce_sum3A_1810 = tpu.scan <sum>, %get3A_1796 masked %reduce_sum3A_1809 : vector<16xi32>, vector<16xi1> -> vector<16xi32>
    %reduce_sum3A_1811 = vector.extract %reduce_sum3A_1810[15] : i32 from vector<16xi32>
    %add3A_1812 = arith.addi %add3A_1794, %reduce_sum3A_1811 : i32
    %get3A_1813 = arith.constant 368 : index
    %get3A_1814 = tpu.vector_load %arg6[%get3A_1813] {strides = array<i32>} : memref<1024xi32, #tpu.memory_space<vmem>>, vector<16xi32>,
    %broadcast_in_dim3A_1815 = arith.constant true
    %broadcast_in_dim3A_1816 = vector.broadcast %broadcast_in_dim3A_1815 : i1 to vector<16xi1>
    %masked_cumsum3A_1817 = tpu.scan <sum>, %get3A_1814 masked %broadcast_in_dim3A_1816 : vector<16xi32>, vector<16xi1> -> vector<16xi32>
    %add3A_1818 = vector.broadcast %add3A_1812 : i32 to vector<16xi32>
    %add3A_1819 = arith.addi %masked_cumsum3A_1817, %add3A_1818 : vector<16xi32>
    %min3A_1820 = vector.broadcast %add3A_1351 : i32 to vector<16xi32>
    %min3A_1821 = arith.minsi %add3A_1819, %min3A_1820 : vector<16xi32>
    %swap3A_1822 = arith.constant 5 : i32
    %swap3A_1823 = arith.index_cast %swap3A_1822 : i32 to index
    %swap3A_1824 = arith.constant 48 : index
    %swap3A_1825 = tpu.vector_load %arg7[%swap3A_1823, %swap3A_1824] {strides = array<i32>} : memref<16x64xi32, #tpu.memory_space<vmem>>, vector<16xi32>,
    tpu.vector_store %arg7[%swap3A_1823, %swap3A_1824], %min3A_1821 {strides = array<i32>} : memref<16x64xi32, #tpu.memory_space<vmem>>, vector<16xi32>,
    %reduce_sum3A_1826 = arith.constant true
    %reduce_sum3A_1827 = vector.broadcast %reduce_sum3A_1826 : i1 to vector<16xi1>
    %reduce_sum3A_1828 = tpu.scan <sum>, %get3A_1814 masked %reduce_sum3A_1827 : vector<16xi32>, vector<16xi1> -> vector<16xi32>
    %reduce_sum3A_1829 = vector.extract %reduce_sum3A_1828[15] : i32 from vector<16xi32>
    %add3A_1830 = arith.addi %add3A_1812, %reduce_sum3A_1829 : i32
    %add3A_1831 = arith.constant 0 : i32
    %add3A_1832 = arith.addi %mul3A_32, %add3A_1831 : i32
    %dma_wait3A_1833 = arith.constant 0 : i32
    %dma_wait3A_1834 = tpu.memref_slice %arg4[%select_n3A, %add3A_1832, %dma_wait3A_1833] : memref<16x2048x384xf32, #tpu.memory_space<hbm>> -> memref<1x64x384xf32, #tpu.memory_space<hbm>>
    %dma_wait3A_1835 = tpu.memref_squeeze %dma_wait3A_1834 : memref<1x64x384xf32, #tpu.memory_space<hbm>> -> memref<64x384xf32, #tpu.memory_space<hbm>>
    %dma_wait3A_1836 = arith.constant 0 : i32
    %dma_wait3A_1837 = tpu.memref_slice %arg4[%select_n3A, %add3A_1832, %dma_wait3A_1836] : memref<16x2048x384xf32, #tpu.memory_space<hbm>> -> memref<1x64x384xf32, #tpu.memory_space<hbm>>
    %dma_wait3A_1838 = tpu.memref_squeeze %dma_wait3A_1837 : memref<1x64x384xf32, #tpu.memory_space<hbm>> -> memref<64x384xf32, #tpu.memory_space<hbm>>
    tpu.wait_dma2 semaphore(%arg18 : memref<!tpu.dma_semaphore, #tpu.memory_space<semaphore_mem>>) src(%arg8 : memref<64x384xf32, #tpu.memory_space<vmem>>) dst(%dma_wait3A_1838 : memref<64x384xf32, #tpu.memory_space<hbm>>)
    %dma_start3A_1839 = arith.constant 5 : i32
    %dma_start3A_1840 = arith.constant 0 : i32
    %dma_start3A_1841 = tpu.memref_slice %arg7[%dma_start3A_1839, %dma_start3A_1840] : memref<16x64xi32, #tpu.memory_space<vmem>> -> memref<1x64xi32, #tpu.memory_space<vmem>>
    %dma_start3A_1842 = tpu.memref_squeeze %dma_start3A_1841 : memref<1x64xi32, #tpu.memory_space<vmem>> -> memref<64xi32, #tpu.memory_space<vmem>>
    %dma_start3A_1843 = arith.constant 0 : i32
    %dma_start3A_1844 = arith.constant 0 : i32
    %dma_start3A_1845 = tpu.memref_slice %arg2[%dma_start3A_1843, %dma_start3A_1844] : memref<8192x384xf32, #tpu.memory_space<hbm>> -> memref<8192x384xf32, #tpu.memory_space<hbm>>
    tpu.enqueue_indirect_dma source(%dma_start3A_1845 : memref<8192x384xf32, #tpu.memory_space<hbm>>) target(%arg8 : memref<64x384xf32, #tpu.memory_space<vmem>>) offsets(%dma_start3A_1842 : memref<64xi32, #tpu.memory_space<vmem>>) semaphore(%arg13 : memref<!tpu.dma_semaphore, #tpu.memory_space<semaphore_mem>>)
    %dma_wait3A_1846 = arith.constant 1 : i32
    %dma_wait3A_1847 = arith.constant 0 : i32
    %dma_wait3A_1848 = tpu.memref_slice %arg7[%dma_wait3A_1846, %dma_wait3A_1847] : memref<16x64xi32, #tpu.memory_space<vmem>> -> memref<1x64xi32, #tpu.memory_space<vmem>>
    %dma_wait3A_1849 = tpu.memref_squeeze %dma_wait3A_1848 : memref<1x64xi32, #tpu.memory_space<vmem>> -> memref<64xi32, #tpu.memory_space<vmem>>
    %dma_wait3A_1850 = arith.constant 0 : i32
    %dma_wait3A_1851 = arith.constant 0 : i32
    %dma_wait3A_1852 = tpu.memref_slice %arg2[%dma_wait3A_1850, %dma_wait3A_1851] : memref<8192x384xf32, #tpu.memory_space<hbm>> -> memref<8192x384xf32, #tpu.memory_space<hbm>>
    tpu.wait_indirect_dma semaphore(%arg14 : memref<!tpu.dma_semaphore, #tpu.memory_space<semaphore_mem>>) src(%dma_wait3A_1852 : memref<8192x384xf32, #tpu.memory_space<hbm>>) dst(%arg9 : memref<64x384xf32, #tpu.memory_space<vmem>>)
    %add3A_1853 = arith.constant 64 : i32
    %add3A_1854 = arith.addi %mul3A_32, %add3A_1853 : i32
    %dma_start3A_1855 = arith.constant 0 : i32
    %dma_start3A_1856 = tpu.memref_slice %arg4[%select_n3A, %add3A_1854, %dma_start3A_1855] : memref<16x2048x384xf32, #tpu.memory_space<hbm>> -> memref<1x64x384xf32, #tpu.memory_space<hbm>>
    %dma_start3A_1857 = tpu.memref_squeeze %dma_start3A_1856 : memref<1x64x384xf32, #tpu.memory_space<hbm>> -> memref<64x384xf32, #tpu.memory_space<hbm>>
    %dma_start3A_1858 = arith.constant 0 : i32
    %dma_start3A_1859 = tpu.memref_slice %arg4[%select_n3A, %add3A_1854, %dma_start3A_1858] : memref<16x2048x384xf32, #tpu.memory_space<hbm>> -> memref<1x64x384xf32, #tpu.memory_space<hbm>>
    %dma_start3A_1860 = tpu.memref_squeeze %dma_start3A_1859 : memref<1x64x384xf32, #tpu.memory_space<hbm>> -> memref<64x384xf32, #tpu.memory_space<hbm>>
    tpu.enqueue_dma source(%arg9 : memref<64x384xf32, #tpu.memory_space<vmem>>) target(%dma_start3A_1860 : memref<64x384xf32, #tpu.memory_space<hbm>>) target_semaphore(%arg19 : memref<!tpu.dma_semaphore, #tpu.memory_space<semaphore_mem>>)
    %get3A_1861 = arith.constant 384 : index
    %get3A_1862 = tpu.vector_load %arg6[%get3A_1861] {strides = array<i32>} : memref<1024xi32, #tpu.memory_space<vmem>>, vector<16xi32>,
    %broadcast_in_dim3A_1863 = arith.constant true
    %broadcast_in_dim3A_1864 = vector.broadcast %broadcast_in_dim3A_1863 : i1 to vector<16xi1>
    %masked_cumsum3A_1865 = tpu.scan <sum>, %get3A_1862 masked %broadcast_in_dim3A_1864 : vector<16xi32>, vector<16xi1> -> vector<16xi32>
    %add3A_1866 = vector.broadcast %add3A_1830 : i32 to vector<16xi32>
    %add3A_1867 = arith.addi %masked_cumsum3A_1865, %add3A_1866 : vector<16xi32>
    %min3A_1868 = vector.broadcast %add3A_1351 : i32 to vector<16xi32>
    %min3A_1869 = arith.minsi %add3A_1867, %min3A_1868 : vector<16xi32>
    %swap3A_1870 = arith.constant 6 : i32
    %swap3A_1871 = arith.index_cast %swap3A_1870 : i32 to index
    %swap3A_1872 = arith.constant 0 : index
    %swap3A_1873 = tpu.vector_load %arg7[%swap3A_1871, %swap3A_1872] {strides = array<i32>} : memref<16x64xi32, #tpu.memory_space<vmem>>, vector<16xi32>,
    tpu.vector_store %arg7[%swap3A_1871, %swap3A_1872], %min3A_1869 {strides = array<i32>} : memref<16x64xi32, #tpu.memory_space<vmem>>, vector<16xi32>,
    %reduce_sum3A_1874 = arith.constant true
    %reduce_sum3A_1875 = vector.broadcast %reduce_sum3A_1874 : i1 to vector<16xi1>
    %reduce_sum3A_1876 = tpu.scan <sum>, %get3A_1862 masked %reduce_sum3A_1875 : vector<16xi32>, vector<16xi1> -> vector<16xi32>
    %reduce_sum3A_1877 = vector.extract %reduce_sum3A_1876[15] : i32 from vector<16xi32>
    %add3A_1878 = arith.addi %add3A_1830, %reduce_sum3A_1877 : i32
    %get3A_1879 = arith.constant 400 : index
    %get3A_1880 = tpu.vector_load %arg6[%get3A_1879] {strides = array<i32>} : memref<1024xi32, #tpu.memory_space<vmem>>, vector<16xi32>,
    %broadcast_in_dim3A_1881 = arith.constant true
    %broadcast_in_dim3A_1882 = vector.broadcast %broadcast_in_dim3A_1881 : i1 to vector<16xi1>
    %masked_cumsum3A_1883 = tpu.scan <sum>, %get3A_1880 masked %broadcast_in_dim3A_1882 : vector<16xi32>, vector<16xi1> -> vector<16xi32>
    %add3A_1884 = vector.broadcast %add3A_1878 : i32 to vector<16xi32>
    %add3A_1885 = arith.addi %masked_cumsum3A_1883, %add3A_1884 : vector<16xi32>
    %min3A_1886 = vector.broadcast %add3A_1351 : i32 to vector<16xi32>
    %min3A_1887 = arith.minsi %add3A_1885, %min3A_1886 : vector<16xi32>
    %swap3A_1888 = arith.constant 6 : i32
    %swap3A_1889 = arith.index_cast %swap3A_1888 : i32 to index
    %swap3A_1890 = arith.constant 16 : index
    %swap3A_1891 = tpu.vector_load %arg7[%swap3A_1889, %swap3A_1890] {strides = array<i32>} : memref<16x64xi32, #tpu.memory_space<vmem>>, vector<16xi32>,
    tpu.vector_store %arg7[%swap3A_1889, %swap3A_1890], %min3A_1887 {strides = array<i32>} : memref<16x64xi32, #tpu.memory_space<vmem>>, vector<16xi32>,
    %reduce_sum3A_1892 = arith.constant true
    %reduce_sum3A_1893 = vector.broadcast %reduce_sum3A_1892 : i1 to vector<16xi1>
    %reduce_sum3A_1894 = tpu.scan <sum>, %get3A_1880 masked %reduce_sum3A_1893 : vector<16xi32>, vector<16xi1> -> vector<16xi32>
    %reduce_sum3A_1895 = vector.extract %reduce_sum3A_1894[15] : i32 from vector<16xi32>
    %add3A_1896 = arith.addi %add3A_1878, %reduce_sum3A_1895 : i32
    %get3A_1897 = arith.constant 416 : index
    %get3A_1898 = tpu.vector_load %arg6[%get3A_1897] {strides = array<i32>} : memref<1024xi32, #tpu.memory_space<vmem>>, vector<16xi32>,
    %broadcast_in_dim3A_1899 = arith.constant true
    %broadcast_in_dim3A_1900 = vector.broadcast %broadcast_in_dim3A_1899 : i1 to vector<16xi1>
    %masked_cumsum3A_1901 = tpu.scan <sum>, %get3A_1898 masked %broadcast_in_dim3A_1900 : vector<16xi32>, vector<16xi1> -> vector<16xi32>
    %add3A_1902 = vector.broadcast %add3A_1896 : i32 to vector<16xi32>
    %add3A_1903 = arith.addi %masked_cumsum3A_1901, %add3A_1902 : vector<16xi32>
    %min3A_1904 = vector.broadcast %add3A_1351 : i32 to vector<16xi32>
    %min3A_1905 = arith.minsi %add3A_1903, %min3A_1904 : vector<16xi32>
    %swap3A_1906 = arith.constant 6 : i32
    %swap3A_1907 = arith.index_cast %swap3A_1906 : i32 to index
    %swap3A_1908 = arith.constant 32 : index
    %swap3A_1909 = tpu.vector_load %arg7[%swap3A_1907, %swap3A_1908] {strides = array<i32>} : memref<16x64xi32, #tpu.memory_space<vmem>>, vector<16xi32>,
    tpu.vector_store %arg7[%swap3A_1907, %swap3A_1908], %min3A_1905 {strides = array<i32>} : memref<16x64xi32, #tpu.memory_space<vmem>>, vector<16xi32>,
    %reduce_sum3A_1910 = arith.constant true
    %reduce_sum3A_1911 = vector.broadcast %reduce_sum3A_1910 : i1 to vector<16xi1>
    %reduce_sum3A_1912 = tpu.scan <sum>, %get3A_1898 masked %reduce_sum3A_1911 : vector<16xi32>, vector<16xi1> -> vector<16xi32>
    %reduce_sum3A_1913 = vector.extract %reduce_sum3A_1912[15] : i32 from vector<16xi32>
    %add3A_1914 = arith.addi %add3A_1896, %reduce_sum3A_1913 : i32
    %get3A_1915 = arith.constant 432 : index
    %get3A_1916 = tpu.vector_load %arg6[%get3A_1915] {strides = array<i32>} : memref<1024xi32, #tpu.memory_space<vmem>>, vector<16xi32>,
    %broadcast_in_dim3A_1917 = arith.constant true
    %broadcast_in_dim3A_1918 = vector.broadcast %broadcast_in_dim3A_1917 : i1 to vector<16xi1>
    %masked_cumsum3A_1919 = tpu.scan <sum>, %get3A_1916 masked %broadcast_in_dim3A_1918 : vector<16xi32>, vector<16xi1> -> vector<16xi32>
    %add3A_1920 = vector.broadcast %add3A_1914 : i32 to vector<16xi32>
    %add3A_1921 = arith.addi %masked_cumsum3A_1919, %add3A_1920 : vector<16xi32>
    %min3A_1922 = vector.broadcast %add3A_1351 : i32 to vector<16xi32>
    %min3A_1923 = arith.minsi %add3A_1921, %min3A_1922 : vector<16xi32>
    %swap3A_1924 = arith.constant 6 : i32
    %swap3A_1925 = arith.index_cast %swap3A_1924 : i32 to index
    %swap3A_1926 = arith.constant 48 : index
    %swap3A_1927 = tpu.vector_load %arg7[%swap3A_1925, %swap3A_1926] {strides = array<i32>} : memref<16x64xi32, #tpu.memory_space<vmem>>, vector<16xi32>,
    tpu.vector_store %arg7[%swap3A_1925, %swap3A_1926], %min3A_1923 {strides = array<i32>} : memref<16x64xi32, #tpu.memory_space<vmem>>, vector<16xi32>,
    %reduce_sum3A_1928 = arith.constant true
    %reduce_sum3A_1929 = vector.broadcast %reduce_sum3A_1928 : i1 to vector<16xi1>
    %reduce_sum3A_1930 = tpu.scan <sum>, %get3A_1916 masked %reduce_sum3A_1929 : vector<16xi32>, vector<16xi1> -> vector<16xi32>
    %reduce_sum3A_1931 = vector.extract %reduce_sum3A_1930[15] : i32 from vector<16xi32>
    %add3A_1932 = arith.addi %add3A_1914, %reduce_sum3A_1931 : i32
    %add3A_1933 = arith.constant 64 : i32
    %add3A_1934 = arith.addi %mul3A_32, %add3A_1933 : i32
    %dma_wait3A_1935 = arith.constant 0 : i32
    %dma_wait3A_1936 = tpu.memref_slice %arg4[%select_n3A, %add3A_1934, %dma_wait3A_1935] : memref<16x2048x384xf32, #tpu.memory_space<hbm>> -> memref<1x64x384xf32, #tpu.memory_space<hbm>>
    %dma_wait3A_1937 = tpu.memref_squeeze %dma_wait3A_1936 : memref<1x64x384xf32, #tpu.memory_space<hbm>> -> memref<64x384xf32, #tpu.memory_space<hbm>>
    %dma_wait3A_1938 = arith.constant 0 : i32
    %dma_wait3A_1939 = tpu.memref_slice %arg4[%select_n3A, %add3A_1934, %dma_wait3A_1938] : memref<16x2048x384xf32, #tpu.memory_space<hbm>> -> memref<1x64x384xf32, #tpu.memory_space<hbm>>
    %dma_wait3A_1940 = tpu.memref_squeeze %dma_wait3A_1939 : memref<1x64x384xf32, #tpu.memory_space<hbm>> -> memref<64x384xf32, #tpu.memory_space<hbm>>
    tpu.wait_dma2 semaphore(%arg19 : memref<!tpu.dma_semaphore, #tpu.memory_space<semaphore_mem>>) src(%arg9 : memref<64x384xf32, #tpu.memory_space<vmem>>) dst(%dma_wait3A_1940 : memref<64x384xf32, #tpu.memory_space<hbm>>)
    %dma_start3A_1941 = arith.constant 6 : i32
    %dma_start3A_1942 = arith.constant 0 : i32
    %dma_start3A_1943 = tpu.memref_slice %arg7[%dma_start3A_1941, %dma_start3A_1942] : memref<16x64xi32, #tpu.memory_space<vmem>> -> memref<1x64xi32, #tpu.memory_space<vmem>>
    %dma_start3A_1944 = tpu.memref_squeeze %dma_start3A_1943 : memref<1x64xi32, #tpu.memory_space<vmem>> -> memref<64xi32, #tpu.memory_space<vmem>>
    %dma_start3A_1945 = arith.constant 0 : i32
    %dma_start3A_1946 = arith.constant 0 : i32
    %dma_start3A_1947 = tpu.memref_slice %arg2[%dma_start3A_1945, %dma_start3A_1946] : memref<8192x384xf32, #tpu.memory_space<hbm>> -> memref<8192x384xf32, #tpu.memory_space<hbm>>
    tpu.enqueue_indirect_dma source(%dma_start3A_1947 : memref<8192x384xf32, #tpu.memory_space<hbm>>) target(%arg9 : memref<64x384xf32, #tpu.memory_space<vmem>>) offsets(%dma_start3A_1944 : memref<64xi32, #tpu.memory_space<vmem>>) semaphore(%arg14 : memref<!tpu.dma_semaphore, #tpu.memory_space<semaphore_mem>>)
    %dma_wait3A_1948 = arith.constant 2 : i32
    %dma_wait3A_1949 = arith.constant 0 : i32
    %dma_wait3A_1950 = tpu.memref_slice %arg7[%dma_wait3A_1948, %dma_wait3A_1949] : memref<16x64xi32, #tpu.memory_space<vmem>> -> memref<1x64xi32, #tpu.memory_space<vmem>>
    %dma_wait3A_1951 = tpu.memref_squeeze %dma_wait3A_1950 : memref<1x64xi32, #tpu.memory_space<vmem>> -> memref<64xi32, #tpu.memory_space<vmem>>
    %dma_wait3A_1952 = arith.constant 0 : i32
    %dma_wait3A_1953 = arith.constant 0 : i32
    %dma_wait3A_1954 = tpu.memref_slice %arg2[%dma_wait3A_1952, %dma_wait3A_1953] : memref<8192x384xf32, #tpu.memory_space<hbm>> -> memref<8192x384xf32, #tpu.memory_space<hbm>>
    tpu.wait_indirect_dma semaphore(%arg15 : memref<!tpu.dma_semaphore, #tpu.memory_space<semaphore_mem>>) src(%dma_wait3A_1954 : memref<8192x384xf32, #tpu.memory_space<hbm>>) dst(%arg10 : memref<64x384xf32, #tpu.memory_space<vmem>>)
    %add3A_1955 = arith.constant 128 : i32
    %add3A_1956 = arith.addi %mul3A_32, %add3A_1955 : i32
    %dma_start3A_1957 = arith.constant 0 : i32
    %dma_start3A_1958 = tpu.memref_slice %arg4[%select_n3A, %add3A_1956, %dma_start3A_1957] : memref<16x2048x384xf32, #tpu.memory_space<hbm>> -> memref<1x64x384xf32, #tpu.memory_space<hbm>>
    %dma_start3A_1959 = tpu.memref_squeeze %dma_start3A_1958 : memref<1x64x384xf32, #tpu.memory_space<hbm>> -> memref<64x384xf32, #tpu.memory_space<hbm>>
    %dma_start3A_1960 = arith.constant 0 : i32
    %dma_start3A_1961 = tpu.memref_slice %arg4[%select_n3A, %add3A_1956, %dma_start3A_1960] : memref<16x2048x384xf32, #tpu.memory_space<hbm>> -> memref<1x64x384xf32, #tpu.memory_space<hbm>>
    %dma_start3A_1962 = tpu.memref_squeeze %dma_start3A_1961 : memref<1x64x384xf32, #tpu.memory_space<hbm>> -> memref<64x384xf32, #tpu.memory_space<hbm>>
    tpu.enqueue_dma source(%arg10 : memref<64x384xf32, #tpu.memory_space<vmem>>) target(%dma_start3A_1962 : memref<64x384xf32, #tpu.memory_space<hbm>>) target_semaphore(%arg20 : memref<!tpu.dma_semaphore, #tpu.memory_space<semaphore_mem>>)
    %get3A_1963 = arith.constant 448 : index
    %get3A_1964 = tpu.vector_load %arg6[%get3A_1963] {strides = array<i32>} : memref<1024xi32, #tpu.memory_space<vmem>>, vector<16xi32>,
    %broadcast_in_dim3A_1965 = arith.constant true
    %broadcast_in_dim3A_1966 = vector.broadcast %broadcast_in_dim3A_1965 : i1 to vector<16xi1>
    %masked_cumsum3A_1967 = tpu.scan <sum>, %get3A_1964 masked %broadcast_in_dim3A_1966 : vector<16xi32>, vector<16xi1> -> vector<16xi32>
    %add3A_1968 = vector.broadcast %add3A_1932 : i32 to vector<16xi32>
    %add3A_1969 = arith.addi %masked_cumsum3A_1967, %add3A_1968 : vector<16xi32>
    %min3A_1970 = vector.broadcast %add3A_1351 : i32 to vector<16xi32>
    %min3A_1971 = arith.minsi %add3A_1969, %min3A_1970 : vector<16xi32>
    %swap3A_1972 = arith.constant 7 : i32
    %swap3A_1973 = arith.index_cast %swap3A_1972 : i32 to index
    %swap3A_1974 = arith.constant 0 : index
    %swap3A_1975 = tpu.vector_load %arg7[%swap3A_1973, %swap3A_1974] {strides = array<i32>} : memref<16x64xi32, #tpu.memory_space<vmem>>, vector<16xi32>,
    tpu.vector_store %arg7[%swap3A_1973, %swap3A_1974], %min3A_1971 {strides = array<i32>} : memref<16x64xi32, #tpu.memory_space<vmem>>, vector<16xi32>,
    %reduce_sum3A_1976 = arith.constant true
    %reduce_sum3A_1977 = vector.broadcast %reduce_sum3A_1976 : i1 to vector<16xi1>
    %reduce_sum3A_1978 = tpu.scan <sum>, %get3A_1964 masked %reduce_sum3A_1977 : vector<16xi32>, vector<16xi1> -> vector<16xi32>
    %reduce_sum3A_1979 = vector.extract %reduce_sum3A_1978[15] : i32 from vector<16xi32>
    %add3A_1980 = arith.addi %add3A_1932, %reduce_sum3A_1979 : i32
    %get3A_1981 = arith.constant 464 : index
    %get3A_1982 = tpu.vector_load %arg6[%get3A_1981] {strides = array<i32>} : memref<1024xi32, #tpu.memory_space<vmem>>, vector<16xi32>,
    %broadcast_in_dim3A_1983 = arith.constant true
    %broadcast_in_dim3A_1984 = vector.broadcast %broadcast_in_dim3A_1983 : i1 to vector<16xi1>
    %masked_cumsum3A_1985 = tpu.scan <sum>, %get3A_1982 masked %broadcast_in_dim3A_1984 : vector<16xi32>, vector<16xi1> -> vector<16xi32>
    %add3A_1986 = vector.broadcast %add3A_1980 : i32 to vector<16xi32>
    %add3A_1987 = arith.addi %masked_cumsum3A_1985, %add3A_1986 : vector<16xi32>
    %min3A_1988 = vector.broadcast %add3A_1351 : i32 to vector<16xi32>
    %min3A_1989 = arith.minsi %add3A_1987, %min3A_1988 : vector<16xi32>
    %swap3A_1990 = arith.constant 7 : i32
    %swap3A_1991 = arith.index_cast %swap3A_1990 : i32 to index
    %swap3A_1992 = arith.constant 16 : index
    %swap3A_1993 = tpu.vector_load %arg7[%swap3A_1991, %swap3A_1992] {strides = array<i32>} : memref<16x64xi32, #tpu.memory_space<vmem>>, vector<16xi32>,
    tpu.vector_store %arg7[%swap3A_1991, %swap3A_1992], %min3A_1989 {strides = array<i32>} : memref<16x64xi32, #tpu.memory_space<vmem>>, vector<16xi32>,
    %reduce_sum3A_1994 = arith.constant true
    %reduce_sum3A_1995 = vector.broadcast %reduce_sum3A_1994 : i1 to vector<16xi1>
    %reduce_sum3A_1996 = tpu.scan <sum>, %get3A_1982 masked %reduce_sum3A_1995 : vector<16xi32>, vector<16xi1> -> vector<16xi32>
    %reduce_sum3A_1997 = vector.extract %reduce_sum3A_1996[15] : i32 from vector<16xi32>
    %add3A_1998 = arith.addi %add3A_1980, %reduce_sum3A_1997 : i32
    %get3A_1999 = arith.constant 480 : index
    %get3A_2000 = tpu.vector_load %arg6[%get3A_1999] {strides = array<i32>} : memref<1024xi32, #tpu.memory_space<vmem>>, vector<16xi32>,
    %broadcast_in_dim3A_2001 = arith.constant true
    %broadcast_in_dim3A_2002 = vector.broadcast %broadcast_in_dim3A_2001 : i1 to vector<16xi1>
    %masked_cumsum3A_2003 = tpu.scan <sum>, %get3A_2000 masked %broadcast_in_dim3A_2002 : vector<16xi32>, vector<16xi1> -> vector<16xi32>
    %add3A_2004 = vector.broadcast %add3A_1998 : i32 to vector<16xi32>
    %add3A_2005 = arith.addi %masked_cumsum3A_2003, %add3A_2004 : vector<16xi32>
    %min3A_2006 = vector.broadcast %add3A_1351 : i32 to vector<16xi32>
    %min3A_2007 = arith.minsi %add3A_2005, %min3A_2006 : vector<16xi32>
    %swap3A_2008 = arith.constant 7 : i32
    %swap3A_2009 = arith.index_cast %swap3A_2008 : i32 to index
    %swap3A_2010 = arith.constant 32 : index
    %swap3A_2011 = tpu.vector_load %arg7[%swap3A_2009, %swap3A_2010] {strides = array<i32>} : memref<16x64xi32, #tpu.memory_space<vmem>>, vector<16xi32>,
    tpu.vector_store %arg7[%swap3A_2009, %swap3A_2010], %min3A_2007 {strides = array<i32>} : memref<16x64xi32, #tpu.memory_space<vmem>>, vector<16xi32>,
    %reduce_sum3A_2012 = arith.constant true
    %reduce_sum3A_2013 = vector.broadcast %reduce_sum3A_2012 : i1 to vector<16xi1>
    %reduce_sum3A_2014 = tpu.scan <sum>, %get3A_2000 masked %reduce_sum3A_2013 : vector<16xi32>, vector<16xi1> -> vector<16xi32>
    %reduce_sum3A_2015 = vector.extract %reduce_sum3A_2014[15] : i32 from vector<16xi32>
    %add3A_2016 = arith.addi %add3A_1998, %reduce_sum3A_2015 : i32
    %get3A_2017 = arith.constant 496 : index
    %get3A_2018 = tpu.vector_load %arg6[%get3A_2017] {strides = array<i32>} : memref<1024xi32, #tpu.memory_space<vmem>>, vector<16xi32>,
    %broadcast_in_dim3A_2019 = arith.constant true
    %broadcast_in_dim3A_2020 = vector.broadcast %broadcast_in_dim3A_2019 : i1 to vector<16xi1>
    %masked_cumsum3A_2021 = tpu.scan <sum>, %get3A_2018 masked %broadcast_in_dim3A_2020 : vector<16xi32>, vector<16xi1> -> vector<16xi32>
    %add3A_2022 = vector.broadcast %add3A_2016 : i32 to vector<16xi32>
    %add3A_2023 = arith.addi %masked_cumsum3A_2021, %add3A_2022 : vector<16xi32>
    %min3A_2024 = vector.broadcast %add3A_1351 : i32 to vector<16xi32>
    %min3A_2025 = arith.minsi %add3A_2023, %min3A_2024 : vector<16xi32>
    %swap3A_2026 = arith.constant 7 : i32
    %swap3A_2027 = arith.index_cast %swap3A_2026 : i32 to index
    %swap3A_2028 = arith.constant 48 : index
    %swap3A_2029 = tpu.vector_load %arg7[%swap3A_2027, %swap3A_2028] {strides = array<i32>} : memref<16x64xi32, #tpu.memory_space<vmem>>, vector<16xi32>,
    tpu.vector_store %arg7[%swap3A_2027, %swap3A_2028], %min3A_2025 {strides = array<i32>} : memref<16x64xi32, #tpu.memory_space<vmem>>, vector<16xi32>,
    %reduce_sum3A_2030 = arith.constant true
    %reduce_sum3A_2031 = vector.broadcast %reduce_sum3A_2030 : i1 to vector<16xi1>
    %reduce_sum3A_2032 = tpu.scan <sum>, %get3A_2018 masked %reduce_sum3A_2031 : vector<16xi32>, vector<16xi1> -> vector<16xi32>
    %reduce_sum3A_2033 = vector.extract %reduce_sum3A_2032[15] : i32 from vector<16xi32>
    %add3A_2034 = arith.addi %add3A_2016, %reduce_sum3A_2033 : i32
    %add3A_2035 = arith.constant 128 : i32
    %add3A_2036 = arith.addi %mul3A_32, %add3A_2035 : i32
    %dma_wait3A_2037 = arith.constant 0 : i32
    %dma_wait3A_2038 = tpu.memref_slice %arg4[%select_n3A, %add3A_2036, %dma_wait3A_2037] : memref<16x2048x384xf32, #tpu.memory_space<hbm>> -> memref<1x64x384xf32, #tpu.memory_space<hbm>>
    %dma_wait3A_2039 = tpu.memref_squeeze %dma_wait3A_2038 : memref<1x64x384xf32, #tpu.memory_space<hbm>> -> memref<64x384xf32, #tpu.memory_space<hbm>>
    %dma_wait3A_2040 = arith.constant 0 : i32
    %dma_wait3A_2041 = tpu.memref_slice %arg4[%select_n3A, %add3A_2036, %dma_wait3A_2040] : memref<16x2048x384xf32, #tpu.memory_space<hbm>> -> memref<1x64x384xf32, #tpu.memory_space<hbm>>
    %dma_wait3A_2042 = tpu.memref_squeeze %dma_wait3A_2041 : memref<1x64x384xf32, #tpu.memory_space<hbm>> -> memref<64x384xf32, #tpu.memory_space<hbm>>
    tpu.wait_dma2 semaphore(%arg20 : memref<!tpu.dma_semaphore, #tpu.memory_space<semaphore_mem>>) src(%arg10 : memref<64x384xf32, #tpu.memory_space<vmem>>) dst(%dma_wait3A_2042 : memref<64x384xf32, #tpu.memory_space<hbm>>)
    %dma_start3A_2043 = arith.constant 7 : i32
    %dma_start3A_2044 = arith.constant 0 : i32
    %dma_start3A_2045 = tpu.memref_slice %arg7[%dma_start3A_2043, %dma_start3A_2044] : memref<16x64xi32, #tpu.memory_space<vmem>> -> memref<1x64xi32, #tpu.memory_space<vmem>>
    %dma_start3A_2046 = tpu.memref_squeeze %dma_start3A_2045 : memref<1x64xi32, #tpu.memory_space<vmem>> -> memref<64xi32, #tpu.memory_space<vmem>>
    %dma_start3A_2047 = arith.constant 0 : i32
    %dma_start3A_2048 = arith.constant 0 : i32
    %dma_start3A_2049 = tpu.memref_slice %arg2[%dma_start3A_2047, %dma_start3A_2048] : memref<8192x384xf32, #tpu.memory_space<hbm>> -> memref<8192x384xf32, #tpu.memory_space<hbm>>
    tpu.enqueue_indirect_dma source(%dma_start3A_2049 : memref<8192x384xf32, #tpu.memory_space<hbm>>) target(%arg10 : memref<64x384xf32, #tpu.memory_space<vmem>>) offsets(%dma_start3A_2046 : memref<64xi32, #tpu.memory_space<vmem>>) semaphore(%arg15 : memref<!tpu.dma_semaphore, #tpu.memory_space<semaphore_mem>>)
    %dma_wait3A_2050 = arith.constant 3 : i32
    %dma_wait3A_2051 = arith.constant 0 : i32
    %dma_wait3A_2052 = tpu.memref_slice %arg7[%dma_wait3A_2050, %dma_wait3A_2051] : memref<16x64xi32, #tpu.memory_space<vmem>> -> memref<1x64xi32, #tpu.memory_space<vmem>>
    %dma_wait3A_2053 = tpu.memref_squeeze %dma_wait3A_2052 : memref<1x64xi32, #tpu.memory_space<vmem>> -> memref<64xi32, #tpu.memory_space<vmem>>
    %dma_wait3A_2054 = arith.constant 0 : i32
    %dma_wait3A_2055 = arith.constant 0 : i32
    %dma_wait3A_2056 = tpu.memref_slice %arg2[%dma_wait3A_2054, %dma_wait3A_2055] : memref<8192x384xf32, #tpu.memory_space<hbm>> -> memref<8192x384xf32, #tpu.memory_space<hbm>>
    tpu.wait_indirect_dma semaphore(%arg16 : memref<!tpu.dma_semaphore, #tpu.memory_space<semaphore_mem>>) src(%dma_wait3A_2056 : memref<8192x384xf32, #tpu.memory_space<hbm>>) dst(%arg11 : memref<64x384xf32, #tpu.memory_space<vmem>>)
    %add3A_2057 = arith.constant 192 : i32
    %add3A_2058 = arith.addi %mul3A_32, %add3A_2057 : i32
    %dma_start3A_2059 = arith.constant 0 : i32
    %dma_start3A_2060 = tpu.memref_slice %arg4[%select_n3A, %add3A_2058, %dma_start3A_2059] : memref<16x2048x384xf32, #tpu.memory_space<hbm>> -> memref<1x64x384xf32, #tpu.memory_space<hbm>>
    %dma_start3A_2061 = tpu.memref_squeeze %dma_start3A_2060 : memref<1x64x384xf32, #tpu.memory_space<hbm>> -> memref<64x384xf32, #tpu.memory_space<hbm>>
    %dma_start3A_2062 = arith.constant 0 : i32
    %dma_start3A_2063 = tpu.memref_slice %arg4[%select_n3A, %add3A_2058, %dma_start3A_2062] : memref<16x2048x384xf32, #tpu.memory_space<hbm>> -> memref<1x64x384xf32, #tpu.memory_space<hbm>>
    %dma_start3A_2064 = tpu.memref_squeeze %dma_start3A_2063 : memref<1x64x384xf32, #tpu.memory_space<hbm>> -> memref<64x384xf32, #tpu.memory_space<hbm>>
    tpu.enqueue_dma source(%arg11 : memref<64x384xf32, #tpu.memory_space<vmem>>) target(%dma_start3A_2064 : memref<64x384xf32, #tpu.memory_space<hbm>>) target_semaphore(%arg21 : memref<!tpu.dma_semaphore, #tpu.memory_space<semaphore_mem>>)
    %get3A_2065 = arith.constant 512 : index
    %get3A_2066 = tpu.vector_load %arg6[%get3A_2065] {strides = array<i32>} : memref<1024xi32, #tpu.memory_space<vmem>>, vector<16xi32>,
    %broadcast_in_dim3A_2067 = arith.constant true
    %broadcast_in_dim3A_2068 = vector.broadcast %broadcast_in_dim3A_2067 : i1 to vector<16xi1>
    %masked_cumsum3A_2069 = tpu.scan <sum>, %get3A_2066 masked %broadcast_in_dim3A_2068 : vector<16xi32>, vector<16xi1> -> vector<16xi32>
    %add3A_2070 = vector.broadcast %add3A_2034 : i32 to vector<16xi32>
    %add3A_2071 = arith.addi %masked_cumsum3A_2069, %add3A_2070 : vector<16xi32>
    %min3A_2072 = vector.broadcast %add3A_1351 : i32 to vector<16xi32>
    %min3A_2073 = arith.minsi %add3A_2071, %min3A_2072 : vector<16xi32>
    %swap3A_2074 = arith.constant 8 : i32
    %swap3A_2075 = arith.index_cast %swap3A_2074 : i32 to index
    %swap3A_2076 = arith.constant 0 : index
    %swap3A_2077 = tpu.vector_load %arg7[%swap3A_2075, %swap3A_2076] {strides = array<i32>} : memref<16x64xi32, #tpu.memory_space<vmem>>, vector<16xi32>,
    tpu.vector_store %arg7[%swap3A_2075, %swap3A_2076], %min3A_2073 {strides = array<i32>} : memref<16x64xi32, #tpu.memory_space<vmem>>, vector<16xi32>,
    %reduce_sum3A_2078 = arith.constant true
    %reduce_sum3A_2079 = vector.broadcast %reduce_sum3A_2078 : i1 to vector<16xi1>
    %reduce_sum3A_2080 = tpu.scan <sum>, %get3A_2066 masked %reduce_sum3A_2079 : vector<16xi32>, vector<16xi1> -> vector<16xi32>
    %reduce_sum3A_2081 = vector.extract %reduce_sum3A_2080[15] : i32 from vector<16xi32>
    %add3A_2082 = arith.addi %add3A_2034, %reduce_sum3A_2081 : i32
    %get3A_2083 = arith.constant 528 : index
    %get3A_2084 = tpu.vector_load %arg6[%get3A_2083] {strides = array<i32>} : memref<1024xi32, #tpu.memory_space<vmem>>, vector<16xi32>,
    %broadcast_in_dim3A_2085 = arith.constant true
    %broadcast_in_dim3A_2086 = vector.broadcast %broadcast_in_dim3A_2085 : i1 to vector<16xi1>
    %masked_cumsum3A_2087 = tpu.scan <sum>, %get3A_2084 masked %broadcast_in_dim3A_2086 : vector<16xi32>, vector<16xi1> -> vector<16xi32>
    %add3A_2088 = vector.broadcast %add3A_2082 : i32 to vector<16xi32>
    %add3A_2089 = arith.addi %masked_cumsum3A_2087, %add3A_2088 : vector<16xi32>
    %min3A_2090 = vector.broadcast %add3A_1351 : i32 to vector<16xi32>
    %min3A_2091 = arith.minsi %add3A_2089, %min3A_2090 : vector<16xi32>
    %swap3A_2092 = arith.constant 8 : i32
    %swap3A_2093 = arith.index_cast %swap3A_2092 : i32 to index
    %swap3A_2094 = arith.constant 16 : index
    %swap3A_2095 = tpu.vector_load %arg7[%swap3A_2093, %swap3A_2094] {strides = array<i32>} : memref<16x64xi32, #tpu.memory_space<vmem>>, vector<16xi32>,
    tpu.vector_store %arg7[%swap3A_2093, %swap3A_2094], %min3A_2091 {strides = array<i32>} : memref<16x64xi32, #tpu.memory_space<vmem>>, vector<16xi32>,
    %reduce_sum3A_2096 = arith.constant true
    %reduce_sum3A_2097 = vector.broadcast %reduce_sum3A_2096 : i1 to vector<16xi1>
    %reduce_sum3A_2098 = tpu.scan <sum>, %get3A_2084 masked %reduce_sum3A_2097 : vector<16xi32>, vector<16xi1> -> vector<16xi32>
    %reduce_sum3A_2099 = vector.extract %reduce_sum3A_2098[15] : i32 from vector<16xi32>
    %add3A_2100 = arith.addi %add3A_2082, %reduce_sum3A_2099 : i32
    %get3A_2101 = arith.constant 544 : index
    %get3A_2102 = tpu.vector_load %arg6[%get3A_2101] {strides = array<i32>} : memref<1024xi32, #tpu.memory_space<vmem>>, vector<16xi32>,
    %broadcast_in_dim3A_2103 = arith.constant true
    %broadcast_in_dim3A_2104 = vector.broadcast %broadcast_in_dim3A_2103 : i1 to vector<16xi1>
    %masked_cumsum3A_2105 = tpu.scan <sum>, %get3A_2102 masked %broadcast_in_dim3A_2104 : vector<16xi32>, vector<16xi1> -> vector<16xi32>
    %add3A_2106 = vector.broadcast %add3A_2100 : i32 to vector<16xi32>
    %add3A_2107 = arith.addi %masked_cumsum3A_2105, %add3A_2106 : vector<16xi32>
    %min3A_2108 = vector.broadcast %add3A_1351 : i32 to vector<16xi32>
    %min3A_2109 = arith.minsi %add3A_2107, %min3A_2108 : vector<16xi32>
    %swap3A_2110 = arith.constant 8 : i32
    %swap3A_2111 = arith.index_cast %swap3A_2110 : i32 to index
    %swap3A_2112 = arith.constant 32 : index
    %swap3A_2113 = tpu.vector_load %arg7[%swap3A_2111, %swap3A_2112] {strides = array<i32>} : memref<16x64xi32, #tpu.memory_space<vmem>>, vector<16xi32>,
    tpu.vector_store %arg7[%swap3A_2111, %swap3A_2112], %min3A_2109 {strides = array<i32>} : memref<16x64xi32, #tpu.memory_space<vmem>>, vector<16xi32>,
    %reduce_sum3A_2114 = arith.constant true
    %reduce_sum3A_2115 = vector.broadcast %reduce_sum3A_2114 : i1 to vector<16xi1>
    %reduce_sum3A_2116 = tpu.scan <sum>, %get3A_2102 masked %reduce_sum3A_2115 : vector<16xi32>, vector<16xi1> -> vector<16xi32>
    %reduce_sum3A_2117 = vector.extract %reduce_sum3A_2116[15] : i32 from vector<16xi32>
    %add3A_2118 = arith.addi %add3A_2100, %reduce_sum3A_2117 : i32
    %get3A_2119 = arith.constant 560 : index
    %get3A_2120 = tpu.vector_load %arg6[%get3A_2119] {strides = array<i32>} : memref<1024xi32, #tpu.memory_space<vmem>>, vector<16xi32>,
    %broadcast_in_dim3A_2121 = arith.constant true
    %broadcast_in_dim3A_2122 = vector.broadcast %broadcast_in_dim3A_2121 : i1 to vector<16xi1>
    %masked_cumsum3A_2123 = tpu.scan <sum>, %get3A_2120 masked %broadcast_in_dim3A_2122 : vector<16xi32>, vector<16xi1> -> vector<16xi32>
    %add3A_2124 = vector.broadcast %add3A_2118 : i32 to vector<16xi32>
    %add3A_2125 = arith.addi %masked_cumsum3A_2123, %add3A_2124 : vector<16xi32>
    %min3A_2126 = vector.broadcast %add3A_1351 : i32 to vector<16xi32>
    %min3A_2127 = arith.minsi %add3A_2125, %min3A_2126 : vector<16xi32>
    %swap3A_2128 = arith.constant 8 : i32
    %swap3A_2129 = arith.index_cast %swap3A_2128 : i32 to index
    %swap3A_2130 = arith.constant 48 : index
    %swap3A_2131 = tpu.vector_load %arg7[%swap3A_2129, %swap3A_2130] {strides = array<i32>} : memref<16x64xi32, #tpu.memory_space<vmem>>, vector<16xi32>,
    tpu.vector_store %arg7[%swap3A_2129, %swap3A_2130], %min3A_2127 {strides = array<i32>} : memref<16x64xi32, #tpu.memory_space<vmem>>, vector<16xi32>,
    %reduce_sum3A_2132 = arith.constant true
    %reduce_sum3A_2133 = vector.broadcast %reduce_sum3A_2132 : i1 to vector<16xi1>
    %reduce_sum3A_2134 = tpu.scan <sum>, %get3A_2120 masked %reduce_sum3A_2133 : vector<16xi32>, vector<16xi1> -> vector<16xi32>
    %reduce_sum3A_2135 = vector.extract %reduce_sum3A_2134[15] : i32 from vector<16xi32>
    %add3A_2136 = arith.addi %add3A_2118, %reduce_sum3A_2135 : i32
    %add3A_2137 = arith.constant 192 : i32
    %add3A_2138 = arith.addi %mul3A_32, %add3A_2137 : i32
    %dma_wait3A_2139 = arith.constant 0 : i32
    %dma_wait3A_2140 = tpu.memref_slice %arg4[%select_n3A, %add3A_2138, %dma_wait3A_2139] : memref<16x2048x384xf32, #tpu.memory_space<hbm>> -> memref<1x64x384xf32, #tpu.memory_space<hbm>>
    %dma_wait3A_2141 = tpu.memref_squeeze %dma_wait3A_2140 : memref<1x64x384xf32, #tpu.memory_space<hbm>> -> memref<64x384xf32, #tpu.memory_space<hbm>>
    %dma_wait3A_2142 = arith.constant 0 : i32
    %dma_wait3A_2143 = tpu.memref_slice %arg4[%select_n3A, %add3A_2138, %dma_wait3A_2142] : memref<16x2048x384xf32, #tpu.memory_space<hbm>> -> memref<1x64x384xf32, #tpu.memory_space<hbm>>
    %dma_wait3A_2144 = tpu.memref_squeeze %dma_wait3A_2143 : memref<1x64x384xf32, #tpu.memory_space<hbm>> -> memref<64x384xf32, #tpu.memory_space<hbm>>
    tpu.wait_dma2 semaphore(%arg21 : memref<!tpu.dma_semaphore, #tpu.memory_space<semaphore_mem>>) src(%arg11 : memref<64x384xf32, #tpu.memory_space<vmem>>) dst(%dma_wait3A_2144 : memref<64x384xf32, #tpu.memory_space<hbm>>)
    %dma_start3A_2145 = arith.constant 8 : i32
    %dma_start3A_2146 = arith.constant 0 : i32
    %dma_start3A_2147 = tpu.memref_slice %arg7[%dma_start3A_2145, %dma_start3A_2146] : memref<16x64xi32, #tpu.memory_space<vmem>> -> memref<1x64xi32, #tpu.memory_space<vmem>>
    %dma_start3A_2148 = tpu.memref_squeeze %dma_start3A_2147 : memref<1x64xi32, #tpu.memory_space<vmem>> -> memref<64xi32, #tpu.memory_space<vmem>>
    %dma_start3A_2149 = arith.constant 0 : i32
    %dma_start3A_2150 = arith.constant 0 : i32
    %dma_start3A_2151 = tpu.memref_slice %arg2[%dma_start3A_2149, %dma_start3A_2150] : memref<8192x384xf32, #tpu.memory_space<hbm>> -> memref<8192x384xf32, #tpu.memory_space<hbm>>
    tpu.enqueue_indirect_dma source(%dma_start3A_2151 : memref<8192x384xf32, #tpu.memory_space<hbm>>) target(%arg11 : memref<64x384xf32, #tpu.memory_space<vmem>>) offsets(%dma_start3A_2148 : memref<64xi32, #tpu.memory_space<vmem>>) semaphore(%arg16 : memref<!tpu.dma_semaphore, #tpu.memory_space<semaphore_mem>>)
    %dma_wait3A_2152 = arith.constant 4 : i32
    %dma_wait3A_2153 = arith.constant 0 : i32
    %dma_wait3A_2154 = tpu.memref_slice %arg7[%dma_wait3A_2152, %dma_wait3A_2153] : memref<16x64xi32, #tpu.memory_space<vmem>> -> memref<1x64xi32, #tpu.memory_space<vmem>>
    %dma_wait3A_2155 = tpu.memref_squeeze %dma_wait3A_2154 : memref<1x64xi32, #tpu.memory_space<vmem>> -> memref<64xi32, #tpu.memory_space<vmem>>
    %dma_wait3A_2156 = arith.constant 0 : i32
    %dma_wait3A_2157 = arith.constant 0 : i32
    %dma_wait3A_2158 = tpu.memref_slice %arg2[%dma_wait3A_2156, %dma_wait3A_2157] : memref<8192x384xf32, #tpu.memory_space<hbm>> -> memref<8192x384xf32, #tpu.memory_space<hbm>>
    tpu.wait_indirect_dma semaphore(%arg17 : memref<!tpu.dma_semaphore, #tpu.memory_space<semaphore_mem>>) src(%dma_wait3A_2158 : memref<8192x384xf32, #tpu.memory_space<hbm>>) dst(%arg12 : memref<64x384xf32, #tpu.memory_space<vmem>>)
    %add3A_2159 = arith.constant 256 : i32
    %add3A_2160 = arith.addi %mul3A_32, %add3A_2159 : i32
    %dma_start3A_2161 = arith.constant 0 : i32
    %dma_start3A_2162 = tpu.memref_slice %arg4[%select_n3A, %add3A_2160, %dma_start3A_2161] : memref<16x2048x384xf32, #tpu.memory_space<hbm>> -> memref<1x64x384xf32, #tpu.memory_space<hbm>>
    %dma_start3A_2163 = tpu.memref_squeeze %dma_start3A_2162 : memref<1x64x384xf32, #tpu.memory_space<hbm>> -> memref<64x384xf32, #tpu.memory_space<hbm>>
    %dma_start3A_2164 = arith.constant 0 : i32
    %dma_start3A_2165 = tpu.memref_slice %arg4[%select_n3A, %add3A_2160, %dma_start3A_2164] : memref<16x2048x384xf32, #tpu.memory_space<hbm>> -> memref<1x64x384xf32, #tpu.memory_space<hbm>>
    %dma_start3A_2166 = tpu.memref_squeeze %dma_start3A_2165 : memref<1x64x384xf32, #tpu.memory_space<hbm>> -> memref<64x384xf32, #tpu.memory_space<hbm>>
    tpu.enqueue_dma source(%arg12 : memref<64x384xf32, #tpu.memory_space<vmem>>) target(%dma_start3A_2166 : memref<64x384xf32, #tpu.memory_space<hbm>>) target_semaphore(%arg22 : memref<!tpu.dma_semaphore, #tpu.memory_space<semaphore_mem>>)
    %get3A_2167 = arith.constant 576 : index
    %get3A_2168 = tpu.vector_load %arg6[%get3A_2167] {strides = array<i32>} : memref<1024xi32, #tpu.memory_space<vmem>>, vector<16xi32>,
    %broadcast_in_dim3A_2169 = arith.constant true
    %broadcast_in_dim3A_2170 = vector.broadcast %broadcast_in_dim3A_2169 : i1 to vector<16xi1>
    %masked_cumsum3A_2171 = tpu.scan <sum>, %get3A_2168 masked %broadcast_in_dim3A_2170 : vector<16xi32>, vector<16xi1> -> vector<16xi32>
    %add3A_2172 = vector.broadcast %add3A_2136 : i32 to vector<16xi32>
    %add3A_2173 = arith.addi %masked_cumsum3A_2171, %add3A_2172 : vector<16xi32>
    %min3A_2174 = vector.broadcast %add3A_1351 : i32 to vector<16xi32>
    %min3A_2175 = arith.minsi %add3A_2173, %min3A_2174 : vector<16xi32>
    %swap3A_2176 = arith.constant 9 : i32
    %swap3A_2177 = arith.index_cast %swap3A_2176 : i32 to index
    %swap3A_2178 = arith.constant 0 : index
    %swap3A_2179 = tpu.vector_load %arg7[%swap3A_2177, %swap3A_2178] {strides = array<i32>} : memref<16x64xi32, #tpu.memory_space<vmem>>, vector<16xi32>,
    tpu.vector_store %arg7[%swap3A_2177, %swap3A_2178], %min3A_2175 {strides = array<i32>} : memref<16x64xi32, #tpu.memory_space<vmem>>, vector<16xi32>,
    %reduce_sum3A_2180 = arith.constant true
    %reduce_sum3A_2181 = vector.broadcast %reduce_sum3A_2180 : i1 to vector<16xi1>
    %reduce_sum3A_2182 = tpu.scan <sum>, %get3A_2168 masked %reduce_sum3A_2181 : vector<16xi32>, vector<16xi1> -> vector<16xi32>
    %reduce_sum3A_2183 = vector.extract %reduce_sum3A_2182[15] : i32 from vector<16xi32>
    %add3A_2184 = arith.addi %add3A_2136, %reduce_sum3A_2183 : i32
    %get3A_2185 = arith.constant 592 : index
    %get3A_2186 = tpu.vector_load %arg6[%get3A_2185] {strides = array<i32>} : memref<1024xi32, #tpu.memory_space<vmem>>, vector<16xi32>,
    %broadcast_in_dim3A_2187 = arith.constant true
    %broadcast_in_dim3A_2188 = vector.broadcast %broadcast_in_dim3A_2187 : i1 to vector<16xi1>
    %masked_cumsum3A_2189 = tpu.scan <sum>, %get3A_2186 masked %broadcast_in_dim3A_2188 : vector<16xi32>, vector<16xi1> -> vector<16xi32>
    %add3A_2190 = vector.broadcast %add3A_2184 : i32 to vector<16xi32>
    %add3A_2191 = arith.addi %masked_cumsum3A_2189, %add3A_2190 : vector<16xi32>
    %min3A_2192 = vector.broadcast %add3A_1351 : i32 to vector<16xi32>
    %min3A_2193 = arith.minsi %add3A_2191, %min3A_2192 : vector<16xi32>
    %swap3A_2194 = arith.constant 9 : i32
    %swap3A_2195 = arith.index_cast %swap3A_2194 : i32 to index
    %swap3A_2196 = arith.constant 16 : index
    %swap3A_2197 = tpu.vector_load %arg7[%swap3A_2195, %swap3A_2196] {strides = array<i32>} : memref<16x64xi32, #tpu.memory_space<vmem>>, vector<16xi32>,
    tpu.vector_store %arg7[%swap3A_2195, %swap3A_2196], %min3A_2193 {strides = array<i32>} : memref<16x64xi32, #tpu.memory_space<vmem>>, vector<16xi32>,
    %reduce_sum3A_2198 = arith.constant true
    %reduce_sum3A_2199 = vector.broadcast %reduce_sum3A_2198 : i1 to vector<16xi1>
    %reduce_sum3A_2200 = tpu.scan <sum>, %get3A_2186 masked %reduce_sum3A_2199 : vector<16xi32>, vector<16xi1> -> vector<16xi32>
    %reduce_sum3A_2201 = vector.extract %reduce_sum3A_2200[15] : i32 from vector<16xi32>
    %add3A_2202 = arith.addi %add3A_2184, %reduce_sum3A_2201 : i32
    %get3A_2203 = arith.constant 608 : index
    %get3A_2204 = tpu.vector_load %arg6[%get3A_2203] {strides = array<i32>} : memref<1024xi32, #tpu.memory_space<vmem>>, vector<16xi32>,
    %broadcast_in_dim3A_2205 = arith.constant true
    %broadcast_in_dim3A_2206 = vector.broadcast %broadcast_in_dim3A_2205 : i1 to vector<16xi1>
    %masked_cumsum3A_2207 = tpu.scan <sum>, %get3A_2204 masked %broadcast_in_dim3A_2206 : vector<16xi32>, vector<16xi1> -> vector<16xi32>
    %add3A_2208 = vector.broadcast %add3A_2202 : i32 to vector<16xi32>
    %add3A_2209 = arith.addi %masked_cumsum3A_2207, %add3A_2208 : vector<16xi32>
    %min3A_2210 = vector.broadcast %add3A_1351 : i32 to vector<16xi32>
    %min3A_2211 = arith.minsi %add3A_2209, %min3A_2210 : vector<16xi32>
    %swap3A_2212 = arith.constant 9 : i32
    %swap3A_2213 = arith.index_cast %swap3A_2212 : i32 to index
    %swap3A_2214 = arith.constant 32 : index
    %swap3A_2215 = tpu.vector_load %arg7[%swap3A_2213, %swap3A_2214] {strides = array<i32>} : memref<16x64xi32, #tpu.memory_space<vmem>>, vector<16xi32>,
    tpu.vector_store %arg7[%swap3A_2213, %swap3A_2214], %min3A_2211 {strides = array<i32>} : memref<16x64xi32, #tpu.memory_space<vmem>>, vector<16xi32>,
    %reduce_sum3A_2216 = arith.constant true
    %reduce_sum3A_2217 = vector.broadcast %reduce_sum3A_2216 : i1 to vector<16xi1>
    %reduce_sum3A_2218 = tpu.scan <sum>, %get3A_2204 masked %reduce_sum3A_2217 : vector<16xi32>, vector<16xi1> -> vector<16xi32>
    %reduce_sum3A_2219 = vector.extract %reduce_sum3A_2218[15] : i32 from vector<16xi32>
    %add3A_2220 = arith.addi %add3A_2202, %reduce_sum3A_2219 : i32
    %get3A_2221 = arith.constant 624 : index
    %get3A_2222 = tpu.vector_load %arg6[%get3A_2221] {strides = array<i32>} : memref<1024xi32, #tpu.memory_space<vmem>>, vector<16xi32>,
    %broadcast_in_dim3A_2223 = arith.constant true
    %broadcast_in_dim3A_2224 = vector.broadcast %broadcast_in_dim3A_2223 : i1 to vector<16xi1>
    %masked_cumsum3A_2225 = tpu.scan <sum>, %get3A_2222 masked %broadcast_in_dim3A_2224 : vector<16xi32>, vector<16xi1> -> vector<16xi32>
    %add3A_2226 = vector.broadcast %add3A_2220 : i32 to vector<16xi32>
    %add3A_2227 = arith.addi %masked_cumsum3A_2225, %add3A_2226 : vector<16xi32>
    %min3A_2228 = vector.broadcast %add3A_1351 : i32 to vector<16xi32>
    %min3A_2229 = arith.minsi %add3A_2227, %min3A_2228 : vector<16xi32>
    %swap3A_2230 = arith.constant 9 : i32
    %swap3A_2231 = arith.index_cast %swap3A_2230 : i32 to index
    %swap3A_2232 = arith.constant 48 : index
    %swap3A_2233 = tpu.vector_load %arg7[%swap3A_2231, %swap3A_2232] {strides = array<i32>} : memref<16x64xi32, #tpu.memory_space<vmem>>, vector<16xi32>,
    tpu.vector_store %arg7[%swap3A_2231, %swap3A_2232], %min3A_2229 {strides = array<i32>} : memref<16x64xi32, #tpu.memory_space<vmem>>, vector<16xi32>,
    %reduce_sum3A_2234 = arith.constant true
    %reduce_sum3A_2235 = vector.broadcast %reduce_sum3A_2234 : i1 to vector<16xi1>
    %reduce_sum3A_2236 = tpu.scan <sum>, %get3A_2222 masked %reduce_sum3A_2235 : vector<16xi32>, vector<16xi1> -> vector<16xi32>
    %reduce_sum3A_2237 = vector.extract %reduce_sum3A_2236[15] : i32 from vector<16xi32>
    %add3A_2238 = arith.addi %add3A_2220, %reduce_sum3A_2237 : i32
    %add3A_2239 = arith.constant 256 : i32
    %add3A_2240 = arith.addi %mul3A_32, %add3A_2239 : i32
    %dma_wait3A_2241 = arith.constant 0 : i32
    %dma_wait3A_2242 = tpu.memref_slice %arg4[%select_n3A, %add3A_2240, %dma_wait3A_2241] : memref<16x2048x384xf32, #tpu.memory_space<hbm>> -> memref<1x64x384xf32, #tpu.memory_space<hbm>>
    %dma_wait3A_2243 = tpu.memref_squeeze %dma_wait3A_2242 : memref<1x64x384xf32, #tpu.memory_space<hbm>> -> memref<64x384xf32, #tpu.memory_space<hbm>>
    %dma_wait3A_2244 = arith.constant 0 : i32
    %dma_wait3A_2245 = tpu.memref_slice %arg4[%select_n3A, %add3A_2240, %dma_wait3A_2244] : memref<16x2048x384xf32, #tpu.memory_space<hbm>> -> memref<1x64x384xf32, #tpu.memory_space<hbm>>
    %dma_wait3A_2246 = tpu.memref_squeeze %dma_wait3A_2245 : memref<1x64x384xf32, #tpu.memory_space<hbm>> -> memref<64x384xf32, #tpu.memory_space<hbm>>
    tpu.wait_dma2 semaphore(%arg22 : memref<!tpu.dma_semaphore, #tpu.memory_space<semaphore_mem>>) src(%arg12 : memref<64x384xf32, #tpu.memory_space<vmem>>) dst(%dma_wait3A_2246 : memref<64x384xf32, #tpu.memory_space<hbm>>)
    %dma_start3A_2247 = arith.constant 9 : i32
    %dma_start3A_2248 = arith.constant 0 : i32
    %dma_start3A_2249 = tpu.memref_slice %arg7[%dma_start3A_2247, %dma_start3A_2248] : memref<16x64xi32, #tpu.memory_space<vmem>> -> memref<1x64xi32, #tpu.memory_space<vmem>>
    %dma_start3A_2250 = tpu.memref_squeeze %dma_start3A_2249 : memref<1x64xi32, #tpu.memory_space<vmem>> -> memref<64xi32, #tpu.memory_space<vmem>>
    %dma_start3A_2251 = arith.constant 0 : i32
    %dma_start3A_2252 = arith.constant 0 : i32
    %dma_start3A_2253 = tpu.memref_slice %arg2[%dma_start3A_2251, %dma_start3A_2252] : memref<8192x384xf32, #tpu.memory_space<hbm>> -> memref<8192x384xf32, #tpu.memory_space<hbm>>
    tpu.enqueue_indirect_dma source(%dma_start3A_2253 : memref<8192x384xf32, #tpu.memory_space<hbm>>) target(%arg12 : memref<64x384xf32, #tpu.memory_space<vmem>>) offsets(%dma_start3A_2250 : memref<64xi32, #tpu.memory_space<vmem>>) semaphore(%arg17 : memref<!tpu.dma_semaphore, #tpu.memory_space<semaphore_mem>>)
    %dma_wait3A_2254 = arith.constant 5 : i32
    %dma_wait3A_2255 = arith.constant 0 : i32
    %dma_wait3A_2256 = tpu.memref_slice %arg7[%dma_wait3A_2254, %dma_wait3A_2255] : memref<16x64xi32, #tpu.memory_space<vmem>> -> memref<1x64xi32, #tpu.memory_space<vmem>>
    %dma_wait3A_2257 = tpu.memref_squeeze %dma_wait3A_2256 : memref<1x64xi32, #tpu.memory_space<vmem>> -> memref<64xi32, #tpu.memory_space<vmem>>
    %dma_wait3A_2258 = arith.constant 0 : i32
    %dma_wait3A_2259 = arith.constant 0 : i32
    %dma_wait3A_2260 = tpu.memref_slice %arg2[%dma_wait3A_2258, %dma_wait3A_2259] : memref<8192x384xf32, #tpu.memory_space<hbm>> -> memref<8192x384xf32, #tpu.memory_space<hbm>>
    tpu.wait_indirect_dma semaphore(%arg13 : memref<!tpu.dma_semaphore, #tpu.memory_space<semaphore_mem>>) src(%dma_wait3A_2260 : memref<8192x384xf32, #tpu.memory_space<hbm>>) dst(%arg8 : memref<64x384xf32, #tpu.memory_space<vmem>>)
    %add3A_2261 = arith.constant 320 : i32
    %add3A_2262 = arith.addi %mul3A_32, %add3A_2261 : i32
    %dma_start3A_2263 = arith.constant 0 : i32
    %dma_start3A_2264 = tpu.memref_slice %arg4[%select_n3A, %add3A_2262, %dma_start3A_2263] : memref<16x2048x384xf32, #tpu.memory_space<hbm>> -> memref<1x64x384xf32, #tpu.memory_space<hbm>>
    %dma_start3A_2265 = tpu.memref_squeeze %dma_start3A_2264 : memref<1x64x384xf32, #tpu.memory_space<hbm>> -> memref<64x384xf32, #tpu.memory_space<hbm>>
    %dma_start3A_2266 = arith.constant 0 : i32
    %dma_start3A_2267 = tpu.memref_slice %arg4[%select_n3A, %add3A_2262, %dma_start3A_2266] : memref<16x2048x384xf32, #tpu.memory_space<hbm>> -> memref<1x64x384xf32, #tpu.memory_space<hbm>>
    %dma_start3A_2268 = tpu.memref_squeeze %dma_start3A_2267 : memref<1x64x384xf32, #tpu.memory_space<hbm>> -> memref<64x384xf32, #tpu.memory_space<hbm>>
    tpu.enqueue_dma source(%arg8 : memref<64x384xf32, #tpu.memory_space<vmem>>) target(%dma_start3A_2268 : memref<64x384xf32, #tpu.memory_space<hbm>>) target_semaphore(%arg18 : memref<!tpu.dma_semaphore, #tpu.memory_space<semaphore_mem>>)
    %get3A_2269 = arith.constant 640 : index
    %get3A_2270 = tpu.vector_load %arg6[%get3A_2269] {strides = array<i32>} : memref<1024xi32, #tpu.memory_space<vmem>>, vector<16xi32>,
    %broadcast_in_dim3A_2271 = arith.constant true
    %broadcast_in_dim3A_2272 = vector.broadcast %broadcast_in_dim3A_2271 : i1 to vector<16xi1>
    %masked_cumsum3A_2273 = tpu.scan <sum>, %get3A_2270 masked %broadcast_in_dim3A_2272 : vector<16xi32>, vector<16xi1> -> vector<16xi32>
    %add3A_2274 = vector.broadcast %add3A_2238 : i32 to vector<16xi32>
    %add3A_2275 = arith.addi %masked_cumsum3A_2273, %add3A_2274 : vector<16xi32>
    %min3A_2276 = vector.broadcast %add3A_1351 : i32 to vector<16xi32>
    %min3A_2277 = arith.minsi %add3A_2275, %min3A_2276 : vector<16xi32>
    %swap3A_2278 = arith.constant 10 : i32
    %swap3A_2279 = arith.index_cast %swap3A_2278 : i32 to index
    %swap3A_2280 = arith.constant 0 : index
    %swap3A_2281 = tpu.vector_load %arg7[%swap3A_2279, %swap3A_2280] {strides = array<i32>} : memref<16x64xi32, #tpu.memory_space<vmem>>, vector<16xi32>,
    tpu.vector_store %arg7[%swap3A_2279, %swap3A_2280], %min3A_2277 {strides = array<i32>} : memref<16x64xi32, #tpu.memory_space<vmem>>, vector<16xi32>,
    %reduce_sum3A_2282 = arith.constant true
    %reduce_sum3A_2283 = vector.broadcast %reduce_sum3A_2282 : i1 to vector<16xi1>
    %reduce_sum3A_2284 = tpu.scan <sum>, %get3A_2270 masked %reduce_sum3A_2283 : vector<16xi32>, vector<16xi1> -> vector<16xi32>
    %reduce_sum3A_2285 = vector.extract %reduce_sum3A_2284[15] : i32 from vector<16xi32>
    %add3A_2286 = arith.addi %add3A_2238, %reduce_sum3A_2285 : i32
    %get3A_2287 = arith.constant 656 : index
    %get3A_2288 = tpu.vector_load %arg6[%get3A_2287] {strides = array<i32>} : memref<1024xi32, #tpu.memory_space<vmem>>, vector<16xi32>,
    %broadcast_in_dim3A_2289 = arith.constant true
    %broadcast_in_dim3A_2290 = vector.broadcast %broadcast_in_dim3A_2289 : i1 to vector<16xi1>
    %masked_cumsum3A_2291 = tpu.scan <sum>, %get3A_2288 masked %broadcast_in_dim3A_2290 : vector<16xi32>, vector<16xi1> -> vector<16xi32>
    %add3A_2292 = vector.broadcast %add3A_2286 : i32 to vector<16xi32>
    %add3A_2293 = arith.addi %masked_cumsum3A_2291, %add3A_2292 : vector<16xi32>
    %min3A_2294 = vector.broadcast %add3A_1351 : i32 to vector<16xi32>
    %min3A_2295 = arith.minsi %add3A_2293, %min3A_2294 : vector<16xi32>
    %swap3A_2296 = arith.constant 10 : i32
    %swap3A_2297 = arith.index_cast %swap3A_2296 : i32 to index
    %swap3A_2298 = arith.constant 16 : index
    %swap3A_2299 = tpu.vector_load %arg7[%swap3A_2297, %swap3A_2298] {strides = array<i32>} : memref<16x64xi32, #tpu.memory_space<vmem>>, vector<16xi32>,
    tpu.vector_store %arg7[%swap3A_2297, %swap3A_2298], %min3A_2295 {strides = array<i32>} : memref<16x64xi32, #tpu.memory_space<vmem>>, vector<16xi32>,
    %reduce_sum3A_2300 = arith.constant true
    %reduce_sum3A_2301 = vector.broadcast %reduce_sum3A_2300 : i1 to vector<16xi1>
    %reduce_sum3A_2302 = tpu.scan <sum>, %get3A_2288 masked %reduce_sum3A_2301 : vector<16xi32>, vector<16xi1> -> vector<16xi32>
    %reduce_sum3A_2303 = vector.extract %reduce_sum3A_2302[15] : i32 from vector<16xi32>
    %add3A_2304 = arith.addi %add3A_2286, %reduce_sum3A_2303 : i32
    %get3A_2305 = arith.constant 672 : index
    %get3A_2306 = tpu.vector_load %arg6[%get3A_2305] {strides = array<i32>} : memref<1024xi32, #tpu.memory_space<vmem>>, vector<16xi32>,
    %broadcast_in_dim3A_2307 = arith.constant true
    %broadcast_in_dim3A_2308 = vector.broadcast %broadcast_in_dim3A_2307 : i1 to vector<16xi1>
    %masked_cumsum3A_2309 = tpu.scan <sum>, %get3A_2306 masked %broadcast_in_dim3A_2308 : vector<16xi32>, vector<16xi1> -> vector<16xi32>
    %add3A_2310 = vector.broadcast %add3A_2304 : i32 to vector<16xi32>
    %add3A_2311 = arith.addi %masked_cumsum3A_2309, %add3A_2310 : vector<16xi32>
    %min3A_2312 = vector.broadcast %add3A_1351 : i32 to vector<16xi32>
    %min3A_2313 = arith.minsi %add3A_2311, %min3A_2312 : vector<16xi32>
    %swap3A_2314 = arith.constant 10 : i32
    %swap3A_2315 = arith.index_cast %swap3A_2314 : i32 to index
    %swap3A_2316 = arith.constant 32 : index
    %swap3A_2317 = tpu.vector_load %arg7[%swap3A_2315, %swap3A_2316] {strides = array<i32>} : memref<16x64xi32, #tpu.memory_space<vmem>>, vector<16xi32>,
    tpu.vector_store %arg7[%swap3A_2315, %swap3A_2316], %min3A_2313 {strides = array<i32>} : memref<16x64xi32, #tpu.memory_space<vmem>>, vector<16xi32>,
    %reduce_sum3A_2318 = arith.constant true
    %reduce_sum3A_2319 = vector.broadcast %reduce_sum3A_2318 : i1 to vector<16xi1>
    %reduce_sum3A_2320 = tpu.scan <sum>, %get3A_2306 masked %reduce_sum3A_2319 : vector<16xi32>, vector<16xi1> -> vector<16xi32>
    %reduce_sum3A_2321 = vector.extract %reduce_sum3A_2320[15] : i32 from vector<16xi32>
    %add3A_2322 = arith.addi %add3A_2304, %reduce_sum3A_2321 : i32
    %get3A_2323 = arith.constant 688 : index
    %get3A_2324 = tpu.vector_load %arg6[%get3A_2323] {strides = array<i32>} : memref<1024xi32, #tpu.memory_space<vmem>>, vector<16xi32>,
    %broadcast_in_dim3A_2325 = arith.constant true
    %broadcast_in_dim3A_2326 = vector.broadcast %broadcast_in_dim3A_2325 : i1 to vector<16xi1>
    %masked_cumsum3A_2327 = tpu.scan <sum>, %get3A_2324 masked %broadcast_in_dim3A_2326 : vector<16xi32>, vector<16xi1> -> vector<16xi32>
    %add3A_2328 = vector.broadcast %add3A_2322 : i32 to vector<16xi32>
    %add3A_2329 = arith.addi %masked_cumsum3A_2327, %add3A_2328 : vector<16xi32>
    %min3A_2330 = vector.broadcast %add3A_1351 : i32 to vector<16xi32>
    %min3A_2331 = arith.minsi %add3A_2329, %min3A_2330 : vector<16xi32>
    %swap3A_2332 = arith.constant 10 : i32
    %swap3A_2333 = arith.index_cast %swap3A_2332 : i32 to index
    %swap3A_2334 = arith.constant 48 : index
    %swap3A_2335 = tpu.vector_load %arg7[%swap3A_2333, %swap3A_2334] {strides = array<i32>} : memref<16x64xi32, #tpu.memory_space<vmem>>, vector<16xi32>,
    tpu.vector_store %arg7[%swap3A_2333, %swap3A_2334], %min3A_2331 {strides = array<i32>} : memref<16x64xi32, #tpu.memory_space<vmem>>, vector<16xi32>,
    %reduce_sum3A_2336 = arith.constant true
    %reduce_sum3A_2337 = vector.broadcast %reduce_sum3A_2336 : i1 to vector<16xi1>
    %reduce_sum3A_2338 = tpu.scan <sum>, %get3A_2324 masked %reduce_sum3A_2337 : vector<16xi32>, vector<16xi1> -> vector<16xi32>
    %reduce_sum3A_2339 = vector.extract %reduce_sum3A_2338[15] : i32 from vector<16xi32>
    %add3A_2340 = arith.addi %add3A_2322, %reduce_sum3A_2339 : i32
    %add3A_2341 = arith.constant 320 : i32
    %add3A_2342 = arith.addi %mul3A_32, %add3A_2341 : i32
    %dma_wait3A_2343 = arith.constant 0 : i32
    %dma_wait3A_2344 = tpu.memref_slice %arg4[%select_n3A, %add3A_2342, %dma_wait3A_2343] : memref<16x2048x384xf32, #tpu.memory_space<hbm>> -> memref<1x64x384xf32, #tpu.memory_space<hbm>>
    %dma_wait3A_2345 = tpu.memref_squeeze %dma_wait3A_2344 : memref<1x64x384xf32, #tpu.memory_space<hbm>> -> memref<64x384xf32, #tpu.memory_space<hbm>>
    %dma_wait3A_2346 = arith.constant 0 : i32
    %dma_wait3A_2347 = tpu.memref_slice %arg4[%select_n3A, %add3A_2342, %dma_wait3A_2346] : memref<16x2048x384xf32, #tpu.memory_space<hbm>> -> memref<1x64x384xf32, #tpu.memory_space<hbm>>
    %dma_wait3A_2348 = tpu.memref_squeeze %dma_wait3A_2347 : memref<1x64x384xf32, #tpu.memory_space<hbm>> -> memref<64x384xf32, #tpu.memory_space<hbm>>
    tpu.wait_dma2 semaphore(%arg18 : memref<!tpu.dma_semaphore, #tpu.memory_space<semaphore_mem>>) src(%arg8 : memref<64x384xf32, #tpu.memory_space<vmem>>) dst(%dma_wait3A_2348 : memref<64x384xf32, #tpu.memory_space<hbm>>)
    %dma_start3A_2349 = arith.constant 10 : i32
    %dma_start3A_2350 = arith.constant 0 : i32
    %dma_start3A_2351 = tpu.memref_slice %arg7[%dma_start3A_2349, %dma_start3A_2350] : memref<16x64xi32, #tpu.memory_space<vmem>> -> memref<1x64xi32, #tpu.memory_space<vmem>>
    %dma_start3A_2352 = tpu.memref_squeeze %dma_start3A_2351 : memref<1x64xi32, #tpu.memory_space<vmem>> -> memref<64xi32, #tpu.memory_space<vmem>>
    %dma_start3A_2353 = arith.constant 0 : i32
    %dma_start3A_2354 = arith.constant 0 : i32
    %dma_start3A_2355 = tpu.memref_slice %arg2[%dma_start3A_2353, %dma_start3A_2354] : memref<8192x384xf32, #tpu.memory_space<hbm>> -> memref<8192x384xf32, #tpu.memory_space<hbm>>
    tpu.enqueue_indirect_dma source(%dma_start3A_2355 : memref<8192x384xf32, #tpu.memory_space<hbm>>) target(%arg8 : memref<64x384xf32, #tpu.memory_space<vmem>>) offsets(%dma_start3A_2352 : memref<64xi32, #tpu.memory_space<vmem>>) semaphore(%arg13 : memref<!tpu.dma_semaphore, #tpu.memory_space<semaphore_mem>>)
    %dma_wait3A_2356 = arith.constant 6 : i32
    %dma_wait3A_2357 = arith.constant 0 : i32
    %dma_wait3A_2358 = tpu.memref_slice %arg7[%dma_wait3A_2356, %dma_wait3A_2357] : memref<16x64xi32, #tpu.memory_space<vmem>> -> memref<1x64xi32, #tpu.memory_space<vmem>>
    %dma_wait3A_2359 = tpu.memref_squeeze %dma_wait3A_2358 : memref<1x64xi32, #tpu.memory_space<vmem>> -> memref<64xi32, #tpu.memory_space<vmem>>
    %dma_wait3A_2360 = arith.constant 0 : i32
    %dma_wait3A_2361 = arith.constant 0 : i32
    %dma_wait3A_2362 = tpu.memref_slice %arg2[%dma_wait3A_2360, %dma_wait3A_2361] : memref<8192x384xf32, #tpu.memory_space<hbm>> -> memref<8192x384xf32, #tpu.memory_space<hbm>>
    tpu.wait_indirect_dma semaphore(%arg14 : memref<!tpu.dma_semaphore, #tpu.memory_space<semaphore_mem>>) src(%dma_wait3A_2362 : memref<8192x384xf32, #tpu.memory_space<hbm>>) dst(%arg9 : memref<64x384xf32, #tpu.memory_space<vmem>>)
    %add3A_2363 = arith.constant 384 : i32
    %add3A_2364 = arith.addi %mul3A_32, %add3A_2363 : i32
    %dma_start3A_2365 = arith.constant 0 : i32
    %dma_start3A_2366 = tpu.memref_slice %arg4[%select_n3A, %add3A_2364, %dma_start3A_2365] : memref<16x2048x384xf32, #tpu.memory_space<hbm>> -> memref<1x64x384xf32, #tpu.memory_space<hbm>>
    %dma_start3A_2367 = tpu.memref_squeeze %dma_start3A_2366 : memref<1x64x384xf32, #tpu.memory_space<hbm>> -> memref<64x384xf32, #tpu.memory_space<hbm>>
    %dma_start3A_2368 = arith.constant 0 : i32
    %dma_start3A_2369 = tpu.memref_slice %arg4[%select_n3A, %add3A_2364, %dma_start3A_2368] : memref<16x2048x384xf32, #tpu.memory_space<hbm>> -> memref<1x64x384xf32, #tpu.memory_space<hbm>>
    %dma_start3A_2370 = tpu.memref_squeeze %dma_start3A_2369 : memref<1x64x384xf32, #tpu.memory_space<hbm>> -> memref<64x384xf32, #tpu.memory_space<hbm>>
    tpu.enqueue_dma source(%arg9 : memref<64x384xf32, #tpu.memory_space<vmem>>) target(%dma_start3A_2370 : memref<64x384xf32, #tpu.memory_space<hbm>>) target_semaphore(%arg19 : memref<!tpu.dma_semaphore, #tpu.memory_space<semaphore_mem>>)
    %get3A_2371 = arith.constant 704 : index
    %get3A_2372 = tpu.vector_load %arg6[%get3A_2371] {strides = array<i32>} : memref<1024xi32, #tpu.memory_space<vmem>>, vector<16xi32>,
    %broadcast_in_dim3A_2373 = arith.constant true
    %broadcast_in_dim3A_2374 = vector.broadcast %broadcast_in_dim3A_2373 : i1 to vector<16xi1>
    %masked_cumsum3A_2375 = tpu.scan <sum>, %get3A_2372 masked %broadcast_in_dim3A_2374 : vector<16xi32>, vector<16xi1> -> vector<16xi32>
    %add3A_2376 = vector.broadcast %add3A_2340 : i32 to vector<16xi32>
    %add3A_2377 = arith.addi %masked_cumsum3A_2375, %add3A_2376 : vector<16xi32>
    %min3A_2378 = vector.broadcast %add3A_1351 : i32 to vector<16xi32>
    %min3A_2379 = arith.minsi %add3A_2377, %min3A_2378 : vector<16xi32>
    %swap3A_2380 = arith.constant 11 : i32
    %swap3A_2381 = arith.index_cast %swap3A_2380 : i32 to index
    %swap3A_2382 = arith.constant 0 : index
    %swap3A_2383 = tpu.vector_load %arg7[%swap3A_2381, %swap3A_2382] {strides = array<i32>} : memref<16x64xi32, #tpu.memory_space<vmem>>, vector<16xi32>,
    tpu.vector_store %arg7[%swap3A_2381, %swap3A_2382], %min3A_2379 {strides = array<i32>} : memref<16x64xi32, #tpu.memory_space<vmem>>, vector<16xi32>,
    %reduce_sum3A_2384 = arith.constant true
    %reduce_sum3A_2385 = vector.broadcast %reduce_sum3A_2384 : i1 to vector<16xi1>
    %reduce_sum3A_2386 = tpu.scan <sum>, %get3A_2372 masked %reduce_sum3A_2385 : vector<16xi32>, vector<16xi1> -> vector<16xi32>
    %reduce_sum3A_2387 = vector.extract %reduce_sum3A_2386[15] : i32 from vector<16xi32>
    %add3A_2388 = arith.addi %add3A_2340, %reduce_sum3A_2387 : i32
    %get3A_2389 = arith.constant 720 : index
    %get3A_2390 = tpu.vector_load %arg6[%get3A_2389] {strides = array<i32>} : memref<1024xi32, #tpu.memory_space<vmem>>, vector<16xi32>,
    %broadcast_in_dim3A_2391 = arith.constant true
    %broadcast_in_dim3A_2392 = vector.broadcast %broadcast_in_dim3A_2391 : i1 to vector<16xi1>
    %masked_cumsum3A_2393 = tpu.scan <sum>, %get3A_2390 masked %broadcast_in_dim3A_2392 : vector<16xi32>, vector<16xi1> -> vector<16xi32>
    %add3A_2394 = vector.broadcast %add3A_2388 : i32 to vector<16xi32>
    %add3A_2395 = arith.addi %masked_cumsum3A_2393, %add3A_2394 : vector<16xi32>
    %min3A_2396 = vector.broadcast %add3A_1351 : i32 to vector<16xi32>
    %min3A_2397 = arith.minsi %add3A_2395, %min3A_2396 : vector<16xi32>
    %swap3A_2398 = arith.constant 11 : i32
    %swap3A_2399 = arith.index_cast %swap3A_2398 : i32 to index
    %swap3A_2400 = arith.constant 16 : index
    %swap3A_2401 = tpu.vector_load %arg7[%swap3A_2399, %swap3A_2400] {strides = array<i32>} : memref<16x64xi32, #tpu.memory_space<vmem>>, vector<16xi32>,
    tpu.vector_store %arg7[%swap3A_2399, %swap3A_2400], %min3A_2397 {strides = array<i32>} : memref<16x64xi32, #tpu.memory_space<vmem>>, vector<16xi32>,
    %reduce_sum3A_2402 = arith.constant true
    %reduce_sum3A_2403 = vector.broadcast %reduce_sum3A_2402 : i1 to vector<16xi1>
    %reduce_sum3A_2404 = tpu.scan <sum>, %get3A_2390 masked %reduce_sum3A_2403 : vector<16xi32>, vector<16xi1> -> vector<16xi32>
    %reduce_sum3A_2405 = vector.extract %reduce_sum3A_2404[15] : i32 from vector<16xi32>
    %add3A_2406 = arith.addi %add3A_2388, %reduce_sum3A_2405 : i32
    %get3A_2407 = arith.constant 736 : index
    %get3A_2408 = tpu.vector_load %arg6[%get3A_2407] {strides = array<i32>} : memref<1024xi32, #tpu.memory_space<vmem>>, vector<16xi32>,
    %broadcast_in_dim3A_2409 = arith.constant true
    %broadcast_in_dim3A_2410 = vector.broadcast %broadcast_in_dim3A_2409 : i1 to vector<16xi1>
    %masked_cumsum3A_2411 = tpu.scan <sum>, %get3A_2408 masked %broadcast_in_dim3A_2410 : vector<16xi32>, vector<16xi1> -> vector<16xi32>
    %add3A_2412 = vector.broadcast %add3A_2406 : i32 to vector<16xi32>
    %add3A_2413 = arith.addi %masked_cumsum3A_2411, %add3A_2412 : vector<16xi32>
    %min3A_2414 = vector.broadcast %add3A_1351 : i32 to vector<16xi32>
    %min3A_2415 = arith.minsi %add3A_2413, %min3A_2414 : vector<16xi32>
    %swap3A_2416 = arith.constant 11 : i32
    %swap3A_2417 = arith.index_cast %swap3A_2416 : i32 to index
    %swap3A_2418 = arith.constant 32 : index
    %swap3A_2419 = tpu.vector_load %arg7[%swap3A_2417, %swap3A_2418] {strides = array<i32>} : memref<16x64xi32, #tpu.memory_space<vmem>>, vector<16xi32>,
    tpu.vector_store %arg7[%swap3A_2417, %swap3A_2418], %min3A_2415 {strides = array<i32>} : memref<16x64xi32, #tpu.memory_space<vmem>>, vector<16xi32>,
    %reduce_sum3A_2420 = arith.constant true
    %reduce_sum3A_2421 = vector.broadcast %reduce_sum3A_2420 : i1 to vector<16xi1>
    %reduce_sum3A_2422 = tpu.scan <sum>, %get3A_2408 masked %reduce_sum3A_2421 : vector<16xi32>, vector<16xi1> -> vector<16xi32>
    %reduce_sum3A_2423 = vector.extract %reduce_sum3A_2422[15] : i32 from vector<16xi32>
    %add3A_2424 = arith.addi %add3A_2406, %reduce_sum3A_2423 : i32
    %get3A_2425 = arith.constant 752 : index
    %get3A_2426 = tpu.vector_load %arg6[%get3A_2425] {strides = array<i32>} : memref<1024xi32, #tpu.memory_space<vmem>>, vector<16xi32>,
    %broadcast_in_dim3A_2427 = arith.constant true
    %broadcast_in_dim3A_2428 = vector.broadcast %broadcast_in_dim3A_2427 : i1 to vector<16xi1>
    %masked_cumsum3A_2429 = tpu.scan <sum>, %get3A_2426 masked %broadcast_in_dim3A_2428 : vector<16xi32>, vector<16xi1> -> vector<16xi32>
    %add3A_2430 = vector.broadcast %add3A_2424 : i32 to vector<16xi32>
    %add3A_2431 = arith.addi %masked_cumsum3A_2429, %add3A_2430 : vector<16xi32>
    %min3A_2432 = vector.broadcast %add3A_1351 : i32 to vector<16xi32>
    %min3A_2433 = arith.minsi %add3A_2431, %min3A_2432 : vector<16xi32>
    %swap3A_2434 = arith.constant 11 : i32
    %swap3A_2435 = arith.index_cast %swap3A_2434 : i32 to index
    %swap3A_2436 = arith.constant 48 : index
    %swap3A_2437 = tpu.vector_load %arg7[%swap3A_2435, %swap3A_2436] {strides = array<i32>} : memref<16x64xi32, #tpu.memory_space<vmem>>, vector<16xi32>,
    tpu.vector_store %arg7[%swap3A_2435, %swap3A_2436], %min3A_2433 {strides = array<i32>} : memref<16x64xi32, #tpu.memory_space<vmem>>, vector<16xi32>,
    %reduce_sum3A_2438 = arith.constant true
    %reduce_sum3A_2439 = vector.broadcast %reduce_sum3A_2438 : i1 to vector<16xi1>
    %reduce_sum3A_2440 = tpu.scan <sum>, %get3A_2426 masked %reduce_sum3A_2439 : vector<16xi32>, vector<16xi1> -> vector<16xi32>
    %reduce_sum3A_2441 = vector.extract %reduce_sum3A_2440[15] : i32 from vector<16xi32>
    %add3A_2442 = arith.addi %add3A_2424, %reduce_sum3A_2441 : i32
    %add3A_2443 = arith.constant 384 : i32
    %add3A_2444 = arith.addi %mul3A_32, %add3A_2443 : i32
    %dma_wait3A_2445 = arith.constant 0 : i32
    %dma_wait3A_2446 = tpu.memref_slice %arg4[%select_n3A, %add3A_2444, %dma_wait3A_2445] : memref<16x2048x384xf32, #tpu.memory_space<hbm>> -> memref<1x64x384xf32, #tpu.memory_space<hbm>>
    %dma_wait3A_2447 = tpu.memref_squeeze %dma_wait3A_2446 : memref<1x64x384xf32, #tpu.memory_space<hbm>> -> memref<64x384xf32, #tpu.memory_space<hbm>>
    %dma_wait3A_2448 = arith.constant 0 : i32
    %dma_wait3A_2449 = tpu.memref_slice %arg4[%select_n3A, %add3A_2444, %dma_wait3A_2448] : memref<16x2048x384xf32, #tpu.memory_space<hbm>> -> memref<1x64x384xf32, #tpu.memory_space<hbm>>
    %dma_wait3A_2450 = tpu.memref_squeeze %dma_wait3A_2449 : memref<1x64x384xf32, #tpu.memory_space<hbm>> -> memref<64x384xf32, #tpu.memory_space<hbm>>
    tpu.wait_dma2 semaphore(%arg19 : memref<!tpu.dma_semaphore, #tpu.memory_space<semaphore_mem>>) src(%arg9 : memref<64x384xf32, #tpu.memory_space<vmem>>) dst(%dma_wait3A_2450 : memref<64x384xf32, #tpu.memory_space<hbm>>)
    %dma_start3A_2451 = arith.constant 11 : i32
    %dma_start3A_2452 = arith.constant 0 : i32
    %dma_start3A_2453 = tpu.memref_slice %arg7[%dma_start3A_2451, %dma_start3A_2452] : memref<16x64xi32, #tpu.memory_space<vmem>> -> memref<1x64xi32, #tpu.memory_space<vmem>>
    %dma_start3A_2454 = tpu.memref_squeeze %dma_start3A_2453 : memref<1x64xi32, #tpu.memory_space<vmem>> -> memref<64xi32, #tpu.memory_space<vmem>>
    %dma_start3A_2455 = arith.constant 0 : i32
    %dma_start3A_2456 = arith.constant 0 : i32
    %dma_start3A_2457 = tpu.memref_slice %arg2[%dma_start3A_2455, %dma_start3A_2456] : memref<8192x384xf32, #tpu.memory_space<hbm>> -> memref<8192x384xf32, #tpu.memory_space<hbm>>
    tpu.enqueue_indirect_dma source(%dma_start3A_2457 : memref<8192x384xf32, #tpu.memory_space<hbm>>) target(%arg9 : memref<64x384xf32, #tpu.memory_space<vmem>>) offsets(%dma_start3A_2454 : memref<64xi32, #tpu.memory_space<vmem>>) semaphore(%arg14 : memref<!tpu.dma_semaphore, #tpu.memory_space<semaphore_mem>>)
    %dma_wait3A_2458 = arith.constant 7 : i32
    %dma_wait3A_2459 = arith.constant 0 : i32
    %dma_wait3A_2460 = tpu.memref_slice %arg7[%dma_wait3A_2458, %dma_wait3A_2459] : memref<16x64xi32, #tpu.memory_space<vmem>> -> memref<1x64xi32, #tpu.memory_space<vmem>>
    %dma_wait3A_2461 = tpu.memref_squeeze %dma_wait3A_2460 : memref<1x64xi32, #tpu.memory_space<vmem>> -> memref<64xi32, #tpu.memory_space<vmem>>
    %dma_wait3A_2462 = arith.constant 0 : i32
    %dma_wait3A_2463 = arith.constant 0 : i32
    %dma_wait3A_2464 = tpu.memref_slice %arg2[%dma_wait3A_2462, %dma_wait3A_2463] : memref<8192x384xf32, #tpu.memory_space<hbm>> -> memref<8192x384xf32, #tpu.memory_space<hbm>>
    tpu.wait_indirect_dma semaphore(%arg15 : memref<!tpu.dma_semaphore, #tpu.memory_space<semaphore_mem>>) src(%dma_wait3A_2464 : memref<8192x384xf32, #tpu.memory_space<hbm>>) dst(%arg10 : memref<64x384xf32, #tpu.memory_space<vmem>>)
    %add3A_2465 = arith.constant 448 : i32
    %add3A_2466 = arith.addi %mul3A_32, %add3A_2465 : i32
    %dma_start3A_2467 = arith.constant 0 : i32
    %dma_start3A_2468 = tpu.memref_slice %arg4[%select_n3A, %add3A_2466, %dma_start3A_2467] : memref<16x2048x384xf32, #tpu.memory_space<hbm>> -> memref<1x64x384xf32, #tpu.memory_space<hbm>>
    %dma_start3A_2469 = tpu.memref_squeeze %dma_start3A_2468 : memref<1x64x384xf32, #tpu.memory_space<hbm>> -> memref<64x384xf32, #tpu.memory_space<hbm>>
    %dma_start3A_2470 = arith.constant 0 : i32
    %dma_start3A_2471 = tpu.memref_slice %arg4[%select_n3A, %add3A_2466, %dma_start3A_2470] : memref<16x2048x384xf32, #tpu.memory_space<hbm>> -> memref<1x64x384xf32, #tpu.memory_space<hbm>>
    %dma_start3A_2472 = tpu.memref_squeeze %dma_start3A_2471 : memref<1x64x384xf32, #tpu.memory_space<hbm>> -> memref<64x384xf32, #tpu.memory_space<hbm>>
    tpu.enqueue_dma source(%arg10 : memref<64x384xf32, #tpu.memory_space<vmem>>) target(%dma_start3A_2472 : memref<64x384xf32, #tpu.memory_space<hbm>>) target_semaphore(%arg20 : memref<!tpu.dma_semaphore, #tpu.memory_space<semaphore_mem>>)
    %get3A_2473 = arith.constant 768 : index
    %get3A_2474 = tpu.vector_load %arg6[%get3A_2473] {strides = array<i32>} : memref<1024xi32, #tpu.memory_space<vmem>>, vector<16xi32>,
    %broadcast_in_dim3A_2475 = arith.constant true
    %broadcast_in_dim3A_2476 = vector.broadcast %broadcast_in_dim3A_2475 : i1 to vector<16xi1>
    %masked_cumsum3A_2477 = tpu.scan <sum>, %get3A_2474 masked %broadcast_in_dim3A_2476 : vector<16xi32>, vector<16xi1> -> vector<16xi32>
    %add3A_2478 = vector.broadcast %add3A_2442 : i32 to vector<16xi32>
    %add3A_2479 = arith.addi %masked_cumsum3A_2477, %add3A_2478 : vector<16xi32>
    %min3A_2480 = vector.broadcast %add3A_1351 : i32 to vector<16xi32>
    %min3A_2481 = arith.minsi %add3A_2479, %min3A_2480 : vector<16xi32>
    %swap3A_2482 = arith.constant 12 : i32
    %swap3A_2483 = arith.index_cast %swap3A_2482 : i32 to index
    %swap3A_2484 = arith.constant 0 : index
    %swap3A_2485 = tpu.vector_load %arg7[%swap3A_2483, %swap3A_2484] {strides = array<i32>} : memref<16x64xi32, #tpu.memory_space<vmem>>, vector<16xi32>,
    tpu.vector_store %arg7[%swap3A_2483, %swap3A_2484], %min3A_2481 {strides = array<i32>} : memref<16x64xi32, #tpu.memory_space<vmem>>, vector<16xi32>,
    %reduce_sum3A_2486 = arith.constant true
    %reduce_sum3A_2487 = vector.broadcast %reduce_sum3A_2486 : i1 to vector<16xi1>
    %reduce_sum3A_2488 = tpu.scan <sum>, %get3A_2474 masked %reduce_sum3A_2487 : vector<16xi32>, vector<16xi1> -> vector<16xi32>
    %reduce_sum3A_2489 = vector.extract %reduce_sum3A_2488[15] : i32 from vector<16xi32>
    %add3A_2490 = arith.addi %add3A_2442, %reduce_sum3A_2489 : i32
    %get3A_2491 = arith.constant 784 : index
    %get3A_2492 = tpu.vector_load %arg6[%get3A_2491] {strides = array<i32>} : memref<1024xi32, #tpu.memory_space<vmem>>, vector<16xi32>,
    %broadcast_in_dim3A_2493 = arith.constant true
    %broadcast_in_dim3A_2494 = vector.broadcast %broadcast_in_dim3A_2493 : i1 to vector<16xi1>
    %masked_cumsum3A_2495 = tpu.scan <sum>, %get3A_2492 masked %broadcast_in_dim3A_2494 : vector<16xi32>, vector<16xi1> -> vector<16xi32>
    %add3A_2496 = vector.broadcast %add3A_2490 : i32 to vector<16xi32>
    %add3A_2497 = arith.addi %masked_cumsum3A_2495, %add3A_2496 : vector<16xi32>
    %min3A_2498 = vector.broadcast %add3A_1351 : i32 to vector<16xi32>
    %min3A_2499 = arith.minsi %add3A_2497, %min3A_2498 : vector<16xi32>
    %swap3A_2500 = arith.constant 12 : i32
    %swap3A_2501 = arith.index_cast %swap3A_2500 : i32 to index
    %swap3A_2502 = arith.constant 16 : index
    %swap3A_2503 = tpu.vector_load %arg7[%swap3A_2501, %swap3A_2502] {strides = array<i32>} : memref<16x64xi32, #tpu.memory_space<vmem>>, vector<16xi32>,
    tpu.vector_store %arg7[%swap3A_2501, %swap3A_2502], %min3A_2499 {strides = array<i32>} : memref<16x64xi32, #tpu.memory_space<vmem>>, vector<16xi32>,
    %reduce_sum3A_2504 = arith.constant true
    %reduce_sum3A_2505 = vector.broadcast %reduce_sum3A_2504 : i1 to vector<16xi1>
    %reduce_sum3A_2506 = tpu.scan <sum>, %get3A_2492 masked %reduce_sum3A_2505 : vector<16xi32>, vector<16xi1> -> vector<16xi32>
    %reduce_sum3A_2507 = vector.extract %reduce_sum3A_2506[15] : i32 from vector<16xi32>
    %add3A_2508 = arith.addi %add3A_2490, %reduce_sum3A_2507 : i32
    %get3A_2509 = arith.constant 800 : index
    %get3A_2510 = tpu.vector_load %arg6[%get3A_2509] {strides = array<i32>} : memref<1024xi32, #tpu.memory_space<vmem>>, vector<16xi32>,
    %broadcast_in_dim3A_2511 = arith.constant true
    %broadcast_in_dim3A_2512 = vector.broadcast %broadcast_in_dim3A_2511 : i1 to vector<16xi1>
    %masked_cumsum3A_2513 = tpu.scan <sum>, %get3A_2510 masked %broadcast_in_dim3A_2512 : vector<16xi32>, vector<16xi1> -> vector<16xi32>
    %add3A_2514 = vector.broadcast %add3A_2508 : i32 to vector<16xi32>
    %add3A_2515 = arith.addi %masked_cumsum3A_2513, %add3A_2514 : vector<16xi32>
    %min3A_2516 = vector.broadcast %add3A_1351 : i32 to vector<16xi32>
    %min3A_2517 = arith.minsi %add3A_2515, %min3A_2516 : vector<16xi32>
    %swap3A_2518 = arith.constant 12 : i32
    %swap3A_2519 = arith.index_cast %swap3A_2518 : i32 to index
    %swap3A_2520 = arith.constant 32 : index
    %swap3A_2521 = tpu.vector_load %arg7[%swap3A_2519, %swap3A_2520] {strides = array<i32>} : memref<16x64xi32, #tpu.memory_space<vmem>>, vector<16xi32>,
    tpu.vector_store %arg7[%swap3A_2519, %swap3A_2520], %min3A_2517 {strides = array<i32>} : memref<16x64xi32, #tpu.memory_space<vmem>>, vector<16xi32>,
    %reduce_sum3A_2522 = arith.constant true
    %reduce_sum3A_2523 = vector.broadcast %reduce_sum3A_2522 : i1 to vector<16xi1>
    %reduce_sum3A_2524 = tpu.scan <sum>, %get3A_2510 masked %reduce_sum3A_2523 : vector<16xi32>, vector<16xi1> -> vector<16xi32>
    %reduce_sum3A_2525 = vector.extract %reduce_sum3A_2524[15] : i32 from vector<16xi32>
    %add3A_2526 = arith.addi %add3A_2508, %reduce_sum3A_2525 : i32
    %get3A_2527 = arith.constant 816 : index
    %get3A_2528 = tpu.vector_load %arg6[%get3A_2527] {strides = array<i32>} : memref<1024xi32, #tpu.memory_space<vmem>>, vector<16xi32>,
    %broadcast_in_dim3A_2529 = arith.constant true
    %broadcast_in_dim3A_2530 = vector.broadcast %broadcast_in_dim3A_2529 : i1 to vector<16xi1>
    %masked_cumsum3A_2531 = tpu.scan <sum>, %get3A_2528 masked %broadcast_in_dim3A_2530 : vector<16xi32>, vector<16xi1> -> vector<16xi32>
    %add3A_2532 = vector.broadcast %add3A_2526 : i32 to vector<16xi32>
    %add3A_2533 = arith.addi %masked_cumsum3A_2531, %add3A_2532 : vector<16xi32>
    %min3A_2534 = vector.broadcast %add3A_1351 : i32 to vector<16xi32>
    %min3A_2535 = arith.minsi %add3A_2533, %min3A_2534 : vector<16xi32>
    %swap3A_2536 = arith.constant 12 : i32
    %swap3A_2537 = arith.index_cast %swap3A_2536 : i32 to index
    %swap3A_2538 = arith.constant 48 : index
    %swap3A_2539 = tpu.vector_load %arg7[%swap3A_2537, %swap3A_2538] {strides = array<i32>} : memref<16x64xi32, #tpu.memory_space<vmem>>, vector<16xi32>,
    tpu.vector_store %arg7[%swap3A_2537, %swap3A_2538], %min3A_2535 {strides = array<i32>} : memref<16x64xi32, #tpu.memory_space<vmem>>, vector<16xi32>,
    %reduce_sum3A_2540 = arith.constant true
    %reduce_sum3A_2541 = vector.broadcast %reduce_sum3A_2540 : i1 to vector<16xi1>
    %reduce_sum3A_2542 = tpu.scan <sum>, %get3A_2528 masked %reduce_sum3A_2541 : vector<16xi32>, vector<16xi1> -> vector<16xi32>
    %reduce_sum3A_2543 = vector.extract %reduce_sum3A_2542[15] : i32 from vector<16xi32>
    %add3A_2544 = arith.addi %add3A_2526, %reduce_sum3A_2543 : i32
    %add3A_2545 = arith.constant 448 : i32
    %add3A_2546 = arith.addi %mul3A_32, %add3A_2545 : i32
    %dma_wait3A_2547 = arith.constant 0 : i32
    %dma_wait3A_2548 = tpu.memref_slice %arg4[%select_n3A, %add3A_2546, %dma_wait3A_2547] : memref<16x2048x384xf32, #tpu.memory_space<hbm>> -> memref<1x64x384xf32, #tpu.memory_space<hbm>>
    %dma_wait3A_2549 = tpu.memref_squeeze %dma_wait3A_2548 : memref<1x64x384xf32, #tpu.memory_space<hbm>> -> memref<64x384xf32, #tpu.memory_space<hbm>>
    %dma_wait3A_2550 = arith.constant 0 : i32
    %dma_wait3A_2551 = tpu.memref_slice %arg4[%select_n3A, %add3A_2546, %dma_wait3A_2550] : memref<16x2048x384xf32, #tpu.memory_space<hbm>> -> memref<1x64x384xf32, #tpu.memory_space<hbm>>
    %dma_wait3A_2552 = tpu.memref_squeeze %dma_wait3A_2551 : memref<1x64x384xf32, #tpu.memory_space<hbm>> -> memref<64x384xf32, #tpu.memory_space<hbm>>
    tpu.wait_dma2 semaphore(%arg20 : memref<!tpu.dma_semaphore, #tpu.memory_space<semaphore_mem>>) src(%arg10 : memref<64x384xf32, #tpu.memory_space<vmem>>) dst(%dma_wait3A_2552 : memref<64x384xf32, #tpu.memory_space<hbm>>)
    %dma_start3A_2553 = arith.constant 12 : i32
    %dma_start3A_2554 = arith.constant 0 : i32
    %dma_start3A_2555 = tpu.memref_slice %arg7[%dma_start3A_2553, %dma_start3A_2554] : memref<16x64xi32, #tpu.memory_space<vmem>> -> memref<1x64xi32, #tpu.memory_space<vmem>>
    %dma_start3A_2556 = tpu.memref_squeeze %dma_start3A_2555 : memref<1x64xi32, #tpu.memory_space<vmem>> -> memref<64xi32, #tpu.memory_space<vmem>>
    %dma_start3A_2557 = arith.constant 0 : i32
    %dma_start3A_2558 = arith.constant 0 : i32
    %dma_start3A_2559 = tpu.memref_slice %arg2[%dma_start3A_2557, %dma_start3A_2558] : memref<8192x384xf32, #tpu.memory_space<hbm>> -> memref<8192x384xf32, #tpu.memory_space<hbm>>
    tpu.enqueue_indirect_dma source(%dma_start3A_2559 : memref<8192x384xf32, #tpu.memory_space<hbm>>) target(%arg10 : memref<64x384xf32, #tpu.memory_space<vmem>>) offsets(%dma_start3A_2556 : memref<64xi32, #tpu.memory_space<vmem>>) semaphore(%arg15 : memref<!tpu.dma_semaphore, #tpu.memory_space<semaphore_mem>>)
    %dma_wait3A_2560 = arith.constant 8 : i32
    %dma_wait3A_2561 = arith.constant 0 : i32
    %dma_wait3A_2562 = tpu.memref_slice %arg7[%dma_wait3A_2560, %dma_wait3A_2561] : memref<16x64xi32, #tpu.memory_space<vmem>> -> memref<1x64xi32, #tpu.memory_space<vmem>>
    %dma_wait3A_2563 = tpu.memref_squeeze %dma_wait3A_2562 : memref<1x64xi32, #tpu.memory_space<vmem>> -> memref<64xi32, #tpu.memory_space<vmem>>
    %dma_wait3A_2564 = arith.constant 0 : i32
    %dma_wait3A_2565 = arith.constant 0 : i32
    %dma_wait3A_2566 = tpu.memref_slice %arg2[%dma_wait3A_2564, %dma_wait3A_2565] : memref<8192x384xf32, #tpu.memory_space<hbm>> -> memref<8192x384xf32, #tpu.memory_space<hbm>>
    tpu.wait_indirect_dma semaphore(%arg16 : memref<!tpu.dma_semaphore, #tpu.memory_space<semaphore_mem>>) src(%dma_wait3A_2566 : memref<8192x384xf32, #tpu.memory_space<hbm>>) dst(%arg11 : memref<64x384xf32, #tpu.memory_space<vmem>>)
    %add3A_2567 = arith.constant 512 : i32
    %add3A_2568 = arith.addi %mul3A_32, %add3A_2567 : i32
    %dma_start3A_2569 = arith.constant 0 : i32
    %dma_start3A_2570 = tpu.memref_slice %arg4[%select_n3A, %add3A_2568, %dma_start3A_2569] : memref<16x2048x384xf32, #tpu.memory_space<hbm>> -> memref<1x64x384xf32, #tpu.memory_space<hbm>>
    %dma_start3A_2571 = tpu.memref_squeeze %dma_start3A_2570 : memref<1x64x384xf32, #tpu.memory_space<hbm>> -> memref<64x384xf32, #tpu.memory_space<hbm>>
    %dma_start3A_2572 = arith.constant 0 : i32
    %dma_start3A_2573 = tpu.memref_slice %arg4[%select_n3A, %add3A_2568, %dma_start3A_2572] : memref<16x2048x384xf32, #tpu.memory_space<hbm>> -> memref<1x64x384xf32, #tpu.memory_space<hbm>>
    %dma_start3A_2574 = tpu.memref_squeeze %dma_start3A_2573 : memref<1x64x384xf32, #tpu.memory_space<hbm>> -> memref<64x384xf32, #tpu.memory_space<hbm>>
    tpu.enqueue_dma source(%arg11 : memref<64x384xf32, #tpu.memory_space<vmem>>) target(%dma_start3A_2574 : memref<64x384xf32, #tpu.memory_space<hbm>>) target_semaphore(%arg21 : memref<!tpu.dma_semaphore, #tpu.memory_space<semaphore_mem>>)
    %get3A_2575 = arith.constant 832 : index
    %get3A_2576 = tpu.vector_load %arg6[%get3A_2575] {strides = array<i32>} : memref<1024xi32, #tpu.memory_space<vmem>>, vector<16xi32>,
    %broadcast_in_dim3A_2577 = arith.constant true
    %broadcast_in_dim3A_2578 = vector.broadcast %broadcast_in_dim3A_2577 : i1 to vector<16xi1>
    %masked_cumsum3A_2579 = tpu.scan <sum>, %get3A_2576 masked %broadcast_in_dim3A_2578 : vector<16xi32>, vector<16xi1> -> vector<16xi32>
    %add3A_2580 = vector.broadcast %add3A_2544 : i32 to vector<16xi32>
    %add3A_2581 = arith.addi %masked_cumsum3A_2579, %add3A_2580 : vector<16xi32>
    %min3A_2582 = vector.broadcast %add3A_1351 : i32 to vector<16xi32>
    %min3A_2583 = arith.minsi %add3A_2581, %min3A_2582 : vector<16xi32>
    %swap3A_2584 = arith.constant 13 : i32
    %swap3A_2585 = arith.index_cast %swap3A_2584 : i32 to index
    %swap3A_2586 = arith.constant 0 : index
    %swap3A_2587 = tpu.vector_load %arg7[%swap3A_2585, %swap3A_2586] {strides = array<i32>} : memref<16x64xi32, #tpu.memory_space<vmem>>, vector<16xi32>,
    tpu.vector_store %arg7[%swap3A_2585, %swap3A_2586], %min3A_2583 {strides = array<i32>} : memref<16x64xi32, #tpu.memory_space<vmem>>, vector<16xi32>,
    %reduce_sum3A_2588 = arith.constant true
    %reduce_sum3A_2589 = vector.broadcast %reduce_sum3A_2588 : i1 to vector<16xi1>
    %reduce_sum3A_2590 = tpu.scan <sum>, %get3A_2576 masked %reduce_sum3A_2589 : vector<16xi32>, vector<16xi1> -> vector<16xi32>
    %reduce_sum3A_2591 = vector.extract %reduce_sum3A_2590[15] : i32 from vector<16xi32>
    %add3A_2592 = arith.addi %add3A_2544, %reduce_sum3A_2591 : i32
    %get3A_2593 = arith.constant 848 : index
    %get3A_2594 = tpu.vector_load %arg6[%get3A_2593] {strides = array<i32>} : memref<1024xi32, #tpu.memory_space<vmem>>, vector<16xi32>,
    %broadcast_in_dim3A_2595 = arith.constant true
    %broadcast_in_dim3A_2596 = vector.broadcast %broadcast_in_dim3A_2595 : i1 to vector<16xi1>
    %masked_cumsum3A_2597 = tpu.scan <sum>, %get3A_2594 masked %broadcast_in_dim3A_2596 : vector<16xi32>, vector<16xi1> -> vector<16xi32>
    %add3A_2598 = vector.broadcast %add3A_2592 : i32 to vector<16xi32>
    %add3A_2599 = arith.addi %masked_cumsum3A_2597, %add3A_2598 : vector<16xi32>
    %min3A_2600 = vector.broadcast %add3A_1351 : i32 to vector<16xi32>
    %min3A_2601 = arith.minsi %add3A_2599, %min3A_2600 : vector<16xi32>
    %swap3A_2602 = arith.constant 13 : i32
    %swap3A_2603 = arith.index_cast %swap3A_2602 : i32 to index
    %swap3A_2604 = arith.constant 16 : index
    %swap3A_2605 = tpu.vector_load %arg7[%swap3A_2603, %swap3A_2604] {strides = array<i32>} : memref<16x64xi32, #tpu.memory_space<vmem>>, vector<16xi32>,
    tpu.vector_store %arg7[%swap3A_2603, %swap3A_2604], %min3A_2601 {strides = array<i32>} : memref<16x64xi32, #tpu.memory_space<vmem>>, vector<16xi32>,
    %reduce_sum3A_2606 = arith.constant true
    %reduce_sum3A_2607 = vector.broadcast %reduce_sum3A_2606 : i1 to vector<16xi1>
    %reduce_sum3A_2608 = tpu.scan <sum>, %get3A_2594 masked %reduce_sum3A_2607 : vector<16xi32>, vector<16xi1> -> vector<16xi32>
    %reduce_sum3A_2609 = vector.extract %reduce_sum3A_2608[15] : i32 from vector<16xi32>
    %add3A_2610 = arith.addi %add3A_2592, %reduce_sum3A_2609 : i32
    %get3A_2611 = arith.constant 864 : index
    %get3A_2612 = tpu.vector_load %arg6[%get3A_2611] {strides = array<i32>} : memref<1024xi32, #tpu.memory_space<vmem>>, vector<16xi32>,
    %broadcast_in_dim3A_2613 = arith.constant true
    %broadcast_in_dim3A_2614 = vector.broadcast %broadcast_in_dim3A_2613 : i1 to vector<16xi1>
    %masked_cumsum3A_2615 = tpu.scan <sum>, %get3A_2612 masked %broadcast_in_dim3A_2614 : vector<16xi32>, vector<16xi1> -> vector<16xi32>
    %add3A_2616 = vector.broadcast %add3A_2610 : i32 to vector<16xi32>
    %add3A_2617 = arith.addi %masked_cumsum3A_2615, %add3A_2616 : vector<16xi32>
    %min3A_2618 = vector.broadcast %add3A_1351 : i32 to vector<16xi32>
    %min3A_2619 = arith.minsi %add3A_2617, %min3A_2618 : vector<16xi32>
    %swap3A_2620 = arith.constant 13 : i32
    %swap3A_2621 = arith.index_cast %swap3A_2620 : i32 to index
    %swap3A_2622 = arith.constant 32 : index
    %swap3A_2623 = tpu.vector_load %arg7[%swap3A_2621, %swap3A_2622] {strides = array<i32>} : memref<16x64xi32, #tpu.memory_space<vmem>>, vector<16xi32>,
    tpu.vector_store %arg7[%swap3A_2621, %swap3A_2622], %min3A_2619 {strides = array<i32>} : memref<16x64xi32, #tpu.memory_space<vmem>>, vector<16xi32>,
    %reduce_sum3A_2624 = arith.constant true
    %reduce_sum3A_2625 = vector.broadcast %reduce_sum3A_2624 : i1 to vector<16xi1>
    %reduce_sum3A_2626 = tpu.scan <sum>, %get3A_2612 masked %reduce_sum3A_2625 : vector<16xi32>, vector<16xi1> -> vector<16xi32>
    %reduce_sum3A_2627 = vector.extract %reduce_sum3A_2626[15] : i32 from vector<16xi32>
    %add3A_2628 = arith.addi %add3A_2610, %reduce_sum3A_2627 : i32
    %get3A_2629 = arith.constant 880 : index
    %get3A_2630 = tpu.vector_load %arg6[%get3A_2629] {strides = array<i32>} : memref<1024xi32, #tpu.memory_space<vmem>>, vector<16xi32>,
    %broadcast_in_dim3A_2631 = arith.constant true
    %broadcast_in_dim3A_2632 = vector.broadcast %broadcast_in_dim3A_2631 : i1 to vector<16xi1>
    %masked_cumsum3A_2633 = tpu.scan <sum>, %get3A_2630 masked %broadcast_in_dim3A_2632 : vector<16xi32>, vector<16xi1> -> vector<16xi32>
    %add3A_2634 = vector.broadcast %add3A_2628 : i32 to vector<16xi32>
    %add3A_2635 = arith.addi %masked_cumsum3A_2633, %add3A_2634 : vector<16xi32>
    %min3A_2636 = vector.broadcast %add3A_1351 : i32 to vector<16xi32>
    %min3A_2637 = arith.minsi %add3A_2635, %min3A_2636 : vector<16xi32>
    %swap3A_2638 = arith.constant 13 : i32
    %swap3A_2639 = arith.index_cast %swap3A_2638 : i32 to index
    %swap3A_2640 = arith.constant 48 : index
    %swap3A_2641 = tpu.vector_load %arg7[%swap3A_2639, %swap3A_2640] {strides = array<i32>} : memref<16x64xi32, #tpu.memory_space<vmem>>, vector<16xi32>,
    tpu.vector_store %arg7[%swap3A_2639, %swap3A_2640], %min3A_2637 {strides = array<i32>} : memref<16x64xi32, #tpu.memory_space<vmem>>, vector<16xi32>,
    %reduce_sum3A_2642 = arith.constant true
    %reduce_sum3A_2643 = vector.broadcast %reduce_sum3A_2642 : i1 to vector<16xi1>
    %reduce_sum3A_2644 = tpu.scan <sum>, %get3A_2630 masked %reduce_sum3A_2643 : vector<16xi32>, vector<16xi1> -> vector<16xi32>
    %reduce_sum3A_2645 = vector.extract %reduce_sum3A_2644[15] : i32 from vector<16xi32>
    %add3A_2646 = arith.addi %add3A_2628, %reduce_sum3A_2645 : i32
    %add3A_2647 = arith.constant 512 : i32
    %add3A_2648 = arith.addi %mul3A_32, %add3A_2647 : i32
    %dma_wait3A_2649 = arith.constant 0 : i32
    %dma_wait3A_2650 = tpu.memref_slice %arg4[%select_n3A, %add3A_2648, %dma_wait3A_2649] : memref<16x2048x384xf32, #tpu.memory_space<hbm>> -> memref<1x64x384xf32, #tpu.memory_space<hbm>>
    %dma_wait3A_2651 = tpu.memref_squeeze %dma_wait3A_2650 : memref<1x64x384xf32, #tpu.memory_space<hbm>> -> memref<64x384xf32, #tpu.memory_space<hbm>>
    %dma_wait3A_2652 = arith.constant 0 : i32
    %dma_wait3A_2653 = tpu.memref_slice %arg4[%select_n3A, %add3A_2648, %dma_wait3A_2652] : memref<16x2048x384xf32, #tpu.memory_space<hbm>> -> memref<1x64x384xf32, #tpu.memory_space<hbm>>
    %dma_wait3A_2654 = tpu.memref_squeeze %dma_wait3A_2653 : memref<1x64x384xf32, #tpu.memory_space<hbm>> -> memref<64x384xf32, #tpu.memory_space<hbm>>
    tpu.wait_dma2 semaphore(%arg21 : memref<!tpu.dma_semaphore, #tpu.memory_space<semaphore_mem>>) src(%arg11 : memref<64x384xf32, #tpu.memory_space<vmem>>) dst(%dma_wait3A_2654 : memref<64x384xf32, #tpu.memory_space<hbm>>)
    %dma_start3A_2655 = arith.constant 13 : i32
    %dma_start3A_2656 = arith.constant 0 : i32
    %dma_start3A_2657 = tpu.memref_slice %arg7[%dma_start3A_2655, %dma_start3A_2656] : memref<16x64xi32, #tpu.memory_space<vmem>> -> memref<1x64xi32, #tpu.memory_space<vmem>>
    %dma_start3A_2658 = tpu.memref_squeeze %dma_start3A_2657 : memref<1x64xi32, #tpu.memory_space<vmem>> -> memref<64xi32, #tpu.memory_space<vmem>>
    %dma_start3A_2659 = arith.constant 0 : i32
    %dma_start3A_2660 = arith.constant 0 : i32
    %dma_start3A_2661 = tpu.memref_slice %arg2[%dma_start3A_2659, %dma_start3A_2660] : memref<8192x384xf32, #tpu.memory_space<hbm>> -> memref<8192x384xf32, #tpu.memory_space<hbm>>
    tpu.enqueue_indirect_dma source(%dma_start3A_2661 : memref<8192x384xf32, #tpu.memory_space<hbm>>) target(%arg11 : memref<64x384xf32, #tpu.memory_space<vmem>>) offsets(%dma_start3A_2658 : memref<64xi32, #tpu.memory_space<vmem>>) semaphore(%arg16 : memref<!tpu.dma_semaphore, #tpu.memory_space<semaphore_mem>>)
    %dma_wait3A_2662 = arith.constant 9 : i32
    %dma_wait3A_2663 = arith.constant 0 : i32
    %dma_wait3A_2664 = tpu.memref_slice %arg7[%dma_wait3A_2662, %dma_wait3A_2663] : memref<16x64xi32, #tpu.memory_space<vmem>> -> memref<1x64xi32, #tpu.memory_space<vmem>>
    %dma_wait3A_2665 = tpu.memref_squeeze %dma_wait3A_2664 : memref<1x64xi32, #tpu.memory_space<vmem>> -> memref<64xi32, #tpu.memory_space<vmem>>
    %dma_wait3A_2666 = arith.constant 0 : i32
    %dma_wait3A_2667 = arith.constant 0 : i32
    %dma_wait3A_2668 = tpu.memref_slice %arg2[%dma_wait3A_2666, %dma_wait3A_2667] : memref<8192x384xf32, #tpu.memory_space<hbm>> -> memref<8192x384xf32, #tpu.memory_space<hbm>>
    tpu.wait_indirect_dma semaphore(%arg17 : memref<!tpu.dma_semaphore, #tpu.memory_space<semaphore_mem>>) src(%dma_wait3A_2668 : memref<8192x384xf32, #tpu.memory_space<hbm>>) dst(%arg12 : memref<64x384xf32, #tpu.memory_space<vmem>>)
    %add3A_2669 = arith.constant 576 : i32
    %add3A_2670 = arith.addi %mul3A_32, %add3A_2669 : i32
    %dma_start3A_2671 = arith.constant 0 : i32
    %dma_start3A_2672 = tpu.memref_slice %arg4[%select_n3A, %add3A_2670, %dma_start3A_2671] : memref<16x2048x384xf32, #tpu.memory_space<hbm>> -> memref<1x64x384xf32, #tpu.memory_space<hbm>>
    %dma_start3A_2673 = tpu.memref_squeeze %dma_start3A_2672 : memref<1x64x384xf32, #tpu.memory_space<hbm>> -> memref<64x384xf32, #tpu.memory_space<hbm>>
    %dma_start3A_2674 = arith.constant 0 : i32
    %dma_start3A_2675 = tpu.memref_slice %arg4[%select_n3A, %add3A_2670, %dma_start3A_2674] : memref<16x2048x384xf32, #tpu.memory_space<hbm>> -> memref<1x64x384xf32, #tpu.memory_space<hbm>>
    %dma_start3A_2676 = tpu.memref_squeeze %dma_start3A_2675 : memref<1x64x384xf32, #tpu.memory_space<hbm>> -> memref<64x384xf32, #tpu.memory_space<hbm>>
    tpu.enqueue_dma source(%arg12 : memref<64x384xf32, #tpu.memory_space<vmem>>) target(%dma_start3A_2676 : memref<64x384xf32, #tpu.memory_space<hbm>>) target_semaphore(%arg22 : memref<!tpu.dma_semaphore, #tpu.memory_space<semaphore_mem>>)
    %get3A_2677 = arith.constant 896 : index
    %get3A_2678 = tpu.vector_load %arg6[%get3A_2677] {strides = array<i32>} : memref<1024xi32, #tpu.memory_space<vmem>>, vector<16xi32>,
    %broadcast_in_dim3A_2679 = arith.constant true
    %broadcast_in_dim3A_2680 = vector.broadcast %broadcast_in_dim3A_2679 : i1 to vector<16xi1>
    %masked_cumsum3A_2681 = tpu.scan <sum>, %get3A_2678 masked %broadcast_in_dim3A_2680 : vector<16xi32>, vector<16xi1> -> vector<16xi32>
    %add3A_2682 = vector.broadcast %add3A_2646 : i32 to vector<16xi32>
    %add3A_2683 = arith.addi %masked_cumsum3A_2681, %add3A_2682 : vector<16xi32>
    %min3A_2684 = vector.broadcast %add3A_1351 : i32 to vector<16xi32>
    %min3A_2685 = arith.minsi %add3A_2683, %min3A_2684 : vector<16xi32>
    %swap3A_2686 = arith.constant 14 : i32
    %swap3A_2687 = arith.index_cast %swap3A_2686 : i32 to index
    %swap3A_2688 = arith.constant 0 : index
    %swap3A_2689 = tpu.vector_load %arg7[%swap3A_2687, %swap3A_2688] {strides = array<i32>} : memref<16x64xi32, #tpu.memory_space<vmem>>, vector<16xi32>,
    tpu.vector_store %arg7[%swap3A_2687, %swap3A_2688], %min3A_2685 {strides = array<i32>} : memref<16x64xi32, #tpu.memory_space<vmem>>, vector<16xi32>,
    %reduce_sum3A_2690 = arith.constant true
    %reduce_sum3A_2691 = vector.broadcast %reduce_sum3A_2690 : i1 to vector<16xi1>
    %reduce_sum3A_2692 = tpu.scan <sum>, %get3A_2678 masked %reduce_sum3A_2691 : vector<16xi32>, vector<16xi1> -> vector<16xi32>
    %reduce_sum3A_2693 = vector.extract %reduce_sum3A_2692[15] : i32 from vector<16xi32>
    %add3A_2694 = arith.addi %add3A_2646, %reduce_sum3A_2693 : i32
    %get3A_2695 = arith.constant 912 : index
    %get3A_2696 = tpu.vector_load %arg6[%get3A_2695] {strides = array<i32>} : memref<1024xi32, #tpu.memory_space<vmem>>, vector<16xi32>,
    %broadcast_in_dim3A_2697 = arith.constant true
    %broadcast_in_dim3A_2698 = vector.broadcast %broadcast_in_dim3A_2697 : i1 to vector<16xi1>
    %masked_cumsum3A_2699 = tpu.scan <sum>, %get3A_2696 masked %broadcast_in_dim3A_2698 : vector<16xi32>, vector<16xi1> -> vector<16xi32>
    %add3A_2700 = vector.broadcast %add3A_2694 : i32 to vector<16xi32>
    %add3A_2701 = arith.addi %masked_cumsum3A_2699, %add3A_2700 : vector<16xi32>
    %min3A_2702 = vector.broadcast %add3A_1351 : i32 to vector<16xi32>
    %min3A_2703 = arith.minsi %add3A_2701, %min3A_2702 : vector<16xi32>
    %swap3A_2704 = arith.constant 14 : i32
    %swap3A_2705 = arith.index_cast %swap3A_2704 : i32 to index
    %swap3A_2706 = arith.constant 16 : index
    %swap3A_2707 = tpu.vector_load %arg7[%swap3A_2705, %swap3A_2706] {strides = array<i32>} : memref<16x64xi32, #tpu.memory_space<vmem>>, vector<16xi32>,
    tpu.vector_store %arg7[%swap3A_2705, %swap3A_2706], %min3A_2703 {strides = array<i32>} : memref<16x64xi32, #tpu.memory_space<vmem>>, vector<16xi32>,
    %reduce_sum3A_2708 = arith.constant true
    %reduce_sum3A_2709 = vector.broadcast %reduce_sum3A_2708 : i1 to vector<16xi1>
    %reduce_sum3A_2710 = tpu.scan <sum>, %get3A_2696 masked %reduce_sum3A_2709 : vector<16xi32>, vector<16xi1> -> vector<16xi32>
    %reduce_sum3A_2711 = vector.extract %reduce_sum3A_2710[15] : i32 from vector<16xi32>
    %add3A_2712 = arith.addi %add3A_2694, %reduce_sum3A_2711 : i32
    %get3A_2713 = arith.constant 928 : index
    %get3A_2714 = tpu.vector_load %arg6[%get3A_2713] {strides = array<i32>} : memref<1024xi32, #tpu.memory_space<vmem>>, vector<16xi32>,
    %broadcast_in_dim3A_2715 = arith.constant true
    %broadcast_in_dim3A_2716 = vector.broadcast %broadcast_in_dim3A_2715 : i1 to vector<16xi1>
    %masked_cumsum3A_2717 = tpu.scan <sum>, %get3A_2714 masked %broadcast_in_dim3A_2716 : vector<16xi32>, vector<16xi1> -> vector<16xi32>
    %add3A_2718 = vector.broadcast %add3A_2712 : i32 to vector<16xi32>
    %add3A_2719 = arith.addi %masked_cumsum3A_2717, %add3A_2718 : vector<16xi32>
    %min3A_2720 = vector.broadcast %add3A_1351 : i32 to vector<16xi32>
    %min3A_2721 = arith.minsi %add3A_2719, %min3A_2720 : vector<16xi32>
    %swap3A_2722 = arith.constant 14 : i32
    %swap3A_2723 = arith.index_cast %swap3A_2722 : i32 to index
    %swap3A_2724 = arith.constant 32 : index
    %swap3A_2725 = tpu.vector_load %arg7[%swap3A_2723, %swap3A_2724] {strides = array<i32>} : memref<16x64xi32, #tpu.memory_space<vmem>>, vector<16xi32>,
    tpu.vector_store %arg7[%swap3A_2723, %swap3A_2724], %min3A_2721 {strides = array<i32>} : memref<16x64xi32, #tpu.memory_space<vmem>>, vector<16xi32>,
    %reduce_sum3A_2726 = arith.constant true
    %reduce_sum3A_2727 = vector.broadcast %reduce_sum3A_2726 : i1 to vector<16xi1>
    %reduce_sum3A_2728 = tpu.scan <sum>, %get3A_2714 masked %reduce_sum3A_2727 : vector<16xi32>, vector<16xi1> -> vector<16xi32>
    %reduce_sum3A_2729 = vector.extract %reduce_sum3A_2728[15] : i32 from vector<16xi32>
    %add3A_2730 = arith.addi %add3A_2712, %reduce_sum3A_2729 : i32
    %get3A_2731 = arith.constant 944 : index
    %get3A_2732 = tpu.vector_load %arg6[%get3A_2731] {strides = array<i32>} : memref<1024xi32, #tpu.memory_space<vmem>>, vector<16xi32>,
    %broadcast_in_dim3A_2733 = arith.constant true
    %broadcast_in_dim3A_2734 = vector.broadcast %broadcast_in_dim3A_2733 : i1 to vector<16xi1>
    %masked_cumsum3A_2735 = tpu.scan <sum>, %get3A_2732 masked %broadcast_in_dim3A_2734 : vector<16xi32>, vector<16xi1> -> vector<16xi32>
    %add3A_2736 = vector.broadcast %add3A_2730 : i32 to vector<16xi32>
    %add3A_2737 = arith.addi %masked_cumsum3A_2735, %add3A_2736 : vector<16xi32>
    %min3A_2738 = vector.broadcast %add3A_1351 : i32 to vector<16xi32>
    %min3A_2739 = arith.minsi %add3A_2737, %min3A_2738 : vector<16xi32>
    %swap3A_2740 = arith.constant 14 : i32
    %swap3A_2741 = arith.index_cast %swap3A_2740 : i32 to index
    %swap3A_2742 = arith.constant 48 : index
    %swap3A_2743 = tpu.vector_load %arg7[%swap3A_2741, %swap3A_2742] {strides = array<i32>} : memref<16x64xi32, #tpu.memory_space<vmem>>, vector<16xi32>,
    tpu.vector_store %arg7[%swap3A_2741, %swap3A_2742], %min3A_2739 {strides = array<i32>} : memref<16x64xi32, #tpu.memory_space<vmem>>, vector<16xi32>,
    %reduce_sum3A_2744 = arith.constant true
    %reduce_sum3A_2745 = vector.broadcast %reduce_sum3A_2744 : i1 to vector<16xi1>
    %reduce_sum3A_2746 = tpu.scan <sum>, %get3A_2732 masked %reduce_sum3A_2745 : vector<16xi32>, vector<16xi1> -> vector<16xi32>
    %reduce_sum3A_2747 = vector.extract %reduce_sum3A_2746[15] : i32 from vector<16xi32>
    %add3A_2748 = arith.addi %add3A_2730, %reduce_sum3A_2747 : i32
    %add3A_2749 = arith.constant 576 : i32
    %add3A_2750 = arith.addi %mul3A_32, %add3A_2749 : i32
    %dma_wait3A_2751 = arith.constant 0 : i32
    %dma_wait3A_2752 = tpu.memref_slice %arg4[%select_n3A, %add3A_2750, %dma_wait3A_2751] : memref<16x2048x384xf32, #tpu.memory_space<hbm>> -> memref<1x64x384xf32, #tpu.memory_space<hbm>>
    %dma_wait3A_2753 = tpu.memref_squeeze %dma_wait3A_2752 : memref<1x64x384xf32, #tpu.memory_space<hbm>> -> memref<64x384xf32, #tpu.memory_space<hbm>>
    %dma_wait3A_2754 = arith.constant 0 : i32
    %dma_wait3A_2755 = tpu.memref_slice %arg4[%select_n3A, %add3A_2750, %dma_wait3A_2754] : memref<16x2048x384xf32, #tpu.memory_space<hbm>> -> memref<1x64x384xf32, #tpu.memory_space<hbm>>
    %dma_wait3A_2756 = tpu.memref_squeeze %dma_wait3A_2755 : memref<1x64x384xf32, #tpu.memory_space<hbm>> -> memref<64x384xf32, #tpu.memory_space<hbm>>
    tpu.wait_dma2 semaphore(%arg22 : memref<!tpu.dma_semaphore, #tpu.memory_space<semaphore_mem>>) src(%arg12 : memref<64x384xf32, #tpu.memory_space<vmem>>) dst(%dma_wait3A_2756 : memref<64x384xf32, #tpu.memory_space<hbm>>)
    %dma_start3A_2757 = arith.constant 14 : i32
    %dma_start3A_2758 = arith.constant 0 : i32
    %dma_start3A_2759 = tpu.memref_slice %arg7[%dma_start3A_2757, %dma_start3A_2758] : memref<16x64xi32, #tpu.memory_space<vmem>> -> memref<1x64xi32, #tpu.memory_space<vmem>>
    %dma_start3A_2760 = tpu.memref_squeeze %dma_start3A_2759 : memref<1x64xi32, #tpu.memory_space<vmem>> -> memref<64xi32, #tpu.memory_space<vmem>>
    %dma_start3A_2761 = arith.constant 0 : i32
    %dma_start3A_2762 = arith.constant 0 : i32
    %dma_start3A_2763 = tpu.memref_slice %arg2[%dma_start3A_2761, %dma_start3A_2762] : memref<8192x384xf32, #tpu.memory_space<hbm>> -> memref<8192x384xf32, #tpu.memory_space<hbm>>
    tpu.enqueue_indirect_dma source(%dma_start3A_2763 : memref<8192x384xf32, #tpu.memory_space<hbm>>) target(%arg12 : memref<64x384xf32, #tpu.memory_space<vmem>>) offsets(%dma_start3A_2760 : memref<64xi32, #tpu.memory_space<vmem>>) semaphore(%arg17 : memref<!tpu.dma_semaphore, #tpu.memory_space<semaphore_mem>>)
    %dma_wait3A_2764 = arith.constant 10 : i32
    %dma_wait3A_2765 = arith.constant 0 : i32
    %dma_wait3A_2766 = tpu.memref_slice %arg7[%dma_wait3A_2764, %dma_wait3A_2765] : memref<16x64xi32, #tpu.memory_space<vmem>> -> memref<1x64xi32, #tpu.memory_space<vmem>>
    %dma_wait3A_2767 = tpu.memref_squeeze %dma_wait3A_2766 : memref<1x64xi32, #tpu.memory_space<vmem>> -> memref<64xi32, #tpu.memory_space<vmem>>
    %dma_wait3A_2768 = arith.constant 0 : i32
    %dma_wait3A_2769 = arith.constant 0 : i32
    %dma_wait3A_2770 = tpu.memref_slice %arg2[%dma_wait3A_2768, %dma_wait3A_2769] : memref<8192x384xf32, #tpu.memory_space<hbm>> -> memref<8192x384xf32, #tpu.memory_space<hbm>>
    tpu.wait_indirect_dma semaphore(%arg13 : memref<!tpu.dma_semaphore, #tpu.memory_space<semaphore_mem>>) src(%dma_wait3A_2770 : memref<8192x384xf32, #tpu.memory_space<hbm>>) dst(%arg8 : memref<64x384xf32, #tpu.memory_space<vmem>>)
    %add3A_2771 = arith.constant 640 : i32
    %add3A_2772 = arith.addi %mul3A_32, %add3A_2771 : i32
    %dma_start3A_2773 = arith.constant 0 : i32
    %dma_start3A_2774 = tpu.memref_slice %arg4[%select_n3A, %add3A_2772, %dma_start3A_2773] : memref<16x2048x384xf32, #tpu.memory_space<hbm>> -> memref<1x64x384xf32, #tpu.memory_space<hbm>>
    %dma_start3A_2775 = tpu.memref_squeeze %dma_start3A_2774 : memref<1x64x384xf32, #tpu.memory_space<hbm>> -> memref<64x384xf32, #tpu.memory_space<hbm>>
    %dma_start3A_2776 = arith.constant 0 : i32
    %dma_start3A_2777 = tpu.memref_slice %arg4[%select_n3A, %add3A_2772, %dma_start3A_2776] : memref<16x2048x384xf32, #tpu.memory_space<hbm>> -> memref<1x64x384xf32, #tpu.memory_space<hbm>>
    %dma_start3A_2778 = tpu.memref_squeeze %dma_start3A_2777 : memref<1x64x384xf32, #tpu.memory_space<hbm>> -> memref<64x384xf32, #tpu.memory_space<hbm>>
    tpu.enqueue_dma source(%arg8 : memref<64x384xf32, #tpu.memory_space<vmem>>) target(%dma_start3A_2778 : memref<64x384xf32, #tpu.memory_space<hbm>>) target_semaphore(%arg18 : memref<!tpu.dma_semaphore, #tpu.memory_space<semaphore_mem>>)
    %get3A_2779 = arith.constant 960 : index
    %get3A_2780 = tpu.vector_load %arg6[%get3A_2779] {strides = array<i32>} : memref<1024xi32, #tpu.memory_space<vmem>>, vector<16xi32>,
    %broadcast_in_dim3A_2781 = arith.constant true
    %broadcast_in_dim3A_2782 = vector.broadcast %broadcast_in_dim3A_2781 : i1 to vector<16xi1>
    %masked_cumsum3A_2783 = tpu.scan <sum>, %get3A_2780 masked %broadcast_in_dim3A_2782 : vector<16xi32>, vector<16xi1> -> vector<16xi32>
    %add3A_2784 = vector.broadcast %add3A_2748 : i32 to vector<16xi32>
    %add3A_2785 = arith.addi %masked_cumsum3A_2783, %add3A_2784 : vector<16xi32>
    %min3A_2786 = vector.broadcast %add3A_1351 : i32 to vector<16xi32>
    %min3A_2787 = arith.minsi %add3A_2785, %min3A_2786 : vector<16xi32>
    %swap3A_2788 = arith.constant 15 : i32
    %swap3A_2789 = arith.index_cast %swap3A_2788 : i32 to index
    %swap3A_2790 = arith.constant 0 : index
    %swap3A_2791 = tpu.vector_load %arg7[%swap3A_2789, %swap3A_2790] {strides = array<i32>} : memref<16x64xi32, #tpu.memory_space<vmem>>, vector<16xi32>,
    tpu.vector_store %arg7[%swap3A_2789, %swap3A_2790], %min3A_2787 {strides = array<i32>} : memref<16x64xi32, #tpu.memory_space<vmem>>, vector<16xi32>,
    %reduce_sum3A_2792 = arith.constant true
    %reduce_sum3A_2793 = vector.broadcast %reduce_sum3A_2792 : i1 to vector<16xi1>
    %reduce_sum3A_2794 = tpu.scan <sum>, %get3A_2780 masked %reduce_sum3A_2793 : vector<16xi32>, vector<16xi1> -> vector<16xi32>
    %reduce_sum3A_2795 = vector.extract %reduce_sum3A_2794[15] : i32 from vector<16xi32>
    %add3A_2796 = arith.addi %add3A_2748, %reduce_sum3A_2795 : i32
    %get3A_2797 = arith.constant 976 : index
    %get3A_2798 = tpu.vector_load %arg6[%get3A_2797] {strides = array<i32>} : memref<1024xi32, #tpu.memory_space<vmem>>, vector<16xi32>,
    %broadcast_in_dim3A_2799 = arith.constant true
    %broadcast_in_dim3A_2800 = vector.broadcast %broadcast_in_dim3A_2799 : i1 to vector<16xi1>
    %masked_cumsum3A_2801 = tpu.scan <sum>, %get3A_2798 masked %broadcast_in_dim3A_2800 : vector<16xi32>, vector<16xi1> -> vector<16xi32>
    %add3A_2802 = vector.broadcast %add3A_2796 : i32 to vector<16xi32>
    %add3A_2803 = arith.addi %masked_cumsum3A_2801, %add3A_2802 : vector<16xi32>
    %min3A_2804 = vector.broadcast %add3A_1351 : i32 to vector<16xi32>
    %min3A_2805 = arith.minsi %add3A_2803, %min3A_2804 : vector<16xi32>
    %swap3A_2806 = arith.constant 15 : i32
    %swap3A_2807 = arith.index_cast %swap3A_2806 : i32 to index
    %swap3A_2808 = arith.constant 16 : index
    %swap3A_2809 = tpu.vector_load %arg7[%swap3A_2807, %swap3A_2808] {strides = array<i32>} : memref<16x64xi32, #tpu.memory_space<vmem>>, vector<16xi32>,
    tpu.vector_store %arg7[%swap3A_2807, %swap3A_2808], %min3A_2805 {strides = array<i32>} : memref<16x64xi32, #tpu.memory_space<vmem>>, vector<16xi32>,
    %reduce_sum3A_2810 = arith.constant true
    %reduce_sum3A_2811 = vector.broadcast %reduce_sum3A_2810 : i1 to vector<16xi1>
    %reduce_sum3A_2812 = tpu.scan <sum>, %get3A_2798 masked %reduce_sum3A_2811 : vector<16xi32>, vector<16xi1> -> vector<16xi32>
    %reduce_sum3A_2813 = vector.extract %reduce_sum3A_2812[15] : i32 from vector<16xi32>
    %add3A_2814 = arith.addi %add3A_2796, %reduce_sum3A_2813 : i32
    %get3A_2815 = arith.constant 992 : index
    %get3A_2816 = tpu.vector_load %arg6[%get3A_2815] {strides = array<i32>} : memref<1024xi32, #tpu.memory_space<vmem>>, vector<16xi32>,
    %broadcast_in_dim3A_2817 = arith.constant true
    %broadcast_in_dim3A_2818 = vector.broadcast %broadcast_in_dim3A_2817 : i1 to vector<16xi1>
    %masked_cumsum3A_2819 = tpu.scan <sum>, %get3A_2816 masked %broadcast_in_dim3A_2818 : vector<16xi32>, vector<16xi1> -> vector<16xi32>
    %add3A_2820 = vector.broadcast %add3A_2814 : i32 to vector<16xi32>
    %add3A_2821 = arith.addi %masked_cumsum3A_2819, %add3A_2820 : vector<16xi32>
    %min3A_2822 = vector.broadcast %add3A_1351 : i32 to vector<16xi32>
    %min3A_2823 = arith.minsi %add3A_2821, %min3A_2822 : vector<16xi32>
    %swap3A_2824 = arith.constant 15 : i32
    %swap3A_2825 = arith.index_cast %swap3A_2824 : i32 to index
    %swap3A_2826 = arith.constant 32 : index
    %swap3A_2827 = tpu.vector_load %arg7[%swap3A_2825, %swap3A_2826] {strides = array<i32>} : memref<16x64xi32, #tpu.memory_space<vmem>>, vector<16xi32>,
    tpu.vector_store %arg7[%swap3A_2825, %swap3A_2826], %min3A_2823 {strides = array<i32>} : memref<16x64xi32, #tpu.memory_space<vmem>>, vector<16xi32>,
    %reduce_sum3A_2828 = arith.constant true
    %reduce_sum3A_2829 = vector.broadcast %reduce_sum3A_2828 : i1 to vector<16xi1>
    %reduce_sum3A_2830 = tpu.scan <sum>, %get3A_2816 masked %reduce_sum3A_2829 : vector<16xi32>, vector<16xi1> -> vector<16xi32>
    %reduce_sum3A_2831 = vector.extract %reduce_sum3A_2830[15] : i32 from vector<16xi32>
    %add3A_2832 = arith.addi %add3A_2814, %reduce_sum3A_2831 : i32
    %get3A_2833 = arith.constant 1008 : index
    %get3A_2834 = tpu.vector_load %arg6[%get3A_2833] {strides = array<i32>} : memref<1024xi32, #tpu.memory_space<vmem>>, vector<16xi32>,
    %broadcast_in_dim3A_2835 = arith.constant true
    %broadcast_in_dim3A_2836 = vector.broadcast %broadcast_in_dim3A_2835 : i1 to vector<16xi1>
    %masked_cumsum3A_2837 = tpu.scan <sum>, %get3A_2834 masked %broadcast_in_dim3A_2836 : vector<16xi32>, vector<16xi1> -> vector<16xi32>
    %add3A_2838 = vector.broadcast %add3A_2832 : i32 to vector<16xi32>
    %add3A_2839 = arith.addi %masked_cumsum3A_2837, %add3A_2838 : vector<16xi32>
    %min3A_2840 = vector.broadcast %add3A_1351 : i32 to vector<16xi32>
    %min3A_2841 = arith.minsi %add3A_2839, %min3A_2840 : vector<16xi32>
    %swap3A_2842 = arith.constant 15 : i32
    %swap3A_2843 = arith.index_cast %swap3A_2842 : i32 to index
    %swap3A_2844 = arith.constant 48 : index
    %swap3A_2845 = tpu.vector_load %arg7[%swap3A_2843, %swap3A_2844] {strides = array<i32>} : memref<16x64xi32, #tpu.memory_space<vmem>>, vector<16xi32>,
    tpu.vector_store %arg7[%swap3A_2843, %swap3A_2844], %min3A_2841 {strides = array<i32>} : memref<16x64xi32, #tpu.memory_space<vmem>>, vector<16xi32>,
    %reduce_sum3A_2846 = arith.constant true
    %reduce_sum3A_2847 = vector.broadcast %reduce_sum3A_2846 : i1 to vector<16xi1>
    %reduce_sum3A_2848 = tpu.scan <sum>, %get3A_2834 masked %reduce_sum3A_2847 : vector<16xi32>, vector<16xi1> -> vector<16xi32>
    %reduce_sum3A_2849 = vector.extract %reduce_sum3A_2848[15] : i32 from vector<16xi32>
    %add3A_2850 = arith.addi %add3A_2832, %reduce_sum3A_2849 : i32
    %add3A_2851 = arith.constant 640 : i32
    %add3A_2852 = arith.addi %mul3A_32, %add3A_2851 : i32
    %dma_wait3A_2853 = arith.constant 0 : i32
    %dma_wait3A_2854 = tpu.memref_slice %arg4[%select_n3A, %add3A_2852, %dma_wait3A_2853] : memref<16x2048x384xf32, #tpu.memory_space<hbm>> -> memref<1x64x384xf32, #tpu.memory_space<hbm>>
    %dma_wait3A_2855 = tpu.memref_squeeze %dma_wait3A_2854 : memref<1x64x384xf32, #tpu.memory_space<hbm>> -> memref<64x384xf32, #tpu.memory_space<hbm>>
    %dma_wait3A_2856 = arith.constant 0 : i32
    %dma_wait3A_2857 = tpu.memref_slice %arg4[%select_n3A, %add3A_2852, %dma_wait3A_2856] : memref<16x2048x384xf32, #tpu.memory_space<hbm>> -> memref<1x64x384xf32, #tpu.memory_space<hbm>>
    %dma_wait3A_2858 = tpu.memref_squeeze %dma_wait3A_2857 : memref<1x64x384xf32, #tpu.memory_space<hbm>> -> memref<64x384xf32, #tpu.memory_space<hbm>>
    tpu.wait_dma2 semaphore(%arg18 : memref<!tpu.dma_semaphore, #tpu.memory_space<semaphore_mem>>) src(%arg8 : memref<64x384xf32, #tpu.memory_space<vmem>>) dst(%dma_wait3A_2858 : memref<64x384xf32, #tpu.memory_space<hbm>>)
    %dma_start3A_2859 = arith.constant 15 : i32
    %dma_start3A_2860 = arith.constant 0 : i32
    %dma_start3A_2861 = tpu.memref_slice %arg7[%dma_start3A_2859, %dma_start3A_2860] : memref<16x64xi32, #tpu.memory_space<vmem>> -> memref<1x64xi32, #tpu.memory_space<vmem>>
    %dma_start3A_2862 = tpu.memref_squeeze %dma_start3A_2861 : memref<1x64xi32, #tpu.memory_space<vmem>> -> memref<64xi32, #tpu.memory_space<vmem>>
    %dma_start3A_2863 = arith.constant 0 : i32
    %dma_start3A_2864 = arith.constant 0 : i32
    %dma_start3A_2865 = tpu.memref_slice %arg2[%dma_start3A_2863, %dma_start3A_2864] : memref<8192x384xf32, #tpu.memory_space<hbm>> -> memref<8192x384xf32, #tpu.memory_space<hbm>>
    tpu.enqueue_indirect_dma source(%dma_start3A_2865 : memref<8192x384xf32, #tpu.memory_space<hbm>>) target(%arg8 : memref<64x384xf32, #tpu.memory_space<vmem>>) offsets(%dma_start3A_2862 : memref<64xi32, #tpu.memory_space<vmem>>) semaphore(%arg13 : memref<!tpu.dma_semaphore, #tpu.memory_space<semaphore_mem>>)
    %dma_wait3A_2866 = arith.constant 11 : i32
    %dma_wait3A_2867 = arith.constant 0 : i32
    %dma_wait3A_2868 = tpu.memref_slice %arg7[%dma_wait3A_2866, %dma_wait3A_2867] : memref<16x64xi32, #tpu.memory_space<vmem>> -> memref<1x64xi32, #tpu.memory_space<vmem>>
    %dma_wait3A_2869 = tpu.memref_squeeze %dma_wait3A_2868 : memref<1x64xi32, #tpu.memory_space<vmem>> -> memref<64xi32, #tpu.memory_space<vmem>>
    %dma_wait3A_2870 = arith.constant 0 : i32
    %dma_wait3A_2871 = arith.constant 0 : i32
    %dma_wait3A_2872 = tpu.memref_slice %arg2[%dma_wait3A_2870, %dma_wait3A_2871] : memref<8192x384xf32, #tpu.memory_space<hbm>> -> memref<8192x384xf32, #tpu.memory_space<hbm>>
    tpu.wait_indirect_dma semaphore(%arg14 : memref<!tpu.dma_semaphore, #tpu.memory_space<semaphore_mem>>) src(%dma_wait3A_2872 : memref<8192x384xf32, #tpu.memory_space<hbm>>) dst(%arg9 : memref<64x384xf32, #tpu.memory_space<vmem>>)
    %add3A_2873 = arith.constant 704 : i32
    %add3A_2874 = arith.addi %mul3A_32, %add3A_2873 : i32
    %dma_start3A_2875 = arith.constant 0 : i32
    %dma_start3A_2876 = tpu.memref_slice %arg4[%select_n3A, %add3A_2874, %dma_start3A_2875] : memref<16x2048x384xf32, #tpu.memory_space<hbm>> -> memref<1x64x384xf32, #tpu.memory_space<hbm>>
    %dma_start3A_2877 = tpu.memref_squeeze %dma_start3A_2876 : memref<1x64x384xf32, #tpu.memory_space<hbm>> -> memref<64x384xf32, #tpu.memory_space<hbm>>
    %dma_start3A_2878 = arith.constant 0 : i32
    %dma_start3A_2879 = tpu.memref_slice %arg4[%select_n3A, %add3A_2874, %dma_start3A_2878] : memref<16x2048x384xf32, #tpu.memory_space<hbm>> -> memref<1x64x384xf32, #tpu.memory_space<hbm>>
    %dma_start3A_2880 = tpu.memref_squeeze %dma_start3A_2879 : memref<1x64x384xf32, #tpu.memory_space<hbm>> -> memref<64x384xf32, #tpu.memory_space<hbm>>
    tpu.enqueue_dma source(%arg9 : memref<64x384xf32, #tpu.memory_space<vmem>>) target(%dma_start3A_2880 : memref<64x384xf32, #tpu.memory_space<hbm>>) target_semaphore(%arg19 : memref<!tpu.dma_semaphore, #tpu.memory_space<semaphore_mem>>)
    %dma_wait3A_2881 = arith.constant 12 : i32
    %dma_wait3A_2882 = arith.constant 0 : i32
    %dma_wait3A_2883 = tpu.memref_slice %arg7[%dma_wait3A_2881, %dma_wait3A_2882] : memref<16x64xi32, #tpu.memory_space<vmem>> -> memref<1x64xi32, #tpu.memory_space<vmem>>
    %dma_wait3A_2884 = tpu.memref_squeeze %dma_wait3A_2883 : memref<1x64xi32, #tpu.memory_space<vmem>> -> memref<64xi32, #tpu.memory_space<vmem>>
    %dma_wait3A_2885 = arith.constant 0 : i32
    %dma_wait3A_2886 = arith.constant 0 : i32
    %dma_wait3A_2887 = tpu.memref_slice %arg2[%dma_wait3A_2885, %dma_wait3A_2886] : memref<8192x384xf32, #tpu.memory_space<hbm>> -> memref<8192x384xf32, #tpu.memory_space<hbm>>
    tpu.wait_indirect_dma semaphore(%arg15 : memref<!tpu.dma_semaphore, #tpu.memory_space<semaphore_mem>>) src(%dma_wait3A_2887 : memref<8192x384xf32, #tpu.memory_space<hbm>>) dst(%arg10 : memref<64x384xf32, #tpu.memory_space<vmem>>)
    %add3A_2888 = arith.constant 768 : i32
    %add3A_2889 = arith.addi %mul3A_32, %add3A_2888 : i32
    %dma_start3A_2890 = arith.constant 0 : i32
    %dma_start3A_2891 = tpu.memref_slice %arg4[%select_n3A, %add3A_2889, %dma_start3A_2890] : memref<16x2048x384xf32, #tpu.memory_space<hbm>> -> memref<1x64x384xf32, #tpu.memory_space<hbm>>
    %dma_start3A_2892 = tpu.memref_squeeze %dma_start3A_2891 : memref<1x64x384xf32, #tpu.memory_space<hbm>> -> memref<64x384xf32, #tpu.memory_space<hbm>>
    %dma_start3A_2893 = arith.constant 0 : i32
    %dma_start3A_2894 = tpu.memref_slice %arg4[%select_n3A, %add3A_2889, %dma_start3A_2893] : memref<16x2048x384xf32, #tpu.memory_space<hbm>> -> memref<1x64x384xf32, #tpu.memory_space<hbm>>
    %dma_start3A_2895 = tpu.memref_squeeze %dma_start3A_2894 : memref<1x64x384xf32, #tpu.memory_space<hbm>> -> memref<64x384xf32, #tpu.memory_space<hbm>>
    tpu.enqueue_dma source(%arg10 : memref<64x384xf32, #tpu.memory_space<vmem>>) target(%dma_start3A_2895 : memref<64x384xf32, #tpu.memory_space<hbm>>) target_semaphore(%arg20 : memref<!tpu.dma_semaphore, #tpu.memory_space<semaphore_mem>>)
    %dma_wait3A_2896 = arith.constant 13 : i32
    %dma_wait3A_2897 = arith.constant 0 : i32
    %dma_wait3A_2898 = tpu.memref_slice %arg7[%dma_wait3A_2896, %dma_wait3A_2897] : memref<16x64xi32, #tpu.memory_space<vmem>> -> memref<1x64xi32, #tpu.memory_space<vmem>>
    %dma_wait3A_2899 = tpu.memref_squeeze %dma_wait3A_2898 : memref<1x64xi32, #tpu.memory_space<vmem>> -> memref<64xi32, #tpu.memory_space<vmem>>
    %dma_wait3A_2900 = arith.constant 0 : i32
    %dma_wait3A_2901 = arith.constant 0 : i32
    %dma_wait3A_2902 = tpu.memref_slice %arg2[%dma_wait3A_2900, %dma_wait3A_2901] : memref<8192x384xf32, #tpu.memory_space<hbm>> -> memref<8192x384xf32, #tpu.memory_space<hbm>>
    tpu.wait_indirect_dma semaphore(%arg16 : memref<!tpu.dma_semaphore, #tpu.memory_space<semaphore_mem>>) src(%dma_wait3A_2902 : memref<8192x384xf32, #tpu.memory_space<hbm>>) dst(%arg11 : memref<64x384xf32, #tpu.memory_space<vmem>>)
    %add3A_2903 = arith.constant 832 : i32
    %add3A_2904 = arith.addi %mul3A_32, %add3A_2903 : i32
    %dma_start3A_2905 = arith.constant 0 : i32
    %dma_start3A_2906 = tpu.memref_slice %arg4[%select_n3A, %add3A_2904, %dma_start3A_2905] : memref<16x2048x384xf32, #tpu.memory_space<hbm>> -> memref<1x64x384xf32, #tpu.memory_space<hbm>>
    %dma_start3A_2907 = tpu.memref_squeeze %dma_start3A_2906 : memref<1x64x384xf32, #tpu.memory_space<hbm>> -> memref<64x384xf32, #tpu.memory_space<hbm>>
    %dma_start3A_2908 = arith.constant 0 : i32
    %dma_start3A_2909 = tpu.memref_slice %arg4[%select_n3A, %add3A_2904, %dma_start3A_2908] : memref<16x2048x384xf32, #tpu.memory_space<hbm>> -> memref<1x64x384xf32, #tpu.memory_space<hbm>>
    %dma_start3A_2910 = tpu.memref_squeeze %dma_start3A_2909 : memref<1x64x384xf32, #tpu.memory_space<hbm>> -> memref<64x384xf32, #tpu.memory_space<hbm>>
    tpu.enqueue_dma source(%arg11 : memref<64x384xf32, #tpu.memory_space<vmem>>) target(%dma_start3A_2910 : memref<64x384xf32, #tpu.memory_space<hbm>>) target_semaphore(%arg21 : memref<!tpu.dma_semaphore, #tpu.memory_space<semaphore_mem>>)
    %dma_wait3A_2911 = arith.constant 14 : i32
    %dma_wait3A_2912 = arith.constant 0 : i32
    %dma_wait3A_2913 = tpu.memref_slice %arg7[%dma_wait3A_2911, %dma_wait3A_2912] : memref<16x64xi32, #tpu.memory_space<vmem>> -> memref<1x64xi32, #tpu.memory_space<vmem>>
    %dma_wait3A_2914 = tpu.memref_squeeze %dma_wait3A_2913 : memref<1x64xi32, #tpu.memory_space<vmem>> -> memref<64xi32, #tpu.memory_space<vmem>>
    %dma_wait3A_2915 = arith.constant 0 : i32
    %dma_wait3A_2916 = arith.constant 0 : i32
    %dma_wait3A_2917 = tpu.memref_slice %arg2[%dma_wait3A_2915, %dma_wait3A_2916] : memref<8192x384xf32, #tpu.memory_space<hbm>> -> memref<8192x384xf32, #tpu.memory_space<hbm>>
    tpu.wait_indirect_dma semaphore(%arg17 : memref<!tpu.dma_semaphore, #tpu.memory_space<semaphore_mem>>) src(%dma_wait3A_2917 : memref<8192x384xf32, #tpu.memory_space<hbm>>) dst(%arg12 : memref<64x384xf32, #tpu.memory_space<vmem>>)
    %add3A_2918 = arith.constant 896 : i32
    %add3A_2919 = arith.addi %mul3A_32, %add3A_2918 : i32
    %dma_start3A_2920 = arith.constant 0 : i32
    %dma_start3A_2921 = tpu.memref_slice %arg4[%select_n3A, %add3A_2919, %dma_start3A_2920] : memref<16x2048x384xf32, #tpu.memory_space<hbm>> -> memref<1x64x384xf32, #tpu.memory_space<hbm>>
    %dma_start3A_2922 = tpu.memref_squeeze %dma_start3A_2921 : memref<1x64x384xf32, #tpu.memory_space<hbm>> -> memref<64x384xf32, #tpu.memory_space<hbm>>
    %dma_start3A_2923 = arith.constant 0 : i32
    %dma_start3A_2924 = tpu.memref_slice %arg4[%select_n3A, %add3A_2919, %dma_start3A_2923] : memref<16x2048x384xf32, #tpu.memory_space<hbm>> -> memref<1x64x384xf32, #tpu.memory_space<hbm>>
    %dma_start3A_2925 = tpu.memref_squeeze %dma_start3A_2924 : memref<1x64x384xf32, #tpu.memory_space<hbm>> -> memref<64x384xf32, #tpu.memory_space<hbm>>
    tpu.enqueue_dma source(%arg12 : memref<64x384xf32, #tpu.memory_space<vmem>>) target(%dma_start3A_2925 : memref<64x384xf32, #tpu.memory_space<hbm>>) target_semaphore(%arg22 : memref<!tpu.dma_semaphore, #tpu.memory_space<semaphore_mem>>)
    %dma_wait3A_2926 = arith.constant 15 : i32
    %dma_wait3A_2927 = arith.constant 0 : i32
    %dma_wait3A_2928 = tpu.memref_slice %arg7[%dma_wait3A_2926, %dma_wait3A_2927] : memref<16x64xi32, #tpu.memory_space<vmem>> -> memref<1x64xi32, #tpu.memory_space<vmem>>
    %dma_wait3A_2929 = tpu.memref_squeeze %dma_wait3A_2928 : memref<1x64xi32, #tpu.memory_space<vmem>> -> memref<64xi32, #tpu.memory_space<vmem>>
    %dma_wait3A_2930 = arith.constant 0 : i32
    %dma_wait3A_2931 = arith.constant 0 : i32
    %dma_wait3A_2932 = tpu.memref_slice %arg2[%dma_wait3A_2930, %dma_wait3A_2931] : memref<8192x384xf32, #tpu.memory_space<hbm>> -> memref<8192x384xf32, #tpu.memory_space<hbm>>
    tpu.wait_indirect_dma semaphore(%arg13 : memref<!tpu.dma_semaphore, #tpu.memory_space<semaphore_mem>>) src(%dma_wait3A_2932 : memref<8192x384xf32, #tpu.memory_space<hbm>>) dst(%arg8 : memref<64x384xf32, #tpu.memory_space<vmem>>)
    %add3A_2933 = arith.constant 960 : i32
    %add3A_2934 = arith.addi %mul3A_32, %add3A_2933 : i32
    %dma_start3A_2935 = arith.constant 0 : i32
    %dma_start3A_2936 = tpu.memref_slice %arg4[%select_n3A, %add3A_2934, %dma_start3A_2935] : memref<16x2048x384xf32, #tpu.memory_space<hbm>> -> memref<1x64x384xf32, #tpu.memory_space<hbm>>
    %dma_start3A_2937 = tpu.memref_squeeze %dma_start3A_2936 : memref<1x64x384xf32, #tpu.memory_space<hbm>> -> memref<64x384xf32, #tpu.memory_space<hbm>>
    %dma_start3A_2938 = arith.constant 0 : i32
    %dma_start3A_2939 = tpu.memref_slice %arg4[%select_n3A, %add3A_2934, %dma_start3A_2938] : memref<16x2048x384xf32, #tpu.memory_space<hbm>> -> memref<1x64x384xf32, #tpu.memory_space<hbm>>
    %dma_start3A_2940 = tpu.memref_squeeze %dma_start3A_2939 : memref<1x64x384xf32, #tpu.memory_space<hbm>> -> memref<64x384xf32, #tpu.memory_space<hbm>>
    tpu.enqueue_dma source(%arg8 : memref<64x384xf32, #tpu.memory_space<vmem>>) target(%dma_start3A_2940 : memref<64x384xf32, #tpu.memory_space<hbm>>) target_semaphore(%arg18 : memref<!tpu.dma_semaphore, #tpu.memory_space<semaphore_mem>>)
    %add3A_2941 = arith.constant 704 : i32
    %add3A_2942 = arith.addi %mul3A_32, %add3A_2941 : i32
    %dma_wait3A_2943 = arith.constant 0 : i32
    %dma_wait3A_2944 = tpu.memref_slice %arg4[%select_n3A, %add3A_2942, %dma_wait3A_2943] : memref<16x2048x384xf32, #tpu.memory_space<hbm>> -> memref<1x64x384xf32, #tpu.memory_space<hbm>>
    %dma_wait3A_2945 = tpu.memref_squeeze %dma_wait3A_2944 : memref<1x64x384xf32, #tpu.memory_space<hbm>> -> memref<64x384xf32, #tpu.memory_space<hbm>>
    %dma_wait3A_2946 = arith.constant 0 : i32
    %dma_wait3A_2947 = tpu.memref_slice %arg4[%select_n3A, %add3A_2942, %dma_wait3A_2946] : memref<16x2048x384xf32, #tpu.memory_space<hbm>> -> memref<1x64x384xf32, #tpu.memory_space<hbm>>
    %dma_wait3A_2948 = tpu.memref_squeeze %dma_wait3A_2947 : memref<1x64x384xf32, #tpu.memory_space<hbm>> -> memref<64x384xf32, #tpu.memory_space<hbm>>
    tpu.wait_dma2 semaphore(%arg19 : memref<!tpu.dma_semaphore, #tpu.memory_space<semaphore_mem>>) src(%arg9 : memref<64x384xf32, #tpu.memory_space<vmem>>) dst(%dma_wait3A_2948 : memref<64x384xf32, #tpu.memory_space<hbm>>)
    %add3A_2949 = arith.constant 768 : i32
    %add3A_2950 = arith.addi %mul3A_32, %add3A_2949 : i32
    %dma_wait3A_2951 = arith.constant 0 : i32
    %dma_wait3A_2952 = tpu.memref_slice %arg4[%select_n3A, %add3A_2950, %dma_wait3A_2951] : memref<16x2048x384xf32, #tpu.memory_space<hbm>> -> memref<1x64x384xf32, #tpu.memory_space<hbm>>
    %dma_wait3A_2953 = tpu.memref_squeeze %dma_wait3A_2952 : memref<1x64x384xf32, #tpu.memory_space<hbm>> -> memref<64x384xf32, #tpu.memory_space<hbm>>
    %dma_wait3A_2954 = arith.constant 0 : i32
    %dma_wait3A_2955 = tpu.memref_slice %arg4[%select_n3A, %add3A_2950, %dma_wait3A_2954] : memref<16x2048x384xf32, #tpu.memory_space<hbm>> -> memref<1x64x384xf32, #tpu.memory_space<hbm>>
    %dma_wait3A_2956 = tpu.memref_squeeze %dma_wait3A_2955 : memref<1x64x384xf32, #tpu.memory_space<hbm>> -> memref<64x384xf32, #tpu.memory_space<hbm>>
    tpu.wait_dma2 semaphore(%arg20 : memref<!tpu.dma_semaphore, #tpu.memory_space<semaphore_mem>>) src(%arg10 : memref<64x384xf32, #tpu.memory_space<vmem>>) dst(%dma_wait3A_2956 : memref<64x384xf32, #tpu.memory_space<hbm>>)
    %add3A_2957 = arith.constant 832 : i32
    %add3A_2958 = arith.addi %mul3A_32, %add3A_2957 : i32
    %dma_wait3A_2959 = arith.constant 0 : i32
    %dma_wait3A_2960 = tpu.memref_slice %arg4[%select_n3A, %add3A_2958, %dma_wait3A_2959] : memref<16x2048x384xf32, #tpu.memory_space<hbm>> -> memref<1x64x384xf32, #tpu.memory_space<hbm>>
    %dma_wait3A_2961 = tpu.memref_squeeze %dma_wait3A_2960 : memref<1x64x384xf32, #tpu.memory_space<hbm>> -> memref<64x384xf32, #tpu.memory_space<hbm>>
    %dma_wait3A_2962 = arith.constant 0 : i32
    %dma_wait3A_2963 = tpu.memref_slice %arg4[%select_n3A, %add3A_2958, %dma_wait3A_2962] : memref<16x2048x384xf32, #tpu.memory_space<hbm>> -> memref<1x64x384xf32, #tpu.memory_space<hbm>>
    %dma_wait3A_2964 = tpu.memref_squeeze %dma_wait3A_2963 : memref<1x64x384xf32, #tpu.memory_space<hbm>> -> memref<64x384xf32, #tpu.memory_space<hbm>>
    tpu.wait_dma2 semaphore(%arg21 : memref<!tpu.dma_semaphore, #tpu.memory_space<semaphore_mem>>) src(%arg11 : memref<64x384xf32, #tpu.memory_space<vmem>>) dst(%dma_wait3A_2964 : memref<64x384xf32, #tpu.memory_space<hbm>>)
    %add3A_2965 = arith.constant 896 : i32
    %add3A_2966 = arith.addi %mul3A_32, %add3A_2965 : i32
    %dma_wait3A_2967 = arith.constant 0 : i32
    %dma_wait3A_2968 = tpu.memref_slice %arg4[%select_n3A, %add3A_2966, %dma_wait3A_2967] : memref<16x2048x384xf32, #tpu.memory_space<hbm>> -> memref<1x64x384xf32, #tpu.memory_space<hbm>>
    %dma_wait3A_2969 = tpu.memref_squeeze %dma_wait3A_2968 : memref<1x64x384xf32, #tpu.memory_space<hbm>> -> memref<64x384xf32, #tpu.memory_space<hbm>>
    %dma_wait3A_2970 = arith.constant 0 : i32
    %dma_wait3A_2971 = tpu.memref_slice %arg4[%select_n3A, %add3A_2966, %dma_wait3A_2970] : memref<16x2048x384xf32, #tpu.memory_space<hbm>> -> memref<1x64x384xf32, #tpu.memory_space<hbm>>
    %dma_wait3A_2972 = tpu.memref_squeeze %dma_wait3A_2971 : memref<1x64x384xf32, #tpu.memory_space<hbm>> -> memref<64x384xf32, #tpu.memory_space<hbm>>
    tpu.wait_dma2 semaphore(%arg22 : memref<!tpu.dma_semaphore, #tpu.memory_space<semaphore_mem>>) src(%arg12 : memref<64x384xf32, #tpu.memory_space<vmem>>) dst(%dma_wait3A_2972 : memref<64x384xf32, #tpu.memory_space<hbm>>)
    %add3A_2973 = arith.constant 960 : i32
    %add3A_2974 = arith.addi %mul3A_32, %add3A_2973 : i32
    %dma_wait3A_2975 = arith.constant 0 : i32
    %dma_wait3A_2976 = tpu.memref_slice %arg4[%select_n3A, %add3A_2974, %dma_wait3A_2975] : memref<16x2048x384xf32, #tpu.memory_space<hbm>> -> memref<1x64x384xf32, #tpu.memory_space<hbm>>
    %dma_wait3A_2977 = tpu.memref_squeeze %dma_wait3A_2976 : memref<1x64x384xf32, #tpu.memory_space<hbm>> -> memref<64x384xf32, #tpu.memory_space<hbm>>
    %dma_wait3A_2978 = arith.constant 0 : i32
    %dma_wait3A_2979 = tpu.memref_slice %arg4[%select_n3A, %add3A_2974, %dma_wait3A_2978] : memref<16x2048x384xf32, #tpu.memory_space<hbm>> -> memref<1x64x384xf32, #tpu.memory_space<hbm>>
    %dma_wait3A_2980 = tpu.memref_squeeze %dma_wait3A_2979 : memref<1x64x384xf32, #tpu.memory_space<hbm>> -> memref<64x384xf32, #tpu.memory_space<hbm>>
    tpu.wait_dma2 semaphore(%arg18 : memref<!tpu.dma_semaphore, #tpu.memory_space<semaphore_mem>>) src(%arg8 : memref<64x384xf32, #tpu.memory_space<vmem>>) dst(%dma_wait3A_2980 : memref<64x384xf32, #tpu.memory_space<hbm>>)
    return
  }
}

</mosaic_0001>

<sc_bundles>
// kernel: kernel.3.cloned.1.call-start
scs
__scs_entry_jumppad:
0x0: {  	(pc) =	sbr.rel $0x88, $3  }
0x1: {  	(tag) =	ssettag $0x0;
	lr =	simm.s32 $0x1  }
0x2: {  	[smem:$0x3F9F] =	sst lr;
	_ =	strace $0xD0000000  }
0x3: {  	_ = 	snop  }
0x4: {  	_ = 	snop  }
0x5: {  	_ = 	snop  }
0x6: {  	_ = 	snop  }
0x7: {  	_ = 	snop  }
__scs_overlays_trampoline_lowered:
0x8: {  	[smem:$0x3FAE] =	sst s0  }
0x9: {  	[smem:$0x3FAF] =	sst s1  }
0xa: {  	[smem:$0x3FB0] =	sst s2  }
0xb: {  	[smem:$0x3FB1] =	sst s3  }
0xc: {  	[smem:$0x3FB2] =	sst s4  }
0xd: {  	[smem:$0x3FB3] =	sst s5  }
0xe: {  	[smem:$0x3FB4] =	sst s6  }
0xf: {  	[smem:$0x3FB5] =	sst s7  }
0x10: {  	[smem:$0x3FB6] =	sst s8  }
0x11: {  	[smem:$0x3FB7] =	sst s9;
	s0 =	simm.s32 @!p0 $0x0  }
0x12: {  	s1 =	sld [smem:$0x3F9D];
	s0 =	simm.s32 @p0 $0x1  }
0x13: {  	[smem:$0x3FB8] =	sst s0;
	s0 =	simm.s32 @!p1 $0x0  }
0x14: {  	s2 =	sld [smem:$0x3F9C];
	s0 =	simm.s32 @p1 $0x1  }
0x15: {  	[smem:$0x3FB9] =	sst s0;
	s0 =	simm.s32 @!p2 $0x0  }
0x16: {  	s3 =	sld [smem:$0x3FDB];
	s0 =	simm.s32 @p2 $0x1  }
0x17: {  	s4 =	simm.s32 $0x1BF5;
	[smem:$0x3FBB] =	sst s0  }
0x18: {  	s0 =	sld [smem:$0x3F9E];
	_ =	swait.ge [sflag:s4], $0x0  }
0x19: {  	s7 =	sld [smem:$0x3F9F]  }
0x1a: {  	s8 =	sadd.s32 $0xFFFFE003, lr  }
0x1b: {  	s9 =	sadd.s32 $0xFFFFFEF7, lr;
	s5 =	simm.s32 $0xFFFFFFFF;
	p2 =	slt.u32 s8, $0xFFFFF086  }
0x1c: {  	p1 =	slt.u32 s9, $0xF7A;
	s5 =	simm.s32 @!p2 $0x0  }
0x1d: {  	s5 =	simm.s32 @p1 $0x1;
	p0 =	seq.s32 s7, s2  }
0x1e: {  	s7 =	smul.u32 @!p0 $0xF7A, s2;
	p2 =	seq.s32 @!p0 s5, $0x0  }
0x1f: {  	s9 =	smul.u32 $0xF7A, s1;
	s8 =	simm.s32 @!p0 $0x1BF5;
	p2 =	por !p2, p0  }
0x20: {  	[sflag:s8] =	ssyncset.s32 @!p0 $0xFFFFF086;
	s6 =	sadd.s32 @!p0 s3, s7;
	s7 =	simm.s32 @!p0 $0x108  }
0x21: {  	s3 =	sadd.s32 s3, s9;
	s6 =	sadd.s32 @!p0 $0x88, s6;
	s7 =	simm.s32 @p2 $0x1082  }
0x22: {  	[simem:s7], [sflag:s8] =	dma.local @!p0 [hbm:s6], $0xF7A  }
0x23: {  	s9 =	sor.u32 $0xD0000000, s2;
	s6 =	simm.s32 $0x108;
	_ =	swait.ge @!p0 [sflag:s8], $0x0  }
0x24: {  	s3 =	sadd.s32 $0x88, s3;
	s6 =	simm.s32 @!p1 $0x1082;
	[sflag:s4] =	ssyncset.s32 $0xFFFFF086  }
0x25: {  	[simem:s6], [sflag:s4] =	dma.local [hbm:s3], $0xF7A  }
0x26: {  	[smem:$0x3F9F] =	sst s1;
	(tag) =	ssettag s2;
	_ =	strace s9  }
0x27: {  	s1 =	sld [smem:$0x3FAF]  }
0x28: {  	s2 =	sld [smem:$0x3FB0]  }
0x29: {  	s4 =	sld [smem:$0x3FB2]  }
0x2a: {  	p0 =	seq.s32 s5, $0x0;
	s5 =	sld [smem:$0x3FB3]  }
0x2b: {  	s6 =	sld [smem:$0x3FB4]  }
0x2c: {  	s7 =	sld [smem:$0x3FB5]  }
0x2d: {  	s3 =	simm.s32 $0x108;
	s8 =	sld [smem:$0x3FB6]  }
0x2e: {  	s3 =	simm.s32 @!p0 $0x1082;
	s9 =	sld [smem:$0x3FB7]  }
0x2f: {  	lr =	sadd.s32 s0, s3;
	s0 =	sld [smem:$0x3FAE]  }
0x30: {  	s3 =	sld [smem:$0x3FB1]  }
0x31: {  	[smem:$0x3FBA] =	sst s10  }
0x32: {  	s10 =	sld [smem:$0x3FB8];
	_ =	sdelay $0x3  }
0x33: {  	p0 =	seq.s32 s10, $0x1;
	s10 =	sld [smem:$0x3FBA];
	_ =	sdelay $0x3  }
0x34: {  	[smem:$0x3FBA] =	sst s10  }
0x35: {  	s10 =	sld [smem:$0x3FB9];
	_ =	sdelay $0x3  }
0x36: {  	p1 =	seq.s32 s10, $0x1;
	s10 =	sld [smem:$0x3FBA];
	_ =	sdelay $0x3  }
0x37: {  	[smem:$0x3FBA] =	sst s10  }
0x38: {  	s10 =	sld [smem:$0x3FBB]  }
0x39: {  	_ = 	snop;
	(pc) =	sbr.ind lr, $3  }
0x3a: {  	_ = 	snop  }
0x3b: {  	_ = 	snop  }
0x3c: {  	p2 =	seq.s32 s10, $0x1;
	s10 =	sld [smem:$0x3FBA]  }
0x3d: {  	_ =	shalt  }
0x3e: {  	_ =	shalt  }
0x3f: {  	_ =	shalt  }
0x40: {  	_ =	shalt  }
0x41: {  	_ =	shalt  }
0x42: {  	_ =	shalt  }
0x43: {  	_ =	shalt  }
0x44: {  	_ =	shalt  }
0x45: {  	_ =	shalt  }
0x46: {  	_ =	shalt  }
0x47: {  	_ =	shalt  }
0x48: {  	_ =	shalt  }
0x49: {  	_ =	shalt  }
0x4a: {  	_ =	shalt  }
0x4b: {  	_ =	shalt  }
0x4c: {  	_ =	shalt  }
0x4d: {  	_ =	shalt  }
0x4e: {  	_ =	shalt  }
0x4f: {  	_ =	shalt  }
0x50: {  	_ =	shalt  }
0x51: {  	_ =	shalt  }
0x52: {  	_ =	shalt  }
0x53: {  	_ =	shalt  }
0x54: {  	_ =	shalt  }
0x55: {  	_ =	shalt  }
0x56: {  	_ =	shalt  }
0x57: {  	_ =	shalt  }
0x58: {  	_ =	shalt  }
0x59: {  	_ =	shalt  }
0x5a: {  	_ =	shalt  }
0x5b: {  	_ =	shalt  }
0x5c: {  	_ =	shalt  }
0x5d: {  	_ =	shalt  }
0x5e: {  	_ =	shalt  }
0x5f: {  	_ =	shalt  }
0x60: {  	_ =	shalt  }
0x61: {  	_ =	shalt  }
0x62: {  	_ =	shalt  }
0x63: {  	_ =	shalt  }
0x64: {  	_ =	shalt  }
0x65: {  	_ =	shalt  }
0x66: {  	_ =	shalt  }
0x67: {  	_ =	shalt  }
0x68: {  	_ =	shalt  }
0x69: {  	_ =	shalt  }
0x6a: {  	_ =	shalt  }
0x6b: {  	_ =	shalt  }
0x6c: {  	_ =	shalt  }
0x6d: {  	_ =	shalt  }
0x6e: {  	_ =	shalt  }
0x6f: {  	_ =	shalt  }
0x70: {  	_ =	shalt  }
0x71: {  	_ =	shalt  }
0x72: {  	_ =	shalt  }
0x73: {  	_ =	shalt  }
0x74: {  	_ =	shalt  }
0x75: {  	_ =	shalt  }
0x76: {  	_ =	shalt  }
0x77: {  	_ =	shalt  }
0x78: {  	_ =	shalt  }
0x79: {  	_ =	shalt  }
0x7a: {  	_ =	shalt  }
0x7b: {  	_ =	shalt  }
0x7c: {  	_ =	shalt  }
0x7d: {  	_ =	shalt  }
0x7e: {  	_ =	shalt  }
0x7f: {  	_ =	shalt  }
0x80: {  	_ =	shalt  }
0x81: {  	_ =	shalt  }
0x82: {  	_ =	shalt  }
0x83: {  	_ =	shalt  }
0x84: {  	_ =	shalt  }
0x85: {  	_ =	shalt  }
0x86: {  	_ =	shalt  }
0x87: {  	_ =	shalt  }
.Lfunc_end0:
.L_simem_size_0:
called_computation_lowered:
.L_overlay_start_0:
0x88: {  	s2 =	sld [smem:$0x3FD9]  }
0x89: {  	s3 =	sld [smem:$0x3FFE];
	_ =	sdelay $0x1  }
0x8a: {  	s1 =	srdreg.scid  }
0x8b: {  	s0 =	sand.u32 $0x1, s1  }
0x8c: {  	s18 =	sshll.u32 s0, $0xA;
	s2 =	sadd.s32 s3, s2  }
0x8d: {  	s2 =	sadd.s32 s2, s18  }
0x8e: {  	[smem:$0x3FC6] =	sst s2  }
0x8f: {  	_ = 	snop  }
0x90: {  	s2 =	sld [smem:$0x3FC9]  }
0x91: {  	s19 =	sld [smem:$0x3FC8]  }
0x92: {  	s4 =	sld [smem:$0x3FD0];
	(tm) =	ssettm $0x1  }
0x93: {  	s5 =	sld [smem:$0x3FFB];
	_ =	sdelay $0x3  }
0x94: {  	_ =	strace s5  }
0x95: {  	s5 =	sld [smem:$0x3FFC];
	_ =	sdelay $0x3  }
0x96: {  	_ =	strace s5  }
0x97: {  	s5 =	sld [smem:$0x3FFD];
	_ =	sdelay $0x3  }
0x98: {  	_ =	strace s5  }
0x99: {  	_ =	strace $0x8FFFFFFF  }
0x9a: {  	s20 =	sld [smem:$0x3FDB];
	_ =	sdelay $0x1  }
0x9b: {  	s6 =	simm.s32 $_scs_section_size  }
0x9c: {  	s7 =	simm.s32 $_size__tile_overlayer_lowered;
	s8 =	simm.s32 $_tile_overlayer_lowered  }
0x9d: {  	s23 =	simm.s32 $0x1BFF;
	s22 =	sshll.u32 s8, $0x1;
	s5 =	sadd.s32 s6, s20  }
0x9e: {  	s9 =	simm.s32 $0x0;
	s21 =	sshll.u32 s7, $0x1;
	s7 =	sadd.s32 s22, s5  }
0x9f: {  	[timem:s9], [sflag:s23] =	dma.local [hbm:s7], s21  }
0xa0: {  	_ =	swait.ge [sflag:s23], s21  }
0xa1: {  	s6 =	ssub.s32 $0x0, s21;
	[sflag:s23] =	ssyncset.done $0x0  }
0xa2: {  	[sflag:s23] =	ssyncadd.s32 s6;
	_ =	sdelay $0x1  }
0xa3: {  	s24 =	simm.s32 $0x1B8B  }
0xa4: {  	_ =	swait.ge [sflag:s24], $0x1  }
0xa5: {  	[sflag:s24] =	ssyncset.done $0x0  }
0xa6: {  	s25 =	simm.s32 $0x1B8E;
	[sflag:s24] =	ssyncadd.s32 $0xFFFFFFFF  }
0xa7: {  	s26 =	simm.s32 $execute0_lowered;
	[smem:$0x3FD2] =	sst s25  }
0xa8: {  	s6 =	sshll.u32 s26, $0x1;
	_ =	strace $0x80000046;
	[dreg:$0x1] =	wrdreg $0xFFFFFFFF  }
0xa9: {  	s28 =	simm.s32 $_size_execute0_lowered;
	s5 =	sadd.s32 s5, s6;
	[dreg:$0x0] =	wrdreg $0x0  }
0xaa: {  	s6 =	sshll.u32 s28, $0x1;
	[dreg:$0x2] =	wrdreg s5  }
0xab: {  	[dreg:$0x3] =	wrdreg s6  }
0xac: {  	[dreg:$0x4] =	wrdreg $0xC0  }
0xad: {  	_ =	task [dreg:s9], $0x5FFFF  }
0xae: {  	[dreg:$0x1] =	wrdreg $0xFFFFFFFF  }
0xaf: {  	[dreg:$0x0] =	wrdreg $0x60  }
0xb0: {  	[dreg:$0x2] =	wrdreg s2  }
0xb1: {  	[dreg:$0x3] =	wrdreg s19  }
0xb2: {  	[dreg:$0x4] =	wrdreg s4  }
0xb3: {  	[dreg:$0x5] =	wrdreg $0x9  }
0xb4: {  	_ =	task.clear_ibuf [dreg:s9], $0x6FFFF;
	_ =	strace $0x90000046  }
0xb5: {  	s29 =	simm.s32 $0x9;
	_ =	strace $0x80000048  }
0xb6: {  	_ =	swait.ge [sflag:s29], $0x1  }
0xb7: {  	[sflag:s29] =	ssyncadd.s32 $0xFFFFFFFF  }
0xb8: {  	_ =	strace $0x90000048  }
0xb9: {  	_ =	sfence  }
0xba: {  	s30 =	sld [smem:$0x0];
	_ =	sdelay $0x2  }
0xbb: {  	s31 =	sshll.u32 s1, $0xD;
	s1 =	sshrl.u32 s1, $0x2  }
0xbc: {  	s3 =	sand.u32 $0x4000, s31;
	s1 =	sadd.s32 s1, s30  }
0xbd: {  	s0 =	sor.u32 s3, s0;
	s1 =	sshll.u32 s1, $0x11  }
0xbe: {  	s0 =	sor.u32 s1, s0  }
0xbf: {  	s0 =	sadd.s32 $0x8F2B, s0  }
0xc0: {  	[sflag:s0] =	ssyncadd.remote.s32 $0x1  }
0xc1: {  	_ =	sfence.sel $0xFFFF  }
0xc2: {  	[dreg:$0x0] =	wrdreg $0xFFFFFFFF;
	(pc) =	sbr.abs _section_cstart, $3  }
0xc3: {  	[dreg:$0x1] =	wrdreg $0xFFFFFFFF  }
0xc4: {  	_ =	task.clear_ibuf [dreg:s9], $0x2FFFF;
	_ =	strace $0x9FFFFFFF  }
0xc5: {  	(tm) =	ssettm $0x7FFFFFFF  }
tec
execute0_lowered:
.L_overlay_start_1:
0x0: {  	(tag) =	ssettag $0x1  }
0x1: {  	s0 =	srdreg.scid  }
0x2: {  	s4 =	stileid.u32;
	s0 =	sand.u32 $0x1, s0  }
0x3: {  	s1 =	sor.u32 s0, s4  }
0x4: {  	s5 =	rddreg [dreg:$0x1];
	p1 =	seq.s32 s0, $0x1;
	p0 =	seq.s32 s1, $0x0  }
0x5: {  	s3 =	simm.s32 $0x1;
	s2 =	rddreg [dreg:$0x2];
	p0 =	por !p0, !p1  }
0x6: {  	s8 =	smul.u32 $0x60000, s0;
	s23 =	ssub.s32 $0x2, s0;
	p0 =	por !p0, !p0  }
0x7: {  	s0 =	sshll.u32 s0, $0xA;
	s1 =	rddreg [dreg:$0x0];
	s3 =	simm.s32 @!p0 $0x0  }
0x8: {  	s24 =	sshrl.u32 s23, $0x1;
	s3 =	ssub.s32 s4, s3;
	s4 =	simm.s32 $0x0  }
0x9: {  	s6 =	smul.u32 $0xC0000, s3;
	s9 =	sshll.u32 s3, $0x9;
	s7 =	sshll.u32 s3, $0x7  }
0xa: {  	[dreg:$0x16] =	wrdreg s9;
	s9 =	sand.u32 $0xFFFFF000, s9;
	s7 =	sand.u32 $0x380, s7  }
0xb: {  	[smem:$0x7FF] =	sst s4;
	s7 =	sor.u32 s7, s9;
	s6 =	sadd.s32 s8, s6  }
0xc: {  	_ =	strace $0x80000047;
	s7 =	sshrl.u32 s7, $0x3;
	s8 =	sshrl.u32 s6, $0x3  }
0xd: {  	s30 =	sadd.s32 $0x24000, s6;
	s9 =	sadd.s32 $0x2A000, s6;
	s11 =	sadd.s32 $0x30000, s6  }
0xe: {  	s12 =	sadd.s32 $0x36000, s6;
	s16 =	sadd.s32 $0x3C000, s6;
	s5 =	sadd.s32 s5, s7  }
0xf: {  	s18 =	sadd.s32 $0x42000, s6;
	s10 =	sadd.s32 s2, s8;
	[dreg:$0x4] =	wrdreg s5  }
0x10: {  	s7 =	sshrl.u32 s30, $0x3;
	s30 =	simm.s32 $0x80;
	[dreg:$0x17] =	wrdreg s10  }
0x11: {  	s19 =	sadd.s32 $0x48000, s6;
	s25 =	sadd.s32 $0xC00, s10;
	[dreg:$0x14] =	wrdreg s30  }
0x12: {  	s8 =	ssub.s32 s23, s24;
	s26 =	sadd.s32 $0x1800, s10;
	[dreg:$0x5] =	wrdreg s25  }
0x13: {  	s14 =	sshrl.u32 s12, $0x3;
	s28 =	sadd.s32 $0x2400, s10;
	[dreg:$0x6] =	wrdreg s26  }
0x14: {  	s17 =	sshrl.u32 s16, $0x3;
	s29 =	sadd.s32 $0x3000, s10;
	[dreg:$0x7] =	wrdreg s28  }
0x15: {  	s21 =	sshrl.u32 s19, $0x3;
	s31 =	sadd.s32 $0x3C00, s10;
	[dreg:$0x8] =	wrdreg s29  }
0x16: {  	s23 =	sadd.s32 $0x4E000, s6;
	s7 =	sadd.s32 s2, s7;
	[dreg:$0x9] =	wrdreg s31  }
0x17: {  	s10 =	sshrl.u32 s9, $0x3;
	s15 =	sadd.s32 s2, s14;
	[dreg:$0xa] =	wrdreg s7  }
0x18: {  	s22 =	sadd.s32 s2, s21;
	s24 =	sshrl.u32 s23, $0x3;
	[dreg:$0xd] =	wrdreg s15  }
0x19: {  	s19 =	smax.u32 s8, $0x1;
	s5 =	sadd.s32 s2, s10;
	[dreg:$0x10] =	wrdreg s22  }
0x1a: {  	s7 =	sshrl.u32 s11, $0x3;
	s31 =	simm.s32 $0x400;
	[dreg:$0xb] =	wrdreg s5  }
0x1b: {  	s25 =	sadd.s32 $0x54000, s6;
	s13 =	sadd.s32 s2, s7;
	[dreg:$0x15] =	wrdreg s31  }
0x1c: {  	s5 =	sadd.s32 s2, s17;
	s7 =	sshrl.u32 s18, $0x3;
	[dreg:$0xc] =	wrdreg s13  }
0x1d: {  	s6 =	sadd.s32 $0x5A000, s6;
	[dreg:$0xe] =	wrdreg s5;
	s20 =	sadd.s32 s2, s7  }
0x1e: {  	v2 =	vimm.s32 $0x0;
	v3 =	vimm.s32 $0x1;
	s6 =	sshrl.u32 s6, $0x3;
	s5 =	sadd.s32 s2, s24;
	[dreg:$0xf] =	wrdreg s20  }
0x1f: {  	v6 =	vlaneseq.u32;
	vm0 =	vmmov $0xffff;
	vm1 =	vmmov $0xff;
	s7 =	sshrl.u32 s25, $0x3;
	s28 =	sadd.s32 s2, s6;
	[dreg:$0x11] =	wrdreg s5  }
0x20: {  	v4 =	vand.u32 $0x7, v6;
	v5 =	vshrl.u32 v6, $0x3;
	v6 =	vor.u32 $0x8, v6;
	s29 =	sshllo.u32 s3, $0x9;
	s26 =	sadd.s32 s2, s7;
	[dreg:$0x13] =	wrdreg s28  }
0x21: {  	v5 =	vmul.u32 $0x8, v5;
	v0 =	vmov s0;
	s21 =	simm.s32 $0x200;
	v1 =	vmov s29;
	s7 =	sadd.s32 $0x100, s1;
	[dreg:$0x12] =	wrdreg s26  }
.LBB2_1:
0x22: {  	s0 =	rddreg [dreg:$0x4]  }
0x23: {  	s2 =	rddreg [dreg:$0x14]  }
0x24: {  	s3 =	rddreg [dreg:$0x15];
	s13 =	simm.s32 $0xB  }
0x25: {  	[tilespmem:s4], [sflag:$0xB] =	stream.strided.gather [hbm4b:s0+s2], $0x200, s3, s2, $0x38;
	[tilespmem:$0x1EE00] =	vst v63  }
0x26: {  	_ =	swait.ge [sflag:s13], $0x200  }
0x27: {  	[sflag:s13] =	ssyncset.done $0x0  }
0x28: {  	[sflag:s13] =	ssyncadd.s32 $0xFFFFFE00  }
0x29: {  	[tilespmem:$0x200] =	vst v2  }
0x2a: {  	[tilespmem:$0x210] =	vst v2  }
0x2b: {  	[tilespmem:$0x220] =	vst v2  }
0x2c: {  	[tilespmem:$0x230] =	vst v2  }
0x2d: {  	[tilespmem:$0x240] =	vst v2  }
0x2e: {  	[tilespmem:$0x250] =	vst v2  }
0x2f: {  	[tilespmem:$0x260] =	vst v2  }
0x30: {  	[tilespmem:$0x270] =	vst v2  }
0x31: {  	[tilespmem:$0x280] =	vst v2  }
0x32: {  	[tilespmem:$0x290] =	vst v2  }
0x33: {  	[tilespmem:$0x2A0] =	vst v2  }
0x34: {  	[tilespmem:$0x2B0] =	vst v2  }
0x35: {  	[tilespmem:$0x2C0] =	vst v2  }
0x36: {  	[tilespmem:$0x2D0] =	vst v2  }
0x37: {  	[tilespmem:$0x2E0] =	vst v2  }
0x38: {  	[tilespmem:$0x2F0] =	vst v2  }
0x39: {  	[tilespmem:$0x300] =	vst v2  }
0x3a: {  	[tilespmem:$0x310] =	vst v2  }
0x3b: {  	[tilespmem:$0x320] =	vst v2  }
0x3c: {  	[tilespmem:$0x330] =	vst v2  }
0x3d: {  	[tilespmem:$0x340] =	vst v2  }
0x3e: {  	[tilespmem:$0x350] =	vst v2  }
0x3f: {  	[tilespmem:$0x360] =	vst v2  }
0x40: {  	[tilespmem:$0x370] =	vst v2  }
0x41: {  	[tilespmem:$0x380] =	vst v2  }
0x42: {  	[tilespmem:$0x390] =	vst v2  }
0x43: {  	[tilespmem:$0x3A0] =	vst v2  }
0x44: {  	[tilespmem:$0x3B0] =	vst v2  }
0x45: {  	[tilespmem:$0x3C0] =	vst v2  }
0x46: {  	[tilespmem:$0x3D0] =	vst v2  }
0x47: {  	[tilespmem:$0x3E0] =	vst v2  }
0x48: {  	[tilespmem:$0x3F0] =	vst v2  }
0x49: {  	[tilespmem:$0x400] =	vst v2  }
0x4a: {  	[tilespmem:$0x410] =	vst v2  }
0x4b: {  	[tilespmem:$0x420] =	vst v2  }
0x4c: {  	[tilespmem:$0x430] =	vst v2  }
0x4d: {  	[tilespmem:$0x440] =	vst v2  }
0x4e: {  	[tilespmem:$0x450] =	vst v2  }
0x4f: {  	[tilespmem:$0x460] =	vst v2  }
0x50: {  	[tilespmem:$0x470] =	vst v2  }
0x51: {  	[tilespmem:$0x480] =	vst v2  }
0x52: {  	[tilespmem:$0x490] =	vst v2  }
0x53: {  	[tilespmem:$0x4A0] =	vst v2  }
0x54: {  	[tilespmem:$0x4B0] =	vst v2;
	v7 =	vld [tilespmem:$0x0]  }
0x55: {  	[tilespmem:$0x4C0] =	vst v2  }
0x56: {  	[tilespmem:$0x4D0] =	vst v2  }
0x57: {  	[tilespmem:$0x4E0] =	vst v2  }
0x58: {  	[tilespmem:$0x4F0] =	vst v2  }
0x59: {  	[tilespmem:$0x500] =	vst v2;
	vm2 =	vgt.s32 v7, $0x1  }
0x5a: {  	[tilespmem:$0x510] =	vst v2;
	v7 =	vnsel vm2, $0x1, v7  }
0x5b: {  	[tilespmem:$0x520] =	vst v2;
	(xrf0) =	vadd.scan.msk.s32 $0xffff, v7  }
0x5c: {  	[tilespmem:$0x530] =	vst v2  }
0x5d: {  	[tilespmem:$0x540] =	vst v2  }
0x5e: {  	[tilespmem:$0x550] =	vst v2  }
0x5f: {  	[tilespmem:$0x560] =	vst v2  }
0x60: {  	[tilespmem:$0x570] =	vst v2  }
0x61: {  	[tilespmem:$0x580] =	vst v2;
	v7, _, _ =	vpop (xrf0)  }
0x62: {  	[tilespmem:$0x590] =	vst v2;
	v8 =	vsub.s32 v7, v0  }
0x63: {  	[tilespmem:$0x5A0] =	vst v2;
	v10 =	vand.u32 $0x7F, v7;
	vm2 =	vlt.u32 v8, $0x400;
	v9 =	vand.u32 $0xFFFFFF80, v8  }
0x64: {  	[tilespmem:$0x5B0] =	vst v2;
	v9 =	vor.u32 v10, v9  }
0x65: {  	[tilespmem:$0x5C0] =	vst v2  }
0x66: {  	[tilespmem:$0x5D0] =	vst v2  }
0x67: {  	[tilespmem:$0x5E0] =	vst v2  }
0x68: {  	[tilespmem:$0x5F0] =	vst v2  }
0x69: {  	[tilespmem:v9+s21+$0x0] =	vst.idx.add.s32.msk vm2, v3  }
0x6a: {  	v9 =	vld [tilespmem:$0x10];
	_ =	sdelay $0x4  }
0x6b: {  	v8 =	vshrl.u32 v8, $0x1F;
	vm2 =	vgt.s32 v9, $0x1  }
0x6c: {  	(xrf0) =	vadd.scan.msk.s32 $0xffff, v8;
	v8 =	vnsel vm2, $0x1, v9  }
0x6d: {  	(xrf0) =	vadd.scan.msk.s32 $0xffff, v8;
	_ =	sdelay $0x4  }
0x6e: {  	v42 =	vbroadcast v7, $0xF;
	v8, _, _ =	vpop (xrf0)  }
0x6f: {  	v43, _, _ =	vpop (xrf0)  }
0x70: {  	v9 =	vadd.s32 v42, v43  }
0x71: {  	v11 =	vsub.s32 v9, v0  }
0x72: {  	v12 =	vshrl.u32 v11, $0x1F  }
0x73: {  	(xrf0) =	vadd.scan.msk.s32 $0xffff, v12;
	_ =	sdelay $0x3  }
0x74: {  	v9 =	vand.u32 $0x7F, v9;
	vm2 =	vlt.u32 v11, $0x400;
	v11 =	vand.u32 $0xFFFFFF80, v11  }
0x75: {  	(v2sf) =	vpush v8, $0xF;
	v8 =	vor.u32 v9, v11  }
0x76: {  	(v2sf) =	vpush v7, $0xF;
	v7, _, _ =	vpop (xrf0)  }
0x77: {  	(v2sf) =	vpush v7, $0xF  }
0x78: {  	(v2sf) =	vpush v43, $0xF;
	_ =	sdelay $0x1  }
0x79: {  	[tilespmem:v8+s21+$0x0] =	vst.idx.add.s32.msk vm2, v3  }
0x7a: {  	v7 =	vld [tilespmem:$0x20];
	_ =	sdelay $0x4  }
0x7b: {  	vm2 =	vgt.s32 v7, $0x1  }
0x7c: {  	v7 =	vnsel vm2, $0x1, v7  }
0x7d: {  	(xrf0) =	vadd.scan.msk.s32 $0xffff, v7;
	_ =	sdelay $0x1  }
0x7e: {  	s22 =	spop (v2sf)  }
0x7f: {  	s14 =	spop (v2sf)  }
0x80: {  	s15 =	spop (v2sf)  }
0x81: {  	s16 =	spop (v2sf)  }
0x82: {  	v7, _, _ =	vpop (xrf0);
	s0 =	sadd.s32 s14, s16  }
0x83: {  	v8 =	vadd.s32 s0, v7  }
0x84: {  	v44 =	vsub.s32 v8, v0  }
0x85: {  	v45 =	vshrl.u32 v44, $0x1F  }
0x86: {  	(xrf0) =	vadd.scan.msk.s32 $0xffff, v45;
	_ =	sdelay $0x3  }
0x87: {  	v8 =	vand.u32 $0x7F, v8;
	vm2 =	vlt.u32 v44, $0x400;
	v9 =	vand.u32 $0xFFFFFF80, v44  }
0x88: {  	v8 =	vor.u32 v8, v9  }
0x89: {  	v46, _, _ =	vpop (xrf0)  }
0x8a: {  	(v2sf) =	vpush v46, $0xF  }
0x8b: {  	(v2sf) =	vpush v7, $0xF;
	_ =	sdelay $0x1  }
0x8c: {  	[tilespmem:v8+s21+$0x0] =	vst.idx.add.s32.msk vm2, v3  }
0x8d: {  	v7 =	vld [tilespmem:$0x30];
	_ =	sdelay $0x4  }
0x8e: {  	vm2 =	vgt.s32 v7, $0x1  }
0x8f: {  	v7 =	vnsel vm2, $0x1, v7  }
0x90: {  	(xrf0) =	vadd.scan.msk.s32 $0xffff, v7;
	_ =	sdelay $0x3  }
0x91: {  	s17 =	spop (v2sf)  }
0x92: {  	s18 =	spop (v2sf)  }
0x93: {  	v7, _, _ =	vpop (xrf0);
	s0 =	sadd.s32 s0, s18  }
0x94: {  	v8 =	vadd.s32 s0, v7  }
0x95: {  	v47 =	vsub.s32 v8, v0  }
0x96: {  	v48 =	vshrl.u32 v47, $0x1F  }
0x97: {  	(xrf0) =	vadd.scan.msk.s32 $0xffff, v48;
	_ =	sdelay $0x3  }
0x98: {  	v8 =	vand.u32 $0x7F, v8;
	vm2 =	vlt.u32 v47, $0x400;
	v9 =	vand.u32 $0xFFFFFF80, v47  }
0x99: {  	v8 =	vor.u32 v8, v9  }
0x9a: {  	v49, _, _ =	vpop (xrf0)  }
0x9b: {  	(v2sf) =	vpush v49, $0xF  }
0x9c: {  	(v2sf) =	vpush v7, $0xF;
	_ =	sdelay $0x1  }
0x9d: {  	[tilespmem:v8+s21+$0x0] =	vst.idx.add.s32.msk vm2, v3  }
0x9e: {  	v7 =	vld [tilespmem:$0x40];
	_ =	sdelay $0x4  }
0x9f: {  	vm2 =	vgt.s32 v7, $0x1  }
0xa0: {  	v7 =	vnsel vm2, $0x1, v7  }
0xa1: {  	(xrf0) =	vadd.scan.msk.s32 $0xffff, v7;
	_ =	sdelay $0x3  }
0xa2: {  	s20 =	spop (v2sf)  }
0xa3: {  	s23 =	spop (v2sf)  }
0xa4: {  	v7, _, _ =	vpop (xrf0);
	s0 =	sadd.s32 s0, s23  }
0xa5: {  	v8 =	vadd.s32 s0, v7  }
0xa6: {  	v50 =	vsub.s32 v8, v0  }
0xa7: {  	v51 =	vshrl.u32 v50, $0x1F  }
0xa8: {  	(xrf0) =	vadd.scan.msk.s32 $0xffff, v51;
	_ =	sdelay $0x3  }
0xa9: {  	v8 =	vand.u32 $0x7F, v8;
	vm2 =	vlt.u32 v50, $0x400;
	v9 =	vand.u32 $0xFFFFFF80, v50  }
0xaa: {  	v8 =	vor.u32 v8, v9  }
0xab: {  	v52, _, _ =	vpop (xrf0)  }
0xac: {  	(v2sf) =	vpush v52, $0xF  }
0xad: {  	(v2sf) =	vpush v7, $0xF;
	_ =	sdelay $0x1  }
0xae: {  	[tilespmem:v8+s21+$0x0] =	vst.idx.add.s32.msk vm2, v3  }
0xaf: {  	v7 =	vld [tilespmem:$0x50];
	_ =	sdelay $0x4  }
0xb0: {  	vm2 =	vgt.s32 v7, $0x1  }
0xb1: {  	v7 =	vnsel vm2, $0x1, v7  }
0xb2: {  	(xrf0) =	vadd.scan.msk.s32 $0xffff, v7;
	_ =	sdelay $0x3  }
0xb3: {  	s24 =	spop (v2sf)  }
0xb4: {  	s25 =	spop (v2sf)  }
0xb5: {  	v7, _, _ =	vpop (xrf0);
	s0 =	sadd.s32 s0, s25  }
0xb6: {  	v8 =	vadd.s32 s0, v7  }
0xb7: {  	v53 =	vsub.s32 v8, v0  }
0xb8: {  	v54 =	vshrl.u32 v53, $0x1F  }
0xb9: {  	(xrf0) =	vadd.scan.msk.s32 $0xffff, v54;
	_ =	sdelay $0x3  }
0xba: {  	v8 =	vand.u32 $0x7F, v8;
	vm2 =	vlt.u32 v53, $0x400;
	v9 =	vand.u32 $0xFFFFFF80, v53  }
0xbb: {  	v8 =	vor.u32 v8, v9  }
0xbc: {  	v55, _, _ =	vpop (xrf0)  }
0xbd: {  	(v2sf) =	vpush v55, $0xF  }
0xbe: {  	(v2sf) =	vpush v7, $0xF;
	_ =	sdelay $0x1  }
0xbf: {  	[tilespmem:v8+s21+$0x0] =	vst.idx.add.s32.msk vm2, v3  }
0xc0: {  	v7 =	vld [tilespmem:$0x60];
	_ =	sdelay $0x4  }
0xc1: {  	vm2 =	vgt.s32 v7, $0x1  }
0xc2: {  	v7 =	vnsel vm2, $0x1, v7  }
0xc3: {  	(xrf0) =	vadd.scan.msk.s32 $0xffff, v7;
	_ =	sdelay $0x3  }
0xc4: {  	s26 =	spop (v2sf)  }
0xc5: {  	s28 =	spop (v2sf)  }
0xc6: {  	v7, _, _ =	vpop (xrf0);
	s0 =	sadd.s32 s0, s28  }
0xc7: {  	v8 =	vadd.s32 s0, v7  }
0xc8: {  	v56 =	vsub.s32 v8, v0  }
0xc9: {  	v57 =	vshrl.u32 v56, $0x1F  }
0xca: {  	(xrf0) =	vadd.scan.msk.s32 $0xffff, v57;
	_ =	sdelay $0x3  }
0xcb: {  	v8 =	vand.u32 $0x7F, v8;
	vm2 =	vlt.u32 v56, $0x400;
	v9 =	vand.u32 $0xFFFFFF80, v56  }
0xcc: {  	v8 =	vor.u32 v8, v9  }
0xcd: {  	v58, _, _ =	vpop (xrf0)  }
0xce: {  	(v2sf) =	vpush v58, $0xF  }
0xcf: {  	(v2sf) =	vpush v7, $0xF;
	_ =	sdelay $0x1  }
0xd0: {  	[tilespmem:v8+s21+$0x0] =	vst.idx.add.s32.msk vm2, v3  }
0xd1: {  	v7 =	vld [tilespmem:$0x70];
	_ =	sdelay $0x4  }
0xd2: {  	vm2 =	vgt.s32 v7, $0x1  }
0xd3: {  	v7 =	vnsel vm2, $0x1, v7  }
0xd4: {  	(xrf0) =	vadd.scan.msk.s32 $0xffff, v7;
	_ =	sdelay $0x3  }
0xd5: {  	s29 =	spop (v2sf)  }
0xd6: {  	s30 =	spop (v2sf)  }
0xd7: {  	v7, _, _ =	vpop (xrf0);
	s0 =	sadd.s32 s0, s30  }
0xd8: {  	v8 =	vadd.s32 s0, v7  }
0xd9: {  	v59 =	vsub.s32 v8, v0  }
0xda: {  	v60 =	vshrl.u32 v59, $0x1F  }
0xdb: {  	(xrf0) =	vadd.scan.msk.s32 $0xffff, v60;
	_ =	sdelay $0x3  }
0xdc: {  	v8 =	vand.u32 $0x7F, v8;
	vm2 =	vlt.u32 v59, $0x400;
	v9 =	vand.u32 $0xFFFFFF80, v59  }
0xdd: {  	v8 =	vor.u32 v8, v9  }
0xde: {  	v61, _, _ =	vpop (xrf0)  }
0xdf: {  	(v2sf) =	vpush v61, $0xF  }
0xe0: {  	(v2sf) =	vpush v7, $0xF;
	_ =	sdelay $0x1  }
0xe1: {  	[tilespmem:v8+s21+$0x0] =	vst.idx.add.s32.msk vm2, v3  }
0xe2: {  	v7 =	vld [tilespmem:$0x80];
	_ =	sdelay $0x4  }
0xe3: {  	vm2 =	vgt.s32 v7, $0x1  }
0xe4: {  	v7 =	vnsel vm2, $0x1, v7  }
0xe5: {  	(xrf0) =	vadd.scan.msk.s32 $0xffff, v7;
	_ =	sdelay $0x3  }
0xe6: {  	s31 =	spop (v2sf)  }
0xe7: {  	s3 =	spop (v2sf)  }
0xe8: {  	v7, _, _ =	vpop (xrf0);
	s0 =	sadd.s32 s0, s3  }
0xe9: {  	v8 =	vadd.s32 s0, v7  }
0xea: {  	v62 =	vsub.s32 v8, v0  }
0xeb: {  	v63 =	vshrl.u32 v62, $0x1F  }
0xec: {  	(xrf0) =	vadd.scan.msk.s32 $0xffff, v63;
	_ =	sdelay $0x3  }
0xed: {  	v8 =	vand.u32 $0x7F, v8;
	vm2 =	vlt.u32 v62, $0x400;
	v9 =	vand.u32 $0xFFFFFF80, v62  }
0xee: {  	v8 =	vor.u32 v8, v9  }
0xef: {  	v12, _, _ =	vpop (xrf0)  }
0xf0: {  	(v2sf) =	vpush v12, $0xF  }
0xf1: {  	(v2sf) =	vpush v7, $0xF;
	_ =	sdelay $0x1  }
0xf2: {  	[tilespmem:v8+s21+$0x0] =	vst.idx.add.s32.msk vm2, v3  }
0xf3: {  	v7 =	vld [tilespmem:$0x90];
	_ =	sdelay $0x4  }
0xf4: {  	vm2 =	vgt.s32 v7, $0x1  }
0xf5: {  	v7 =	vnsel vm2, $0x1, v7  }
0xf6: {  	(xrf0) =	vadd.scan.msk.s32 $0xffff, v7;
	_ =	sdelay $0x3  }
0xf7: {  	[dreg:$0x1b] =	wrdreg s24;
	s24 =	spop (v2sf)  }
0xf8: {  	s5 =	spop (v2sf)  }
0xf9: {  	v7, _, _ =	vpop (xrf0);
	s0 =	sadd.s32 s0, s5  }
0xfa: {  	v8 =	vadd.s32 s0, v7  }
0xfb: {  	v13 =	vsub.s32 v8, v0  }
0xfc: {  	v14 =	vshrl.u32 v13, $0x1F  }
0xfd: {  	(xrf0) =	vadd.scan.msk.s32 $0xffff, v14;
	_ =	sdelay $0x5  }
0xfe: {  	v10, _, _ =	vpop (xrf0)  }
0xff: {  	v8 =	vand.u32 $0x7F, v8;
	(v2sf) =	vpush v10, $0xF  }
0x100: {  	vm2 =	vlt.u32 v13, $0x400;
	(v2sf) =	vpush v7, $0xF;
	v7 =	vand.u32 $0xFFFFFF80, v13  }
0x101: {  	v7 =	vor.u32 v8, v7;
	_ =	sdelay $0x4  }
0x102: {  	[tilespmem:v7+s21+$0x0] =	vst.idx.add.s32.msk vm2, v3  }
0x103: {  	v7 =	vld [tilespmem:$0xA0];
	_ =	sdelay $0x4  }
0x104: {  	vm2 =	vgt.s32 v7, $0x1  }
0x105: {  	v7 =	vnsel vm2, $0x1, v7  }
0x106: {  	(xrf0) =	vadd.scan.msk.s32 $0xffff, v7;
	_ =	sdelay $0x3  }
0x107: {  	s25 =	spop (v2sf)  }
0x108: {  	s6 =	spop (v2sf)  }
0x109: {  	s0 =	sadd.s32 s0, s6;
	v7, _, _ =	vpop (xrf0)  }
0x10a: {  	v8 =	vadd.s32 s0, v7  }
0x10b: {  	v15 =	vsub.s32 v8, v0  }
0x10c: {  	v16 =	vshrl.u32 v15, $0x1F  }
0x10d: {  	(xrf0) =	vadd.scan.msk.s32 $0xffff, v16;
	_ =	sdelay $0x3  }
0x10e: {  	v8 =	vand.u32 $0x7F, v8;
	vm2 =	vlt.u32 v15, $0x400;
	v9 =	vand.u32 $0xFFFFFF80, v15  }
0x10f: {  	[dreg:$0x18] =	wrdreg s15;
	v8 =	vor.u32 v8, v9  }
0x110: {  	[dreg:$0x19] =	wrdreg s17;
	v17, _, _ =	vpop (xrf0)  }
0x111: {  	[dreg:$0x1a] =	wrdreg s20;
	(v2sf) =	vpush v17, $0xF  }
0x112: {  	[dreg:$0x1c] =	wrdreg s26;
	(v2sf) =	vpush v7, $0xF  }
0x113: {  	[dreg:$0x1d] =	wrdreg s29  }
0x114: {  	[dreg:$0x1e] =	wrdreg s31;
	[tilespmem:v8+s21+$0x0] =	vst.idx.add.s32.msk vm2, v3  }
0x115: {  	v7 =	vld [tilespmem:$0xB0];
	_ =	sdelay $0x4  }
0x116: {  	vm2 =	vgt.s32 v7, $0x1  }
0x117: {  	v7 =	vnsel vm2, $0x1, v7  }
0x118: {  	(xrf0) =	vadd.scan.msk.s32 $0xffff, v7;
	_ =	sdelay $0x3  }
0x119: {  	s26 =	spop (v2sf)  }
0x11a: {  	s8 =	spop (v2sf)  }
0x11b: {  	v7, _, _ =	vpop (xrf0);
	s0 =	sadd.s32 s0, s8  }
0x11c: {  	v8 =	vadd.s32 s0, v7  }
0x11d: {  	v18 =	vsub.s32 v8, v0  }
0x11e: {  	v19 =	vshrl.u32 v18, $0x1F  }
0x11f: {  	(xrf0) =	vadd.scan.msk.s32 $0xffff, v19;
	_ =	sdelay $0x3  }
0x120: {  	v8 =	vand.u32 $0x7F, v8;
	vm2 =	vlt.u32 v18, $0x400;
	v9 =	vand.u32 $0xFFFFFF80, v18  }
0x121: {  	v8 =	vor.u32 v8, v9  }
0x122: {  	v20, _, _ =	vpop (xrf0)  }
0x123: {  	(v2sf) =	vpush v20, $0xF  }
0x124: {  	(v2sf) =	vpush v7, $0xF;
	_ =	sdelay $0x1  }
0x125: {  	[tilespmem:v8+s21+$0x0] =	vst.idx.add.s32.msk vm2, v3  }
0x126: {  	v7 =	vld [tilespmem:$0xC0];
	_ =	sdelay $0x4  }
0x127: {  	vm2 =	vgt.s32 v7, $0x1  }
0x128: {  	v7 =	vnsel vm2, $0x1, v7  }
0x129: {  	(xrf0) =	vadd.scan.msk.s32 $0xffff, v7;
	_ =	sdelay $0x3  }
0x12a: {  	s28 =	spop (v2sf)  }
0x12b: {  	s9 =	spop (v2sf)  }
0x12c: {  	v7, _, _ =	vpop (xrf0);
	s0 =	sadd.s32 s0, s9  }
0x12d: {  	v8 =	vadd.s32 s0, v7  }
0x12e: {  	v21 =	vsub.s32 v8, v0  }
0x12f: {  	v22 =	vshrl.u32 v21, $0x1F  }
0x130: {  	(xrf0) =	vadd.scan.msk.s32 $0xffff, v22;
	_ =	sdelay $0x3  }
0x131: {  	v8 =	vand.u32 $0x7F, v8;
	vm2 =	vlt.u32 v21, $0x400;
	v9 =	vand.u32 $0xFFFFFF80, v21  }
0x132: {  	v8 =	vor.u32 v8, v9  }
0x133: {  	v23, _, _ =	vpop (xrf0)  }
0x134: {  	(v2sf) =	vpush v23, $0xF  }
0x135: {  	(v2sf) =	vpush v7, $0xF;
	_ =	sdelay $0x1  }
0x136: {  	[tilespmem:v8+s21+$0x0] =	vst.idx.add.s32.msk vm2, v3  }
0x137: {  	v7 =	vld [tilespmem:$0xD0];
	_ =	sdelay $0x4  }
0x138: {  	vm2 =	vgt.s32 v7, $0x1  }
0x139: {  	v7 =	vnsel vm2, $0x1, v7  }
0x13a: {  	(xrf0) =	vadd.scan.msk.s32 $0xffff, v7;
	_ =	sdelay $0x3  }
0x13b: {  	s9 =	spop (v2sf)  }
0x13c: {  	s10 =	spop (v2sf)  }
0x13d: {  	v7, _, _ =	vpop (xrf0);
	s0 =	sadd.s32 s0, s10  }
0x13e: {  	v8 =	vadd.s32 s0, v7  }
0x13f: {  	v24 =	vsub.s32 v8, v0  }
0x140: {  	v25 =	vshrl.u32 v24, $0x1F  }
0x141: {  	(xrf0) =	vadd.scan.msk.s32 $0xffff, v25;
	_ =	sdelay $0x3  }
0x142: {  	v8 =	vand.u32 $0x7F, v8;
	vm2 =	vlt.u32 v24, $0x400;
	v9 =	vand.u32 $0xFFFFFF80, v24  }
0x143: {  	v8 =	vor.u32 v8, v9  }
0x144: {  	v26, _, _ =	vpop (xrf0)  }
0x145: {  	(v2sf) =	vpush v26, $0xF  }
0x146: {  	(v2sf) =	vpush v7, $0xF;
	_ =	sdelay $0x1  }
0x147: {  	[tilespmem:v8+s21+$0x0] =	vst.idx.add.s32.msk vm2, v3  }
0x148: {  	v7 =	vld [tilespmem:$0xE0];
	_ =	sdelay $0x4  }
0x149: {  	vm2 =	vgt.s32 v7, $0x1  }
0x14a: {  	v7 =	vnsel vm2, $0x1, v7  }
0x14b: {  	(xrf0) =	vadd.scan.msk.s32 $0xffff, v7;
	_ =	sdelay $0x3  }
0x14c: {  	s30 =	spop (v2sf)  }
0x14d: {  	s11 =	spop (v2sf)  }
0x14e: {  	v7, _, _ =	vpop (xrf0);
	s0 =	sadd.s32 s0, s11  }
0x14f: {  	v8 =	vadd.s32 s0, v7  }
0x150: {  	v27 =	vsub.s32 v8, v0  }
0x151: {  	v28 =	vshrl.u32 v27, $0x1F  }
0x152: {  	(xrf0) =	vadd.scan.msk.s32 $0xffff, v28;
	_ =	sdelay $0x3  }
0x153: {  	v8 =	vand.u32 $0x7F, v8;
	vm2 =	vlt.u32 v27, $0x400;
	v9 =	vand.u32 $0xFFFFFF80, v27  }
0x154: {  	v8 =	vor.u32 v8, v9  }
0x155: {  	v29, _, _ =	vpop (xrf0)  }
0x156: {  	(v2sf) =	vpush v29, $0xF  }
0x157: {  	(v2sf) =	vpush v7, $0xF;
	_ =	sdelay $0x1  }
0x158: {  	[tilespmem:v8+s21+$0x0] =	vst.idx.add.s32.msk vm2, v3  }
0x159: {  	v7 =	vld [tilespmem:$0xF0];
	_ =	sdelay $0x4  }
0x15a: {  	vm2 =	vgt.s32 v7, $0x1  }
0x15b: {  	v7 =	vnsel vm2, $0x1, v7  }
0x15c: {  	(xrf0) =	vadd.scan.msk.s32 $0xffff, v7;
	_ =	sdelay $0x3  }
0x15d: {  	s3 =	spop (v2sf)  }
0x15e: {  	s12 =	spop (v2sf)  }
0x15f: {  	v7, _, _ =	vpop (xrf0);
	s0 =	sadd.s32 s0, s12  }
0x160: {  	v8 =	vadd.s32 s0, v7  }
0x161: {  	v30 =	vsub.s32 v8, v0  }
0x162: {  	v31 =	vshrl.u32 v30, $0x1F  }
0x163: {  	(xrf0) =	vadd.scan.msk.s32 $0xffff, v31;
	_ =	sdelay $0x3  }
0x164: {  	v8 =	vand.u32 $0x7F, v8;
	vm2 =	vlt.u32 v30, $0x400;
	v9 =	vand.u32 $0xFFFFFF80, v30  }
0x165: {  	v8 =	vor.u32 v8, v9  }
0x166: {  	v32, _, _ =	vpop (xrf0)  }
0x167: {  	(v2sf) =	vpush v32, $0xF  }
0x168: {  	(v2sf) =	vpush v7, $0xF;
	_ =	sdelay $0x1  }
0x169: {  	[tilespmem:v8+s21+$0x0] =	vst.idx.add.s32.msk vm2, v3  }
0x16a: {  	v7 =	vld [tilespmem:$0x100];
	_ =	sdelay $0x4  }
0x16b: {  	vm2 =	vgt.s32 v7, $0x1  }
0x16c: {  	v7 =	vnsel vm2, $0x1, v7  }
0x16d: {  	(xrf0) =	vadd.scan.msk.s32 $0xffff, v7;
	_ =	sdelay $0x3  }
0x16e: {  	s23 =	spop (v2sf)  }
0x16f: {  	s13 =	spop (v2sf)  }
0x170: {  	v7, _, _ =	vpop (xrf0);
	s0 =	sadd.s32 s0, s13  }
0x171: {  	v8 =	vadd.s32 s0, v7  }
0x172: {  	v33 =	vsub.s32 v8, v0  }
0x173: {  	v34 =	vshrl.u32 v33, $0x1F  }
0x174: {  	(xrf0) =	vadd.scan.msk.s32 $0xffff, v34;
	_ =	sdelay $0x3  }
0x175: {  	v8 =	vand.u32 $0x7F, v8;
	vm2 =	vlt.u32 v33, $0x400;
	v9 =	vand.u32 $0xFFFFFF80, v33  }
0x176: {  	v8 =	vor.u32 v8, v9  }
0x177: {  	v35, _, _ =	vpop (xrf0)  }
0x178: {  	(v2sf) =	vpush v35, $0xF  }
0x179: {  	(v2sf) =	vpush v7, $0xF;
	_ =	sdelay $0x1  }
0x17a: {  	[tilespmem:v8+s21+$0x0] =	vst.idx.add.s32.msk vm2, v3  }
0x17b: {  	v7 =	vld [tilespmem:$0x110];
	_ =	sdelay $0x4  }
0x17c: {  	vm2 =	vgt.s32 v7, $0x1  }
0x17d: {  	v7 =	vnsel vm2, $0x1, v7  }
0x17e: {  	(xrf0) =	vadd.scan.msk.s32 $0xffff, v7;
	_ =	sdelay $0x3  }
0x17f: {  	s29 =	spop (v2sf)  }
0x180: {  	s14 =	spop (v2sf)  }
0x181: {  	v7, _, _ =	vpop (xrf0);
	s0 =	sadd.s32 s0, s14  }
0x182: {  	v8 =	vadd.s32 s0, v7  }
0x183: {  	v36 =	vsub.s32 v8, v0  }
0x184: {  	v37 =	vshrl.u32 v36, $0x1F  }
0x185: {  	(xrf0) =	vadd.scan.msk.s32 $0xffff, v37;
	_ =	sdelay $0x3  }
0x186: {  	v8 =	vand.u32 $0x7F, v8;
	vm2 =	vlt.u32 v36, $0x400;
	v9 =	vand.u32 $0xFFFFFF80, v36  }
0x187: {  	v8 =	vor.u32 v8, v9  }
0x188: {  	v38, _, _ =	vpop (xrf0)  }
0x189: {  	(v2sf) =	vpush v38, $0xF  }
0x18a: {  	(v2sf) =	vpush v7, $0xF;
	_ =	sdelay $0x1  }
0x18b: {  	[tilespmem:v8+s21+$0x0] =	vst.idx.add.s32.msk vm2, v3  }
0x18c: {  	v7 =	vld [tilespmem:$0x120];
	_ =	sdelay $0x4  }
0x18d: {  	vm2 =	vgt.s32 v7, $0x1  }
0x18e: {  	v7 =	vnsel vm2, $0x1, v7  }
0x18f: {  	(xrf0) =	vadd.scan.msk.s32 $0xffff, v7;
	_ =	sdelay $0x3  }
0x190: {  	s31 =	spop (v2sf)  }
0x191: {  	s15 =	spop (v2sf)  }
0x192: {  	v7, _, _ =	vpop (xrf0);
	s0 =	sadd.s32 s0, s15  }
0x193: {  	v8 =	vadd.s32 s0, v7  }
0x194: {  	v39 =	vsub.s32 v8, v0  }
0x195: {  	v40 =	vshrl.u32 v39, $0x1F  }
0x196: {  	(xrf0) =	vadd.scan.msk.s32 $0xffff, v40;
	_ =	sdelay $0x3  }
0x197: {  	v8 =	vand.u32 $0x7F, v8;
	vm2 =	vlt.u32 v39, $0x400;
	v9 =	vand.u32 $0xFFFFFF80, v39  }
0x198: {  	v8 =	vor.u32 v8, v9  }
0x199: {  	v41, _, _ =	vpop (xrf0)  }
0x19a: {  	(v2sf) =	vpush v41, $0xF  }
0x19b: {  	(v2sf) =	vpush v7, $0xF;
	_ =	sdelay $0x1  }
0x19c: {  	[tilespmem:v8+s21+$0x0] =	vst.idx.add.s32.msk vm2, v3  }
0x19d: {  	v7 =	vld [tilespmem:$0x130];
	_ =	sdelay $0x4  }
0x19e: {  	vm2 =	vgt.s32 v7, $0x1  }
0x19f: {  	v7 =	vnsel vm2, $0x1, v7  }
0x1a0: {  	(xrf0) =	vadd.scan.msk.s32 $0xffff, v7;
	_ =	sdelay $0x3  }
0x1a1: {  	s2 =	spop (v2sf)  }
0x1a2: {  	s5 =	spop (v2sf)  }
0x1a3: {  	v7, _, _ =	vpop (xrf0);
	s5 =	sadd.s32 s0, s5  }
0x1a4: {  	v8 =	vadd.s32 s5, v7  }
0x1a5: {  	v42 =	vsub.s32 v8, v0  }
0x1a6: {  	v43 =	vshrl.u32 v42, $0x1F  }
0x1a7: {  	(xrf0) =	vadd.scan.msk.s32 $0xffff, v43;
	_ =	sdelay $0x3  }
0x1a8: {  	v8 =	vand.u32 $0x7F, v8;
	vm2 =	vlt.u32 v42, $0x400;
	v9 =	vand.u32 $0xFFFFFF80, v42  }
0x1a9: {  	v8 =	vor.u32 v8, v9  }
0x1aa: {  	v44, _, _ =	vpop (xrf0)  }
0x1ab: {  	(v2sf) =	vpush v44, $0xF  }
0x1ac: {  	(v2sf) =	vpush v7, $0xF;
	_ =	sdelay $0x1  }
0x1ad: {  	[tilespmem:v8+s21+$0x0] =	vst.idx.add.s32.msk vm2, v3  }
0x1ae: {  	v7 =	vld [tilespmem:$0x140];
	_ =	sdelay $0x4  }
0x1af: {  	vm2 =	vgt.s32 v7, $0x1  }
0x1b0: {  	v7 =	vnsel vm2, $0x1, v7  }
0x1b1: {  	(xrf0) =	vadd.scan.msk.s32 $0xffff, v7;
	_ =	sdelay $0x3  }
0x1b2: {  	s0 =	spop (v2sf)  }
0x1b3: {  	s6 =	spop (v2sf)  }
0x1b4: {  	v7, _, _ =	vpop (xrf0);
	s5 =	sadd.s32 s5, s6  }
0x1b5: {  	v8 =	vadd.s32 s5, v7  }
0x1b6: {  	v45 =	vsub.s32 v8, v0  }
0x1b7: {  	v46 =	vshrl.u32 v45, $0x1F  }
0x1b8: {  	(xrf0) =	vadd.scan.msk.s32 $0xffff, v46;
	_ =	sdelay $0x3  }
0x1b9: {  	v8 =	vand.u32 $0x7F, v8;
	vm2 =	vlt.u32 v45, $0x400;
	v9 =	vand.u32 $0xFFFFFF80, v45  }
0x1ba: {  	v8 =	vor.u32 v8, v9  }
0x1bb: {  	v47, _, _ =	vpop (xrf0)  }
0x1bc: {  	(v2sf) =	vpush v47, $0xF  }
0x1bd: {  	(v2sf) =	vpush v7, $0xF;
	_ =	sdelay $0x1  }
0x1be: {  	[tilespmem:v8+s21+$0x0] =	vst.idx.add.s32.msk vm2, v3  }
0x1bf: {  	v7 =	vld [tilespmem:$0x150];
	_ =	sdelay $0x4  }
0x1c0: {  	vm2 =	vgt.s32 v7, $0x1  }
0x1c1: {  	v7 =	vnsel vm2, $0x1, v7  }
0x1c2: {  	(xrf0) =	vadd.scan.msk.s32 $0xffff, v7;
	_ =	sdelay $0x3  }
0x1c3: {  	s12 =	spop (v2sf)  }
0x1c4: {  	s16 =	spop (v2sf)  }
0x1c5: {  	v7, _, _ =	vpop (xrf0);
	s5 =	sadd.s32 s5, s16  }
0x1c6: {  	v8 =	vadd.s32 s5, v7  }
0x1c7: {  	v48 =	vsub.s32 v8, v0  }
0x1c8: {  	v49 =	vshrl.u32 v48, $0x1F  }
0x1c9: {  	(xrf0) =	vadd.scan.msk.s32 $0xffff, v49;
	_ =	sdelay $0x3  }
0x1ca: {  	v8 =	vand.u32 $0x7F, v8;
	vm2 =	vlt.u32 v48, $0x400;
	v9 =	vand.u32 $0xFFFFFF80, v48  }
0x1cb: {  	v8 =	vor.u32 v8, v9  }
0x1cc: {  	v50, _, _ =	vpop (xrf0)  }
0x1cd: {  	(v2sf) =	vpush v50, $0xF  }
0x1ce: {  	(v2sf) =	vpush v7, $0xF;
	_ =	sdelay $0x1  }
0x1cf: {  	[tilespmem:v8+s21+$0x0] =	vst.idx.add.s32.msk vm2, v3  }
0x1d0: {  	v7 =	vld [tilespmem:$0x160];
	_ =	sdelay $0x4  }
0x1d1: {  	vm2 =	vgt.s32 v7, $0x1  }
0x1d2: {  	v7 =	vnsel vm2, $0x1, v7  }
0x1d3: {  	(xrf0) =	vadd.scan.msk.s32 $0xffff, v7;
	_ =	sdelay $0x3  }
0x1d4: {  	s13 =	spop (v2sf)  }
0x1d5: {  	s17 =	spop (v2sf)  }
0x1d6: {  	v7, _, _ =	vpop (xrf0);
	s5 =	sadd.s32 s5, s17  }
0x1d7: {  	v8 =	vadd.s32 s5, v7  }
0x1d8: {  	v51 =	vsub.s32 v8, v0  }
0x1d9: {  	v52 =	vshrl.u32 v51, $0x1F  }
0x1da: {  	(xrf0) =	vadd.scan.msk.s32 $0xffff, v52;
	_ =	sdelay $0x3  }
0x1db: {  	v8 =	vand.u32 $0x7F, v8;
	vm2 =	vlt.u32 v51, $0x400;
	v9 =	vand.u32 $0xFFFFFF80, v51  }
0x1dc: {  	v8 =	vor.u32 v8, v9  }
0x1dd: {  	v53, _, _ =	vpop (xrf0)  }
0x1de: {  	(v2sf) =	vpush v53, $0xF  }
0x1df: {  	(v2sf) =	vpush v7, $0xF;
	_ =	sdelay $0x1  }
0x1e0: {  	[tilespmem:v8+s21+$0x0] =	vst.idx.add.s32.msk vm2, v3  }
0x1e1: {  	v7 =	vld [tilespmem:$0x170];
	_ =	sdelay $0x4  }
0x1e2: {  	vm2 =	vgt.s32 v7, $0x1  }
0x1e3: {  	v7 =	vnsel vm2, $0x1, v7  }
0x1e4: {  	(xrf0) =	vadd.scan.msk.s32 $0xffff, v7;
	_ =	sdelay $0x3  }
0x1e5: {  	s14 =	spop (v2sf)  }
0x1e6: {  	s18 =	spop (v2sf)  }
0x1e7: {  	v7, _, _ =	vpop (xrf0);
	s5 =	sadd.s32 s5, s18  }
0x1e8: {  	v8 =	vadd.s32 s5, v7  }
0x1e9: {  	v54 =	vsub.s32 v8, v0  }
0x1ea: {  	v55 =	vshrl.u32 v54, $0x1F  }
0x1eb: {  	(xrf0) =	vadd.scan.msk.s32 $0xffff, v55;
	_ =	sdelay $0x3  }
0x1ec: {  	v8 =	vand.u32 $0x7F, v8;
	vm2 =	vlt.u32 v54, $0x400;
	v9 =	vand.u32 $0xFFFFFF80, v54  }
0x1ed: {  	v8 =	vor.u32 v8, v9  }
0x1ee: {  	v56, _, _ =	vpop (xrf0)  }
0x1ef: {  	(v2sf) =	vpush v56, $0xF  }
0x1f0: {  	(v2sf) =	vpush v7, $0xF;
	_ =	sdelay $0x1  }
0x1f1: {  	[tilespmem:v8+s21+$0x0] =	vst.idx.add.s32.msk vm2, v3  }
0x1f2: {  	v7 =	vld [tilespmem:$0x180];
	_ =	sdelay $0x4  }
0x1f3: {  	vm2 =	vgt.s32 v7, $0x1  }
0x1f4: {  	v7 =	vnsel vm2, $0x1, v7  }
0x1f5: {  	(xrf0) =	vadd.scan.msk.s32 $0xffff, v7;
	_ =	sdelay $0x3  }
0x1f6: {  	s15 =	spop (v2sf)  }
0x1f7: {  	s11 =	smov.u32 s19;
	s19 =	spop (v2sf)  }
0x1f8: {  	v7, _, _ =	vpop (xrf0);
	s5 =	sadd.s32 s5, s19  }
0x1f9: {  	v8 =	vadd.s32 s5, v7  }
0x1fa: {  	v57 =	vsub.s32 v8, v0  }
0x1fb: {  	v58 =	vshrl.u32 v57, $0x1F  }
0x1fc: {  	(xrf0) =	vadd.scan.msk.s32 $0xffff, v58;
	_ =	sdelay $0x3  }
0x1fd: {  	v8 =	vand.u32 $0x7F, v8;
	vm2 =	vlt.u32 v57, $0x400;
	v9 =	vand.u32 $0xFFFFFF80, v57  }
0x1fe: {  	v8 =	vor.u32 v8, v9  }
0x1ff: {  	v59, _, _ =	vpop (xrf0)  }
0x200: {  	(v2sf) =	vpush v59, $0xF  }
0x201: {  	(v2sf) =	vpush v7, $0xF;
	_ =	sdelay $0x1  }
0x202: {  	[tilespmem:v8+s21+$0x0] =	vst.idx.add.s32.msk vm2, v3  }
0x203: {  	v7 =	vld [tilespmem:$0x190];
	_ =	sdelay $0x4  }
0x204: {  	vm2 =	vgt.s32 v7, $0x1  }
0x205: {  	v7 =	vnsel vm2, $0x1, v7  }
0x206: {  	(xrf0) =	vadd.scan.msk.s32 $0xffff, v7;
	_ =	sdelay $0x3  }
0x207: {  	s6 =	spop (v2sf)  }
0x208: {  	s8 =	spop (v2sf)  }
0x209: {  	v7, _, _ =	vpop (xrf0);
	s8 =	sadd.s32 s5, s8  }
0x20a: {  	v8 =	vadd.s32 s8, v7  }
0x20b: {  	v60 =	vsub.s32 v8, v0  }
0x20c: {  	v61 =	vshrl.u32 v60, $0x1F  }
0x20d: {  	(xrf0) =	vadd.scan.msk.s32 $0xffff, v61;
	_ =	sdelay $0x3  }
0x20e: {  	v8 =	vand.u32 $0x7F, v8;
	vm2 =	vlt.u32 v60, $0x400;
	v9 =	vand.u32 $0xFFFFFF80, v60  }
0x20f: {  	v8 =	vor.u32 v8, v9  }
0x210: {  	v62, _, _ =	vpop (xrf0)  }
0x211: {  	(v2sf) =	vpush v62, $0xF  }
0x212: {  	(v2sf) =	vpush v7, $0xF;
	_ =	sdelay $0x1  }
0x213: {  	[tilespmem:v8+s21+$0x0] =	vst.idx.add.s32.msk vm2, v3  }
0x214: {  	v7 =	vld [tilespmem:$0x1A0];
	_ =	sdelay $0x4  }
0x215: {  	vm2 =	vgt.s32 v7, $0x1  }
0x216: {  	v7 =	vnsel vm2, $0x1, v7  }
0x217: {  	(xrf0) =	vadd.scan.msk.s32 $0xffff, v7;
	_ =	sdelay $0x3  }
0x218: {  	s5 =	spop (v2sf)  }
0x219: {  	s10 =	spop (v2sf)  }
0x21a: {  	v7, _, _ =	vpop (xrf0);
	s10 =	sadd.s32 s8, s10  }
0x21b: {  	v8 =	vadd.s32 s10, v7  }
0x21c: {  	v63 =	vsub.s32 v8, v0  }
0x21d: {  	v12 =	vshrl.u32 v63, $0x1F  }
0x21e: {  	(xrf0) =	vadd.scan.msk.s32 $0xffff, v12;
	_ =	sdelay $0x3  }
0x21f: {  	v8 =	vand.u32 $0x7F, v8;
	vm2 =	vlt.u32 v63, $0x400;
	v9 =	vand.u32 $0xFFFFFF80, v63  }
0x220: {  	v8 =	vor.u32 v8, v9  }
0x221: {  	v13, _, _ =	vpop (xrf0)  }
0x222: {  	(v2sf) =	vpush v13, $0xF  }
0x223: {  	(v2sf) =	vpush v7, $0xF;
	_ =	sdelay $0x1  }
0x224: {  	[tilespmem:v8+s21+$0x0] =	vst.idx.add.s32.msk vm2, v3  }
0x225: {  	v7 =	vld [tilespmem:$0x1B0];
	_ =	sdelay $0x4  }
0x226: {  	vm2 =	vgt.s32 v7, $0x1  }
0x227: {  	v7 =	vnsel vm2, $0x1, v7  }
0x228: {  	(xrf0) =	vadd.scan.msk.s32 $0xffff, v7;
	_ =	sdelay $0x3  }
0x229: {  	s8 =	spop (v2sf)  }
0x22a: {  	s16 =	spop (v2sf)  }
0x22b: {  	v7, _, _ =	vpop (xrf0);
	s16 =	sadd.s32 s10, s16  }
0x22c: {  	v8 =	vadd.s32 s16, v7  }
0x22d: {  	v14 =	vsub.s32 v8, v0  }
0x22e: {  	v15 =	vshrl.u32 v14, $0x1F  }
0x22f: {  	(xrf0) =	vadd.scan.msk.s32 $0xffff, v15;
	_ =	sdelay $0x3  }
0x230: {  	v8 =	vand.u32 $0x7F, v8;
	vm2 =	vlt.u32 v14, $0x400;
	v9 =	vand.u32 $0xFFFFFF80, v14  }
0x231: {  	v8 =	vor.u32 v8, v9  }
0x232: {  	v16, _, _ =	vpop (xrf0)  }
0x233: {  	(v2sf) =	vpush v16, $0xF  }
0x234: {  	(v2sf) =	vpush v7, $0xF;
	_ =	sdelay $0x1  }
0x235: {  	[tilespmem:v8+s21+$0x0] =	vst.idx.add.s32.msk vm2, v3  }
0x236: {  	v7 =	vld [tilespmem:$0x1C0];
	_ =	sdelay $0x4  }
0x237: {  	vm2 =	vgt.s32 v7, $0x1  }
0x238: {  	v7 =	vnsel vm2, $0x1, v7  }
0x239: {  	(xrf0) =	vadd.scan.msk.s32 $0xffff, v7;
	_ =	sdelay $0x3  }
0x23a: {  	s10 =	spop (v2sf)  }
0x23b: {  	s17 =	spop (v2sf)  }
0x23c: {  	v7, _, _ =	vpop (xrf0);
	s17 =	sadd.s32 s16, s17  }
0x23d: {  	v8 =	vadd.s32 s17, v7  }
0x23e: {  	v17 =	vsub.s32 v8, v0  }
0x23f: {  	v18 =	vshrl.u32 v17, $0x1F  }
0x240: {  	(xrf0) =	vadd.scan.msk.s32 $0xffff, v18;
	_ =	sdelay $0x3  }
0x241: {  	v8 =	vand.u32 $0x7F, v8;
	vm2 =	vlt.u32 v17, $0x400;
	v9 =	vand.u32 $0xFFFFFF80, v17  }
0x242: {  	v8 =	vor.u32 v8, v9  }
0x243: {  	v19, _, _ =	vpop (xrf0)  }
0x244: {  	(v2sf) =	vpush v19, $0xF  }
0x245: {  	(v2sf) =	vpush v7, $0xF;
	_ =	sdelay $0x1  }
0x246: {  	[tilespmem:v8+s21+$0x0] =	vst.idx.add.s32.msk vm2, v3  }
0x247: {  	v7 =	vld [tilespmem:$0x1D0];
	_ =	sdelay $0x4  }
0x248: {  	vm2 =	vgt.s32 v7, $0x1  }
0x249: {  	v7 =	vnsel vm2, $0x1, v7  }
0x24a: {  	(xrf0) =	vadd.scan.msk.s32 $0xffff, v7;
	_ =	sdelay $0x3  }
0x24b: {  	s16 =	spop (v2sf)  }
0x24c: {  	s20 =	spop (v2sf)  }
0x24d: {  	v7, _, _ =	vpop (xrf0);
	s19 =	sadd.s32 s17, s20  }
0x24e: {  	v8 =	vadd.s32 s19, v7  }
0x24f: {  	v20 =	vsub.s32 v8, v0  }
0x250: {  	v21 =	vshrl.u32 v20, $0x1F  }
0x251: {  	(xrf0) =	vadd.scan.msk.s32 $0xffff, v21;
	_ =	sdelay $0x3  }
0x252: {  	v8 =	vand.u32 $0x7F, v8;
	vm2 =	vlt.u32 v20, $0x400;
	v9 =	vand.u32 $0xFFFFFF80, v20  }
0x253: {  	v8 =	vor.u32 v8, v9  }
0x254: {  	v22, _, _ =	vpop (xrf0)  }
0x255: {  	(v2sf) =	vpush v22, $0xF  }
0x256: {  	(v2sf) =	vpush v7, $0xF;
	_ =	sdelay $0x1  }
0x257: {  	[tilespmem:v8+s21+$0x0] =	vst.idx.add.s32.msk vm2, v3  }
0x258: {  	v7 =	vld [tilespmem:$0x1E0];
	_ =	sdelay $0x4  }
0x259: {  	vm2 =	vgt.s32 v7, $0x1  }
0x25a: {  	v7 =	vnsel vm2, $0x1, v7  }
0x25b: {  	(xrf0) =	vadd.scan.msk.s32 $0xffff, v7;
	_ =	sdelay $0x3  }
0x25c: {  	s17 =	spop (v2sf)  }
0x25d: {  	s20 =	spop (v2sf)  }
0x25e: {  	v7, _, _ =	vpop (xrf0);
	s19 =	sadd.s32 s19, s20  }
0x25f: {  	v8 =	vadd.s32 s19, v7  }
0x260: {  	v23 =	vsub.s32 v8, v0  }
0x261: {  	v24 =	vshrl.u32 v23, $0x1F  }
0x262: {  	(xrf0) =	vadd.scan.msk.s32 $0xffff, v24;
	_ =	sdelay $0x4  }
0x263: {  	v8 =	vand.u32 $0x7F, v8;
	vm2 =	vlt.u32 v23, $0x400;
	v9 =	vand.u32 $0xFFFFFF80, v23  }
0x264: {  	v8 =	vor.u32 v8, v9;
	v25, _, _ =	vpop (xrf0)  }
0x265: {  	(v2sf) =	vpush v25, $0xF  }
0x266: {  	(v2sf) =	vpush v7, $0xF;
	_ =	sdelay $0x2  }
0x267: {  	[tilespmem:v8+s21+$0x0] =	vst.idx.add.s32.msk vm2, v3  }
0x268: {  	v7 =	vld [tilespmem:$0x1F0];
	_ =	sdelay $0x4  }
0x269: {  	vm2 =	vgt.s32 v7, $0x1  }
0x26a: {  	v7 =	vnsel vm2, $0x1, v7  }
0x26b: {  	(xrf0) =	vadd.scan.msk.s32 $0xffff, v7;
	_ =	sdelay $0x2  }
0x26c: {  	s18 =	rddreg [dreg:$0x16];
	s20 =	spop (v2sf)  }
0x26d: {  	s18 =	sadd.s32 s18, s22;
	s22 =	spop (v2sf)  }
0x26e: {  	s19 =	sadd.s32 s19, s22;
	s22 =	rddreg [dreg:$0x18]  }
0x26f: {  	v7, _, _ =	vpop (xrf0);
	s18 =	sadd.s32 s22, s18;
	s22 =	rddreg [dreg:$0x19]  }
0x270: {  	v7 =	vadd.s32 s19, v7;
	s18 =	sadd.s32 s22, s18;
	s22 =	rddreg [dreg:$0x1a]  }
0x271: {  	v8 =	vsub.s32 v7, v0;
	s18 =	sadd.s32 s22, s18;
	s22 =	rddreg [dreg:$0x1b]  }
0x272: {  	v7 =	vand.u32 $0x7F, v7;
	vm2 =	vlt.u32 v8, $0x400;
	v26 =	vand.u32 $0xFFFFFF80, v8;
	s18 =	sadd.s32 s22, s18;
	s22 =	rddreg [dreg:$0x1c]  }
0x273: {  	v7 =	vor.u32 v7, v26;
	s18 =	sadd.s32 s22, s18;
	s22 =	rddreg [dreg:$0x1d]  }
0x274: {  	s18 =	sadd.s32 s22, s18;
	s22 =	rddreg [dreg:$0x1e]  }
0x275: {  	v8 =	vshrl.u32 v8, $0x1F;
	s18 =	sadd.s32 s22, s18  }
0x276: {  	(xrf0) =	vadd.scan.msk.s32 $0xffff, v8;
	s18 =	sadd.s32 s24, s18  }
0x277: {  	s18 =	sadd.s32 s25, s18  }
0x278: {  	[tilespmem:v7+s21+$0x0] =	vst.idx.add.s32.msk vm2, v3;
	s18 =	sadd.s32 s26, s18  }
0x279: {  	v7 =	vld [tilespmem:$0x200];
	s18 =	sadd.s32 s28, s18  }
0x27a: {  	v8 =	vld [tilespmem:$0x210];
	s9 =	sadd.s32 s9, s18  }
0x27b: {  	v27 =	vld [tilespmem:$0x220];
	s9 =	sadd.s32 s30, s9  }
0x27c: {  	v28, _, _ =	vpop (xrf0);
	s3 =	sadd.s32 s3, s9  }
0x27d: {  	(v2sf) =	vpush v28, $0xF;
	s3 =	sadd.s32 s23, s3  }
0x27e: {  	(xrf0) =	vadd.scan.msk.s32 $0xffff, v7;
	s3 =	sadd.s32 s29, s3  }
0x27f: {  	(xrf0) =	vadd.scan.msk.s32 $0xffff, v8;
	s3 =	sadd.s32 s31, s3  }
0x280: {  	(xrf0) =	vadd.scan.msk.s32 $0xffff, v27;
	s2 =	sadd.s32 s2, s3  }
0x281: {  	s0 =	sadd.s32 s0, s2  }
0x282: {  	s0 =	sadd.s32 s12, s0  }
0x283: {  	s0 =	sadd.s32 s13, s0  }
0x284: {  	v7, _, _ =	vpop (xrf0);
	s0 =	sadd.s32 s14, s0  }
0x285: {  	(v2sf) =	vpush v7, $0xF;
	v8, _, _ =	vpop (xrf0);
	s0 =	sadd.s32 s15, s0  }
0x286: {  	(v2sf) =	vpush v8, $0xF;
	v9, _, _ =	vpop (xrf0);
	s0 =	sadd.s32 s6, s0  }
0x287: {  	(v2sf) =	vpush v9, $0xF;
	s0 =	sadd.s32 s5, s0  }
0x288: {  	s0 =	sadd.s32 s8, s0  }
0x289: {  	s0 =	sadd.s32 s10, s0  }
0x28a: {  	s0 =	sadd.s32 s16, s0  }
0x28b: {  	s0 =	sadd.s32 s17, s0  }
0x28c: {  	v29 =	vld [tilespmem:$0x230];
	s3 =	spop (v2sf);
	s0 =	sadd.s32 s20, s0  }
0x28d: {  	s0 =	sadd.s32 s3, s0  }
0x28e: {  	v7 =	vadd.s32 s0, v7  }
0x28f: {  	vm2 =	vlt.s32 v7, v1  }
0x290: {  	v7 =	vsel vm2, v7, v1  }
0x291: {  	(xrf0) =	vadd.scan.msk.s32 $0xffff, v29;
	v30 =	vshrl.u32 v7, $0x3  }
0x292: {  	v10 =	vmul.u32 $0x18, v30  }
0x293: {  	v31 =	vand.u32 $0x7, v7  }
0x294: {  	s5 =	spop (v2sf);
	v10 =	vor.u32 v31, v10  }
0x295: {  	s0 =	sadd.s32 s5, s0;
	s6 =	spop (v2sf);
	v11 =	vperm.xlane v10, v4  }
0x296: {  	v8 =	vadd.s32 s0, v8;
	s0 =	sadd.s32 s6, s0;
	s8 =	spop (v2sf)  }
0x297: {  	v32, _, _ =	vpop (xrf0);
	vm2 =	vlt.s32 v8, v1;
	v9 =	vadd.s32 s0, v9;
	s0 =	sadd.s32 s8, s0;
	v11 =	vadd.s32 v5, v11  }
0x298: {  	[tilespmem:$0x600] =	vst v7;
	v7 =	vsel vm2, v8, v1;
	vm2 =	vlt.s32 v9, v1;
	v8 =	vadd.s32 s0, v32  }
0x299: {  	v33 =	vperm.xlane v10, v6;
	[tilespmem:$0x610] =	vst v7;
	v7 =	vsel vm2, v9, v1;
	vm2 =	vlt.s32 v8, v1  }
0x29a: {  	[tilespmem:$0x620] =	vst v7;
	v7 =	vsel vm2, v8, v1  }
0x29b: {  	s15 =	simm.s32 $0xE00;
	[tilespmem:$0x630] =	vst v7;
	v7 =	vadd.s32 v5, v33  }
0x29c: {  	[tilespmem:s15], [sflag:$0x1] =	stream.indirect_vreg.gather [hbm4b:s1+s4], $0x80, v11, vm0, $0xb8;
	[tilespmem:$0x1EE00] =	vst v63  }
0x29d: {  	s9 =	simm.s32 $0x1600  }
0x29e: {  	[tilespmem:s9], [sflag:$0x1] =	stream.indirect_vreg.gather [hbm4b:s7+s4], $0x80, v11, vm1, $0xb8;
	[tilespmem:$0x1EE00] =	vst v63  }
0x29f: {  	s10 =	simm.s32 $0x1A00  }
0x2a0: {  	[tilespmem:s10], [sflag:$0x1] =	stream.indirect_vreg.gather [hbm4b:s1+s4], $0x80, v7, vm0, $0xb8;
	[tilespmem:$0x1EE00] =	vst v63  }
0x2a1: {  	s19 =	smov.u32 s11;
	s11 =	simm.s32 $0x2200  }
0x2a2: {  	[tilespmem:s11], [sflag:$0x1] =	stream.indirect_vreg.gather [hbm4b:s7+s4], $0x80, v7, vm1, $0xb8;
	[tilespmem:$0x1EE00] =	vst v63  }
0x2a3: {  	v7 =	vld [tilespmem:$0x610];
	_ =	sdelay $0x4  }
0x2a4: {  	v8 =	vshrl.u32 v7, $0x3  }
0x2a5: {  	v8 =	vmul.u32 $0x18, v8  }
0x2a6: {  	v7 =	vand.u32 $0x7, v7  }
0x2a7: {  	v7 =	vor.u32 v7, v8  }
0x2a8: {  	v8 =	vperm.xlane v7, v4;
	_ =	sdelay $0x1  }
0x2a9: {  	v8 =	vadd.s32 v5, v8;
	_ =	sdelay $0x1  }
0x2aa: {  	v7 =	vperm.xlane v7, v6;
	_ =	sdelay $0x1  }
0x2ab: {  	s12 =	simm.s32 $0x2600;
	v7 =	vadd.s32 v5, v7  }
0x2ac: {  	[tilespmem:s12], [sflag:$0x1] =	stream.indirect_vreg.gather [hbm4b:s1+s4], $0x80, v8, vm0, $0xb8;
	[tilespmem:$0x1EE00] =	vst v63  }
0x2ad: {  	s13 =	simm.s32 $0x2E00  }
0x2ae: {  	[tilespmem:s13], [sflag:$0x1] =	stream.indirect_vreg.gather [hbm4b:s7+s4], $0x80, v8, vm1, $0xb8;
	[tilespmem:$0x1EE00] =	vst v63  }
0x2af: {  	s14 =	simm.s32 $0x3200  }
0x2b0: {  	[tilespmem:s14], [sflag:$0x1] =	stream.indirect_vreg.gather [hbm4b:s1+s4], $0x80, v7, vm0, $0xb8;
	[tilespmem:$0x1EE00] =	vst v63  }
0x2b1: {  	s16 =	simm.s32 $0x3A00  }
0x2b2: {  	[tilespmem:s16], [sflag:$0x1] =	stream.indirect_vreg.gather [hbm4b:s7+s4], $0x80, v7, vm1, $0xb8;
	[tilespmem:$0x1EE00] =	vst v63  }
0x2b3: {  	v7 =	vld [tilespmem:$0x620];
	_ =	sdelay $0x4  }
0x2b4: {  	v8 =	vshrl.u32 v7, $0x3  }
0x2b5: {  	v8 =	vmul.u32 $0x18, v8  }
0x2b6: {  	v7 =	vand.u32 $0x7, v7  }
0x2b7: {  	v7 =	vor.u32 v7, v8  }
0x2b8: {  	v8 =	vperm.xlane v7, v4;
	_ =	sdelay $0x1  }
0x2b9: {  	v8 =	vadd.s32 v5, v8;
	_ =	sdelay $0x1  }
0x2ba: {  	v7 =	vperm.xlane v7, v6;
	_ =	sdelay $0x1  }
0x2bb: {  	s17 =	simm.s32 $0x3E00;
	v7 =	vadd.s32 v5, v7  }
0x2bc: {  	[tilespmem:s17], [sflag:$0x1] =	stream.indirect_vreg.gather [hbm4b:s1+s4], $0x80, v8, vm0, $0xb8;
	[tilespmem:$0x1EE00] =	vst v63  }
0x2bd: {  	s18 =	simm.s32 $0x4600  }
0x2be: {  	[tilespmem:s18], [sflag:$0x1] =	stream.indirect_vreg.gather [hbm4b:s7+s4], $0x80, v8, vm1, $0xb8;
	[tilespmem:$0x1EE00] =	vst v63  }
0x2bf: {  	s20 =	simm.s32 $0x4A00  }
0x2c0: {  	[tilespmem:s20], [sflag:$0x1] =	stream.indirect_vreg.gather [hbm4b:s1+s4], $0x80, v7, vm0, $0xb8;
	[tilespmem:$0x1EE00] =	vst v63  }
0x2c1: {  	s22 =	simm.s32 $0x5200  }
0x2c2: {  	[tilespmem:s22], [sflag:$0x1] =	stream.indirect_vreg.gather [hbm4b:s7+s4], $0x80, v7, vm1, $0xb8;
	[tilespmem:$0x1EE00] =	vst v63  }
0x2c3: {  	v7 =	vld [tilespmem:$0x630];
	_ =	sdelay $0x4  }
0x2c4: {  	v8 =	vshrl.u32 v7, $0x3  }
0x2c5: {  	v8 =	vmul.u32 $0x18, v8  }
0x2c6: {  	v7 =	vand.u32 $0x7, v7  }
0x2c7: {  	v7 =	vor.u32 v7, v8  }
0x2c8: {  	v8 =	vperm.xlane v7, v4;
	_ =	sdelay $0x1  }
0x2c9: {  	v8 =	vadd.s32 v5, v8;
	_ =	sdelay $0x1  }
0x2ca: {  	v7 =	vperm.xlane v7, v6;
	_ =	sdelay $0x1  }
0x2cb: {  	s23 =	simm.s32 $0x5600;
	v7 =	vadd.s32 v5, v7  }
0x2cc: {  	[tilespmem:s23], [sflag:$0x1] =	stream.indirect_vreg.gather [hbm4b:s1+s4], $0x80, v8, vm0, $0xb8;
	[tilespmem:$0x1EE00] =	vst v63  }
0x2cd: {  	s24 =	simm.s32 $0x5E00  }
0x2ce: {  	[tilespmem:s24], [sflag:$0x1] =	stream.indirect_vreg.gather [hbm4b:s7+s4], $0x80, v8, vm1, $0xb8;
	[tilespmem:$0x1EE00] =	vst v63  }
0x2cf: {  	s30 =	simm.s32 $0x6200  }
0x2d0: {  	[tilespmem:s30], [sflag:$0x1] =	stream.indirect_vreg.gather [hbm4b:s1+s4], $0x80, v7, vm0, $0xb8;
	[tilespmem:$0x1EE00] =	vst v63  }
0x2d1: {  	s31 =	simm.s32 $0x6A00  }
0x2d2: {  	[tilespmem:s31], [sflag:$0x1] =	stream.indirect_vreg.gather [hbm4b:s7+s4], $0x80, v7, vm1, $0xb8;
	[tilespmem:$0x1EE00] =	vst v63  }
0x2d3: {  	v7 =	vld [tilespmem:$0x240]  }
0x2d4: {  	v8 =	vld [tilespmem:$0x250]  }
0x2d5: {  	v34 =	vld [tilespmem:$0x260];
	_ =	sdelay $0x1  }
0x2d6: {  	(v2sf) =	vpush v32, $0xF  }
0x2d7: {  	(xrf0) =	vadd.scan.msk.s32 $0xffff, v7  }
0x2d8: {  	(xrf0) =	vadd.scan.msk.s32 $0xffff, v8  }
0x2d9: {  	(xrf0) =	vadd.scan.msk.s32 $0xffff, v34;
	_ =	sdelay $0x3  }
0x2da: {  	v7, _, _ =	vpop (xrf0)  }
0x2db: {  	(v2sf) =	vpush v7, $0xF;
	v8, _, _ =	vpop (xrf0)  }
0x2dc: {  	(v2sf) =	vpush v8, $0xF;
	v9, _, _ =	vpop (xrf0)  }
0x2dd: {  	(v2sf) =	vpush v9, $0xF;
	_ =	sdelay $0x4  }
0x2de: {  	s8 =	spop (v2sf);
	v35 =	vld [tilespmem:$0x270]  }
0x2df: {  	s0 =	sadd.s32 s8, s0  }
0x2e0: {  	v7 =	vadd.s32 s0, v7  }
0x2e1: {  	vm2 =	vlt.s32 v7, v1  }
0x2e2: {  	v7 =	vsel vm2, v7, v1  }
0x2e3: {  	(xrf0) =	vadd.scan.msk.s32 $0xffff, v35;
	v36 =	vshrl.u32 v7, $0x3  }
0x2e4: {  	v10 =	vmul.u32 $0x18, v36  }
0x2e5: {  	v37 =	vand.u32 $0x7, v7  }
0x2e6: {  	v10 =	vor.u32 v37, v10;
	s9 =	spop (v2sf)  }
0x2e7: {  	v11 =	vperm.xlane v10, v4;
	s0 =	sadd.s32 s0, s9;
	s14 =	spop (v2sf)  }
0x2e8: {  	v8 =	vadd.s32 s0, v8;
	s0 =	sadd.s32 s0, s14;
	s16 =	spop (v2sf)  }
0x2e9: {  	v38, _, _ =	vpop (xrf0);
	v11 =	vadd.s32 v5, v11;
	vm2 =	vlt.s32 v8, v1;
	v9 =	vadd.s32 s0, v9;
	s0 =	sadd.s32 s0, s16  }
0x2ea: {  	[tilespmem:$0x680] =	vst v7;
	v7 =	vsel vm2, v8, v1;
	vm2 =	vlt.s32 v9, v1;
	v8 =	vadd.s32 s0, v38  }
0x2eb: {  	v39 =	vperm.xlane v10, v6;
	[tilespmem:$0x690] =	vst v7;
	v7 =	vsel vm2, v9, v1;
	vm2 =	vlt.s32 v8, v1  }
0x2ec: {  	[tilespmem:$0x6A0] =	vst v7;
	v7 =	vsel vm2, v8, v1  }
0x2ed: {  	s24 =	simm.s32 $0x6E00;
	[tilespmem:$0x6B0] =	vst v7;
	v7 =	vadd.s32 v5, v39  }
0x2ee: {  	[tilespmem:s24], [sflag:$0x2] =	stream.indirect_vreg.gather [hbm4b:s1+s4], $0x80, v11, vm0, $0xb8;
	[tilespmem:$0x1EE00] =	vst v63  }
0x2ef: {  	s17 =	simm.s32 $0x7600  }
0x2f0: {  	[tilespmem:s17], [sflag:$0x2] =	stream.indirect_vreg.gather [hbm4b:s7+s4], $0x80, v11, vm1, $0xb8;
	[tilespmem:$0x1EE00] =	vst v63  }
0x2f1: {  	s30 =	simm.s32 $0x7A00  }
0x2f2: {  	[tilespmem:s30], [sflag:$0x2] =	stream.indirect_vreg.gather [hbm4b:s1+s4], $0x80, v7, vm0, $0xb8;
	[tilespmem:$0x1EE00] =	vst v63  }
0x2f3: {  	s31 =	simm.s32 $0x8200  }
0x2f4: {  	[tilespmem:s31], [sflag:$0x2] =	stream.indirect_vreg.gather [hbm4b:s7+s4], $0x80, v7, vm1, $0xb8;
	[tilespmem:$0x1EE00] =	vst v63  }
0x2f5: {  	v7 =	vld [tilespmem:$0x690];
	_ =	sdelay $0x4  }
0x2f6: {  	v8 =	vshrl.u32 v7, $0x3  }
0x2f7: {  	v8 =	vmul.u32 $0x18, v8  }
0x2f8: {  	v7 =	vand.u32 $0x7, v7  }
0x2f9: {  	v7 =	vor.u32 v7, v8  }
0x2fa: {  	v8 =	vperm.xlane v7, v4;
	_ =	sdelay $0x1  }
0x2fb: {  	v8 =	vadd.s32 v5, v8;
	_ =	sdelay $0x1  }
0x2fc: {  	v7 =	vperm.xlane v7, v6;
	_ =	sdelay $0x1  }
0x2fd: {  	s8 =	simm.s32 $0x8600;
	v7 =	vadd.s32 v5, v7  }
0x2fe: {  	[tilespmem:s8], [sflag:$0x2] =	stream.indirect_vreg.gather [hbm4b:s1+s4], $0x80, v8, vm0, $0xb8;
	[tilespmem:$0x1EE00] =	vst v63  }
0x2ff: {  	s9 =	simm.s32 $0x8E00  }
0x300: {  	[tilespmem:s9], [sflag:$0x2] =	stream.indirect_vreg.gather [hbm4b:s7+s4], $0x80, v8, vm1, $0xb8;
	[tilespmem:$0x1EE00] =	vst v63  }
0x301: {  	s14 =	simm.s32 $0x9200  }
0x302: {  	[tilespmem:s14], [sflag:$0x2] =	stream.indirect_vreg.gather [hbm4b:s1+s4], $0x80, v7, vm0, $0xb8;
	[tilespmem:$0x1EE00] =	vst v63  }
0x303: {  	s16 =	simm.s32 $0x9A00  }
0x304: {  	[tilespmem:s16], [sflag:$0x2] =	stream.indirect_vreg.gather [hbm4b:s7+s4], $0x80, v7, vm1, $0xb8;
	[tilespmem:$0x1EE00] =	vst v63  }
0x305: {  	v7 =	vld [tilespmem:$0x6A0];
	_ =	sdelay $0x4  }
0x306: {  	v8 =	vshrl.u32 v7, $0x3  }
0x307: {  	v8 =	vmul.u32 $0x18, v8  }
0x308: {  	v7 =	vand.u32 $0x7, v7  }
0x309: {  	v7 =	vor.u32 v7, v8  }
0x30a: {  	v8 =	vperm.xlane v7, v4;
	_ =	sdelay $0x1  }
0x30b: {  	v8 =	vadd.s32 v5, v8;
	_ =	sdelay $0x1  }
0x30c: {  	v7 =	vperm.xlane v7, v6;
	_ =	sdelay $0x1  }
0x30d: {  	s17 =	simm.s32 $0x9E00;
	v7 =	vadd.s32 v5, v7  }
0x30e: {  	[tilespmem:s17], [sflag:$0x2] =	stream.indirect_vreg.gather [hbm4b:s1+s4], $0x80, v8, vm0, $0xb8;
	[tilespmem:$0x1EE00] =	vst v63  }
0x30f: {  	s8 =	simm.s32 $0xA600  }
0x310: {  	[tilespmem:s8], [sflag:$0x2] =	stream.indirect_vreg.gather [hbm4b:s7+s4], $0x80, v8, vm1, $0xb8;
	[tilespmem:$0x1EE00] =	vst v63  }
0x311: {  	s9 =	simm.s32 $0xAA00  }
0x312: {  	[tilespmem:s9], [sflag:$0x2] =	stream.indirect_vreg.gather [hbm4b:s1+s4], $0x80, v7, vm0, $0xb8;
	[tilespmem:$0x1EE00] =	vst v63  }
0x313: {  	s14 =	simm.s32 $0xB200  }
0x314: {  	[tilespmem:s14], [sflag:$0x2] =	stream.indirect_vreg.gather [hbm4b:s7+s4], $0x80, v7, vm1, $0xb8;
	[tilespmem:$0x1EE00] =	vst v63  }
0x315: {  	v7 =	vld [tilespmem:$0x6B0];
	_ =	sdelay $0x4  }
0x316: {  	v8 =	vshrl.u32 v7, $0x3  }
0x317: {  	v8 =	vmul.u32 $0x18, v8  }
0x318: {  	v7 =	vand.u32 $0x7, v7  }
0x319: {  	v7 =	vor.u32 v7, v8  }
0x31a: {  	v8 =	vperm.xlane v7, v4;
	_ =	sdelay $0x1  }
0x31b: {  	v8 =	vadd.s32 v5, v8;
	_ =	sdelay $0x1  }
0x31c: {  	v7 =	vperm.xlane v7, v6;
	_ =	sdelay $0x1  }
0x31d: {  	s16 =	simm.s32 $0xB600;
	v7 =	vadd.s32 v5, v7  }
0x31e: {  	[tilespmem:s16], [sflag:$0x2] =	stream.indirect_vreg.gather [hbm4b:s1+s4], $0x80, v8, vm0, $0xb8;
	[tilespmem:$0x1EE00] =	vst v63  }
0x31f: {  	s17 =	simm.s32 $0xBE00  }
0x320: {  	[tilespmem:s17], [sflag:$0x2] =	stream.indirect_vreg.gather [hbm4b:s7+s4], $0x80, v8, vm1, $0xb8;
	[tilespmem:$0x1EE00] =	vst v63  }
0x321: {  	s8 =	simm.s32 $0xC200  }
0x322: {  	[tilespmem:s8], [sflag:$0x2] =	stream.indirect_vreg.gather [hbm4b:s1+s4], $0x80, v7, vm0, $0xb8;
	[tilespmem:$0x1EE00] =	vst v63  }
0x323: {  	s9 =	simm.s32 $0xCA00  }
0x324: {  	[tilespmem:s9], [sflag:$0x2] =	stream.indirect_vreg.gather [hbm4b:s7+s4], $0x80, v7, vm1, $0xb8;
	[tilespmem:$0x1EE00] =	vst v63  }
0x325: {  	v7 =	vld [tilespmem:$0x280]  }
0x326: {  	v8 =	vld [tilespmem:$0x290]  }
0x327: {  	v40 =	vld [tilespmem:$0x2A0];
	_ =	sdelay $0x1  }
0x328: {  	(v2sf) =	vpush v38, $0xF  }
0x329: {  	(xrf0) =	vadd.scan.msk.s32 $0xffff, v7  }
0x32a: {  	(xrf0) =	vadd.scan.msk.s32 $0xffff, v8  }
0x32b: {  	(xrf0) =	vadd.scan.msk.s32 $0xffff, v40;
	_ =	sdelay $0x3  }
0x32c: {  	v7, _, _ =	vpop (xrf0)  }
0x32d: {  	(v2sf) =	vpush v7, $0xF;
	v8, _, _ =	vpop (xrf0)  }
0x32e: {  	(v2sf) =	vpush v8, $0xF;
	v9, _, _ =	vpop (xrf0)  }
0x32f: {  	(v2sf) =	vpush v9, $0xF;
	_ =	sdelay $0x4  }
0x330: {  	s14 =	spop (v2sf);
	v41 =	vld [tilespmem:$0x2B0]  }
0x331: {  	s0 =	sadd.s32 s0, s14  }
0x332: {  	v7 =	vadd.s32 s0, v7  }
0x333: {  	vm2 =	vlt.s32 v7, v1  }
0x334: {  	v7 =	vsel vm2, v7, v1  }
0x335: {  	(xrf0) =	vadd.scan.msk.s32 $0xffff, v41;
	v42 =	vshrl.u32 v7, $0x3  }
0x336: {  	v10 =	vmul.u32 $0x18, v42  }
0x337: {  	v43 =	vand.u32 $0x7, v7  }
0x338: {  	v10 =	vor.u32 v43, v10;
	s16 =	spop (v2sf)  }
0x339: {  	v11 =	vperm.xlane v10, v4;
	s0 =	sadd.s32 s0, s16;
	s17 =	spop (v2sf)  }
0x33a: {  	v8 =	vadd.s32 s0, v8;
	s0 =	sadd.s32 s0, s17;
	s8 =	spop (v2sf)  }
0x33b: {  	v44, _, _ =	vpop (xrf0);
	v11 =	vadd.s32 v5, v11;
	vm2 =	vlt.s32 v8, v1;
	v9 =	vadd.s32 s0, v9;
	s0 =	sadd.s32 s0, s8  }
0x33c: {  	[tilespmem:$0x700] =	vst v7;
	v7 =	vsel vm2, v8, v1;
	vm2 =	vlt.s32 v9, v1;
	v8 =	vadd.s32 s0, v44  }
0x33d: {  	v45 =	vperm.xlane v10, v6;
	[tilespmem:$0x710] =	vst v7;
	v7 =	vsel vm2, v9, v1;
	vm2 =	vlt.s32 v8, v1  }
0x33e: {  	[tilespmem:$0x720] =	vst v7;
	v7 =	vsel vm2, v8, v1  }
0x33f: {  	s17 =	simm.s32 $0xCE00;
	[tilespmem:$0x730] =	vst v7;
	v7 =	vadd.s32 v5, v45  }
0x340: {  	[tilespmem:s17], [sflag:$0x3] =	stream.indirect_vreg.gather [hbm4b:s1+s4], $0x80, v11, vm0, $0xb8;
	[tilespmem:$0x1EE00] =	vst v63  }
0x341: {  	s9 =	simm.s32 $0xD600  }
0x342: {  	[tilespmem:s9], [sflag:$0x3] =	stream.indirect_vreg.gather [hbm4b:s7+s4], $0x80, v11, vm1, $0xb8;
	[tilespmem:$0x1EE00] =	vst v63  }
0x343: {  	s14 =	simm.s32 $0xDA00  }
0x344: {  	[tilespmem:s14], [sflag:$0x3] =	stream.indirect_vreg.gather [hbm4b:s1+s4], $0x80, v7, vm0, $0xb8;
	[tilespmem:$0x1EE00] =	vst v63  }
0x345: {  	s16 =	simm.s32 $0xE200  }
0x346: {  	[tilespmem:s16], [sflag:$0x3] =	stream.indirect_vreg.gather [hbm4b:s7+s4], $0x80, v7, vm1, $0xb8;
	[tilespmem:$0x1EE00] =	vst v63  }
0x347: {  	v7 =	vld [tilespmem:$0x710];
	_ =	sdelay $0x4  }
0x348: {  	v8 =	vshrl.u32 v7, $0x3  }
0x349: {  	v8 =	vmul.u32 $0x18, v8  }
0x34a: {  	v7 =	vand.u32 $0x7, v7  }
0x34b: {  	v7 =	vor.u32 v7, v8  }
0x34c: {  	v8 =	vperm.xlane v7, v4;
	_ =	sdelay $0x1  }
0x34d: {  	v8 =	vadd.s32 v5, v8;
	_ =	sdelay $0x1  }
0x34e: {  	v7 =	vperm.xlane v7, v6;
	_ =	sdelay $0x1  }
0x34f: {  	s8 =	simm.s32 $0xE600;
	v7 =	vadd.s32 v5, v7  }
0x350: {  	[tilespmem:s8], [sflag:$0x3] =	stream.indirect_vreg.gather [hbm4b:s1+s4], $0x80, v8, vm0, $0xb8;
	[tilespmem:$0x1EE00] =	vst v63  }
0x351: {  	s9 =	simm.s32 $0xEE00  }
0x352: {  	[tilespmem:s9], [sflag:$0x3] =	stream.indirect_vreg.gather [hbm4b:s7+s4], $0x80, v8, vm1, $0xb8;
	[tilespmem:$0x1EE00] =	vst v63  }
0x353: {  	s14 =	simm.s32 $0xF200  }
0x354: {  	[tilespmem:s14], [sflag:$0x3] =	stream.indirect_vreg.gather [hbm4b:s1+s4], $0x80, v7, vm0, $0xb8;
	[tilespmem:$0x1EE00] =	vst v63  }
0x355: {  	s16 =	simm.s32 $0xFA00  }
0x356: {  	[tilespmem:s16], [sflag:$0x3] =	stream.indirect_vreg.gather [hbm4b:s7+s4], $0x80, v7, vm1, $0xb8;
	[tilespmem:$0x1EE00] =	vst v63  }
0x357: {  	v7 =	vld [tilespmem:$0x720];
	_ =	sdelay $0x4  }
0x358: {  	v8 =	vshrl.u32 v7, $0x3  }
0x359: {  	v8 =	vmul.u32 $0x18, v8  }
0x35a: {  	v7 =	vand.u32 $0x7, v7  }
0x35b: {  	v7 =	vor.u32 v7, v8  }
0x35c: {  	v8 =	vperm.xlane v7, v4;
	_ =	sdelay $0x1  }
0x35d: {  	v8 =	vadd.s32 v5, v8;
	_ =	sdelay $0x1  }
0x35e: {  	v7 =	vperm.xlane v7, v6;
	_ =	sdelay $0x1  }
0x35f: {  	s8 =	simm.s32 $0xFE00;
	v7 =	vadd.s32 v5, v7  }
0x360: {  	[tilespmem:s8], [sflag:$0x3] =	stream.indirect_vreg.gather [hbm4b:s1+s4], $0x80, v8, vm0, $0xb8;
	[tilespmem:$0x1EE00] =	vst v63  }
0x361: {  	s9 =	simm.s32 $0x10600  }
0x362: {  	[tilespmem:s9], [sflag:$0x3] =	stream.indirect_vreg.gather [hbm4b:s7+s4], $0x80, v8, vm1, $0xb8;
	[tilespmem:$0x1EE00] =	vst v63  }
0x363: {  	s14 =	simm.s32 $0x10A00  }
0x364: {  	[tilespmem:s14], [sflag:$0x3] =	stream.indirect_vreg.gather [hbm4b:s1+s4], $0x80, v7, vm0, $0xb8;
	[tilespmem:$0x1EE00] =	vst v63  }
0x365: {  	s16 =	simm.s32 $0x11200  }
0x366: {  	[tilespmem:s16], [sflag:$0x3] =	stream.indirect_vreg.gather [hbm4b:s7+s4], $0x80, v7, vm1, $0xb8;
	[tilespmem:$0x1EE00] =	vst v63  }
0x367: {  	v7 =	vld [tilespmem:$0x730];
	_ =	sdelay $0x4  }
0x368: {  	v8 =	vshrl.u32 v7, $0x3  }
0x369: {  	v8 =	vmul.u32 $0x18, v8  }
0x36a: {  	v7 =	vand.u32 $0x7, v7  }
0x36b: {  	v7 =	vor.u32 v7, v8  }
0x36c: {  	v8 =	vperm.xlane v7, v4;
	_ =	sdelay $0x1  }
0x36d: {  	v8 =	vadd.s32 v5, v8;
	_ =	sdelay $0x1  }
0x36e: {  	v7 =	vperm.xlane v7, v6;
	_ =	sdelay $0x1  }
0x36f: {  	s8 =	simm.s32 $0x11600;
	v7 =	vadd.s32 v5, v7  }
0x370: {  	[tilespmem:s8], [sflag:$0x3] =	stream.indirect_vreg.gather [hbm4b:s1+s4], $0x80, v8, vm0, $0xb8;
	[tilespmem:$0x1EE00] =	vst v63  }
0x371: {  	s9 =	simm.s32 $0x11E00  }
0x372: {  	[tilespmem:s9], [sflag:$0x3] =	stream.indirect_vreg.gather [hbm4b:s7+s4], $0x80, v8, vm1, $0xb8;
	[tilespmem:$0x1EE00] =	vst v63  }
0x373: {  	s14 =	simm.s32 $0x12200  }
0x374: {  	[tilespmem:s14], [sflag:$0x3] =	stream.indirect_vreg.gather [hbm4b:s1+s4], $0x80, v7, vm0, $0xb8;
	[tilespmem:$0x1EE00] =	vst v63  }
0x375: {  	s16 =	simm.s32 $0x12A00  }
0x376: {  	[tilespmem:s16], [sflag:$0x3] =	stream.indirect_vreg.gather [hbm4b:s7+s4], $0x80, v7, vm1, $0xb8;
	[tilespmem:$0x1EE00] =	vst v63  }
0x377: {  	v7 =	vld [tilespmem:$0x2C0]  }
0x378: {  	v8 =	vld [tilespmem:$0x2D0]  }
0x379: {  	v46 =	vld [tilespmem:$0x2E0];
	_ =	sdelay $0x1  }
0x37a: {  	(v2sf) =	vpush v44, $0xF  }
0x37b: {  	(xrf0) =	vadd.scan.msk.s32 $0xffff, v7  }
0x37c: {  	(xrf0) =	vadd.scan.msk.s32 $0xffff, v8  }
0x37d: {  	(xrf0) =	vadd.scan.msk.s32 $0xffff, v46;
	_ =	sdelay $0x3  }
0x37e: {  	v7, _, _ =	vpop (xrf0)  }
0x37f: {  	(v2sf) =	vpush v7, $0xF;
	v8, _, _ =	vpop (xrf0)  }
0x380: {  	(v2sf) =	vpush v8, $0xF;
	v9, _, _ =	vpop (xrf0)  }
0x381: {  	(v2sf) =	vpush v9, $0xF;
	_ =	sdelay $0x4  }
0x382: {  	s8 =	spop (v2sf);
	v47 =	vld [tilespmem:$0x2F0]  }
0x383: {  	s0 =	sadd.s32 s0, s8  }
0x384: {  	v7 =	vadd.s32 s0, v7  }
0x385: {  	vm2 =	vlt.s32 v7, v1  }
0x386: {  	v7 =	vsel vm2, v7, v1  }
0x387: {  	(xrf0) =	vadd.scan.msk.s32 $0xffff, v47;
	v48 =	vshrl.u32 v7, $0x3  }
0x388: {  	v10 =	vmul.u32 $0x18, v48  }
0x389: {  	v49 =	vand.u32 $0x7, v7  }
0x38a: {  	v10 =	vor.u32 v49, v10;
	s9 =	spop (v2sf)  }
0x38b: {  	v11 =	vperm.xlane v10, v4;
	s0 =	sadd.s32 s0, s9;
	s14 =	spop (v2sf)  }
0x38c: {  	v8 =	vadd.s32 s0, v8;
	s0 =	sadd.s32 s0, s14;
	s16 =	spop (v2sf)  }
0x38d: {  	v50, _, _ =	vpop (xrf0);
	v11 =	vadd.s32 v5, v11;
	vm2 =	vlt.s32 v8, v1;
	v9 =	vadd.s32 s0, v9;
	s0 =	sadd.s32 s0, s16  }
0x38e: {  	[tilespmem:$0x780] =	vst v7;
	v7 =	vsel vm2, v8, v1;
	vm2 =	vlt.s32 v9, v1;
	v8 =	vadd.s32 s0, v50  }
0x38f: {  	v51 =	vperm.xlane v10, v6;
	[tilespmem:$0x790] =	vst v7;
	v7 =	vsel vm2, v9, v1;
	vm2 =	vlt.s32 v8, v1  }
0x390: {  	[tilespmem:$0x7A0] =	vst v7;
	v7 =	vsel vm2, v8, v1  }
0x391: {  	s16 =	simm.s32 $0x12E00;
	[tilespmem:$0x7B0] =	vst v7;
	v7 =	vadd.s32 v5, v51  }
0x392: {  	[tilespmem:s16], [sflag:$0x4] =	stream.indirect_vreg.gather [hbm4b:s1+s4], $0x80, v11, vm0, $0xb8;
	[tilespmem:$0x1EE00] =	vst v63  }
0x393: {  	s8 =	simm.s32 $0x13600  }
0x394: {  	[tilespmem:s8], [sflag:$0x4] =	stream.indirect_vreg.gather [hbm4b:s7+s4], $0x80, v11, vm1, $0xb8;
	[tilespmem:$0x1EE00] =	vst v63  }
0x395: {  	s9 =	simm.s32 $0x13A00  }
0x396: {  	[tilespmem:s9], [sflag:$0x4] =	stream.indirect_vreg.gather [hbm4b:s1+s4], $0x80, v7, vm0, $0xb8;
	[tilespmem:$0x1EE00] =	vst v63  }
0x397: {  	s14 =	simm.s32 $0x14200  }
0x398: {  	[tilespmem:s14], [sflag:$0x4] =	stream.indirect_vreg.gather [hbm4b:s7+s4], $0x80, v7, vm1, $0xb8;
	[tilespmem:$0x1EE00] =	vst v63  }
0x399: {  	v7 =	vld [tilespmem:$0x790];
	_ =	sdelay $0x4  }
0x39a: {  	v8 =	vshrl.u32 v7, $0x3  }
0x39b: {  	v8 =	vmul.u32 $0x18, v8  }
0x39c: {  	v7 =	vand.u32 $0x7, v7  }
0x39d: {  	v7 =	vor.u32 v7, v8  }
0x39e: {  	v8 =	vperm.xlane v7, v4;
	_ =	sdelay $0x1  }
0x39f: {  	v8 =	vadd.s32 v5, v8;
	_ =	sdelay $0x1  }
0x3a0: {  	v7 =	vperm.xlane v7, v6;
	_ =	sdelay $0x1  }
0x3a1: {  	s8 =	simm.s32 $0x14600;
	v7 =	vadd.s32 v5, v7  }
0x3a2: {  	[tilespmem:s8], [sflag:$0x4] =	stream.indirect_vreg.gather [hbm4b:s1+s4], $0x80, v8, vm0, $0xb8;
	[tilespmem:$0x1EE00] =	vst v63  }
0x3a3: {  	s9 =	simm.s32 $0x14E00  }
0x3a4: {  	[tilespmem:s9], [sflag:$0x4] =	stream.indirect_vreg.gather [hbm4b:s7+s4], $0x80, v8, vm1, $0xb8;
	[tilespmem:$0x1EE00] =	vst v63  }
0x3a5: {  	s14 =	simm.s32 $0x15200  }
0x3a6: {  	[tilespmem:s14], [sflag:$0x4] =	stream.indirect_vreg.gather [hbm4b:s1+s4], $0x80, v7, vm0, $0xb8;
	[tilespmem:$0x1EE00] =	vst v63  }
0x3a7: {  	s8 =	simm.s32 $0x15A00  }
0x3a8: {  	[tilespmem:s8], [sflag:$0x4] =	stream.indirect_vreg.gather [hbm4b:s7+s4], $0x80, v7, vm1, $0xb8;
	[tilespmem:$0x1EE00] =	vst v63  }
0x3a9: {  	v7 =	vld [tilespmem:$0x7A0];
	_ =	sdelay $0x4  }
0x3aa: {  	v8 =	vshrl.u32 v7, $0x3  }
0x3ab: {  	v8 =	vmul.u32 $0x18, v8  }
0x3ac: {  	v7 =	vand.u32 $0x7, v7  }
0x3ad: {  	v7 =	vor.u32 v7, v8  }
0x3ae: {  	v8 =	vperm.xlane v7, v4;
	_ =	sdelay $0x1  }
0x3af: {  	v8 =	vadd.s32 v5, v8;
	_ =	sdelay $0x1  }
0x3b0: {  	v7 =	vperm.xlane v7, v6;
	_ =	sdelay $0x1  }
0x3b1: {  	s9 =	simm.s32 $0x15E00;
	v7 =	vadd.s32 v5, v7  }
0x3b2: {  	[tilespmem:s9], [sflag:$0x4] =	stream.indirect_vreg.gather [hbm4b:s1+s4], $0x80, v8, vm0, $0xb8;
	[tilespmem:$0x1EE00] =	vst v63  }
0x3b3: {  	s14 =	simm.s32 $0x16600  }
0x3b4: {  	[tilespmem:s14], [sflag:$0x4] =	stream.indirect_vreg.gather [hbm4b:s7+s4], $0x80, v8, vm1, $0xb8;
	[tilespmem:$0x1EE00] =	vst v63  }
0x3b5: {  	s8 =	simm.s32 $0x16A00  }
0x3b6: {  	[tilespmem:s8], [sflag:$0x4] =	stream.indirect_vreg.gather [hbm4b:s1+s4], $0x80, v7, vm0, $0xb8;
	[tilespmem:$0x1EE00] =	vst v63  }
0x3b7: {  	s9 =	simm.s32 $0x17200  }
0x3b8: {  	[tilespmem:s9], [sflag:$0x4] =	stream.indirect_vreg.gather [hbm4b:s7+s4], $0x80, v7, vm1, $0xb8;
	[tilespmem:$0x1EE00] =	vst v63  }
0x3b9: {  	v7 =	vld [tilespmem:$0x7B0];
	_ =	sdelay $0x4  }
0x3ba: {  	v8 =	vshrl.u32 v7, $0x3  }
0x3bb: {  	v8 =	vmul.u32 $0x18, v8  }
0x3bc: {  	v7 =	vand.u32 $0x7, v7  }
0x3bd: {  	v7 =	vor.u32 v7, v8  }
0x3be: {  	v8 =	vperm.xlane v7, v4;
	_ =	sdelay $0x1  }
0x3bf: {  	v8 =	vadd.s32 v5, v8;
	_ =	sdelay $0x1  }
0x3c0: {  	v7 =	vperm.xlane v7, v6;
	_ =	sdelay $0x1  }
0x3c1: {  	s14 =	simm.s32 $0x17600;
	v7 =	vadd.s32 v5, v7  }
0x3c2: {  	[tilespmem:s14], [sflag:$0x4] =	stream.indirect_vreg.gather [hbm4b:s1+s4], $0x80, v8, vm0, $0xb8;
	[tilespmem:$0x1EE00] =	vst v63  }
0x3c3: {  	s8 =	simm.s32 $0x17E00  }
0x3c4: {  	[tilespmem:s8], [sflag:$0x4] =	stream.indirect_vreg.gather [hbm4b:s7+s4], $0x80, v8, vm1, $0xb8;
	[tilespmem:$0x1EE00] =	vst v63  }
0x3c5: {  	s9 =	simm.s32 $0x18200  }
0x3c6: {  	[tilespmem:s9], [sflag:$0x4] =	stream.indirect_vreg.gather [hbm4b:s1+s4], $0x80, v7, vm0, $0xb8;
	[tilespmem:$0x1EE00] =	vst v63  }
0x3c7: {  	s14 =	simm.s32 $0x18A00  }
0x3c8: {  	[tilespmem:s14], [sflag:$0x4] =	stream.indirect_vreg.gather [hbm4b:s7+s4], $0x80, v7, vm1, $0xb8;
	[tilespmem:$0x1EE00] =	vst v63  }
0x3c9: {  	v7 =	vld [tilespmem:$0x300]  }
0x3ca: {  	v8 =	vld [tilespmem:$0x310]  }
0x3cb: {  	v52 =	vld [tilespmem:$0x320];
	_ =	sdelay $0x1  }
0x3cc: {  	(v2sf) =	vpush v50, $0xF  }
0x3cd: {  	(xrf0) =	vadd.scan.msk.s32 $0xffff, v7  }
0x3ce: {  	(xrf0) =	vadd.scan.msk.s32 $0xffff, v8  }
0x3cf: {  	(xrf0) =	vadd.scan.msk.s32 $0xffff, v52;
	_ =	sdelay $0x3  }
0x3d0: {  	v7, _, _ =	vpop (xrf0)  }
0x3d1: {  	(v2sf) =	vpush v7, $0xF;
	v8, _, _ =	vpop (xrf0)  }
0x3d2: {  	(v2sf) =	vpush v8, $0xF;
	v9, _, _ =	vpop (xrf0)  }
0x3d3: {  	(v2sf) =	vpush v9, $0xF;
	_ =	sdelay $0x4  }
0x3d4: {  	s8 =	spop (v2sf);
	v53 =	vld [tilespmem:$0x330]  }
0x3d5: {  	s0 =	sadd.s32 s0, s8  }
0x3d6: {  	v7 =	vadd.s32 s0, v7  }
0x3d7: {  	vm2 =	vlt.s32 v7, v1  }
0x3d8: {  	v7 =	vsel vm2, v7, v1  }
0x3d9: {  	(xrf0) =	vadd.scan.msk.s32 $0xffff, v53;
	v54 =	vshrl.u32 v7, $0x3  }
0x3da: {  	v10 =	vmul.u32 $0x18, v54  }
0x3db: {  	v55 =	vand.u32 $0x7, v7  }
0x3dc: {  	v10 =	vor.u32 v55, v10;
	s9 =	spop (v2sf)  }
0x3dd: {  	v11 =	vperm.xlane v10, v4;
	s0 =	sadd.s32 s0, s9;
	s14 =	spop (v2sf)  }
0x3de: {  	v8 =	vadd.s32 s0, v8;
	s0 =	sadd.s32 s0, s14;
	s8 =	spop (v2sf)  }
0x3df: {  	v56, _, _ =	vpop (xrf0);
	v11 =	vadd.s32 v5, v11;
	vm2 =	vlt.s32 v8, v1;
	v9 =	vadd.s32 s0, v9;
	s0 =	sadd.s32 s0, s8  }
0x3e0: {  	[tilespmem:$0x800] =	vst v7;
	v7 =	vsel vm2, v8, v1;
	vm2 =	vlt.s32 v9, v1;
	v8 =	vadd.s32 s0, v56  }
0x3e1: {  	v57 =	vperm.xlane v10, v6;
	[tilespmem:$0x810] =	vst v7;
	v7 =	vsel vm2, v9, v1;
	vm2 =	vlt.s32 v8, v1  }
0x3e2: {  	[tilespmem:$0x820] =	vst v7;
	v7 =	vsel vm2, v8, v1  }
0x3e3: {  	s14 =	simm.s32 $0x18E00;
	[tilespmem:$0x830] =	vst v7;
	v7 =	vadd.s32 v5, v57  }
0x3e4: {  	[tilespmem:s14], [sflag:$0x5] =	stream.indirect_vreg.gather [hbm4b:s1+s4], $0x80, v11, vm0, $0xb8;
	[tilespmem:$0x1EE00] =	vst v63  }
0x3e5: {  	s9 =	simm.s32 $0x19600  }
0x3e6: {  	[tilespmem:s9], [sflag:$0x5] =	stream.indirect_vreg.gather [hbm4b:s7+s4], $0x80, v11, vm1, $0xb8;
	[tilespmem:$0x1EE00] =	vst v63  }
0x3e7: {  	s8 =	simm.s32 $0x19A00  }
0x3e8: {  	[tilespmem:s8], [sflag:$0x5] =	stream.indirect_vreg.gather [hbm4b:s1+s4], $0x80, v7, vm0, $0xb8;
	[tilespmem:$0x1EE00] =	vst v63  }
0x3e9: {  	s9 =	simm.s32 $0x1A200  }
0x3ea: {  	[tilespmem:s9], [sflag:$0x5] =	stream.indirect_vreg.gather [hbm4b:s7+s4], $0x80, v7, vm1, $0xb8;
	[tilespmem:$0x1EE00] =	vst v63  }
0x3eb: {  	v7 =	vld [tilespmem:$0x810];
	_ =	sdelay $0x4  }
0x3ec: {  	v8 =	vshrl.u32 v7, $0x3  }
0x3ed: {  	v8 =	vmul.u32 $0x18, v8  }
0x3ee: {  	v7 =	vand.u32 $0x7, v7  }
0x3ef: {  	v7 =	vor.u32 v7, v8  }
0x3f0: {  	v8 =	vperm.xlane v7, v4;
	_ =	sdelay $0x1  }
0x3f1: {  	v8 =	vadd.s32 v5, v8;
	_ =	sdelay $0x1  }
0x3f2: {  	v7 =	vperm.xlane v7, v6;
	_ =	sdelay $0x1  }
0x3f3: {  	s8 =	simm.s32 $0x1A600;
	v7 =	vadd.s32 v5, v7  }
0x3f4: {  	[tilespmem:s8], [sflag:$0x5] =	stream.indirect_vreg.gather [hbm4b:s1+s4], $0x80, v8, vm0, $0xb8;
	[tilespmem:$0x1EE00] =	vst v63  }
0x3f5: {  	s9 =	simm.s32 $0x1AE00  }
0x3f6: {  	[tilespmem:s9], [sflag:$0x5] =	stream.indirect_vreg.gather [hbm4b:s7+s4], $0x80, v8, vm1, $0xb8;
	[tilespmem:$0x1EE00] =	vst v63  }
0x3f7: {  	s8 =	simm.s32 $0x1B200  }
0x3f8: {  	[tilespmem:s8], [sflag:$0x5] =	stream.indirect_vreg.gather [hbm4b:s1+s4], $0x80, v7, vm0, $0xb8;
	[tilespmem:$0x1EE00] =	vst v63  }
0x3f9: {  	s9 =	simm.s32 $0x1BA00  }
0x3fa: {  	[tilespmem:s9], [sflag:$0x5] =	stream.indirect_vreg.gather [hbm4b:s7+s4], $0x80, v7, vm1, $0xb8;
	[tilespmem:$0x1EE00] =	vst v63  }
0x3fb: {  	v7 =	vld [tilespmem:$0x820];
	_ =	sdelay $0x4  }
0x3fc: {  	v8 =	vshrl.u32 v7, $0x3  }
0x3fd: {  	v8 =	vmul.u32 $0x18, v8  }
0x3fe: {  	v7 =	vand.u32 $0x7, v7  }
0x3ff: {  	v7 =	vor.u32 v7, v8  }
0x400: {  	v8 =	vperm.xlane v7, v4;
	_ =	sdelay $0x1  }
0x401: {  	v8 =	vadd.s32 v5, v8;
	_ =	sdelay $0x1  }
0x402: {  	v7 =	vperm.xlane v7, v6;
	_ =	sdelay $0x1  }
0x403: {  	s8 =	simm.s32 $0x1BE00;
	v7 =	vadd.s32 v5, v7  }
0x404: {  	[tilespmem:s8], [sflag:$0x5] =	stream.indirect_vreg.gather [hbm4b:s1+s4], $0x80, v8, vm0, $0xb8;
	[tilespmem:$0x1EE00] =	vst v63  }
0x405: {  	s9 =	simm.s32 $0x1C600  }
0x406: {  	[tilespmem:s9], [sflag:$0x5] =	stream.indirect_vreg.gather [hbm4b:s7+s4], $0x80, v8, vm1, $0xb8;
	[tilespmem:$0x1EE00] =	vst v63  }
0x407: {  	s8 =	simm.s32 $0x1CA00  }
0x408: {  	[tilespmem:s8], [sflag:$0x5] =	stream.indirect_vreg.gather [hbm4b:s1+s4], $0x80, v7, vm0, $0xb8;
	[tilespmem:$0x1EE00] =	vst v63  }
0x409: {  	s9 =	simm.s32 $0x1D200  }
0x40a: {  	[tilespmem:s9], [sflag:$0x5] =	stream.indirect_vreg.gather [hbm4b:s7+s4], $0x80, v7, vm1, $0xb8;
	[tilespmem:$0x1EE00] =	vst v63  }
0x40b: {  	v7 =	vld [tilespmem:$0x830];
	_ =	sdelay $0x4  }
0x40c: {  	v8 =	vshrl.u32 v7, $0x3  }
0x40d: {  	v8 =	vmul.u32 $0x18, v8  }
0x40e: {  	v7 =	vand.u32 $0x7, v7  }
0x40f: {  	v7 =	vor.u32 v7, v8  }
0x410: {  	v8 =	vperm.xlane v7, v4;
	_ =	sdelay $0x1  }
0x411: {  	v8 =	vadd.s32 v5, v8;
	_ =	sdelay $0x1  }
0x412: {  	v7 =	vperm.xlane v7, v6;
	_ =	sdelay $0x1  }
0x413: {  	s8 =	simm.s32 $0x1D600;
	v7 =	vadd.s32 v5, v7  }
0x414: {  	[tilespmem:s8], [sflag:$0x5] =	stream.indirect_vreg.gather [hbm4b:s1+s4], $0x80, v8, vm0, $0xb8;
	[tilespmem:$0x1EE00] =	vst v63  }
0x415: {  	s9 =	simm.s32 $0x1DE00  }
0x416: {  	[tilespmem:s9], [sflag:$0x5] =	stream.indirect_vreg.gather [hbm4b:s7+s4], $0x80, v8, vm1, $0xb8;
	[tilespmem:$0x1EE00] =	vst v63  }
0x417: {  	s8 =	simm.s32 $0x1E200  }
0x418: {  	[tilespmem:s8], [sflag:$0x5] =	stream.indirect_vreg.gather [hbm4b:s1+s4], $0x80, v7, vm0, $0xb8;
	[tilespmem:$0x1EE00] =	vst v63  }
0x419: {  	s9 =	simm.s32 $0x1EA00  }
0x41a: {  	[tilespmem:s9], [sflag:$0x5] =	stream.indirect_vreg.gather [hbm4b:s7+s4], $0x80, v7, vm1, $0xb8;
	[tilespmem:$0x1EE00] =	vst v63  }
0x41b: {  	s9 =	simm.s32 $0x1  }
0x41c: {  	_ =	swait.ge [sflag:s9], $0x6000  }
0x41d: {  	[sflag:s9] =	ssyncset.done $0x0  }
0x41e: {  	s8 =	rddreg [dreg:$0x17];
	[sflag:s9] =	ssyncadd.s32 $0xFFFFA000  }
0x41f: {  	[hbm4b:s8+s4] =	stream.linear.scatter [tilespmem:s15], [sflag:$0x6], $0x6000, $0x38;
	[tilespmem:$0x1EE00] =	vst v63  }
0x420: {  	v7 =	vld [tilespmem:$0x340]  }
0x421: {  	v8 =	vld [tilespmem:$0x350]  }
0x422: {  	v58 =	vld [tilespmem:$0x360];
	_ =	sdelay $0x2  }
0x423: {  	(xrf0) =	vadd.scan.msk.s32 $0xffff, v7  }
0x424: {  	(v2sf) =	vpush v56, $0xF;
	(xrf0) =	vadd.scan.msk.s32 $0xffff, v8  }
0x425: {  	(xrf0) =	vadd.scan.msk.s32 $0xffff, v58;
	_ =	sdelay $0x3  }
0x426: {  	v7, _, _ =	vpop (xrf0)  }
0x427: {  	(v2sf) =	vpush v7, $0xF;
	v8, _, _ =	vpop (xrf0)  }
0x428: {  	(v2sf) =	vpush v8, $0xF;
	v9, _, _ =	vpop (xrf0)  }
0x429: {  	(v2sf) =	vpush v9, $0xF;
	_ =	sdelay $0x4  }
0x42a: {  	v59 =	vld [tilespmem:$0x370];
	_ =	sdelay $0x1  }
0x42b: {  	s8 =	spop (v2sf)  }
0x42c: {  	s0 =	sadd.s32 s0, s8  }
0x42d: {  	v7 =	vadd.s32 s0, v7  }
0x42e: {  	(xrf0) =	vadd.scan.msk.s32 $0xffff, v59;
	vm2 =	vlt.s32 v7, v1  }
0x42f: {  	v7 =	vsel vm2, v7, v1  }
0x430: {  	v60 =	vshrl.u32 v7, $0x3  }
0x431: {  	v10 =	vmul.u32 $0x18, v60;
	s8 =	spop (v2sf)  }
0x432: {  	v61 =	vand.u32 $0x7, v7;
	s0 =	sadd.s32 s0, s8;
	s8 =	spop (v2sf)  }
0x433: {  	v10 =	vor.u32 v61, v10;
	v8 =	vadd.s32 s0, v8;
	s0 =	sadd.s32 s0, s8;
	s8 =	spop (v2sf)  }
0x434: {  	v62, _, _ =	vpop (xrf0);
	v11 =	vperm.xlane v10, v4;
	vm2 =	vlt.s32 v8, v1;
	v9 =	vadd.s32 s0, v9;
	s0 =	sadd.s32 s0, s8  }
0x435: {  	[tilespmem:$0x880] =	vst v7;
	v8 =	vsel vm2, v8, v1;
	vm2 =	vlt.s32 v9, v1;
	v7 =	vadd.s32 s0, v62  }
0x436: {  	[tilespmem:$0x890] =	vst v8;
	v8 =	vsel vm2, v9, v1;
	vm2 =	vlt.s32 v7, v1  }
0x437: {  	[tilespmem:$0x8A0] =	vst v8;
	v7 =	vsel vm2, v7, v1;
	v8 =	vadd.s32 v5, v11  }
0x438: {  	s8 =	simm.s32 $0x6;
	[tilespmem:$0x8B0] =	vst v7  }
0x439: {  	v7 =	vperm.xlane v10, v6;
	_ =	swait.ge [sflag:s8], $0x6000  }
0x43a: {  	[sflag:s8] =	ssyncset.done $0x0  }
0x43b: {  	v7 =	vadd.s32 v5, v7;
	[sflag:s8] =	ssyncadd.s32 $0xFFFFA000  }
0x43c: {  	[tilespmem:s15], [sflag:$0x1] =	stream.indirect_vreg.gather [hbm4b:s1+s4], $0x80, v8, vm0, $0xb8;
	[tilespmem:$0x1EE00] =	vst v63  }
0x43d: {  	s25 =	simm.s32 $0x1600  }
0x43e: {  	[tilespmem:s25], [sflag:$0x1] =	stream.indirect_vreg.gather [hbm4b:s7+s4], $0x80, v8, vm1, $0xb8;
	[tilespmem:$0x1EE00] =	vst v63  }
0x43f: {  	s26 =	simm.s32 $0x1A00  }
0x440: {  	[tilespmem:s26], [sflag:$0x1] =	stream.indirect_vreg.gather [hbm4b:s1+s4], $0x80, v7, vm0, $0xb8;
	[tilespmem:$0x1EE00] =	vst v63  }
0x441: {  	s3 =	simm.s32 $0x2200  }
0x442: {  	[tilespmem:s3], [sflag:$0x1] =	stream.indirect_vreg.gather [hbm4b:s7+s4], $0x80, v7, vm1, $0xb8;
	[tilespmem:$0x1EE00] =	vst v63  }
0x443: {  	v7 =	vld [tilespmem:$0x890];
	_ =	sdelay $0x4  }
0x444: {  	v8 =	vshrl.u32 v7, $0x3  }
0x445: {  	v8 =	vmul.u32 $0x18, v8  }
0x446: {  	v7 =	vand.u32 $0x7, v7  }
0x447: {  	v7 =	vor.u32 v7, v8  }
0x448: {  	v8 =	vperm.xlane v7, v4;
	_ =	sdelay $0x1  }
0x449: {  	v8 =	vadd.s32 v5, v8;
	_ =	sdelay $0x1  }
0x44a: {  	v7 =	vperm.xlane v7, v6;
	_ =	sdelay $0x1  }
0x44b: {  	s28 =	simm.s32 $0x2600;
	v7 =	vadd.s32 v5, v7  }
0x44c: {  	[tilespmem:s28], [sflag:$0x1] =	stream.indirect_vreg.gather [hbm4b:s1+s4], $0x80, v8, vm0, $0xb8;
	[tilespmem:$0x1EE00] =	vst v63  }
0x44d: {  	s29 =	simm.s32 $0x2E00  }
0x44e: {  	[tilespmem:s29], [sflag:$0x1] =	stream.indirect_vreg.gather [hbm4b:s7+s4], $0x80, v8, vm1, $0xb8;
	[tilespmem:$0x1EE00] =	vst v63  }
0x44f: {  	s11 =	simm.s32 $0x3200  }
0x450: {  	[tilespmem:s11], [sflag:$0x1] =	stream.indirect_vreg.gather [hbm4b:s1+s4], $0x80, v7, vm0, $0xb8;
	[tilespmem:$0x1EE00] =	vst v63  }
0x451: {  	s5 =	simm.s32 $0x3A00  }
0x452: {  	[tilespmem:s5], [sflag:$0x1] =	stream.indirect_vreg.gather [hbm4b:s7+s4], $0x80, v7, vm1, $0xb8;
	[tilespmem:$0x1EE00] =	vst v63  }
0x453: {  	v7 =	vld [tilespmem:$0x8A0];
	_ =	sdelay $0x4  }
0x454: {  	v8 =	vshrl.u32 v7, $0x3  }
0x455: {  	v8 =	vmul.u32 $0x18, v8  }
0x456: {  	v7 =	vand.u32 $0x7, v7  }
0x457: {  	v7 =	vor.u32 v7, v8  }
0x458: {  	v8 =	vperm.xlane v7, v4;
	_ =	sdelay $0x1  }
0x459: {  	v8 =	vadd.s32 v5, v8;
	_ =	sdelay $0x1  }
0x45a: {  	v7 =	vperm.xlane v7, v6;
	_ =	sdelay $0x1  }
0x45b: {  	s12 =	simm.s32 $0x3E00;
	v7 =	vadd.s32 v5, v7  }
0x45c: {  	[tilespmem:s12], [sflag:$0x1] =	stream.indirect_vreg.gather [hbm4b:s1+s4], $0x80, v8, vm0, $0xb8;
	[tilespmem:$0x1EE00] =	vst v63  }
0x45d: {  	s13 =	simm.s32 $0x4600  }
0x45e: {  	[tilespmem:s13], [sflag:$0x1] =	stream.indirect_vreg.gather [hbm4b:s7+s4], $0x80, v8, vm1, $0xb8;
	[tilespmem:$0x1EE00] =	vst v63  }
0x45f: {  	s18 =	simm.s32 $0x4A00  }
0x460: {  	[tilespmem:s18], [sflag:$0x1] =	stream.indirect_vreg.gather [hbm4b:s1+s4], $0x80, v7, vm0, $0xb8;
	[tilespmem:$0x1EE00] =	vst v63  }
0x461: {  	s6 =	simm.s32 $0x5200  }
0x462: {  	[tilespmem:s6], [sflag:$0x1] =	stream.indirect_vreg.gather [hbm4b:s7+s4], $0x80, v7, vm1, $0xb8;
	[tilespmem:$0x1EE00] =	vst v63  }
0x463: {  	v7 =	vld [tilespmem:$0x8B0];
	_ =	sdelay $0x4  }
0x464: {  	v8 =	vshrl.u32 v7, $0x3  }
0x465: {  	v8 =	vmul.u32 $0x18, v8  }
0x466: {  	v7 =	vand.u32 $0x7, v7  }
0x467: {  	v7 =	vor.u32 v7, v8  }
0x468: {  	v8 =	vperm.xlane v7, v4;
	_ =	sdelay $0x1  }
0x469: {  	v8 =	vadd.s32 v5, v8;
	_ =	sdelay $0x1  }
0x46a: {  	v7 =	vperm.xlane v7, v6;
	_ =	sdelay $0x1  }
0x46b: {  	s20 =	simm.s32 $0x5600;
	v7 =	vadd.s32 v5, v7  }
0x46c: {  	[tilespmem:s20], [sflag:$0x1] =	stream.indirect_vreg.gather [hbm4b:s1+s4], $0x80, v8, vm0, $0xb8;
	[tilespmem:$0x1EE00] =	vst v63  }
0x46d: {  	s22 =	simm.s32 $0x5E00  }
0x46e: {  	[tilespmem:s22], [sflag:$0x1] =	stream.indirect_vreg.gather [hbm4b:s7+s4], $0x80, v8, vm1, $0xb8;
	[tilespmem:$0x1EE00] =	vst v63  }
0x46f: {  	s23 =	simm.s32 $0x6200  }
0x470: {  	[tilespmem:s23], [sflag:$0x1] =	stream.indirect_vreg.gather [hbm4b:s1+s4], $0x80, v7, vm0, $0xb8;
	[tilespmem:$0x1EE00] =	vst v63  }
0x471: {  	s10 =	simm.s32 $0x6A00;
	s13 =	simm.s32 $0x2  }
0x472: {  	[tilespmem:s10], [sflag:$0x1] =	stream.indirect_vreg.gather [hbm4b:s7+s4], $0x80, v7, vm1, $0xb8;
	[tilespmem:$0x1EE00] =	vst v63  }
0x473: {  	_ =	swait.ge [sflag:s13], $0x6000  }
0x474: {  	[sflag:s13] =	ssyncset.done $0x0  }
0x475: {  	s10 =	rddreg [dreg:$0x5];
	[sflag:s13] =	ssyncadd.s32 $0xFFFFA000  }
0x476: {  	[hbm4b:s10+s4] =	stream.linear.scatter [tilespmem:s24], [sflag:$0x7], $0x6000, $0x38;
	[tilespmem:$0x1EE00] =	vst v63  }
0x477: {  	v7 =	vld [tilespmem:$0x380];
	_ =	sdelay $0x4  }
0x478: {  	(xrf0) =	vadd.scan.msk.s32 $0xffff, v7  }
0x479: {  	v7 =	vld [tilespmem:$0x390];
	_ =	sdelay $0x4  }
0x47a: {  	(v2sf) =	vpush v62, $0xF;
	(xrf0) =	vadd.scan.msk.s32 $0xffff, v7;
	v7, _, _ =	vpop (xrf0)  }
0x47b: {  	(v2sf) =	vpush v7, $0xF;
	_ =	sdelay $0x4  }
0x47c: {  	v8, _, _ =	vpop (xrf0)  }
0x47d: {  	(v2sf) =	vpush v8, $0xF;
	_ =	sdelay $0x4  }
0x47e: {  	v63 =	vld [tilespmem:$0x3A0];
	_ =	sdelay $0x2  }
0x47f: {  	s11 =	spop (v2sf)  }
0x480: {  	s0 =	sadd.s32 s0, s11;
	s12 =	spop (v2sf)  }
0x481: {  	v7 =	vadd.s32 s0, v7;
	(xrf0) =	vadd.scan.msk.s32 $0xffff, v63;
	s0 =	sadd.s32 s0, s12  }
0x482: {  	vm2 =	vlt.s32 v7, v1;
	v8 =	vadd.s32 s0, v8  }
0x483: {  	v7 =	vsel vm2, v7, v1;
	vm2 =	vlt.s32 v8, v1  }
0x484: {  	v8 =	vsel vm2, v8, v1  }
0x485: {  	[tilespmem:$0x900] =	vst v7  }
0x486: {  	[tilespmem:$0x910] =	vst v8;
	s18 =	spop (v2sf)  }
0x487: {  	v8, _, _ =	vpop (xrf0)  }
0x488: {  	(v2sf) =	vpush v8, $0xF;
	_ =	sdelay $0x4  }
0x489: {  	v12 =	vld [tilespmem:$0x3B0];
	_ =	sdelay $0x4  }
0x48a: {  	(xrf0) =	vadd.scan.msk.s32 $0xffff, v12;
	_ =	sdelay $0x2  }
0x48b: {  	v13 =	vshrl.u32 v7, $0x3  }
0x48c: {  	v9 =	vmul.u32 $0x18, v13  }
0x48d: {  	v7 =	vand.u32 $0x7, v7;
	s0 =	sadd.s32 s0, s18;
	s20 =	spop (v2sf)  }
0x48e: {  	v7 =	vor.u32 v7, v9;
	v8 =	vadd.s32 s0, v8;
	v14, _, _ =	vpop (xrf0);
	s0 =	sadd.s32 s0, s20  }
0x48f: {  	v16 =	vperm.xlane v7, v4;
	vm2 =	vlt.s32 v8, v1;
	v15 =	vadd.s32 s0, v14  }
0x490: {  	v8 =	vsel vm2, v8, v1;
	vm2 =	vlt.s32 v15, v1  }
0x491: {  	v17 =	vadd.s32 v5, v16;
	[tilespmem:$0x920] =	vst v8;
	v8 =	vsel vm2, v15, v1  }
0x492: {  	s12 =	simm.s32 $0x7;
	[tilespmem:$0x930] =	vst v8  }
0x493: {  	v7 =	vperm.xlane v7, v6;
	_ =	swait.ge [sflag:s12], $0x6000  }
0x494: {  	[sflag:s12] =	ssyncset.done $0x0  }
0x495: {  	v7 =	vadd.s32 v5, v7;
	[sflag:s12] =	ssyncadd.s32 $0xFFFFA000  }
0x496: {  	[tilespmem:s24], [sflag:$0x2] =	stream.indirect_vreg.gather [hbm4b:s1+s4], $0x80, v17, vm0, $0xb8;
	[tilespmem:$0x1EE00] =	vst v63  }
0x497: {  	s22 =	simm.s32 $0x7600  }
0x498: {  	[tilespmem:s22], [sflag:$0x2] =	stream.indirect_vreg.gather [hbm4b:s7+s4], $0x80, v17, vm1, $0xb8;
	[tilespmem:$0x1EE00] =	vst v63  }
0x499: {  	s28 =	simm.s32 $0x7A00  }
0x49a: {  	[tilespmem:s28], [sflag:$0x2] =	stream.indirect_vreg.gather [hbm4b:s1+s4], $0x80, v7, vm0, $0xb8;
	[tilespmem:$0x1EE00] =	vst v63  }
0x49b: {  	s30 =	simm.s32 $0x8200  }
0x49c: {  	[tilespmem:s30], [sflag:$0x2] =	stream.indirect_vreg.gather [hbm4b:s7+s4], $0x80, v7, vm1, $0xb8;
	[tilespmem:$0x1EE00] =	vst v63  }
0x49d: {  	v7 =	vld [tilespmem:$0x910];
	_ =	sdelay $0x4  }
0x49e: {  	v8 =	vshrl.u32 v7, $0x3  }
0x49f: {  	v8 =	vmul.u32 $0x18, v8  }
0x4a0: {  	v7 =	vand.u32 $0x7, v7  }
0x4a1: {  	v7 =	vor.u32 v7, v8  }
0x4a2: {  	v8 =	vperm.xlane v7, v4;
	_ =	sdelay $0x1  }
0x4a3: {  	v8 =	vadd.s32 v5, v8;
	_ =	sdelay $0x1  }
0x4a4: {  	v7 =	vperm.xlane v7, v6;
	_ =	sdelay $0x1  }
0x4a5: {  	s30 =	simm.s32 $0x8600;
	v7 =	vadd.s32 v5, v7  }
0x4a6: {  	[tilespmem:s30], [sflag:$0x2] =	stream.indirect_vreg.gather [hbm4b:s1+s4], $0x80, v8, vm0, $0xb8;
	[tilespmem:$0x1EE00] =	vst v63  }
0x4a7: {  	s3 =	simm.s32 $0x8E00  }
0x4a8: {  	[tilespmem:s3], [sflag:$0x2] =	stream.indirect_vreg.gather [hbm4b:s7+s4], $0x80, v8, vm1, $0xb8;
	[tilespmem:$0x1EE00] =	vst v63  }
0x4a9: {  	s5 =	simm.s32 $0x9200  }
0x4aa: {  	[tilespmem:s5], [sflag:$0x2] =	stream.indirect_vreg.gather [hbm4b:s1+s4], $0x80, v7, vm0, $0xb8;
	[tilespmem:$0x1EE00] =	vst v63  }
0x4ab: {  	s31 =	simm.s32 $0x9A00  }
0x4ac: {  	[tilespmem:s31], [sflag:$0x2] =	stream.indirect_vreg.gather [hbm4b:s7+s4], $0x80, v7, vm1, $0xb8;
	[tilespmem:$0x1EE00] =	vst v63  }
0x4ad: {  	v7 =	vld [tilespmem:$0x920];
	_ =	sdelay $0x4  }
0x4ae: {  	v8 =	vshrl.u32 v7, $0x3  }
0x4af: {  	v8 =	vmul.u32 $0x18, v8  }
0x4b0: {  	v7 =	vand.u32 $0x7, v7  }
0x4b1: {  	v7 =	vor.u32 v7, v8  }
0x4b2: {  	v8 =	vperm.xlane v7, v4;
	_ =	sdelay $0x1  }
0x4b3: {  	v8 =	vadd.s32 v5, v8;
	_ =	sdelay $0x1  }
0x4b4: {  	v7 =	vperm.xlane v7, v6;
	_ =	sdelay $0x1  }
0x4b5: {  	s6 =	simm.s32 $0x9E00;
	v7 =	vadd.s32 v5, v7  }
0x4b6: {  	[tilespmem:s6], [sflag:$0x2] =	stream.indirect_vreg.gather [hbm4b:s1+s4], $0x80, v8, vm0, $0xb8;
	[tilespmem:$0x1EE00] =	vst v63  }
0x4b7: {  	s10 =	simm.s32 $0xA600  }
0x4b8: {  	[tilespmem:s10], [sflag:$0x2] =	stream.indirect_vreg.gather [hbm4b:s7+s4], $0x80, v8, vm1, $0xb8;
	[tilespmem:$0x1EE00] =	vst v63  }
0x4b9: {  	s11 =	simm.s32 $0xAA00  }
0x4ba: {  	[tilespmem:s11], [sflag:$0x2] =	stream.indirect_vreg.gather [hbm4b:s1+s4], $0x80, v7, vm0, $0xb8;
	[tilespmem:$0x1EE00] =	vst v63  }
0x4bb: {  	s18 =	simm.s32 $0xB200  }
0x4bc: {  	[tilespmem:s18], [sflag:$0x2] =	stream.indirect_vreg.gather [hbm4b:s7+s4], $0x80, v7, vm1, $0xb8;
	[tilespmem:$0x1EE00] =	vst v63  }
0x4bd: {  	v7 =	vld [tilespmem:$0x930];
	_ =	sdelay $0x4  }
0x4be: {  	v8 =	vshrl.u32 v7, $0x3  }
0x4bf: {  	v8 =	vmul.u32 $0x18, v8  }
0x4c0: {  	v7 =	vand.u32 $0x7, v7  }
0x4c1: {  	v7 =	vor.u32 v7, v8  }
0x4c2: {  	v8 =	vperm.xlane v7, v4;
	_ =	sdelay $0x1  }
0x4c3: {  	v8 =	vadd.s32 v5, v8;
	_ =	sdelay $0x1  }
0x4c4: {  	v7 =	vperm.xlane v7, v6;
	_ =	sdelay $0x1  }
0x4c5: {  	s20 =	simm.s32 $0xB600;
	v7 =	vadd.s32 v5, v7  }
0x4c6: {  	[tilespmem:s20], [sflag:$0x2] =	stream.indirect_vreg.gather [hbm4b:s1+s4], $0x80, v8, vm0, $0xb8;
	[tilespmem:$0x1EE00] =	vst v63  }
0x4c7: {  	s22 =	simm.s32 $0xBE00  }
0x4c8: {  	[tilespmem:s22], [sflag:$0x2] =	stream.indirect_vreg.gather [hbm4b:s7+s4], $0x80, v8, vm1, $0xb8;
	[tilespmem:$0x1EE00] =	vst v63  }
0x4c9: {  	s28 =	simm.s32 $0xC200  }
0x4ca: {  	[tilespmem:s28], [sflag:$0x2] =	stream.indirect_vreg.gather [hbm4b:s1+s4], $0x80, v7, vm0, $0xb8;
	[tilespmem:$0x1EE00] =	vst v63  }
0x4cb: {  	s3 =	simm.s32 $0xCA00;
	s11 =	simm.s32 $0x3  }
0x4cc: {  	[tilespmem:s3], [sflag:$0x2] =	stream.indirect_vreg.gather [hbm4b:s7+s4], $0x80, v7, vm1, $0xb8;
	[tilespmem:$0x1EE00] =	vst v63  }
0x4cd: {  	_ =	swait.ge [sflag:s11], $0x6000  }
0x4ce: {  	[sflag:s11] =	ssyncset.done $0x0  }
0x4cf: {  	s5 =	rddreg [dreg:$0x6];
	[sflag:s11] =	ssyncadd.s32 $0xFFFFA000  }
0x4d0: {  	[hbm4b:s5+s4] =	stream.linear.scatter [tilespmem:s17], [sflag:$0x8], $0x6000, $0x38;
	[tilespmem:$0x1EE00] =	vst v63  }
0x4d1: {  	v7 =	vld [tilespmem:$0x3C0]  }
0x4d2: {  	v8 =	vld [tilespmem:$0x3D0]  }
0x4d3: {  	v18 =	vld [tilespmem:$0x3E0];
	_ =	sdelay $0x2  }
0x4d4: {  	(xrf0) =	vadd.scan.msk.s32 $0xffff, v7  }
0x4d5: {  	(v2sf) =	vpush v14, $0xF;
	(xrf0) =	vadd.scan.msk.s32 $0xffff, v8  }
0x4d6: {  	(xrf0) =	vadd.scan.msk.s32 $0xffff, v18;
	_ =	sdelay $0x3  }
0x4d7: {  	v7, _, _ =	vpop (xrf0)  }
0x4d8: {  	(v2sf) =	vpush v7, $0xF;
	v8, _, _ =	vpop (xrf0)  }
0x4d9: {  	(v2sf) =	vpush v8, $0xF;
	v9, _, _ =	vpop (xrf0)  }
0x4da: {  	(v2sf) =	vpush v9, $0xF;
	_ =	sdelay $0x4  }
0x4db: {  	v19 =	vld [tilespmem:$0x3F0];
	_ =	sdelay $0x1  }
0x4dc: {  	s6 =	spop (v2sf)  }
0x4dd: {  	s0 =	sadd.s32 s0, s6  }
0x4de: {  	v7 =	vadd.s32 s0, v7  }
0x4df: {  	(xrf0) =	vadd.scan.msk.s32 $0xffff, v19;
	vm2 =	vlt.s32 v7, v1  }
0x4e0: {  	v7 =	vsel vm2, v7, v1  }
0x4e1: {  	v20 =	vshrl.u32 v7, $0x3  }
0x4e2: {  	v10 =	vmul.u32 $0x18, v20;
	s10 =	spop (v2sf)  }
0x4e3: {  	v21 =	vand.u32 $0x7, v7;
	s0 =	sadd.s32 s0, s10;
	s18 =	spop (v2sf)  }
0x4e4: {  	v10 =	vor.u32 v21, v10;
	v8 =	vadd.s32 s0, v8;
	s0 =	sadd.s32 s0, s18;
	s20 =	spop (v2sf)  }
0x4e5: {  	v22, _, _ =	vpop (xrf0);
	v11 =	vperm.xlane v10, v4;
	vm2 =	vlt.s32 v8, v1;
	v9 =	vadd.s32 s0, v9;
	s0 =	sadd.s32 s0, s20  }
0x4e6: {  	[tilespmem:$0x980] =	vst v7;
	v8 =	vsel vm2, v8, v1;
	vm2 =	vlt.s32 v9, v1;
	v7 =	vadd.s32 s0, v22  }
0x4e7: {  	[tilespmem:$0x990] =	vst v8;
	v8 =	vsel vm2, v9, v1;
	vm2 =	vlt.s32 v7, v1  }
0x4e8: {  	[tilespmem:$0x9A0] =	vst v8;
	v7 =	vsel vm2, v7, v1;
	v8 =	vadd.s32 v5, v11  }
0x4e9: {  	s10 =	simm.s32 $0x8;
	[tilespmem:$0x9B0] =	vst v7  }
0x4ea: {  	v7 =	vperm.xlane v10, v6;
	_ =	swait.ge [sflag:s10], $0x6000  }
0x4eb: {  	[sflag:s10] =	ssyncset.done $0x0  }
0x4ec: {  	v7 =	vadd.s32 v5, v7;
	[sflag:s10] =	ssyncadd.s32 $0xFFFFA000  }
0x4ed: {  	[tilespmem:s17], [sflag:$0x3] =	stream.indirect_vreg.gather [hbm4b:s1+s4], $0x80, v8, vm0, $0xb8;
	[tilespmem:$0x1EE00] =	vst v63  }
0x4ee: {  	s22 =	simm.s32 $0xD600  }
0x4ef: {  	[tilespmem:s22], [sflag:$0x3] =	stream.indirect_vreg.gather [hbm4b:s7+s4], $0x80, v8, vm1, $0xb8;
	[tilespmem:$0x1EE00] =	vst v63  }
0x4f0: {  	s28 =	simm.s32 $0xDA00  }
0x4f1: {  	[tilespmem:s28], [sflag:$0x3] =	stream.indirect_vreg.gather [hbm4b:s1+s4], $0x80, v7, vm0, $0xb8;
	[tilespmem:$0x1EE00] =	vst v63  }
0x4f2: {  	s3 =	simm.s32 $0xE200  }
0x4f3: {  	[tilespmem:s3], [sflag:$0x3] =	stream.indirect_vreg.gather [hbm4b:s7+s4], $0x80, v7, vm1, $0xb8;
	[tilespmem:$0x1EE00] =	vst v63  }
0x4f4: {  	v7 =	vld [tilespmem:$0x990];
	_ =	sdelay $0x4  }
0x4f5: {  	v8 =	vshrl.u32 v7, $0x3  }
0x4f6: {  	v8 =	vmul.u32 $0x18, v8  }
0x4f7: {  	v7 =	vand.u32 $0x7, v7  }
0x4f8: {  	v7 =	vor.u32 v7, v8  }
0x4f9: {  	v8 =	vperm.xlane v7, v4;
	_ =	sdelay $0x1  }
0x4fa: {  	v8 =	vadd.s32 v5, v8;
	_ =	sdelay $0x1  }
0x4fb: {  	v7 =	vperm.xlane v7, v6;
	_ =	sdelay $0x1  }
0x4fc: {  	s5 =	simm.s32 $0xE600;
	v7 =	vadd.s32 v5, v7  }
0x4fd: {  	[tilespmem:s5], [sflag:$0x3] =	stream.indirect_vreg.gather [hbm4b:s1+s4], $0x80, v8, vm0, $0xb8;
	[tilespmem:$0x1EE00] =	vst v63  }
0x4fe: {  	s6 =	simm.s32 $0xEE00  }
0x4ff: {  	[tilespmem:s6], [sflag:$0x3] =	stream.indirect_vreg.gather [hbm4b:s7+s4], $0x80, v8, vm1, $0xb8;
	[tilespmem:$0x1EE00] =	vst v63  }
0x500: {  	s18 =	simm.s32 $0xF200  }
0x501: {  	[tilespmem:s18], [sflag:$0x3] =	stream.indirect_vreg.gather [hbm4b:s1+s4], $0x80, v7, vm0, $0xb8;
	[tilespmem:$0x1EE00] =	vst v63  }
0x502: {  	s20 =	simm.s32 $0xFA00  }
0x503: {  	[tilespmem:s20], [sflag:$0x3] =	stream.indirect_vreg.gather [hbm4b:s7+s4], $0x80, v7, vm1, $0xb8;
	[tilespmem:$0x1EE00] =	vst v63  }
0x504: {  	v7 =	vld [tilespmem:$0x9A0];
	_ =	sdelay $0x4  }
0x505: {  	v8 =	vshrl.u32 v7, $0x3  }
0x506: {  	v8 =	vmul.u32 $0x18, v8  }
0x507: {  	v7 =	vand.u32 $0x7, v7  }
0x508: {  	v7 =	vor.u32 v7, v8  }
0x509: {  	v8 =	vperm.xlane v7, v4;
	_ =	sdelay $0x1  }
0x50a: {  	v8 =	vadd.s32 v5, v8;
	_ =	sdelay $0x1  }
0x50b: {  	v7 =	vperm.xlane v7, v6;
	_ =	sdelay $0x1  }
0x50c: {  	s22 =	simm.s32 $0xFE00;
	v7 =	vadd.s32 v5, v7  }
0x50d: {  	[tilespmem:s22], [sflag:$0x3] =	stream.indirect_vreg.gather [hbm4b:s1+s4], $0x80, v8, vm0, $0xb8;
	[tilespmem:$0x1EE00] =	vst v63  }
0x50e: {  	s28 =	simm.s32 $0x10600  }
0x50f: {  	[tilespmem:s28], [sflag:$0x3] =	stream.indirect_vreg.gather [hbm4b:s7+s4], $0x80, v8, vm1, $0xb8;
	[tilespmem:$0x1EE00] =	vst v63  }
0x510: {  	s3 =	simm.s32 $0x10A00  }
0x511: {  	[tilespmem:s3], [sflag:$0x3] =	stream.indirect_vreg.gather [hbm4b:s1+s4], $0x80, v7, vm0, $0xb8;
	[tilespmem:$0x1EE00] =	vst v63  }
0x512: {  	s5 =	simm.s32 $0x11200  }
0x513: {  	[tilespmem:s5], [sflag:$0x3] =	stream.indirect_vreg.gather [hbm4b:s7+s4], $0x80, v7, vm1, $0xb8;
	[tilespmem:$0x1EE00] =	vst v63  }
0x514: {  	v7 =	vld [tilespmem:$0x9B0];
	_ =	sdelay $0x4  }
0x515: {  	v8 =	vshrl.u32 v7, $0x3  }
0x516: {  	v8 =	vmul.u32 $0x18, v8  }
0x517: {  	v7 =	vand.u32 $0x7, v7  }
0x518: {  	v7 =	vor.u32 v7, v8  }
0x519: {  	v8 =	vperm.xlane v7, v4;
	_ =	sdelay $0x1  }
0x51a: {  	v8 =	vadd.s32 v5, v8;
	_ =	sdelay $0x1  }
0x51b: {  	v7 =	vperm.xlane v7, v6;
	_ =	sdelay $0x1  }
0x51c: {  	s6 =	simm.s32 $0x11600;
	v7 =	vadd.s32 v5, v7  }
0x51d: {  	[tilespmem:s6], [sflag:$0x3] =	stream.indirect_vreg.gather [hbm4b:s1+s4], $0x80, v8, vm0, $0xb8;
	[tilespmem:$0x1EE00] =	vst v63  }
0x51e: {  	s18 =	simm.s32 $0x11E00  }
0x51f: {  	[tilespmem:s18], [sflag:$0x3] =	stream.indirect_vreg.gather [hbm4b:s7+s4], $0x80, v8, vm1, $0xb8;
	[tilespmem:$0x1EE00] =	vst v63  }
0x520: {  	s20 =	simm.s32 $0x12200  }
0x521: {  	[tilespmem:s20], [sflag:$0x3] =	stream.indirect_vreg.gather [hbm4b:s1+s4], $0x80, v7, vm0, $0xb8;
	[tilespmem:$0x1EE00] =	vst v63  }
0x522: {  	s22 =	simm.s32 $0x12A00;
	s6 =	simm.s32 $0x4  }
0x523: {  	[tilespmem:s22], [sflag:$0x3] =	stream.indirect_vreg.gather [hbm4b:s7+s4], $0x80, v7, vm1, $0xb8;
	[tilespmem:$0x1EE00] =	vst v63  }
0x524: {  	_ =	swait.ge [sflag:s6], $0x6000  }
0x525: {  	[sflag:s6] =	ssyncset.done $0x0  }
0x526: {  	s28 =	rddreg [dreg:$0x7];
	[sflag:s6] =	ssyncadd.s32 $0xFFFFA000  }
0x527: {  	[hbm4b:s28+s4] =	stream.linear.scatter [tilespmem:s16], [sflag:$0x9], $0x6000, $0x38;
	[tilespmem:$0x1EE00] =	vst v63  }
0x528: {  	v7 =	vld [tilespmem:$0x400]  }
0x529: {  	v8 =	vld [tilespmem:$0x410]  }
0x52a: {  	v23 =	vld [tilespmem:$0x420];
	_ =	sdelay $0x2  }
0x52b: {  	(xrf0) =	vadd.scan.msk.s32 $0xffff, v7  }
0x52c: {  	(v2sf) =	vpush v22, $0xF;
	(xrf0) =	vadd.scan.msk.s32 $0xffff, v8  }
0x52d: {  	(xrf0) =	vadd.scan.msk.s32 $0xffff, v23;
	_ =	sdelay $0x3  }
0x52e: {  	v7, _, _ =	vpop (xrf0)  }
0x52f: {  	(v2sf) =	vpush v7, $0xF;
	v8, _, _ =	vpop (xrf0)  }
0x530: {  	(v2sf) =	vpush v8, $0xF;
	v9, _, _ =	vpop (xrf0)  }
0x531: {  	(v2sf) =	vpush v9, $0xF;
	_ =	sdelay $0x4  }
0x532: {  	v24 =	vld [tilespmem:$0x430];
	_ =	sdelay $0x1  }
0x533: {  	s3 =	spop (v2sf)  }
0x534: {  	s0 =	sadd.s32 s0, s3  }
0x535: {  	v7 =	vadd.s32 s0, v7  }
0x536: {  	(xrf0) =	vadd.scan.msk.s32 $0xffff, v24;
	vm2 =	vlt.s32 v7, v1  }
0x537: {  	v7 =	vsel vm2, v7, v1  }
0x538: {  	v25 =	vshrl.u32 v7, $0x3  }
0x539: {  	v10 =	vmul.u32 $0x18, v25;
	s5 =	spop (v2sf)  }
0x53a: {  	v26 =	vand.u32 $0x7, v7;
	s0 =	sadd.s32 s0, s5;
	s18 =	spop (v2sf)  }
0x53b: {  	v10 =	vor.u32 v26, v10;
	v8 =	vadd.s32 s0, v8;
	s0 =	sadd.s32 s0, s18;
	s20 =	spop (v2sf)  }
0x53c: {  	v27, _, _ =	vpop (xrf0);
	v11 =	vperm.xlane v10, v4;
	vm2 =	vlt.s32 v8, v1;
	v9 =	vadd.s32 s0, v9;
	s0 =	sadd.s32 s0, s20  }
0x53d: {  	[tilespmem:$0xA00] =	vst v7;
	v8 =	vsel vm2, v8, v1;
	vm2 =	vlt.s32 v9, v1;
	v7 =	vadd.s32 s0, v27  }
0x53e: {  	[tilespmem:$0xA10] =	vst v8;
	v8 =	vsel vm2, v9, v1;
	vm2 =	vlt.s32 v7, v1  }
0x53f: {  	[tilespmem:$0xA20] =	vst v8;
	v7 =	vsel vm2, v7, v1;
	v8 =	vadd.s32 v5, v11  }
0x540: {  	s5 =	simm.s32 $0x9;
	[tilespmem:$0xA30] =	vst v7  }
0x541: {  	v7 =	vperm.xlane v10, v6;
	_ =	swait.ge [sflag:s5], $0x6000  }
0x542: {  	[sflag:s5] =	ssyncset.done $0x0  }
0x543: {  	v7 =	vadd.s32 v5, v7;
	[sflag:s5] =	ssyncadd.s32 $0xFFFFA000  }
0x544: {  	[tilespmem:s16], [sflag:$0x4] =	stream.indirect_vreg.gather [hbm4b:s1+s4], $0x80, v8, vm0, $0xb8;
	[tilespmem:$0x1EE00] =	vst v63  }
0x545: {  	s22 =	simm.s32 $0x13600  }
0x546: {  	[tilespmem:s22], [sflag:$0x4] =	stream.indirect_vreg.gather [hbm4b:s7+s4], $0x80, v8, vm1, $0xb8;
	[tilespmem:$0x1EE00] =	vst v63  }
0x547: {  	s28 =	simm.s32 $0x13A00  }
0x548: {  	[tilespmem:s28], [sflag:$0x4] =	stream.indirect_vreg.gather [hbm4b:s1+s4], $0x80, v7, vm0, $0xb8;
	[tilespmem:$0x1EE00] =	vst v63  }
0x549: {  	s3 =	simm.s32 $0x14200  }
0x54a: {  	[tilespmem:s3], [sflag:$0x4] =	stream.indirect_vreg.gather [hbm4b:s7+s4], $0x80, v7, vm1, $0xb8;
	[tilespmem:$0x1EE00] =	vst v63  }
0x54b: {  	v7 =	vld [tilespmem:$0xA10];
	_ =	sdelay $0x4  }
0x54c: {  	v8 =	vshrl.u32 v7, $0x3  }
0x54d: {  	v8 =	vmul.u32 $0x18, v8  }
0x54e: {  	v7 =	vand.u32 $0x7, v7  }
0x54f: {  	v7 =	vor.u32 v7, v8  }
0x550: {  	v8 =	vperm.xlane v7, v4;
	_ =	sdelay $0x1  }
0x551: {  	v8 =	vadd.s32 v5, v8;
	_ =	sdelay $0x1  }
0x552: {  	v7 =	vperm.xlane v7, v6;
	_ =	sdelay $0x1  }
0x553: {  	s18 =	simm.s32 $0x14600;
	v7 =	vadd.s32 v5, v7  }
0x554: {  	[tilespmem:s18], [sflag:$0x4] =	stream.indirect_vreg.gather [hbm4b:s1+s4], $0x80, v8, vm0, $0xb8;
	[tilespmem:$0x1EE00] =	vst v63  }
0x555: {  	s20 =	simm.s32 $0x14E00  }
0x556: {  	[tilespmem:s20], [sflag:$0x4] =	stream.indirect_vreg.gather [hbm4b:s7+s4], $0x80, v8, vm1, $0xb8;
	[tilespmem:$0x1EE00] =	vst v63  }
0x557: {  	s22 =	simm.s32 $0x15200  }
0x558: {  	[tilespmem:s22], [sflag:$0x4] =	stream.indirect_vreg.gather [hbm4b:s1+s4], $0x80, v7, vm0, $0xb8;
	[tilespmem:$0x1EE00] =	vst v63  }
0x559: {  	s28 =	simm.s32 $0x15A00  }
0x55a: {  	[tilespmem:s28], [sflag:$0x4] =	stream.indirect_vreg.gather [hbm4b:s7+s4], $0x80, v7, vm1, $0xb8;
	[tilespmem:$0x1EE00] =	vst v63  }
0x55b: {  	v7 =	vld [tilespmem:$0xA20];
	_ =	sdelay $0x4  }
0x55c: {  	v8 =	vshrl.u32 v7, $0x3  }
0x55d: {  	v8 =	vmul.u32 $0x18, v8  }
0x55e: {  	v7 =	vand.u32 $0x7, v7  }
0x55f: {  	v7 =	vor.u32 v7, v8  }
0x560: {  	v8 =	vperm.xlane v7, v4;
	_ =	sdelay $0x1  }
0x561: {  	v8 =	vadd.s32 v5, v8;
	_ =	sdelay $0x1  }
0x562: {  	v7 =	vperm.xlane v7, v6;
	_ =	sdelay $0x1  }
0x563: {  	s3 =	simm.s32 $0x15E00;
	v7 =	vadd.s32 v5, v7  }
0x564: {  	[tilespmem:s3], [sflag:$0x4] =	stream.indirect_vreg.gather [hbm4b:s1+s4], $0x80, v8, vm0, $0xb8;
	[tilespmem:$0x1EE00] =	vst v63  }
0x565: {  	s18 =	simm.s32 $0x16600  }
0x566: {  	[tilespmem:s18], [sflag:$0x4] =	stream.indirect_vreg.gather [hbm4b:s7+s4], $0x80, v8, vm1, $0xb8;
	[tilespmem:$0x1EE00] =	vst v63  }
0x567: {  	s20 =	simm.s32 $0x16A00  }
0x568: {  	[tilespmem:s20], [sflag:$0x4] =	stream.indirect_vreg.gather [hbm4b:s1+s4], $0x80, v7, vm0, $0xb8;
	[tilespmem:$0x1EE00] =	vst v63  }
0x569: {  	s22 =	simm.s32 $0x17200  }
0x56a: {  	[tilespmem:s22], [sflag:$0x4] =	stream.indirect_vreg.gather [hbm4b:s7+s4], $0x80, v7, vm1, $0xb8;
	[tilespmem:$0x1EE00] =	vst v63  }
0x56b: {  	v7 =	vld [tilespmem:$0xA30];
	_ =	sdelay $0x4  }
0x56c: {  	v8 =	vshrl.u32 v7, $0x3  }
0x56d: {  	v8 =	vmul.u32 $0x18, v8  }
0x56e: {  	v7 =	vand.u32 $0x7, v7  }
0x56f: {  	v7 =	vor.u32 v7, v8  }
0x570: {  	v8 =	vperm.xlane v7, v4;
	_ =	sdelay $0x1  }
0x571: {  	v8 =	vadd.s32 v5, v8;
	_ =	sdelay $0x1  }
0x572: {  	v7 =	vperm.xlane v7, v6;
	_ =	sdelay $0x1  }
0x573: {  	s28 =	simm.s32 $0x17600;
	v7 =	vadd.s32 v5, v7  }
0x574: {  	[tilespmem:s28], [sflag:$0x4] =	stream.indirect_vreg.gather [hbm4b:s1+s4], $0x80, v8, vm0, $0xb8;
	[tilespmem:$0x1EE00] =	vst v63  }
0x575: {  	s3 =	simm.s32 $0x17E00  }
0x576: {  	[tilespmem:s3], [sflag:$0x4] =	stream.indirect_vreg.gather [hbm4b:s7+s4], $0x80, v8, vm1, $0xb8;
	[tilespmem:$0x1EE00] =	vst v63  }
0x577: {  	s18 =	simm.s32 $0x18200  }
0x578: {  	[tilespmem:s18], [sflag:$0x4] =	stream.indirect_vreg.gather [hbm4b:s1+s4], $0x80, v7, vm0, $0xb8;
	[tilespmem:$0x1EE00] =	vst v63  }
0x579: {  	s20 =	simm.s32 $0x18A00;
	s3 =	simm.s32 $0x5  }
0x57a: {  	[tilespmem:s20], [sflag:$0x4] =	stream.indirect_vreg.gather [hbm4b:s7+s4], $0x80, v7, vm1, $0xb8;
	[tilespmem:$0x1EE00] =	vst v63  }
0x57b: {  	_ =	swait.ge [sflag:s3], $0x6000  }
0x57c: {  	[sflag:s3] =	ssyncset.done $0x0  }
0x57d: {  	s22 =	rddreg [dreg:$0x8];
	[sflag:s3] =	ssyncadd.s32 $0xFFFFA000  }
0x57e: {  	[hbm4b:s22+s4] =	stream.linear.scatter [tilespmem:s14], [sflag:$0xA], $0x6000, $0x38;
	[tilespmem:$0x1EE00] =	vst v63  }
0x57f: {  	v7 =	vld [tilespmem:$0x440]  }
0x580: {  	v8 =	vld [tilespmem:$0x450]  }
0x581: {  	v28 =	vld [tilespmem:$0x460];
	_ =	sdelay $0x2  }
0x582: {  	(xrf0) =	vadd.scan.msk.s32 $0xffff, v7  }
0x583: {  	(v2sf) =	vpush v27, $0xF;
	(xrf0) =	vadd.scan.msk.s32 $0xffff, v8  }
0x584: {  	(xrf0) =	vadd.scan.msk.s32 $0xffff, v28;
	_ =	sdelay $0x3  }
0x585: {  	v7, _, _ =	vpop (xrf0)  }
0x586: {  	(v2sf) =	vpush v7, $0xF;
	v8, _, _ =	vpop (xrf0)  }
0x587: {  	(v2sf) =	vpush v8, $0xF;
	v9, _, _ =	vpop (xrf0)  }
0x588: {  	(v2sf) =	vpush v9, $0xF;
	_ =	sdelay $0x4  }
0x589: {  	v29 =	vld [tilespmem:$0x470];
	_ =	sdelay $0x1  }
0x58a: {  	s28 =	spop (v2sf)  }
0x58b: {  	s0 =	sadd.s32 s0, s28  }
0x58c: {  	v7 =	vadd.s32 s0, v7  }
0x58d: {  	(xrf0) =	vadd.scan.msk.s32 $0xffff, v29;
	vm2 =	vlt.s32 v7, v1  }
0x58e: {  	v7 =	vsel vm2, v7, v1  }
0x58f: {  	v30 =	vshrl.u32 v7, $0x3  }
0x590: {  	v10 =	vmul.u32 $0x18, v30;
	s18 =	spop (v2sf)  }
0x591: {  	v31 =	vand.u32 $0x7, v7;
	s0 =	sadd.s32 s0, s18;
	s20 =	spop (v2sf)  }
0x592: {  	v10 =	vor.u32 v31, v10;
	v8 =	vadd.s32 s0, v8;
	s0 =	sadd.s32 s0, s20;
	s22 =	spop (v2sf)  }
0x593: {  	v32, _, _ =	vpop (xrf0);
	v11 =	vperm.xlane v10, v4;
	vm2 =	vlt.s32 v8, v1;
	v9 =	vadd.s32 s0, v9;
	s0 =	sadd.s32 s0, s22  }
0x594: {  	[tilespmem:$0xA80] =	vst v7;
	v8 =	vsel vm2, v8, v1;
	vm2 =	vlt.s32 v9, v1;
	v7 =	vadd.s32 s0, v32  }
0x595: {  	[tilespmem:$0xA90] =	vst v8;
	v8 =	vsel vm2, v9, v1;
	vm2 =	vlt.s32 v7, v1  }
0x596: {  	[tilespmem:$0xAA0] =	vst v8;
	v7 =	vsel vm2, v7, v1;
	v8 =	vadd.s32 v5, v11  }
0x597: {  	s18 =	simm.s32 $0xA;
	[tilespmem:$0xAB0] =	vst v7  }
0x598: {  	v7 =	vperm.xlane v10, v6;
	_ =	swait.ge [sflag:s18], $0x6000  }
0x599: {  	[sflag:s18] =	ssyncset.done $0x0  }
0x59a: {  	v7 =	vadd.s32 v5, v7;
	[sflag:s18] =	ssyncadd.s32 $0xFFFFA000  }
0x59b: {  	[tilespmem:s14], [sflag:$0x5] =	stream.indirect_vreg.gather [hbm4b:s1+s4], $0x80, v8, vm0, $0xb8;
	[tilespmem:$0x1EE00] =	vst v63  }
0x59c: {  	s28 =	simm.s32 $0x19600  }
0x59d: {  	[tilespmem:s28], [sflag:$0x5] =	stream.indirect_vreg.gather [hbm4b:s7+s4], $0x80, v8, vm1, $0xb8;
	[tilespmem:$0x1EE00] =	vst v63  }
0x59e: {  	s20 =	simm.s32 $0x19A00  }
0x59f: {  	[tilespmem:s20], [sflag:$0x5] =	stream.indirect_vreg.gather [hbm4b:s1+s4], $0x80, v7, vm0, $0xb8;
	[tilespmem:$0x1EE00] =	vst v63  }
0x5a0: {  	s22 =	simm.s32 $0x1A200  }
0x5a1: {  	[tilespmem:s22], [sflag:$0x5] =	stream.indirect_vreg.gather [hbm4b:s7+s4], $0x80, v7, vm1, $0xb8;
	[tilespmem:$0x1EE00] =	vst v63  }
0x5a2: {  	v7 =	vld [tilespmem:$0xA90];
	_ =	sdelay $0x4  }
0x5a3: {  	v8 =	vshrl.u32 v7, $0x3  }
0x5a4: {  	v8 =	vmul.u32 $0x18, v8  }
0x5a5: {  	v7 =	vand.u32 $0x7, v7  }
0x5a6: {  	v7 =	vor.u32 v7, v8  }
0x5a7: {  	v8 =	vperm.xlane v7, v4;
	_ =	sdelay $0x1  }
0x5a8: {  	v8 =	vadd.s32 v5, v8;
	_ =	sdelay $0x1  }
0x5a9: {  	v7 =	vperm.xlane v7, v6;
	_ =	sdelay $0x1  }
0x5aa: {  	s28 =	simm.s32 $0x1A600;
	v7 =	vadd.s32 v5, v7  }
0x5ab: {  	[tilespmem:s28], [sflag:$0x5] =	stream.indirect_vreg.gather [hbm4b:s1+s4], $0x80, v8, vm0, $0xb8;
	[tilespmem:$0x1EE00] =	vst v63  }
0x5ac: {  	s20 =	simm.s32 $0x1AE00  }
0x5ad: {  	[tilespmem:s20], [sflag:$0x5] =	stream.indirect_vreg.gather [hbm4b:s7+s4], $0x80, v8, vm1, $0xb8;
	[tilespmem:$0x1EE00] =	vst v63  }
0x5ae: {  	s22 =	simm.s32 $0x1B200  }
0x5af: {  	[tilespmem:s22], [sflag:$0x5] =	stream.indirect_vreg.gather [hbm4b:s1+s4], $0x80, v7, vm0, $0xb8;
	[tilespmem:$0x1EE00] =	vst v63  }
0x5b0: {  	s28 =	simm.s32 $0x1BA00  }
0x5b1: {  	[tilespmem:s28], [sflag:$0x5] =	stream.indirect_vreg.gather [hbm4b:s7+s4], $0x80, v7, vm1, $0xb8;
	[tilespmem:$0x1EE00] =	vst v63  }
0x5b2: {  	v7 =	vld [tilespmem:$0xAA0];
	_ =	sdelay $0x4  }
0x5b3: {  	v8 =	vshrl.u32 v7, $0x3  }
0x5b4: {  	v8 =	vmul.u32 $0x18, v8  }
0x5b5: {  	v7 =	vand.u32 $0x7, v7  }
0x5b6: {  	v7 =	vor.u32 v7, v8  }
0x5b7: {  	v8 =	vperm.xlane v7, v4;
	_ =	sdelay $0x1  }
0x5b8: {  	v8 =	vadd.s32 v5, v8;
	_ =	sdelay $0x1  }
0x5b9: {  	v7 =	vperm.xlane v7, v6;
	_ =	sdelay $0x1  }
0x5ba: {  	s20 =	simm.s32 $0x1BE00;
	v7 =	vadd.s32 v5, v7  }
0x5bb: {  	[tilespmem:s20], [sflag:$0x5] =	stream.indirect_vreg.gather [hbm4b:s1+s4], $0x80, v8, vm0, $0xb8;
	[tilespmem:$0x1EE00] =	vst v63  }
0x5bc: {  	s22 =	simm.s32 $0x1C600  }
0x5bd: {  	[tilespmem:s22], [sflag:$0x5] =	stream.indirect_vreg.gather [hbm4b:s7+s4], $0x80, v8, vm1, $0xb8;
	[tilespmem:$0x1EE00] =	vst v63  }
0x5be: {  	s28 =	simm.s32 $0x1CA00  }
0x5bf: {  	[tilespmem:s28], [sflag:$0x5] =	stream.indirect_vreg.gather [hbm4b:s1+s4], $0x80, v7, vm0, $0xb8;
	[tilespmem:$0x1EE00] =	vst v63  }
0x5c0: {  	s20 =	simm.s32 $0x1D200  }
0x5c1: {  	[tilespmem:s20], [sflag:$0x5] =	stream.indirect_vreg.gather [hbm4b:s7+s4], $0x80, v7, vm1, $0xb8;
	[tilespmem:$0x1EE00] =	vst v63  }
0x5c2: {  	v7 =	vld [tilespmem:$0xAB0];
	_ =	sdelay $0x4  }
0x5c3: {  	v8 =	vshrl.u32 v7, $0x3  }
0x5c4: {  	v8 =	vmul.u32 $0x18, v8  }
0x5c5: {  	v7 =	vand.u32 $0x7, v7  }
0x5c6: {  	v7 =	vor.u32 v7, v8  }
0x5c7: {  	v8 =	vperm.xlane v7, v4;
	_ =	sdelay $0x1  }
0x5c8: {  	v8 =	vadd.s32 v5, v8;
	_ =	sdelay $0x1  }
0x5c9: {  	v7 =	vperm.xlane v7, v6;
	_ =	sdelay $0x1  }
0x5ca: {  	s22 =	simm.s32 $0x1D600;
	v7 =	vadd.s32 v5, v7  }
0x5cb: {  	[tilespmem:s22], [sflag:$0x5] =	stream.indirect_vreg.gather [hbm4b:s1+s4], $0x80, v8, vm0, $0xb8;
	[tilespmem:$0x1EE00] =	vst v63  }
0x5cc: {  	s28 =	simm.s32 $0x1DE00  }
0x5cd: {  	[tilespmem:s28], [sflag:$0x5] =	stream.indirect_vreg.gather [hbm4b:s7+s4], $0x80, v8, vm1, $0xb8;
	[tilespmem:$0x1EE00] =	vst v63  }
0x5ce: {  	s20 =	simm.s32 $0x1E200  }
0x5cf: {  	[tilespmem:s20], [sflag:$0x5] =	stream.indirect_vreg.gather [hbm4b:s1+s4], $0x80, v7, vm0, $0xb8;
	[tilespmem:$0x1EE00] =	vst v63  }
0x5d0: {  	s22 =	simm.s32 $0x1EA00  }
0x5d1: {  	[tilespmem:s22], [sflag:$0x5] =	stream.indirect_vreg.gather [hbm4b:s7+s4], $0x80, v7, vm1, $0xb8;
	[tilespmem:$0x1EE00] =	vst v63  }
0x5d2: {  	_ =	swait.ge [sflag:s9], $0x6000  }
0x5d3: {  	[sflag:s9] =	ssyncset.done $0x0  }
0x5d4: {  	s28 =	rddreg [dreg:$0x9];
	[sflag:s9] =	ssyncadd.s32 $0xFFFFA000  }
0x5d5: {  	[hbm4b:s28+s4] =	stream.linear.scatter [tilespmem:s15], [sflag:$0x6], $0x6000, $0x38;
	[tilespmem:$0x1EE00] =	vst v63  }
0x5d6: {  	v7 =	vld [tilespmem:$0x480]  }
0x5d7: {  	v8 =	vld [tilespmem:$0x490]  }
0x5d8: {  	v33 =	vld [tilespmem:$0x4A0];
	_ =	sdelay $0x2  }
0x5d9: {  	(xrf0) =	vadd.scan.msk.s32 $0xffff, v7  }
0x5da: {  	(v2sf) =	vpush v32, $0xF;
	(xrf0) =	vadd.scan.msk.s32 $0xffff, v8  }
0x5db: {  	(xrf0) =	vadd.scan.msk.s32 $0xffff, v33;
	_ =	sdelay $0x3  }
0x5dc: {  	v7, _, _ =	vpop (xrf0)  }
0x5dd: {  	(v2sf) =	vpush v7, $0xF;
	v8, _, _ =	vpop (xrf0)  }
0x5de: {  	(v2sf) =	vpush v8, $0xF;
	v9, _, _ =	vpop (xrf0)  }
0x5df: {  	(v2sf) =	vpush v9, $0xF;
	_ =	sdelay $0x4  }
0x5e0: {  	v34 =	vld [tilespmem:$0x4B0];
	_ =	sdelay $0x1  }
0x5e1: {  	s20 =	spop (v2sf)  }
0x5e2: {  	s0 =	sadd.s32 s0, s20  }
0x5e3: {  	v7 =	vadd.s32 s0, v7  }
0x5e4: {  	(xrf0) =	vadd.scan.msk.s32 $0xffff, v34;
	vm2 =	vlt.s32 v7, v1  }
0x5e5: {  	v7 =	vsel vm2, v7, v1  }
0x5e6: {  	v35 =	vshrl.u32 v7, $0x3  }
0x5e7: {  	v10 =	vmul.u32 $0x18, v35;
	s22 =	spop (v2sf)  }
0x5e8: {  	v36 =	vand.u32 $0x7, v7;
	s0 =	sadd.s32 s0, s22;
	s28 =	spop (v2sf)  }
0x5e9: {  	v10 =	vor.u32 v36, v10;
	v8 =	vadd.s32 s0, v8;
	s0 =	sadd.s32 s0, s28;
	s20 =	spop (v2sf)  }
0x5ea: {  	v37, _, _ =	vpop (xrf0);
	v11 =	vperm.xlane v10, v4;
	vm2 =	vlt.s32 v8, v1;
	v9 =	vadd.s32 s0, v9;
	s0 =	sadd.s32 s0, s20  }
0x5eb: {  	[tilespmem:$0xB00] =	vst v7;
	v8 =	vsel vm2, v8, v1;
	vm2 =	vlt.s32 v9, v1;
	v7 =	vadd.s32 s0, v37  }
0x5ec: {  	[tilespmem:$0xB10] =	vst v8;
	v8 =	vsel vm2, v9, v1;
	vm2 =	vlt.s32 v7, v1  }
0x5ed: {  	[tilespmem:$0xB20] =	vst v8;
	v7 =	vsel vm2, v7, v1;
	v8 =	vadd.s32 v5, v11  }
0x5ee: {  	[tilespmem:$0xB30] =	vst v7  }
0x5ef: {  	v7 =	vperm.xlane v10, v6;
	_ =	swait.ge [sflag:s8], $0x6000  }
0x5f0: {  	[sflag:s8] =	ssyncset.done $0x0  }
0x5f1: {  	v7 =	vadd.s32 v5, v7;
	[sflag:s8] =	ssyncadd.s32 $0xFFFFA000  }
0x5f2: {  	[tilespmem:s15], [sflag:$0x1] =	stream.indirect_vreg.gather [hbm4b:s1+s4], $0x80, v8, vm0, $0xb8;
	[tilespmem:$0x1EE00] =	vst v63  }
0x5f3: {  	s25 =	simm.s32 $0x1600  }
0x5f4: {  	[tilespmem:s25], [sflag:$0x1] =	stream.indirect_vreg.gather [hbm4b:s7+s4], $0x80, v8, vm1, $0xb8;
	[tilespmem:$0x1EE00] =	vst v63  }
0x5f5: {  	s26 =	simm.s32 $0x1A00  }
0x5f6: {  	[tilespmem:s26], [sflag:$0x1] =	stream.indirect_vreg.gather [hbm4b:s1+s4], $0x80, v7, vm0, $0xb8;
	[tilespmem:$0x1EE00] =	vst v63  }
0x5f7: {  	s22 =	simm.s32 $0x2200  }
0x5f8: {  	[tilespmem:s22], [sflag:$0x1] =	stream.indirect_vreg.gather [hbm4b:s7+s4], $0x80, v7, vm1, $0xb8;
	[tilespmem:$0x1EE00] =	vst v63  }
0x5f9: {  	v7 =	vld [tilespmem:$0xB10];
	_ =	sdelay $0x4  }
0x5fa: {  	v8 =	vshrl.u32 v7, $0x3  }
0x5fb: {  	v8 =	vmul.u32 $0x18, v8  }
0x5fc: {  	v7 =	vand.u32 $0x7, v7  }
0x5fd: {  	v7 =	vor.u32 v7, v8  }
0x5fe: {  	v8 =	vperm.xlane v7, v4;
	_ =	sdelay $0x1  }
0x5ff: {  	v8 =	vadd.s32 v5, v8;
	_ =	sdelay $0x1  }
0x600: {  	v7 =	vperm.xlane v7, v6;
	_ =	sdelay $0x1  }
0x601: {  	s26 =	simm.s32 $0x2600;
	v7 =	vadd.s32 v5, v7  }
0x602: {  	[tilespmem:s26], [sflag:$0x1] =	stream.indirect_vreg.gather [hbm4b:s1+s4], $0x80, v8, vm0, $0xb8;
	[tilespmem:$0x1EE00] =	vst v63  }
0x603: {  	s29 =	simm.s32 $0x2E00  }
0x604: {  	[tilespmem:s29], [sflag:$0x1] =	stream.indirect_vreg.gather [hbm4b:s7+s4], $0x80, v8, vm1, $0xb8;
	[tilespmem:$0x1EE00] =	vst v63  }
0x605: {  	s29 =	simm.s32 $0x3200  }
0x606: {  	[tilespmem:s29], [sflag:$0x1] =	stream.indirect_vreg.gather [hbm4b:s1+s4], $0x80, v7, vm0, $0xb8;
	[tilespmem:$0x1EE00] =	vst v63  }
0x607: {  	s22 =	simm.s32 $0x3A00  }
0x608: {  	[tilespmem:s22], [sflag:$0x1] =	stream.indirect_vreg.gather [hbm4b:s7+s4], $0x80, v7, vm1, $0xb8;
	[tilespmem:$0x1EE00] =	vst v63  }
0x609: {  	v7 =	vld [tilespmem:$0xB20];
	_ =	sdelay $0x4  }
0x60a: {  	v8 =	vshrl.u32 v7, $0x3  }
0x60b: {  	v8 =	vmul.u32 $0x18, v8  }
0x60c: {  	v7 =	vand.u32 $0x7, v7  }
0x60d: {  	v7 =	vor.u32 v7, v8  }
0x60e: {  	v8 =	vperm.xlane v7, v4;
	_ =	sdelay $0x1  }
0x60f: {  	v8 =	vadd.s32 v5, v8;
	_ =	sdelay $0x1  }
0x610: {  	v7 =	vperm.xlane v7, v6;
	_ =	sdelay $0x1  }
0x611: {  	s22 =	simm.s32 $0x3E00;
	v7 =	vadd.s32 v5, v7  }
0x612: {  	[tilespmem:s22], [sflag:$0x1] =	stream.indirect_vreg.gather [hbm4b:s1+s4], $0x80, v8, vm0, $0xb8;
	[tilespmem:$0x1EE00] =	vst v63  }
0x613: {  	s2 =	simm.s32 $0x4600  }
0x614: {  	[tilespmem:s2], [sflag:$0x1] =	stream.indirect_vreg.gather [hbm4b:s7+s4], $0x80, v8, vm1, $0xb8;
	[tilespmem:$0x1EE00] =	vst v63  }
0x615: {  	s2 =	simm.s32 $0x4A00  }
0x616: {  	[tilespmem:s2], [sflag:$0x1] =	stream.indirect_vreg.gather [hbm4b:s1+s4], $0x80, v7, vm0, $0xb8;
	[tilespmem:$0x1EE00] =	vst v63  }
0x617: {  	s2 =	simm.s32 $0x5200  }
0x618: {  	[tilespmem:s2], [sflag:$0x1] =	stream.indirect_vreg.gather [hbm4b:s7+s4], $0x80, v7, vm1, $0xb8;
	[tilespmem:$0x1EE00] =	vst v63  }
0x619: {  	v7 =	vld [tilespmem:$0xB30];
	_ =	sdelay $0x4  }
0x61a: {  	v8 =	vshrl.u32 v7, $0x3  }
0x61b: {  	v8 =	vmul.u32 $0x18, v8  }
0x61c: {  	v7 =	vand.u32 $0x7, v7  }
0x61d: {  	v7 =	vor.u32 v7, v8  }
0x61e: {  	v8 =	vperm.xlane v7, v4;
	_ =	sdelay $0x1  }
0x61f: {  	v8 =	vadd.s32 v5, v8;
	_ =	sdelay $0x1  }
0x620: {  	v7 =	vperm.xlane v7, v6;
	_ =	sdelay $0x1  }
0x621: {  	s2 =	simm.s32 $0x5600;
	v7 =	vadd.s32 v5, v7  }
0x622: {  	[tilespmem:s2], [sflag:$0x1] =	stream.indirect_vreg.gather [hbm4b:s1+s4], $0x80, v8, vm0, $0xb8;
	[tilespmem:$0x1EE00] =	vst v63  }
0x623: {  	s2 =	simm.s32 $0x5E00  }
0x624: {  	[tilespmem:s2], [sflag:$0x1] =	stream.indirect_vreg.gather [hbm4b:s7+s4], $0x80, v8, vm1, $0xb8;
	[tilespmem:$0x1EE00] =	vst v63  }
0x625: {  	s23 =	simm.s32 $0x6200  }
0x626: {  	[tilespmem:s23], [sflag:$0x1] =	stream.indirect_vreg.gather [hbm4b:s1+s4], $0x80, v7, vm0, $0xb8;
	[tilespmem:$0x1EE00] =	vst v63  }
0x627: {  	s23 =	simm.s32 $0x6A00  }
0x628: {  	[tilespmem:s23], [sflag:$0x1] =	stream.indirect_vreg.gather [hbm4b:s7+s4], $0x80, v7, vm1, $0xb8;
	[tilespmem:$0x1EE00] =	vst v63  }
0x629: {  	_ =	swait.ge [sflag:s13], $0x6000  }
0x62a: {  	[sflag:s13] =	ssyncset.done $0x0  }
0x62b: {  	s2 =	rddreg [dreg:$0xa];
	[sflag:s13] =	ssyncadd.s32 $0xFFFFA000  }
0x62c: {  	[hbm4b:s2+s4] =	stream.linear.scatter [tilespmem:s24], [sflag:$0x7], $0x6000, $0x38;
	[tilespmem:$0x1EE00] =	vst v63  }
0x62d: {  	v7 =	vld [tilespmem:$0x4C0]  }
0x62e: {  	v8 =	vld [tilespmem:$0x4D0]  }
0x62f: {  	v38 =	vld [tilespmem:$0x4E0];
	_ =	sdelay $0x2  }
0x630: {  	(xrf0) =	vadd.scan.msk.s32 $0xffff, v7  }
0x631: {  	(v2sf) =	vpush v37, $0xF;
	(xrf0) =	vadd.scan.msk.s32 $0xffff, v8  }
0x632: {  	(xrf0) =	vadd.scan.msk.s32 $0xffff, v38;
	_ =	sdelay $0x3  }
0x633: {  	v7, _, _ =	vpop (xrf0)  }
0x634: {  	(v2sf) =	vpush v7, $0xF;
	v8, _, _ =	vpop (xrf0)  }
0x635: {  	(v2sf) =	vpush v8, $0xF;
	v9, _, _ =	vpop (xrf0)  }
0x636: {  	(v2sf) =	vpush v9, $0xF;
	_ =	sdelay $0x4  }
0x637: {  	v39 =	vld [tilespmem:$0x4F0];
	_ =	sdelay $0x1  }
0x638: {  	s2 =	spop (v2sf)  }
0x639: {  	s0 =	sadd.s32 s0, s2  }
0x63a: {  	v7 =	vadd.s32 s0, v7  }
0x63b: {  	(xrf0) =	vadd.scan.msk.s32 $0xffff, v39;
	vm2 =	vlt.s32 v7, v1  }
0x63c: {  	v7 =	vsel vm2, v7, v1  }
0x63d: {  	v40 =	vshrl.u32 v7, $0x3  }
0x63e: {  	v10 =	vmul.u32 $0x18, v40;
	s2 =	spop (v2sf)  }
0x63f: {  	v41 =	vand.u32 $0x7, v7;
	s0 =	sadd.s32 s0, s2;
	s2 =	spop (v2sf)  }
0x640: {  	v10 =	vor.u32 v41, v10;
	v8 =	vadd.s32 s0, v8;
	s0 =	sadd.s32 s0, s2;
	s2 =	spop (v2sf)  }
0x641: {  	v42, _, _ =	vpop (xrf0);
	v11 =	vperm.xlane v10, v4;
	vm2 =	vlt.s32 v8, v1;
	v9 =	vadd.s32 s0, v9;
	s0 =	sadd.s32 s0, s2  }
0x642: {  	[tilespmem:$0xB80] =	vst v7;
	v8 =	vsel vm2, v8, v1;
	vm2 =	vlt.s32 v9, v1;
	v7 =	vadd.s32 s0, v42  }
0x643: {  	[tilespmem:$0xB90] =	vst v8;
	v8 =	vsel vm2, v9, v1;
	vm2 =	vlt.s32 v7, v1  }
0x644: {  	[tilespmem:$0xBA0] =	vst v8;
	v7 =	vsel vm2, v7, v1;
	v8 =	vadd.s32 v5, v11  }
0x645: {  	[tilespmem:$0xBB0] =	vst v7  }
0x646: {  	v7 =	vperm.xlane v10, v6;
	_ =	swait.ge [sflag:s12], $0x6000  }
0x647: {  	[sflag:s12] =	ssyncset.done $0x0  }
0x648: {  	v7 =	vadd.s32 v5, v7;
	[sflag:s12] =	ssyncadd.s32 $0xFFFFA000  }
0x649: {  	[tilespmem:s24], [sflag:$0x2] =	stream.indirect_vreg.gather [hbm4b:s1+s4], $0x80, v8, vm0, $0xb8;
	[tilespmem:$0x1EE00] =	vst v63  }
0x64a: {  	s2 =	simm.s32 $0x7600  }
0x64b: {  	[tilespmem:s2], [sflag:$0x2] =	stream.indirect_vreg.gather [hbm4b:s7+s4], $0x80, v8, vm1, $0xb8;
	[tilespmem:$0x1EE00] =	vst v63  }
0x64c: {  	s2 =	simm.s32 $0x7A00  }
0x64d: {  	[tilespmem:s2], [sflag:$0x2] =	stream.indirect_vreg.gather [hbm4b:s1+s4], $0x80, v7, vm0, $0xb8;
	[tilespmem:$0x1EE00] =	vst v63  }
0x64e: {  	s2 =	simm.s32 $0x8200  }
0x64f: {  	[tilespmem:s2], [sflag:$0x2] =	stream.indirect_vreg.gather [hbm4b:s7+s4], $0x80, v7, vm1, $0xb8;
	[tilespmem:$0x1EE00] =	vst v63  }
0x650: {  	v7 =	vld [tilespmem:$0xB90];
	_ =	sdelay $0x4  }
0x651: {  	v8 =	vshrl.u32 v7, $0x3  }
0x652: {  	v8 =	vmul.u32 $0x18, v8  }
0x653: {  	v7 =	vand.u32 $0x7, v7  }
0x654: {  	v7 =	vor.u32 v7, v8  }
0x655: {  	v8 =	vperm.xlane v7, v4;
	_ =	sdelay $0x1  }
0x656: {  	v8 =	vadd.s32 v5, v8;
	_ =	sdelay $0x1  }
0x657: {  	v7 =	vperm.xlane v7, v6;
	_ =	sdelay $0x1  }
0x658: {  	s2 =	simm.s32 $0x8600;
	v7 =	vadd.s32 v5, v7  }
0x659: {  	[tilespmem:s2], [sflag:$0x2] =	stream.indirect_vreg.gather [hbm4b:s1+s4], $0x80, v8, vm0, $0xb8;
	[tilespmem:$0x1EE00] =	vst v63  }
0x65a: {  	s2 =	simm.s32 $0x8E00  }
0x65b: {  	[tilespmem:s2], [sflag:$0x2] =	stream.indirect_vreg.gather [hbm4b:s7+s4], $0x80, v8, vm1, $0xb8;
	[tilespmem:$0x1EE00] =	vst v63  }
0x65c: {  	s2 =	simm.s32 $0x9200  }
0x65d: {  	[tilespmem:s2], [sflag:$0x2] =	stream.indirect_vreg.gather [hbm4b:s1+s4], $0x80, v7, vm0, $0xb8;
	[tilespmem:$0x1EE00] =	vst v63  }
0x65e: {  	s30 =	simm.s32 $0x9A00  }
0x65f: {  	[tilespmem:s30], [sflag:$0x2] =	stream.indirect_vreg.gather [hbm4b:s7+s4], $0x80, v7, vm1, $0xb8;
	[tilespmem:$0x1EE00] =	vst v63  }
0x660: {  	v7 =	vld [tilespmem:$0xBA0];
	_ =	sdelay $0x4  }
0x661: {  	v8 =	vshrl.u32 v7, $0x3  }
0x662: {  	v8 =	vmul.u32 $0x18, v8  }
0x663: {  	v7 =	vand.u32 $0x7, v7  }
0x664: {  	v7 =	vor.u32 v7, v8  }
0x665: {  	v8 =	vperm.xlane v7, v4;
	_ =	sdelay $0x1  }
0x666: {  	v8 =	vadd.s32 v5, v8;
	_ =	sdelay $0x1  }
0x667: {  	v7 =	vperm.xlane v7, v6;
	_ =	sdelay $0x1  }
0x668: {  	s30 =	simm.s32 $0x9E00;
	v7 =	vadd.s32 v5, v7  }
0x669: {  	[tilespmem:s30], [sflag:$0x2] =	stream.indirect_vreg.gather [hbm4b:s1+s4], $0x80, v8, vm0, $0xb8;
	[tilespmem:$0x1EE00] =	vst v63  }
0x66a: {  	s30 =	simm.s32 $0xA600  }
0x66b: {  	[tilespmem:s30], [sflag:$0x2] =	stream.indirect_vreg.gather [hbm4b:s7+s4], $0x80, v8, vm1, $0xb8;
	[tilespmem:$0x1EE00] =	vst v63  }
0x66c: {  	s30 =	simm.s32 $0xAA00  }
0x66d: {  	[tilespmem:s30], [sflag:$0x2] =	stream.indirect_vreg.gather [hbm4b:s1+s4], $0x80, v7, vm0, $0xb8;
	[tilespmem:$0x1EE00] =	vst v63  }
0x66e: {  	s31 =	simm.s32 $0xB200  }
0x66f: {  	[tilespmem:s31], [sflag:$0x2] =	stream.indirect_vreg.gather [hbm4b:s7+s4], $0x80, v7, vm1, $0xb8;
	[tilespmem:$0x1EE00] =	vst v63  }
0x670: {  	v7 =	vld [tilespmem:$0xBB0];
	_ =	sdelay $0x4  }
0x671: {  	v8 =	vshrl.u32 v7, $0x3  }
0x672: {  	v8 =	vmul.u32 $0x18, v8  }
0x673: {  	v7 =	vand.u32 $0x7, v7  }
0x674: {  	v7 =	vor.u32 v7, v8  }
0x675: {  	v8 =	vperm.xlane v7, v4;
	_ =	sdelay $0x1  }
0x676: {  	v8 =	vadd.s32 v5, v8;
	_ =	sdelay $0x1  }
0x677: {  	v7 =	vperm.xlane v7, v6;
	_ =	sdelay $0x1  }
0x678: {  	s31 =	simm.s32 $0xB600;
	v7 =	vadd.s32 v5, v7  }
0x679: {  	[tilespmem:s31], [sflag:$0x2] =	stream.indirect_vreg.gather [hbm4b:s1+s4], $0x80, v8, vm0, $0xb8;
	[tilespmem:$0x1EE00] =	vst v63  }
0x67a: {  	s30 =	simm.s32 $0xBE00  }
0x67b: {  	[tilespmem:s30], [sflag:$0x2] =	stream.indirect_vreg.gather [hbm4b:s7+s4], $0x80, v8, vm1, $0xb8;
	[tilespmem:$0x1EE00] =	vst v63  }
0x67c: {  	s31 =	simm.s32 $0xC200  }
0x67d: {  	[tilespmem:s31], [sflag:$0x2] =	stream.indirect_vreg.gather [hbm4b:s1+s4], $0x80, v7, vm0, $0xb8;
	[tilespmem:$0x1EE00] =	vst v63  }
0x67e: {  	s30 =	simm.s32 $0xCA00  }
0x67f: {  	[tilespmem:s30], [sflag:$0x2] =	stream.indirect_vreg.gather [hbm4b:s7+s4], $0x80, v7, vm1, $0xb8;
	[tilespmem:$0x1EE00] =	vst v63  }
0x680: {  	_ =	swait.ge [sflag:s11], $0x6000  }
0x681: {  	[sflag:s11] =	ssyncset.done $0x0  }
0x682: {  	s31 =	rddreg [dreg:$0xb];
	[sflag:s11] =	ssyncadd.s32 $0xFFFFA000  }
0x683: {  	[hbm4b:s31+s4] =	stream.linear.scatter [tilespmem:s17], [sflag:$0x8], $0x6000, $0x38;
	[tilespmem:$0x1EE00] =	vst v63  }
0x684: {  	v7 =	vld [tilespmem:$0x500]  }
0x685: {  	v8 =	vld [tilespmem:$0x510]  }
0x686: {  	v43 =	vld [tilespmem:$0x520];
	_ =	sdelay $0x2  }
0x687: {  	(xrf0) =	vadd.scan.msk.s32 $0xffff, v7  }
0x688: {  	(v2sf) =	vpush v42, $0xF;
	(xrf0) =	vadd.scan.msk.s32 $0xffff, v8  }
0x689: {  	(xrf0) =	vadd.scan.msk.s32 $0xffff, v43;
	_ =	sdelay $0x3  }
0x68a: {  	v7, _, _ =	vpop (xrf0)  }
0x68b: {  	(v2sf) =	vpush v7, $0xF;
	v8, _, _ =	vpop (xrf0)  }
0x68c: {  	(v2sf) =	vpush v8, $0xF;
	v9, _, _ =	vpop (xrf0)  }
0x68d: {  	(v2sf) =	vpush v9, $0xF;
	_ =	sdelay $0x4  }
0x68e: {  	v44 =	vld [tilespmem:$0x530];
	_ =	sdelay $0x1  }
0x68f: {  	s30 =	spop (v2sf)  }
0x690: {  	s0 =	sadd.s32 s0, s30  }
0x691: {  	v7 =	vadd.s32 s0, v7  }
0x692: {  	(xrf0) =	vadd.scan.msk.s32 $0xffff, v44;
	vm2 =	vlt.s32 v7, v1  }
0x693: {  	v7 =	vsel vm2, v7, v1  }
0x694: {  	v45 =	vshrl.u32 v7, $0x3  }
0x695: {  	v10 =	vmul.u32 $0x18, v45;
	s31 =	spop (v2sf)  }
0x696: {  	v46 =	vand.u32 $0x7, v7;
	s0 =	sadd.s32 s0, s31;
	s30 =	spop (v2sf)  }
0x697: {  	v10 =	vor.u32 v46, v10;
	v8 =	vadd.s32 s0, v8;
	s0 =	sadd.s32 s0, s30;
	s31 =	spop (v2sf)  }
0x698: {  	v47, _, _ =	vpop (xrf0);
	v11 =	vperm.xlane v10, v4;
	vm2 =	vlt.s32 v8, v1;
	v9 =	vadd.s32 s0, v9;
	s0 =	sadd.s32 s0, s31  }
0x699: {  	[tilespmem:$0xC00] =	vst v7;
	v8 =	vsel vm2, v8, v1;
	vm2 =	vlt.s32 v9, v1;
	v7 =	vadd.s32 s0, v47  }
0x69a: {  	[tilespmem:$0xC10] =	vst v8;
	v8 =	vsel vm2, v9, v1;
	vm2 =	vlt.s32 v7, v1  }
0x69b: {  	[tilespmem:$0xC20] =	vst v8;
	v7 =	vsel vm2, v7, v1;
	v8 =	vadd.s32 v5, v11  }
0x69c: {  	[tilespmem:$0xC30] =	vst v7  }
0x69d: {  	v7 =	vperm.xlane v10, v6;
	_ =	swait.ge [sflag:s10], $0x6000  }
0x69e: {  	[sflag:s10] =	ssyncset.done $0x0  }
0x69f: {  	v7 =	vadd.s32 v5, v7;
	[sflag:s10] =	ssyncadd.s32 $0xFFFFA000  }
0x6a0: {  	[tilespmem:s17], [sflag:$0x3] =	stream.indirect_vreg.gather [hbm4b:s1+s4], $0x80, v8, vm0, $0xb8;
	[tilespmem:$0x1EE00] =	vst v63  }
0x6a1: {  	s30 =	simm.s32 $0xD600  }
0x6a2: {  	[tilespmem:s30], [sflag:$0x3] =	stream.indirect_vreg.gather [hbm4b:s7+s4], $0x80, v8, vm1, $0xb8;
	[tilespmem:$0x1EE00] =	vst v63  }
0x6a3: {  	s31 =	simm.s32 $0xDA00  }
0x6a4: {  	[tilespmem:s31], [sflag:$0x3] =	stream.indirect_vreg.gather [hbm4b:s1+s4], $0x80, v7, vm0, $0xb8;
	[tilespmem:$0x1EE00] =	vst v63  }
0x6a5: {  	s30 =	simm.s32 $0xE200  }
0x6a6: {  	[tilespmem:s30], [sflag:$0x3] =	stream.indirect_vreg.gather [hbm4b:s7+s4], $0x80, v7, vm1, $0xb8;
	[tilespmem:$0x1EE00] =	vst v63  }
0x6a7: {  	v7 =	vld [tilespmem:$0xC10];
	_ =	sdelay $0x4  }
0x6a8: {  	v8 =	vshrl.u32 v7, $0x3  }
0x6a9: {  	v8 =	vmul.u32 $0x18, v8  }
0x6aa: {  	v7 =	vand.u32 $0x7, v7  }
0x6ab: {  	v7 =	vor.u32 v7, v8  }
0x6ac: {  	v8 =	vperm.xlane v7, v4;
	_ =	sdelay $0x1  }
0x6ad: {  	v8 =	vadd.s32 v5, v8;
	_ =	sdelay $0x1  }
0x6ae: {  	v7 =	vperm.xlane v7, v6;
	_ =	sdelay $0x1  }
0x6af: {  	s31 =	simm.s32 $0xE600;
	v7 =	vadd.s32 v5, v7  }
0x6b0: {  	[tilespmem:s31], [sflag:$0x3] =	stream.indirect_vreg.gather [hbm4b:s1+s4], $0x80, v8, vm0, $0xb8;
	[tilespmem:$0x1EE00] =	vst v63  }
0x6b1: {  	s30 =	simm.s32 $0xEE00  }
0x6b2: {  	[tilespmem:s30], [sflag:$0x3] =	stream.indirect_vreg.gather [hbm4b:s7+s4], $0x80, v8, vm1, $0xb8;
	[tilespmem:$0x1EE00] =	vst v63  }
0x6b3: {  	s31 =	simm.s32 $0xF200  }
0x6b4: {  	[tilespmem:s31], [sflag:$0x3] =	stream.indirect_vreg.gather [hbm4b:s1+s4], $0x80, v7, vm0, $0xb8;
	[tilespmem:$0x1EE00] =	vst v63  }
0x6b5: {  	s30 =	simm.s32 $0xFA00  }
0x6b6: {  	[tilespmem:s30], [sflag:$0x3] =	stream.indirect_vreg.gather [hbm4b:s7+s4], $0x80, v7, vm1, $0xb8;
	[tilespmem:$0x1EE00] =	vst v63  }
0x6b7: {  	v7 =	vld [tilespmem:$0xC20];
	_ =	sdelay $0x4  }
0x6b8: {  	v8 =	vshrl.u32 v7, $0x3  }
0x6b9: {  	v8 =	vmul.u32 $0x18, v8  }
0x6ba: {  	v7 =	vand.u32 $0x7, v7  }
0x6bb: {  	v7 =	vor.u32 v7, v8  }
0x6bc: {  	v8 =	vperm.xlane v7, v4;
	_ =	sdelay $0x1  }
0x6bd: {  	v8 =	vadd.s32 v5, v8;
	_ =	sdelay $0x1  }
0x6be: {  	v7 =	vperm.xlane v7, v6;
	_ =	sdelay $0x1  }
0x6bf: {  	s31 =	simm.s32 $0xFE00;
	v7 =	vadd.s32 v5, v7  }
0x6c0: {  	[tilespmem:s31], [sflag:$0x3] =	stream.indirect_vreg.gather [hbm4b:s1+s4], $0x80, v8, vm0, $0xb8;
	[tilespmem:$0x1EE00] =	vst v63  }
0x6c1: {  	s30 =	simm.s32 $0x10600  }
0x6c2: {  	[tilespmem:s30], [sflag:$0x3] =	stream.indirect_vreg.gather [hbm4b:s7+s4], $0x80, v8, vm1, $0xb8;
	[tilespmem:$0x1EE00] =	vst v63  }
0x6c3: {  	s31 =	simm.s32 $0x10A00  }
0x6c4: {  	[tilespmem:s31], [sflag:$0x3] =	stream.indirect_vreg.gather [hbm4b:s1+s4], $0x80, v7, vm0, $0xb8;
	[tilespmem:$0x1EE00] =	vst v63  }
0x6c5: {  	s30 =	simm.s32 $0x11200  }
0x6c6: {  	[tilespmem:s30], [sflag:$0x3] =	stream.indirect_vreg.gather [hbm4b:s7+s4], $0x80, v7, vm1, $0xb8;
	[tilespmem:$0x1EE00] =	vst v63  }
0x6c7: {  	v7 =	vld [tilespmem:$0xC30];
	_ =	sdelay $0x4  }
0x6c8: {  	v8 =	vshrl.u32 v7, $0x3  }
0x6c9: {  	v8 =	vmul.u32 $0x18, v8  }
0x6ca: {  	v7 =	vand.u32 $0x7, v7  }
0x6cb: {  	v7 =	vor.u32 v7, v8  }
0x6cc: {  	v8 =	vperm.xlane v7, v4;
	_ =	sdelay $0x1  }
0x6cd: {  	v8 =	vadd.s32 v5, v8;
	_ =	sdelay $0x1  }
0x6ce: {  	v7 =	vperm.xlane v7, v6;
	_ =	sdelay $0x1  }
0x6cf: {  	s31 =	simm.s32 $0x11600;
	v7 =	vadd.s32 v5, v7  }
0x6d0: {  	[tilespmem:s31], [sflag:$0x3] =	stream.indirect_vreg.gather [hbm4b:s1+s4], $0x80, v8, vm0, $0xb8;
	[tilespmem:$0x1EE00] =	vst v63  }
0x6d1: {  	s30 =	simm.s32 $0x11E00  }
0x6d2: {  	[tilespmem:s30], [sflag:$0x3] =	stream.indirect_vreg.gather [hbm4b:s7+s4], $0x80, v8, vm1, $0xb8;
	[tilespmem:$0x1EE00] =	vst v63  }
0x6d3: {  	s31 =	simm.s32 $0x12200  }
0x6d4: {  	[tilespmem:s31], [sflag:$0x3] =	stream.indirect_vreg.gather [hbm4b:s1+s4], $0x80, v7, vm0, $0xb8;
	[tilespmem:$0x1EE00] =	vst v63  }
0x6d5: {  	s30 =	simm.s32 $0x12A00  }
0x6d6: {  	[tilespmem:s30], [sflag:$0x3] =	stream.indirect_vreg.gather [hbm4b:s7+s4], $0x80, v7, vm1, $0xb8;
	[tilespmem:$0x1EE00] =	vst v63  }
0x6d7: {  	_ =	swait.ge [sflag:s6], $0x6000  }
0x6d8: {  	[sflag:s6] =	ssyncset.done $0x0  }
0x6d9: {  	s31 =	rddreg [dreg:$0xc];
	[sflag:s6] =	ssyncadd.s32 $0xFFFFA000  }
0x6da: {  	[hbm4b:s31+s4] =	stream.linear.scatter [tilespmem:s16], [sflag:$0x9], $0x6000, $0x38;
	[tilespmem:$0x1EE00] =	vst v63  }
0x6db: {  	v7 =	vld [tilespmem:$0x540]  }
0x6dc: {  	v8 =	vld [tilespmem:$0x550]  }
0x6dd: {  	v48 =	vld [tilespmem:$0x560];
	_ =	sdelay $0x2  }
0x6de: {  	(xrf0) =	vadd.scan.msk.s32 $0xffff, v7  }
0x6df: {  	(v2sf) =	vpush v47, $0xF;
	(xrf0) =	vadd.scan.msk.s32 $0xffff, v8  }
0x6e0: {  	(xrf0) =	vadd.scan.msk.s32 $0xffff, v48;
	_ =	sdelay $0x3  }
0x6e1: {  	v7, _, _ =	vpop (xrf0)  }
0x6e2: {  	(v2sf) =	vpush v7, $0xF;
	v8, _, _ =	vpop (xrf0)  }
0x6e3: {  	(v2sf) =	vpush v8, $0xF;
	v9, _, _ =	vpop (xrf0)  }
0x6e4: {  	(v2sf) =	vpush v9, $0xF;
	_ =	sdelay $0x4  }
0x6e5: {  	v49 =	vld [tilespmem:$0x570];
	_ =	sdelay $0x1  }
0x6e6: {  	s30 =	spop (v2sf)  }
0x6e7: {  	s0 =	sadd.s32 s0, s30  }
0x6e8: {  	v7 =	vadd.s32 s0, v7  }
0x6e9: {  	(xrf0) =	vadd.scan.msk.s32 $0xffff, v49;
	vm2 =	vlt.s32 v7, v1  }
0x6ea: {  	v7 =	vsel vm2, v7, v1  }
0x6eb: {  	v50 =	vshrl.u32 v7, $0x3  }
0x6ec: {  	v10 =	vmul.u32 $0x18, v50;
	s31 =	spop (v2sf)  }
0x6ed: {  	v51 =	vand.u32 $0x7, v7;
	s0 =	sadd.s32 s0, s31;
	s30 =	spop (v2sf)  }
0x6ee: {  	v10 =	vor.u32 v51, v10;
	v8 =	vadd.s32 s0, v8;
	s0 =	sadd.s32 s0, s30;
	s31 =	spop (v2sf)  }
0x6ef: {  	v52, _, _ =	vpop (xrf0);
	v11 =	vperm.xlane v10, v4;
	vm2 =	vlt.s32 v8, v1;
	v9 =	vadd.s32 s0, v9;
	s0 =	sadd.s32 s0, s31  }
0x6f0: {  	[tilespmem:$0xC80] =	vst v7;
	v8 =	vsel vm2, v8, v1;
	vm2 =	vlt.s32 v9, v1;
	v7 =	vadd.s32 s0, v52  }
0x6f1: {  	[tilespmem:$0xC90] =	vst v8;
	v8 =	vsel vm2, v9, v1;
	vm2 =	vlt.s32 v7, v1  }
0x6f2: {  	[tilespmem:$0xCA0] =	vst v8;
	v7 =	vsel vm2, v7, v1;
	v8 =	vadd.s32 v5, v11  }
0x6f3: {  	[tilespmem:$0xCB0] =	vst v7  }
0x6f4: {  	v7 =	vperm.xlane v10, v6;
	_ =	swait.ge [sflag:s5], $0x6000  }
0x6f5: {  	[sflag:s5] =	ssyncset.done $0x0  }
0x6f6: {  	v7 =	vadd.s32 v5, v7;
	[sflag:s5] =	ssyncadd.s32 $0xFFFFA000  }
0x6f7: {  	[tilespmem:s16], [sflag:$0x4] =	stream.indirect_vreg.gather [hbm4b:s1+s4], $0x80, v8, vm0, $0xb8;
	[tilespmem:$0x1EE00] =	vst v63  }
0x6f8: {  	s30 =	simm.s32 $0x13600  }
0x6f9: {  	[tilespmem:s30], [sflag:$0x4] =	stream.indirect_vreg.gather [hbm4b:s7+s4], $0x80, v8, vm1, $0xb8;
	[tilespmem:$0x1EE00] =	vst v63  }
0x6fa: {  	s31 =	simm.s32 $0x13A00  }
0x6fb: {  	[tilespmem:s31], [sflag:$0x4] =	stream.indirect_vreg.gather [hbm4b:s1+s4], $0x80, v7, vm0, $0xb8;
	[tilespmem:$0x1EE00] =	vst v63  }
0x6fc: {  	s30 =	simm.s32 $0x14200  }
0x6fd: {  	[tilespmem:s30], [sflag:$0x4] =	stream.indirect_vreg.gather [hbm4b:s7+s4], $0x80, v7, vm1, $0xb8;
	[tilespmem:$0x1EE00] =	vst v63  }
0x6fe: {  	v7 =	vld [tilespmem:$0xC90];
	_ =	sdelay $0x4  }
0x6ff: {  	v8 =	vshrl.u32 v7, $0x3  }
0x700: {  	v8 =	vmul.u32 $0x18, v8  }
0x701: {  	v7 =	vand.u32 $0x7, v7  }
0x702: {  	v7 =	vor.u32 v7, v8  }
0x703: {  	v8 =	vperm.xlane v7, v4;
	_ =	sdelay $0x1  }
0x704: {  	v8 =	vadd.s32 v5, v8;
	_ =	sdelay $0x1  }
0x705: {  	v7 =	vperm.xlane v7, v6;
	_ =	sdelay $0x1  }
0x706: {  	s31 =	simm.s32 $0x14600;
	v7 =	vadd.s32 v5, v7  }
0x707: {  	[tilespmem:s31], [sflag:$0x4] =	stream.indirect_vreg.gather [hbm4b:s1+s4], $0x80, v8, vm0, $0xb8;
	[tilespmem:$0x1EE00] =	vst v63  }
0x708: {  	s30 =	simm.s32 $0x14E00  }
0x709: {  	[tilespmem:s30], [sflag:$0x4] =	stream.indirect_vreg.gather [hbm4b:s7+s4], $0x80, v8, vm1, $0xb8;
	[tilespmem:$0x1EE00] =	vst v63  }
0x70a: {  	s31 =	simm.s32 $0x15200  }
0x70b: {  	[tilespmem:s31], [sflag:$0x4] =	stream.indirect_vreg.gather [hbm4b:s1+s4], $0x80, v7, vm0, $0xb8;
	[tilespmem:$0x1EE00] =	vst v63  }
0x70c: {  	s30 =	simm.s32 $0x15A00  }
0x70d: {  	[tilespmem:s30], [sflag:$0x4] =	stream.indirect_vreg.gather [hbm4b:s7+s4], $0x80, v7, vm1, $0xb8;
	[tilespmem:$0x1EE00] =	vst v63  }
0x70e: {  	v7 =	vld [tilespmem:$0xCA0];
	_ =	sdelay $0x4  }
0x70f: {  	v8 =	vshrl.u32 v7, $0x3  }
0x710: {  	v8 =	vmul.u32 $0x18, v8  }
0x711: {  	v7 =	vand.u32 $0x7, v7  }
0x712: {  	v7 =	vor.u32 v7, v8  }
0x713: {  	v8 =	vperm.xlane v7, v4;
	_ =	sdelay $0x1  }
0x714: {  	v8 =	vadd.s32 v5, v8;
	_ =	sdelay $0x1  }
0x715: {  	v7 =	vperm.xlane v7, v6;
	_ =	sdelay $0x1  }
0x716: {  	s31 =	simm.s32 $0x15E00;
	v7 =	vadd.s32 v5, v7  }
0x717: {  	[tilespmem:s31], [sflag:$0x4] =	stream.indirect_vreg.gather [hbm4b:s1+s4], $0x80, v8, vm0, $0xb8;
	[tilespmem:$0x1EE00] =	vst v63  }
0x718: {  	s30 =	simm.s32 $0x16600  }
0x719: {  	[tilespmem:s30], [sflag:$0x4] =	stream.indirect_vreg.gather [hbm4b:s7+s4], $0x80, v8, vm1, $0xb8;
	[tilespmem:$0x1EE00] =	vst v63  }
0x71a: {  	s31 =	simm.s32 $0x16A00  }
0x71b: {  	[tilespmem:s31], [sflag:$0x4] =	stream.indirect_vreg.gather [hbm4b:s1+s4], $0x80, v7, vm0, $0xb8;
	[tilespmem:$0x1EE00] =	vst v63  }
0x71c: {  	s30 =	simm.s32 $0x17200  }
0x71d: {  	[tilespmem:s30], [sflag:$0x4] =	stream.indirect_vreg.gather [hbm4b:s7+s4], $0x80, v7, vm1, $0xb8;
	[tilespmem:$0x1EE00] =	vst v63  }
0x71e: {  	v7 =	vld [tilespmem:$0xCB0];
	_ =	sdelay $0x4  }
0x71f: {  	v8 =	vshrl.u32 v7, $0x3  }
0x720: {  	v8 =	vmul.u32 $0x18, v8  }
0x721: {  	v7 =	vand.u32 $0x7, v7  }
0x722: {  	v7 =	vor.u32 v7, v8  }
0x723: {  	v8 =	vperm.xlane v7, v4;
	_ =	sdelay $0x1  }
0x724: {  	v8 =	vadd.s32 v5, v8;
	_ =	sdelay $0x1  }
0x725: {  	v7 =	vperm.xlane v7, v6;
	_ =	sdelay $0x1  }
0x726: {  	s31 =	simm.s32 $0x17600;
	v7 =	vadd.s32 v5, v7  }
0x727: {  	[tilespmem:s31], [sflag:$0x4] =	stream.indirect_vreg.gather [hbm4b:s1+s4], $0x80, v8, vm0, $0xb8;
	[tilespmem:$0x1EE00] =	vst v63  }
0x728: {  	s30 =	simm.s32 $0x17E00  }
0x729: {  	[tilespmem:s30], [sflag:$0x4] =	stream.indirect_vreg.gather [hbm4b:s7+s4], $0x80, v8, vm1, $0xb8;
	[tilespmem:$0x1EE00] =	vst v63  }
0x72a: {  	s31 =	simm.s32 $0x18200  }
0x72b: {  	[tilespmem:s31], [sflag:$0x4] =	stream.indirect_vreg.gather [hbm4b:s1+s4], $0x80, v7, vm0, $0xb8;
	[tilespmem:$0x1EE00] =	vst v63  }
0x72c: {  	s30 =	simm.s32 $0x18A00  }
0x72d: {  	[tilespmem:s30], [sflag:$0x4] =	stream.indirect_vreg.gather [hbm4b:s7+s4], $0x80, v7, vm1, $0xb8;
	[tilespmem:$0x1EE00] =	vst v63  }
0x72e: {  	_ =	swait.ge [sflag:s3], $0x6000  }
0x72f: {  	[sflag:s3] =	ssyncset.done $0x0  }
0x730: {  	s31 =	rddreg [dreg:$0xd];
	[sflag:s3] =	ssyncadd.s32 $0xFFFFA000  }
0x731: {  	[hbm4b:s31+s4] =	stream.linear.scatter [tilespmem:s14], [sflag:$0xA], $0x6000, $0x38;
	[tilespmem:$0x1EE00] =	vst v63  }
0x732: {  	v7 =	vld [tilespmem:$0x580]  }
0x733: {  	v8 =	vld [tilespmem:$0x590]  }
0x734: {  	v53 =	vld [tilespmem:$0x5A0];
	_ =	sdelay $0x2  }
0x735: {  	(xrf0) =	vadd.scan.msk.s32 $0xffff, v7  }
0x736: {  	(v2sf) =	vpush v52, $0xF;
	(xrf0) =	vadd.scan.msk.s32 $0xffff, v8  }
0x737: {  	(xrf0) =	vadd.scan.msk.s32 $0xffff, v53;
	_ =	sdelay $0x3  }
0x738: {  	v7, _, _ =	vpop (xrf0)  }
0x739: {  	(v2sf) =	vpush v7, $0xF;
	v8, _, _ =	vpop (xrf0)  }
0x73a: {  	(v2sf) =	vpush v8, $0xF;
	v9, _, _ =	vpop (xrf0)  }
0x73b: {  	(v2sf) =	vpush v9, $0xF;
	_ =	sdelay $0x4  }
0x73c: {  	v54 =	vld [tilespmem:$0x5B0];
	_ =	sdelay $0x1  }
0x73d: {  	s30 =	spop (v2sf)  }
0x73e: {  	s0 =	sadd.s32 s0, s30  }
0x73f: {  	v7 =	vadd.s32 s0, v7  }
0x740: {  	(xrf0) =	vadd.scan.msk.s32 $0xffff, v54;
	vm2 =	vlt.s32 v7, v1  }
0x741: {  	v7 =	vsel vm2, v7, v1  }
0x742: {  	v55 =	vshrl.u32 v7, $0x3  }
0x743: {  	v10 =	vmul.u32 $0x18, v55;
	s31 =	spop (v2sf)  }
0x744: {  	v56 =	vand.u32 $0x7, v7;
	s0 =	sadd.s32 s0, s31;
	s30 =	spop (v2sf)  }
0x745: {  	v10 =	vor.u32 v56, v10;
	v8 =	vadd.s32 s0, v8;
	s0 =	sadd.s32 s0, s30;
	s31 =	spop (v2sf)  }
0x746: {  	v57, _, _ =	vpop (xrf0);
	v11 =	vperm.xlane v10, v4;
	vm2 =	vlt.s32 v8, v1;
	v9 =	vadd.s32 s0, v9;
	s0 =	sadd.s32 s0, s31  }
0x747: {  	[tilespmem:$0xD00] =	vst v7;
	v8 =	vsel vm2, v8, v1;
	vm2 =	vlt.s32 v9, v1;
	v7 =	vadd.s32 s0, v57  }
0x748: {  	[tilespmem:$0xD10] =	vst v8;
	v8 =	vsel vm2, v9, v1;
	vm2 =	vlt.s32 v7, v1  }
0x749: {  	[tilespmem:$0xD20] =	vst v8;
	v7 =	vsel vm2, v7, v1;
	v8 =	vadd.s32 v5, v11  }
0x74a: {  	[tilespmem:$0xD30] =	vst v7  }
0x74b: {  	v7 =	vperm.xlane v10, v6;
	_ =	swait.ge [sflag:s18], $0x6000  }
0x74c: {  	[sflag:s18] =	ssyncset.done $0x0  }
0x74d: {  	v7 =	vadd.s32 v5, v7;
	[sflag:s18] =	ssyncadd.s32 $0xFFFFA000  }
0x74e: {  	[tilespmem:s14], [sflag:$0x5] =	stream.indirect_vreg.gather [hbm4b:s1+s4], $0x80, v8, vm0, $0xb8;
	[tilespmem:$0x1EE00] =	vst v63  }
0x74f: {  	s30 =	simm.s32 $0x19600  }
0x750: {  	[tilespmem:s30], [sflag:$0x5] =	stream.indirect_vreg.gather [hbm4b:s7+s4], $0x80, v8, vm1, $0xb8;
	[tilespmem:$0x1EE00] =	vst v63  }
0x751: {  	s31 =	simm.s32 $0x19A00  }
0x752: {  	[tilespmem:s31], [sflag:$0x5] =	stream.indirect_vreg.gather [hbm4b:s1+s4], $0x80, v7, vm0, $0xb8;
	[tilespmem:$0x1EE00] =	vst v63  }
0x753: {  	s30 =	simm.s32 $0x1A200  }
0x754: {  	[tilespmem:s30], [sflag:$0x5] =	stream.indirect_vreg.gather [hbm4b:s7+s4], $0x80, v7, vm1, $0xb8;
	[tilespmem:$0x1EE00] =	vst v63  }
0x755: {  	v7 =	vld [tilespmem:$0xD10];
	_ =	sdelay $0x4  }
0x756: {  	v8 =	vshrl.u32 v7, $0x3  }
0x757: {  	v8 =	vmul.u32 $0x18, v8  }
0x758: {  	v7 =	vand.u32 $0x7, v7  }
0x759: {  	v7 =	vor.u32 v7, v8  }
0x75a: {  	v8 =	vperm.xlane v7, v4;
	_ =	sdelay $0x1  }
0x75b: {  	v8 =	vadd.s32 v5, v8;
	_ =	sdelay $0x1  }
0x75c: {  	v7 =	vperm.xlane v7, v6;
	_ =	sdelay $0x1  }
0x75d: {  	s31 =	simm.s32 $0x1A600;
	v7 =	vadd.s32 v5, v7  }
0x75e: {  	[tilespmem:s31], [sflag:$0x5] =	stream.indirect_vreg.gather [hbm4b:s1+s4], $0x80, v8, vm0, $0xb8;
	[tilespmem:$0x1EE00] =	vst v63  }
0x75f: {  	s30 =	simm.s32 $0x1AE00  }
0x760: {  	[tilespmem:s30], [sflag:$0x5] =	stream.indirect_vreg.gather [hbm4b:s7+s4], $0x80, v8, vm1, $0xb8;
	[tilespmem:$0x1EE00] =	vst v63  }
0x761: {  	s31 =	simm.s32 $0x1B200  }
0x762: {  	[tilespmem:s31], [sflag:$0x5] =	stream.indirect_vreg.gather [hbm4b:s1+s4], $0x80, v7, vm0, $0xb8;
	[tilespmem:$0x1EE00] =	vst v63  }
0x763: {  	s30 =	simm.s32 $0x1BA00  }
0x764: {  	[tilespmem:s30], [sflag:$0x5] =	stream.indirect_vreg.gather [hbm4b:s7+s4], $0x80, v7, vm1, $0xb8;
	[tilespmem:$0x1EE00] =	vst v63  }
0x765: {  	v7 =	vld [tilespmem:$0xD20];
	_ =	sdelay $0x4  }
0x766: {  	v8 =	vshrl.u32 v7, $0x3  }
0x767: {  	v8 =	vmul.u32 $0x18, v8  }
0x768: {  	v7 =	vand.u32 $0x7, v7  }
0x769: {  	v7 =	vor.u32 v7, v8  }
0x76a: {  	v8 =	vperm.xlane v7, v4;
	_ =	sdelay $0x1  }
0x76b: {  	v8 =	vadd.s32 v5, v8;
	_ =	sdelay $0x1  }
0x76c: {  	v7 =	vperm.xlane v7, v6;
	_ =	sdelay $0x1  }
0x76d: {  	s31 =	simm.s32 $0x1BE00;
	v7 =	vadd.s32 v5, v7  }
0x76e: {  	[tilespmem:s31], [sflag:$0x5] =	stream.indirect_vreg.gather [hbm4b:s1+s4], $0x80, v8, vm0, $0xb8;
	[tilespmem:$0x1EE00] =	vst v63  }
0x76f: {  	s30 =	simm.s32 $0x1C600  }
0x770: {  	[tilespmem:s30], [sflag:$0x5] =	stream.indirect_vreg.gather [hbm4b:s7+s4], $0x80, v8, vm1, $0xb8;
	[tilespmem:$0x1EE00] =	vst v63  }
0x771: {  	s31 =	simm.s32 $0x1CA00  }
0x772: {  	[tilespmem:s31], [sflag:$0x5] =	stream.indirect_vreg.gather [hbm4b:s1+s4], $0x80, v7, vm0, $0xb8;
	[tilespmem:$0x1EE00] =	vst v63  }
0x773: {  	s30 =	simm.s32 $0x1D200  }
0x774: {  	[tilespmem:s30], [sflag:$0x5] =	stream.indirect_vreg.gather [hbm4b:s7+s4], $0x80, v7, vm1, $0xb8;
	[tilespmem:$0x1EE00] =	vst v63  }
0x775: {  	v7 =	vld [tilespmem:$0xD30];
	_ =	sdelay $0x4  }
0x776: {  	v8 =	vshrl.u32 v7, $0x3  }
0x777: {  	v8 =	vmul.u32 $0x18, v8  }
0x778: {  	v7 =	vand.u32 $0x7, v7  }
0x779: {  	v7 =	vor.u32 v7, v8  }
0x77a: {  	v8 =	vperm.xlane v7, v4;
	_ =	sdelay $0x1  }
0x77b: {  	v8 =	vadd.s32 v5, v8;
	_ =	sdelay $0x1  }
0x77c: {  	v7 =	vperm.xlane v7, v6;
	_ =	sdelay $0x1  }
0x77d: {  	s31 =	simm.s32 $0x1D600;
	v7 =	vadd.s32 v5, v7  }
0x77e: {  	[tilespmem:s31], [sflag:$0x5] =	stream.indirect_vreg.gather [hbm4b:s1+s4], $0x80, v8, vm0, $0xb8;
	[tilespmem:$0x1EE00] =	vst v63  }
0x77f: {  	s30 =	simm.s32 $0x1DE00  }
0x780: {  	[tilespmem:s30], [sflag:$0x5] =	stream.indirect_vreg.gather [hbm4b:s7+s4], $0x80, v8, vm1, $0xb8;
	[tilespmem:$0x1EE00] =	vst v63  }
0x781: {  	s31 =	simm.s32 $0x1E200  }
0x782: {  	[tilespmem:s31], [sflag:$0x5] =	stream.indirect_vreg.gather [hbm4b:s1+s4], $0x80, v7, vm0, $0xb8;
	[tilespmem:$0x1EE00] =	vst v63  }
0x783: {  	s30 =	simm.s32 $0x1EA00  }
0x784: {  	[tilespmem:s30], [sflag:$0x5] =	stream.indirect_vreg.gather [hbm4b:s7+s4], $0x80, v7, vm1, $0xb8;
	[tilespmem:$0x1EE00] =	vst v63  }
0x785: {  	_ =	swait.ge [sflag:s9], $0x6000  }
0x786: {  	[sflag:s9] =	ssyncset.done $0x0  }
0x787: {  	s31 =	rddreg [dreg:$0xe];
	[sflag:s9] =	ssyncadd.s32 $0xFFFFA000  }
0x788: {  	[hbm4b:s31+s4] =	stream.linear.scatter [tilespmem:s15], [sflag:$0x6], $0x6000, $0x38;
	[tilespmem:$0x1EE00] =	vst v63  }
0x789: {  	v7 =	vld [tilespmem:$0x5C0]  }
0x78a: {  	v8 =	vld [tilespmem:$0x5D0]  }
0x78b: {  	v58 =	vld [tilespmem:$0x5E0];
	_ =	sdelay $0x2  }
0x78c: {  	(xrf0) =	vadd.scan.msk.s32 $0xffff, v7  }
0x78d: {  	(v2sf) =	vpush v57, $0xF;
	(xrf0) =	vadd.scan.msk.s32 $0xffff, v8  }
0x78e: {  	(xrf0) =	vadd.scan.msk.s32 $0xffff, v58;
	_ =	sdelay $0x3  }
0x78f: {  	v7, _, _ =	vpop (xrf0)  }
0x790: {  	(v2sf) =	vpush v7, $0xF;
	v8, _, _ =	vpop (xrf0)  }
0x791: {  	(v2sf) =	vpush v8, $0xF;
	v9, _, _ =	vpop (xrf0)  }
0x792: {  	(v2sf) =	vpush v9, $0xF;
	_ =	sdelay $0x4  }
0x793: {  	v59 =	vld [tilespmem:$0x5F0];
	_ =	sdelay $0x1  }
0x794: {  	s30 =	spop (v2sf)  }
0x795: {  	s0 =	sadd.s32 s0, s30  }
0x796: {  	v7 =	vadd.s32 s0, v7  }
0x797: {  	(xrf0) =	vadd.scan.msk.s32 $0xffff, v59;
	vm2 =	vlt.s32 v7, v1  }
0x798: {  	v7 =	vsel vm2, v7, v1  }
0x799: {  	v60 =	vshrl.u32 v7, $0x3  }
0x79a: {  	v10 =	vmul.u32 $0x18, v60;
	s31 =	spop (v2sf)  }
0x79b: {  	v61 =	vand.u32 $0x7, v7;
	s0 =	sadd.s32 s0, s31;
	s30 =	spop (v2sf)  }
0x79c: {  	v10 =	vor.u32 v61, v10;
	v8 =	vadd.s32 s0, v8;
	s0 =	sadd.s32 s0, s30;
	s31 =	spop (v2sf)  }
0x79d: {  	v62, _, _ =	vpop (xrf0);
	v63 =	vperm.xlane v10, v4;
	vm2 =	vlt.s32 v8, v1;
	v9 =	vadd.s32 s0, v9;
	s0 =	sadd.s32 s0, s31  }
0x79e: {  	[tilespmem:$0xD80] =	vst v7;
	v8 =	vsel vm2, v8, v1;
	vm2 =	vlt.s32 v9, v1;
	v7 =	vadd.s32 s0, v62  }
0x79f: {  	[tilespmem:$0xD90] =	vst v8;
	v8 =	vsel vm2, v9, v1;
	vm2 =	vlt.s32 v7, v1  }
0x7a0: {  	[tilespmem:$0xDA0] =	vst v8;
	v7 =	vsel vm2, v7, v1;
	v8 =	vadd.s32 v5, v63  }
0x7a1: {  	[tilespmem:$0xDB0] =	vst v7  }
0x7a2: {  	v7 =	vperm.xlane v10, v6;
	_ =	swait.ge [sflag:s8], $0x6000  }
0x7a3: {  	[sflag:s8] =	ssyncset.done $0x0  }
0x7a4: {  	v7 =	vadd.s32 v5, v7;
	[sflag:s8] =	ssyncadd.s32 $0xFFFFA000  }
0x7a5: {  	[tilespmem:s15], [sflag:$0x1] =	stream.indirect_vreg.gather [hbm4b:s1+s4], $0x80, v8, vm0, $0xb8;
	[tilespmem:$0x1EE00] =	vst v63  }
0x7a6: {  	s28 =	simm.s32 $0x1600  }
0x7a7: {  	[tilespmem:s28], [sflag:$0x1] =	stream.indirect_vreg.gather [hbm4b:s7+s4], $0x80, v8, vm1, $0xb8;
	[tilespmem:$0x1EE00] =	vst v63  }
0x7a8: {  	s25 =	simm.s32 $0x1A00  }
0x7a9: {  	[tilespmem:s25], [sflag:$0x1] =	stream.indirect_vreg.gather [hbm4b:s1+s4], $0x80, v7, vm0, $0xb8;
	[tilespmem:$0x1EE00] =	vst v63  }
0x7aa: {  	s28 =	simm.s32 $0x2200  }
0x7ab: {  	[tilespmem:s28], [sflag:$0x1] =	stream.indirect_vreg.gather [hbm4b:s7+s4], $0x80, v7, vm1, $0xb8;
	[tilespmem:$0x1EE00] =	vst v63  }
0x7ac: {  	v7 =	vld [tilespmem:$0xD90];
	_ =	sdelay $0x4  }
0x7ad: {  	v8 =	vshrl.u32 v7, $0x3  }
0x7ae: {  	v8 =	vmul.u32 $0x18, v8  }
0x7af: {  	v7 =	vand.u32 $0x7, v7  }
0x7b0: {  	v7 =	vor.u32 v7, v8  }
0x7b1: {  	v8 =	vperm.xlane v7, v4;
	_ =	sdelay $0x1  }
0x7b2: {  	v8 =	vadd.s32 v5, v8;
	_ =	sdelay $0x1  }
0x7b3: {  	v7 =	vperm.xlane v7, v6;
	_ =	sdelay $0x1  }
0x7b4: {  	s26 =	simm.s32 $0x2600;
	v7 =	vadd.s32 v5, v7  }
0x7b5: {  	[tilespmem:s26], [sflag:$0x1] =	stream.indirect_vreg.gather [hbm4b:s1+s4], $0x80, v8, vm0, $0xb8;
	[tilespmem:$0x1EE00] =	vst v63  }
0x7b6: {  	s20 =	simm.s32 $0x2E00  }
0x7b7: {  	[tilespmem:s20], [sflag:$0x1] =	stream.indirect_vreg.gather [hbm4b:s7+s4], $0x80, v8, vm1, $0xb8;
	[tilespmem:$0x1EE00] =	vst v63  }
0x7b8: {  	s29 =	simm.s32 $0x3200  }
0x7b9: {  	[tilespmem:s29], [sflag:$0x1] =	stream.indirect_vreg.gather [hbm4b:s1+s4], $0x80, v7, vm0, $0xb8;
	[tilespmem:$0x1EE00] =	vst v63  }
0x7ba: {  	s29 =	simm.s32 $0x3A00  }
0x7bb: {  	[tilespmem:s29], [sflag:$0x1] =	stream.indirect_vreg.gather [hbm4b:s7+s4], $0x80, v7, vm1, $0xb8;
	[tilespmem:$0x1EE00] =	vst v63  }
0x7bc: {  	v7 =	vld [tilespmem:$0xDA0];
	_ =	sdelay $0x4  }
0x7bd: {  	v8 =	vshrl.u32 v7, $0x3  }
0x7be: {  	v8 =	vmul.u32 $0x18, v8  }
0x7bf: {  	v7 =	vand.u32 $0x7, v7  }
0x7c0: {  	v7 =	vor.u32 v7, v8  }
0x7c1: {  	v8 =	vperm.xlane v7, v4;
	_ =	sdelay $0x1  }
0x7c2: {  	v8 =	vadd.s32 v5, v8;
	_ =	sdelay $0x1  }
0x7c3: {  	v7 =	vperm.xlane v7, v6;
	_ =	sdelay $0x1  }
0x7c4: {  	s22 =	simm.s32 $0x3E00;
	v7 =	vadd.s32 v5, v7  }
0x7c5: {  	[tilespmem:s22], [sflag:$0x1] =	stream.indirect_vreg.gather [hbm4b:s1+s4], $0x80, v8, vm0, $0xb8;
	[tilespmem:$0x1EE00] =	vst v63  }
0x7c6: {  	s30 =	simm.s32 $0x4600  }
0x7c7: {  	[tilespmem:s30], [sflag:$0x1] =	stream.indirect_vreg.gather [hbm4b:s7+s4], $0x80, v8, vm1, $0xb8;
	[tilespmem:$0x1EE00] =	vst v63  }
0x7c8: {  	s31 =	simm.s32 $0x4A00  }
0x7c9: {  	[tilespmem:s31], [sflag:$0x1] =	stream.indirect_vreg.gather [hbm4b:s1+s4], $0x80, v7, vm0, $0xb8;
	[tilespmem:$0x1EE00] =	vst v63  }
0x7ca: {  	s2 =	simm.s32 $0x5200  }
0x7cb: {  	[tilespmem:s2], [sflag:$0x1] =	stream.indirect_vreg.gather [hbm4b:s7+s4], $0x80, v7, vm1, $0xb8;
	[tilespmem:$0x1EE00] =	vst v63  }
0x7cc: {  	v7 =	vld [tilespmem:$0xDB0];
	_ =	sdelay $0x4  }
0x7cd: {  	v8 =	vshrl.u32 v7, $0x3  }
0x7ce: {  	v8 =	vmul.u32 $0x18, v8  }
0x7cf: {  	v7 =	vand.u32 $0x7, v7  }
0x7d0: {  	v7 =	vor.u32 v7, v8  }
0x7d1: {  	v8 =	vperm.xlane v7, v4;
	_ =	sdelay $0x1  }
0x7d2: {  	v8 =	vadd.s32 v5, v8;
	_ =	sdelay $0x1  }
0x7d3: {  	v7 =	vperm.xlane v7, v6;
	_ =	sdelay $0x1  }
0x7d4: {  	s20 =	simm.s32 $0x5600;
	v7 =	vadd.s32 v5, v7  }
0x7d5: {  	[tilespmem:s20], [sflag:$0x1] =	stream.indirect_vreg.gather [hbm4b:s1+s4], $0x80, v8, vm0, $0xb8;
	[tilespmem:$0x1EE00] =	vst v63  }
0x7d6: {  	s22 =	simm.s32 $0x5E00  }
0x7d7: {  	[tilespmem:s22], [sflag:$0x1] =	stream.indirect_vreg.gather [hbm4b:s7+s4], $0x80, v8, vm1, $0xb8;
	[tilespmem:$0x1EE00] =	vst v63  }
0x7d8: {  	s25 =	simm.s32 $0x6200  }
0x7d9: {  	[tilespmem:s25], [sflag:$0x1] =	stream.indirect_vreg.gather [hbm4b:s1+s4], $0x80, v7, vm0, $0xb8;
	[tilespmem:$0x1EE00] =	vst v63  }
0x7da: {  	s23 =	simm.s32 $0x6A00  }
0x7db: {  	[tilespmem:s23], [sflag:$0x1] =	stream.indirect_vreg.gather [hbm4b:s7+s4], $0x80, v7, vm1, $0xb8;
	[tilespmem:$0x1EE00] =	vst v63  }
0x7dc: {  	_ =	swait.ge [sflag:s13], $0x6000  }
0x7dd: {  	[sflag:s13] =	ssyncset.done $0x0  }
0x7de: {  	s26 =	rddreg [dreg:$0xf];
	[sflag:s13] =	ssyncadd.s32 $0xFFFFA000  }
0x7df: {  	[hbm4b:s26+s4] =	stream.linear.scatter [tilespmem:s24], [sflag:$0x7], $0x6000, $0x38;
	[tilespmem:$0x1EE00] =	vst v63  }
0x7e0: {  	_ =	swait.ge [sflag:s11], $0x6000  }
0x7e1: {  	[sflag:s11] =	ssyncset.done $0x0  }
0x7e2: {  	s28 =	rddreg [dreg:$0x10];
	[sflag:s11] =	ssyncadd.s32 $0xFFFFA000  }
0x7e3: {  	[hbm4b:s28+s4] =	stream.linear.scatter [tilespmem:s17], [sflag:$0x8], $0x6000, $0x38;
	[tilespmem:$0x1EE00] =	vst v63  }
0x7e4: {  	_ =	swait.ge [sflag:s6], $0x6000  }
0x7e5: {  	[sflag:s6] =	ssyncset.done $0x0  }
0x7e6: {  	s29 =	rddreg [dreg:$0x11];
	[sflag:s6] =	ssyncadd.s32 $0xFFFFA000  }
0x7e7: {  	[hbm4b:s29+s4] =	stream.linear.scatter [tilespmem:s16], [sflag:$0x9], $0x6000, $0x38;
	[tilespmem:$0x1EE00] =	vst v63  }
0x7e8: {  	_ =	swait.ge [sflag:s3], $0x6000  }
0x7e9: {  	[sflag:s3] =	ssyncset.done $0x0  }
0x7ea: {  	s30 =	rddreg [dreg:$0x12];
	[sflag:s3] =	ssyncadd.s32 $0xFFFFA000  }
0x7eb: {  	[hbm4b:s30+s4] =	stream.linear.scatter [tilespmem:s14], [sflag:$0xA], $0x6000, $0x38;
	[tilespmem:$0x1EE00] =	vst v63  }
0x7ec: {  	_ =	swait.ge [sflag:s9], $0x6000  }
0x7ed: {  	[sflag:s9] =	ssyncset.done $0x0  }
0x7ee: {  	s31 =	rddreg [dreg:$0x13];
	[sflag:s9] =	ssyncadd.s32 $0xFFFFA000  }
0x7ef: {  	[hbm4b:s31+s4] =	stream.linear.scatter [tilespmem:s15], [sflag:$0x6], $0x6000, $0x38;
	[tilespmem:$0x1EE00] =	vst v63  }
0x7f0: {  	_ =	swait.ge [sflag:s12], $0x6000  }
0x7f1: {  	[sflag:s12] =	ssyncset.done $0x0  }
0x7f2: {  	[sflag:s12] =	ssyncadd.s32 $0xFFFFA000  }
0x7f3: {  	_ =	swait.ge [sflag:s10], $0x6000  }
0x7f4: {  	[sflag:s10] =	ssyncset.done $0x0  }
0x7f5: {  	[sflag:s10] =	ssyncadd.s32 $0xFFFFA000  }
0x7f6: {  	_ =	swait.ge [sflag:s5], $0x6000  }
0x7f7: {  	[sflag:s5] =	ssyncset.done $0x0  }
0x7f8: {  	[sflag:s5] =	ssyncadd.s32 $0xFFFFA000  }
0x7f9: {  	p0 =	sne.s32 s19, $0x1;
	_ =	swait.ge [sflag:s18], $0x6000  }
.Ltmp0:
0x7fa: {  	[sflag:s18] =	ssyncset.done $0x0;
	(pc) =	sbr.rel @p0 .LBB2_1-.Ltmp0, $4  }
0x7fb: {  	[sflag:s18] =	ssyncadd.s32 $0xFFFFA000  }
0x7fc: {  	_ =	swait.ge [sflag:s8], $0x6000  }
0x7fd: {  	[sflag:s8] =	ssyncset.done $0x0  }
0x7fe: {  	s19 =	sadd.s32 $0xFFFFFFFF, s19;
	[sflag:s8] =	ssyncadd.s32 $0xFFFFA000  }
0x7ff: {  	_ =	sfence.sel $0x180000  }
0x800: {  	[bflag:$0x0] =	sbarrier.arrive $0xFFFF  }
0x801: {  	_ =	strace $0x90000047  }
0x802: {  	s0 =	stileid.u32;
	[bflag:$0x2] =	sbarrier.arrive $0xFFFF  }
0x803: {  	p0 =	sne.s32 s0, $0x0;
	s0 =	rddreg [dreg:$0x3]  }
0x804: {  	s0 =	sadd.s32 @!p0 $0x100000, s0  }
0x805: {  	[sflag:s0] =	ssyncadd.tile.s32 @!p0 $0x1;
	_ =	shalt  }
.Lfunc_end2:
_tile_overlayer_lowered:
.L_overlay_start_2:
0x806: {  	(tag) =	ssettag $0x2  }
0x807: {  	s0 =	rddreg [dreg:$0x0];
	s2 =	stileid.u32  }
0x808: {  	s1 =	rddreg [dreg:$0x1];
	p0 =	sne.s32 s2, $0x0  }
0x809: {  	s3 =	rddreg [dreg:$0x2];
	[bflag:$0x3] =	sbarrier.arrive $0xFFFF;
	s2 =	simm.s32 @!p0 $0x1C0B  }
0x80a: {  	[timem:s3], [sflag:s2] =	dma.local @!p0 [hbm:s0], s1  }
0x80b: {  	s0 =	simm.s32 @!p0 $0xB  }
0x80c: {  	_ =	swait.ge @!p0 [sflag:s0], s1  }
0x80d: {  	s1 =	ssub.s32 @!p0 $0x0, s1;
	[sflag:s0] =	ssyncset.done @!p0 $0x0  }
0x80e: {  	[sflag:s0] =	ssyncadd.s32 @!p0 s1  }
0x80f: {  	[bflag:$0x3] =	sbarrier.arrive $0xFFFF  }
0x810: {  	_ =	shalt  }

</sc_bundles>
